<compile_context>
chip_gen: v7x
topology: tpu7x:2x2x1
jax: 0.10.2.dev20260603
libtpu: 0.0.44.dev20260713+nightly
codegen_flags: <defaults>
</compile_context>

<pallas_src>
import jax
import jax.numpy as jnp
from jax.experimental import pallas as pl


def _grid_rev_kernel(g_ref, out_ref):
    g = g_ref[0]

    def shift_lane(a, k):
        return jnp.concatenate([jnp.zeros((64, k), jnp.float32), a[:, :-k]], axis=1)

    def shift_x(a):
        return jnp.concatenate([jnp.zeros((1, 4096), jnp.float32), a[:-1]], axis=0)

    gz = g + shift_lane(g, 1)
    gy = g + shift_lane(g, 64)
    gzy = gz + shift_lane(gz, 64)

    wsum = gzy + shift_x(gzy)
    sx1 = gzy
    sy1 = gz + shift_x(gz)
    sz1 = gy + shift_x(gy)

    jxi = jax.lax.broadcasted_iota(jnp.int32, (64, 4096), 0)
    jq = jax.lax.broadcasted_iota(jnp.int32, (64, 4096), 1)
    jy = jq // 64
    jz = jq % 64

    interior = (jxi >= 1) & (jy >= 1) & (jz >= 1)
    mask = interior & (wsum > 0.0)
    r = 1.0 / jnp.where(mask, wsum, 1.0)
    scale = 1.0 / 32.0

    fx = jxi.astype(jnp.float32)
    fy = jy.astype(jnp.float32)
    fz = jz.astype(jnp.float32)

    px = jnp.where(mask, ((fx - 33.0) + sx1 * r) * scale, 0.0)
    py = jnp.where(mask, ((fy - 33.0) + sy1 * r) * scale, 0.0)
    pz = jnp.where(mask, ((fz - 33.0) + sz1 * r) * scale, 0.0)

    lane = jax.lax.broadcasted_iota(jnp.int32, (64, 128), 1)
    idx = []
    selects = []
    for v in range(3):
        j = 128 * v + lane
        idx.append(j // 3)
        cm = j % 3
        selects.append((cm == 0, cm == 1))
    for t in range(32):
        lo, hi = 128 * t, 128 * (t + 1)
        sx_, sy_, sz_ = px[:, lo:hi], py[:, lo:hi], pz[:, lo:hi]
        for v in range(3):
            g0 = jnp.take_along_axis(sx_, idx[v], axis=1)
            g1 = jnp.take_along_axis(sy_, idx[v], axis=1)
            g2 = jnp.take_along_axis(sz_, idx[v], axis=1)
            m0, m1 = selects[v]
            out = jnp.where(m0, g0, jnp.where(m1, g1, g2))
            base = 384 * t + 128 * v
            out_ref[0, :, base:base + 128] = out


def kernel(grid):
    B = grid.shape[0]
    g2 = grid.reshape(B, 64, 4096)
    out = pl.pallas_call(
        _grid_rev_kernel,
        grid=(B,),
        in_specs=[pl.BlockSpec((1, 64, 4096), lambda b: (b, 0, 0))],
        out_specs=pl.BlockSpec((1, 64, 12288), lambda b: (b, 0, 0)),
        out_shape=jax.ShapeDtypeStruct((B, 64, 12288), jnp.float32),
    )(g2)
    return out.reshape(B, 64 * 64 * 64, 3)

# --- scband reference (transcript-rebuilt; emitter-appended) ---
"""Pipeline reference for scband-gridding-reverse-39891656245674 (READ-ONLY COPY).

The authoritative reference and input builder live on the scoring server;
editing this copy changes nothing except your own understanding.
"""

import jax, jax.numpy as jnp
import numpy as np

SCALES = (64, 64, 64)


def _gridding_reverse(grid, scales):
    sx, sy, sz = scales
    B = grid.shape[0]
    g = grid.reshape(B, sx, sy, sz)
    hx, hy, hz = sx // 2, sy // 2, sz // 2
    shape_in = (B, sx - 1, sy - 1, sz - 1)
    wsum = jnp.zeros(shape_in, jnp.float32)
    num_x = jnp.zeros(shape_in, jnp.float32)
    num_y = jnp.zeros(shape_in, jnp.float32)
    num_z = jnp.zeros(shape_in, jnp.float32)
    ax = jnp.arange(sx - 1, dtype=jnp.float32)
    ay = jnp.arange(sy - 1, dtype=jnp.float32)
    az = jnp.arange(sz - 1, dtype=jnp.float32)
    for dx in (0, 1):
        for dy in (0, 1):
            for dz in (0, 1):
                w = g[:, dx:sx - 1 + dx, dy:sy - 1 + dy, dz:sz - 1 + dz]
                wsum = wsum + w
                cx = (ax + dx - hx)[None, :, None, None]
                cy = (ay + dy - hy)[None, None, :, None]
                cz = (az + dz - hz)[None, None, None, :]
                num_x = num_x + w * cx
                num_y = num_y + w * cy
                num_z = num_z + w * cz
    safe = wsum > 0
    denom = jnp.where(safe, wsum, 1.0)
    px = jnp.where(safe, num_x / denom, 0.0)
    py = jnp.where(safe, num_y / denom, 0.0)
    pz = jnp.where(safe, num_z / denom, 0.0)
    pts_inner = jnp.stack([px, py, pz], axis=-1)
    pts = jnp.zeros((B, sx, sy, sz, 3), jnp.float32)
    pts = pts.at[:, 1:, 1:, 1:, :].set(pts_inner)
    pts = pts.reshape(B, sx * sy * sz, 3)
    scaling = jnp.array([2.0 / sx, 2.0 / sy, 2.0 / sz], dtype=jnp.float32)
    return pts * scaling[None, None, :]


def setup_inputs(seed: int = 0) -> dict:
    key = jax.random.key(seed)
    grid = jax.random.uniform(key, (16, 64, 64, 64), dtype=jnp.float32)
    return {"grid": grid}


def reference(grid):
    return _gridding_reverse(grid, SCALES)

if __name__ == "__main__":
    import jax
    _d = setup_inputs()
    print(jax.jit(kernel)(*tuple(_d.values())))

</pallas_src>

<mosaic_0001>
module attributes {stable_mosaic.version = 14 : i64} {
  func.func @_grid_rev_kernel(%arg0: i32, %arg1: memref<1x64x4096xf32, #tpu.memory_space<vmem>>, %arg2: memref<1x64x12288xf32, #tpu.memory_space<vmem>>) attributes {dimension_semantics = [#tpu.dimension_semantics<arbitrary>], iteration_bounds = array<i64: 16>, scalar_prefetch = 0 : i64, scratch_operands = 0 : i64, tpu.core_type = #tpu.core_type<tc>, window_params = [{transform_indices = @transform_0, window_bounds = array<i64: 1, 64, 4096>}, {transform_indices = @transform_1, window_bounds = array<i64: 1, 64, 12288>}]} {
    %get3A = arith.constant 0 : index
    %get3A_0 = arith.constant 0 : index
    %get3A_1 = arith.constant 0 : index
    %get3A_2 = vector.load %arg1[%get3A, %get3A_0, %get3A_1] : memref<1x64x4096xf32, #tpu.memory_space<vmem>>, vector<1x64x4096xf32>
    %get3A_3 = vector.shape_cast %get3A_2 : vector<1x64x4096xf32> to vector<64x4096xf32>
    %broadcast_in_dim3A = arith.constant 0.000000e+00 : f32
    %broadcast_in_dim3A_4 = vector.broadcast %broadcast_in_dim3A : f32 to vector<64x1xf32>
    %slice3A = vector.extract_strided_slice %get3A_3 {offsets = [0, 0], sizes = [64, 4095], strides = [1, 1]} : vector<64x4096xf32> to vector<64x4095xf32>
    %concatenate3A = tpu.concatenate %broadcast_in_dim3A_4, %slice3A in 1 : vector<64x1xf32>, vector<64x4095xf32> -> vector<64x4096xf32>
    %add3A = arith.addf %get3A_3, %concatenate3A : vector<64x4096xf32>
    %broadcast_in_dim3A_5 = arith.constant 0.000000e+00 : f32
    %broadcast_in_dim3A_6 = vector.broadcast %broadcast_in_dim3A_5 : f32 to vector<64x64xf32>
    %slice3A_7 = vector.extract_strided_slice %get3A_3 {offsets = [0, 0], sizes = [64, 4032], strides = [1, 1]} : vector<64x4096xf32> to vector<64x4032xf32>
    %concatenate3A_8 = tpu.concatenate %broadcast_in_dim3A_6, %slice3A_7 in 1 : vector<64x64xf32>, vector<64x4032xf32> -> vector<64x4096xf32>
    %add3A_9 = arith.addf %get3A_3, %concatenate3A_8 : vector<64x4096xf32>
    %broadcast_in_dim3A_10 = arith.constant 0.000000e+00 : f32
    %broadcast_in_dim3A_11 = vector.broadcast %broadcast_in_dim3A_10 : f32 to vector<64x64xf32>
    %slice3A_12 = vector.extract_strided_slice %add3A {offsets = [0, 0], sizes = [64, 4032], strides = [1, 1]} : vector<64x4096xf32> to vector<64x4032xf32>
    %concatenate3A_13 = tpu.concatenate %broadcast_in_dim3A_11, %slice3A_12 in 1 : vector<64x64xf32>, vector<64x4032xf32> -> vector<64x4096xf32>
    %add3A_14 = arith.addf %add3A, %concatenate3A_13 : vector<64x4096xf32>
    %broadcast_in_dim3A_15 = arith.constant 0.000000e+00 : f32
    %broadcast_in_dim3A_16 = vector.broadcast %broadcast_in_dim3A_15 : f32 to vector<1x4096xf32>
    %slice3A_17 = vector.extract_strided_slice %add3A_14 {offsets = [0, 0], sizes = [63, 4096], strides = [1, 1]} : vector<64x4096xf32> to vector<63x4096xf32>
    %concatenate3A_18 = tpu.concatenate %broadcast_in_dim3A_16, %slice3A_17 in 0 : vector<1x4096xf32>, vector<63x4096xf32> -> vector<64x4096xf32>
    %add3A_19 = arith.addf %add3A_14, %concatenate3A_18 : vector<64x4096xf32>
    %broadcast_in_dim3A_20 = arith.constant 0.000000e+00 : f32
    %broadcast_in_dim3A_21 = vector.broadcast %broadcast_in_dim3A_20 : f32 to vector<1x4096xf32>
    %slice3A_22 = vector.extract_strided_slice %add3A {offsets = [0, 0], sizes = [63, 4096], strides = [1, 1]} : vector<64x4096xf32> to vector<63x4096xf32>
    %concatenate3A_23 = tpu.concatenate %broadcast_in_dim3A_21, %slice3A_22 in 0 : vector<1x4096xf32>, vector<63x4096xf32> -> vector<64x4096xf32>
    %add3A_24 = arith.addf %add3A, %concatenate3A_23 : vector<64x4096xf32>
    %broadcast_in_dim3A_25 = arith.constant 0.000000e+00 : f32
    %broadcast_in_dim3A_26 = vector.broadcast %broadcast_in_dim3A_25 : f32 to vector<1x4096xf32>
    %slice3A_27 = vector.extract_strided_slice %add3A_9 {offsets = [0, 0], sizes = [63, 4096], strides = [1, 1]} : vector<64x4096xf32> to vector<63x4096xf32>
    %concatenate3A_28 = tpu.concatenate %broadcast_in_dim3A_26, %slice3A_27 in 0 : vector<1x4096xf32>, vector<63x4096xf32> -> vector<64x4096xf32>
    %add3A_29 = arith.addf %add3A_9, %concatenate3A_28 : vector<64x4096xf32>
    %iota3A = tpu.iota {dimensions = array<i32: 0>} : vector<64x4096xi32>
    %iota3A_30 = tpu.iota {dimensions = array<i32: 1>} : vector<64x4096xi32>
    %jit3A = arith.constant 64 : i32
    %div3A = vector.broadcast %jit3A : i32 to vector<64x4096xi32>
    %div3A_31 = arith.divsi %iota3A_30, %div3A : vector<64x4096xi32>
    %sign3A = arith.constant 0 : i32
    %sign3A_32 = vector.broadcast %sign3A : i32 to vector<64x4096xi32>
    %sign3A_33 = arith.cmpi sgt, %iota3A_30, %sign3A_32 : vector<64x4096xi32>
    %sign3A_34 = arith.extui %sign3A_33 : vector<64x4096xi1> to vector<64x4096xi32>
    %sign3A_35 = arith.constant 0 : i32
    %sign3A_36 = vector.broadcast %sign3A_35 : i32 to vector<64x4096xi32>
    %sign3A_37 = arith.cmpi slt, %iota3A_30, %sign3A_36 : vector<64x4096xi32>
    %sign3A_38 = arith.extui %sign3A_37 : vector<64x4096xi1> to vector<64x4096xi32>
    %sign3A_39 = arith.subi %sign3A_34, %sign3A_38 : vector<64x4096xi32>
    %sign3A_40 = arith.constant 0 : i32
    %sign3A_41 = arith.cmpi sgt, %jit3A, %sign3A_40 : i32
    %sign3A_42 = arith.extui %sign3A_41 : i1 to i32
    %sign3A_43 = arith.constant 0 : i32
    %sign3A_44 = arith.cmpi slt, %jit3A, %sign3A_43 : i32
    %sign3A_45 = arith.extui %sign3A_44 : i1 to i32
    %sign3A_46 = arith.subi %sign3A_42, %sign3A_45 : i32
    %ne3A = vector.broadcast %sign3A_46 : i32 to vector<64x4096xi32>
    %ne3A_47 = arith.cmpi ne, %sign3A_39, %ne3A : vector<64x4096xi32>
    %rem3A = vector.broadcast %jit3A : i32 to vector<64x4096xi32>
    %rem3A_48 = arith.remsi %iota3A_30, %rem3A : vector<64x4096xi32>
    %ne3A_49 = arith.constant 0 : i32
    %ne3A_50 = vector.broadcast %ne3A_49 : i32 to vector<64x4096xi32>
    %ne3A_51 = arith.cmpi ne, %rem3A_48, %ne3A_50 : vector<64x4096xi32>
    %and3A = arith.andi %ne3A_47, %ne3A_51 : vector<64x4096xi1>
    %sub3A = arith.constant 1 : i32
    %sub3A_52 = vector.broadcast %sub3A : i32 to vector<64x4096xi32>
    %sub3A_53 = arith.subi %div3A_31, %sub3A_52 : vector<64x4096xi32>
    %select_n3A = arith.select %and3A, %sub3A_53, %div3A_31 : vector<64x4096xi1>, vector<64x4096xi32>
    %jit3A_54 = arith.constant 64 : i32
    %eq3A = arith.constant 0 : i32
    %eq3A_55 = arith.cmpi eq, %jit3A_54, %eq3A : i32
    %jit3A_56 = arith.constant 1 : i32
    %select_n3A_57 = arith.select %eq3A_55, %jit3A_56, %jit3A_54 : i32
    %rem3A_58 = vector.broadcast %select_n3A_57 : i32 to vector<64x4096xi32>
    %rem3A_59 = arith.remsi %iota3A_30, %rem3A_58 : vector<64x4096xi32>
    %ne3A_60 = arith.constant 0 : i32
    %ne3A_61 = vector.broadcast %ne3A_60 : i32 to vector<64x4096xi32>
    %ne3A_62 = arith.cmpi ne, %rem3A_59, %ne3A_61 : vector<64x4096xi32>
    %lt3A = arith.constant 0 : i32
    %lt3A_63 = vector.broadcast %lt3A : i32 to vector<64x4096xi32>
    %lt3A_64 = arith.cmpi slt, %rem3A_59, %lt3A_63 : vector<64x4096xi32>
    %lt3A_65 = arith.constant 0 : i32
    %lt3A_66 = arith.cmpi slt, %select_n3A_57, %lt3A_65 : i32
    %ne3A_67 = vector.broadcast %lt3A_66 : i1 to vector<64x4096xi1>
    %ne3A_68 = vector.broadcast %ne3A_67 : vector<64x4096xi1> to vector<64x4096xi1>
    %ne3A_69 = arith.xori %lt3A_64, %ne3A_68 : vector<64x4096xi1>
    %and3A_70 = arith.andi %ne3A_69, %ne3A_62 : vector<64x4096xi1>
    %add3A_71 = vector.broadcast %select_n3A_57 : i32 to vector<64x4096xi32>
    %add3A_72 = arith.addi %rem3A_59, %add3A_71 : vector<64x4096xi32>
    %select_n3A_73 = arith.select %and3A_70, %add3A_72, %rem3A_59 : vector<64x4096xi1>, vector<64x4096xi32>
    %ge3A = arith.constant 1 : i32
    %ge3A_74 = vector.broadcast %ge3A : i32 to vector<64x4096xi32>
    %ge3A_75 = arith.cmpi sge, %iota3A, %ge3A_74 : vector<64x4096xi32>
    %ge3A_76 = arith.constant 1 : i32
    %ge3A_77 = vector.broadcast %ge3A_76 : i32 to vector<64x4096xi32>
    %ge3A_78 = arith.cmpi sge, %select_n3A, %ge3A_77 : vector<64x4096xi32>
    %and3A_79 = arith.andi %ge3A_75, %ge3A_78 : vector<64x4096xi1>
    %ge3A_80 = arith.constant 1 : i32
    %ge3A_81 = vector.broadcast %ge3A_80 : i32 to vector<64x4096xi32>
    %ge3A_82 = arith.cmpi sge, %select_n3A_73, %ge3A_81 : vector<64x4096xi32>
    %and3A_83 = arith.andi %and3A_79, %ge3A_82 : vector<64x4096xi1>
    %gt3A = arith.constant 0.000000e+00 : f32
    %gt3A_84 = vector.broadcast %gt3A : f32 to vector<64x4096xf32>
    %gt3A_85 = arith.cmpf ogt, %add3A_19, %gt3A_84 : vector<64x4096xf32>
    %and3A_86 = arith.andi %and3A_83, %gt3A_85 : vector<64x4096xi1>
    %jit3A_87 = arith.constant 1.000000e+00 : f32
    %broadcast_in_dim3A_88 = vector.broadcast %jit3A_87 : f32 to vector<64x4096xf32>
    %select_n3A_89 = arith.select %and3A_86, %add3A_19, %broadcast_in_dim3A_88 : vector<64x4096xi1>, vector<64x4096xf32>
    %div3A_90 = arith.constant 1.000000e+00 : f32
    %div3A_91 = vector.broadcast %div3A_90 : f32 to vector<64x4096xf32>
    %div3A_92 = arith.divf %div3A_91, %select_n3A_89 : vector<64x4096xf32>
    %convert_element_type3A = arith.sitofp %iota3A : vector<64x4096xi32> to vector<64x4096xf32>
    %convert_element_type3A_93 = arith.sitofp %select_n3A : vector<64x4096xi32> to vector<64x4096xf32>
    %convert_element_type3A_94 = arith.sitofp %select_n3A_73 : vector<64x4096xi32> to vector<64x4096xf32>
    %sub3A_95 = arith.constant 3.300000e+01 : f32
    %sub3A_96 = vector.broadcast %sub3A_95 : f32 to vector<64x4096xf32>
    %sub3A_97 = arith.subf %convert_element_type3A, %sub3A_96 : vector<64x4096xf32>
    %mul3A = arith.mulf %add3A_14, %div3A_92 : vector<64x4096xf32>
    %add3A_98 = arith.addf %sub3A_97, %mul3A : vector<64x4096xf32>
    %mul3A_99 = arith.constant 3.125000e-02 : f32
    %mul3A_100 = vector.broadcast %mul3A_99 : f32 to vector<64x4096xf32>
    %mul3A_101 = arith.mulf %add3A_98, %mul3A_100 : vector<64x4096xf32>
    %jit3A_102 = arith.constant 0.000000e+00 : f32
    %broadcast_in_dim3A_103 = vector.broadcast %jit3A_102 : f32 to vector<64x4096xf32>
    %select_n3A_104 = arith.select %and3A_86, %mul3A_101, %broadcast_in_dim3A_103 : vector<64x4096xi1>, vector<64x4096xf32>
    %sub3A_105 = arith.constant 3.300000e+01 : f32
    %sub3A_106 = vector.broadcast %sub3A_105 : f32 to vector<64x4096xf32>
    %sub3A_107 = arith.subf %convert_element_type3A_93, %sub3A_106 : vector<64x4096xf32>
    %mul3A_108 = arith.mulf %add3A_24, %div3A_92 : vector<64x4096xf32>
    %add3A_109 = arith.addf %sub3A_107, %mul3A_108 : vector<64x4096xf32>
    %mul3A_110 = arith.constant 3.125000e-02 : f32
    %mul3A_111 = vector.broadcast %mul3A_110 : f32 to vector<64x4096xf32>
    %mul3A_112 = arith.mulf %add3A_109, %mul3A_111 : vector<64x4096xf32>
    %jit3A_113 = arith.constant 0.000000e+00 : f32
    %broadcast_in_dim3A_114 = vector.broadcast %jit3A_113 : f32 to vector<64x4096xf32>
    %select_n3A_115 = arith.select %and3A_86, %mul3A_112, %broadcast_in_dim3A_114 : vector<64x4096xi1>, vector<64x4096xf32>
    %sub3A_116 = arith.constant 3.300000e+01 : f32
    %sub3A_117 = vector.broadcast %sub3A_116 : f32 to vector<64x4096xf32>
    %sub3A_118 = arith.subf %convert_element_type3A_94, %sub3A_117 : vector<64x4096xf32>
    %mul3A_119 = arith.mulf %add3A_29, %div3A_92 : vector<64x4096xf32>
    %add3A_120 = arith.addf %sub3A_118, %mul3A_119 : vector<64x4096xf32>
    %mul3A_121 = arith.constant 3.125000e-02 : f32
    %mul3A_122 = vector.broadcast %mul3A_121 : f32 to vector<64x4096xf32>
    %mul3A_123 = arith.mulf %add3A_120, %mul3A_122 : vector<64x4096xf32>
    %jit3A_124 = arith.constant 0.000000e+00 : f32
    %broadcast_in_dim3A_125 = vector.broadcast %jit3A_124 : f32 to vector<64x4096xf32>
    %select_n3A_126 = arith.select %and3A_86, %mul3A_123, %broadcast_in_dim3A_125 : vector<64x4096xi1>, vector<64x4096xf32>
    %iota3A_127 = tpu.iota {dimensions = array<i32: 1>} : vector<64x128xi32>
    %add3A_128 = arith.constant 0 : i32
    %add3A_129 = vector.broadcast %add3A_128 : i32 to vector<64x128xi32>
    %add3A_130 = arith.addi %add3A_129, %iota3A_127 : vector<64x128xi32>
    %jit3A_131 = arith.constant 3 : i32
    %div3A_132 = vector.broadcast %jit3A_131 : i32 to vector<64x128xi32>
    %div3A_133 = arith.divsi %add3A_130, %div3A_132 : vector<64x128xi32>
    %sign3A_134 = arith.constant 0 : i32
    %sign3A_135 = vector.broadcast %sign3A_134 : i32 to vector<64x128xi32>
    %sign3A_136 = arith.cmpi sgt, %add3A_130, %sign3A_135 : vector<64x128xi32>
    %sign3A_137 = arith.extui %sign3A_136 : vector<64x128xi1> to vector<64x128xi32>
    %sign3A_138 = arith.constant 0 : i32
    %sign3A_139 = vector.broadcast %sign3A_138 : i32 to vector<64x128xi32>
    %sign3A_140 = arith.cmpi slt, %add3A_130, %sign3A_139 : vector<64x128xi32>
    %sign3A_141 = arith.extui %sign3A_140 : vector<64x128xi1> to vector<64x128xi32>
    %sign3A_142 = arith.subi %sign3A_137, %sign3A_141 : vector<64x128xi32>
    %sign3A_143 = arith.constant 0 : i32
    %sign3A_144 = arith.cmpi sgt, %jit3A_131, %sign3A_143 : i32
    %sign3A_145 = arith.extui %sign3A_144 : i1 to i32
    %sign3A_146 = arith.constant 0 : i32
    %sign3A_147 = arith.cmpi slt, %jit3A_131, %sign3A_146 : i32
    %sign3A_148 = arith.extui %sign3A_147 : i1 to i32
    %sign3A_149 = arith.subi %sign3A_145, %sign3A_148 : i32
    %ne3A_150 = vector.broadcast %sign3A_149 : i32 to vector<64x128xi32>
    %ne3A_151 = arith.cmpi ne, %sign3A_142, %ne3A_150 : vector<64x128xi32>
    %rem3A_152 = vector.broadcast %jit3A_131 : i32 to vector<64x128xi32>
    %rem3A_153 = arith.remsi %add3A_130, %rem3A_152 : vector<64x128xi32>
    %ne3A_154 = arith.constant 0 : i32
    %ne3A_155 = vector.broadcast %ne3A_154 : i32 to vector<64x128xi32>
    %ne3A_156 = arith.cmpi ne, %rem3A_153, %ne3A_155 : vector<64x128xi32>
    %and3A_157 = arith.andi %ne3A_151, %ne3A_156 : vector<64x128xi1>
    %sub3A_158 = arith.constant 1 : i32
    %sub3A_159 = vector.broadcast %sub3A_158 : i32 to vector<64x128xi32>
    %sub3A_160 = arith.subi %div3A_133, %sub3A_159 : vector<64x128xi32>
    %select_n3A_161 = arith.select %and3A_157, %sub3A_160, %div3A_133 : vector<64x128xi1>, vector<64x128xi32>
    %jit3A_162 = arith.constant 3 : i32
    %eq3A_163 = arith.constant 0 : i32
    %eq3A_164 = arith.cmpi eq, %jit3A_162, %eq3A_163 : i32
    %jit3A_165 = arith.constant 1 : i32
    %select_n3A_166 = arith.select %eq3A_164, %jit3A_165, %jit3A_162 : i32
    %rem3A_167 = vector.broadcast %select_n3A_166 : i32 to vector<64x128xi32>
    %rem3A_168 = arith.remsi %add3A_130, %rem3A_167 : vector<64x128xi32>
    %ne3A_169 = arith.constant 0 : i32
    %ne3A_170 = vector.broadcast %ne3A_169 : i32 to vector<64x128xi32>
    %ne3A_171 = arith.cmpi ne, %rem3A_168, %ne3A_170 : vector<64x128xi32>
    %lt3A_172 = arith.constant 0 : i32
    %lt3A_173 = vector.broadcast %lt3A_172 : i32 to vector<64x128xi32>
    %lt3A_174 = arith.cmpi slt, %rem3A_168, %lt3A_173 : vector<64x128xi32>
    %lt3A_175 = arith.constant 0 : i32
    %lt3A_176 = arith.cmpi slt, %select_n3A_166, %lt3A_175 : i32
    %ne3A_177 = vector.broadcast %lt3A_176 : i1 to vector<64x128xi1>
    %ne3A_178 = vector.broadcast %ne3A_177 : vector<64x128xi1> to vector<64x128xi1>
    %ne3A_179 = arith.xori %lt3A_174, %ne3A_178 : vector<64x128xi1>
    %and3A_180 = arith.andi %ne3A_179, %ne3A_171 : vector<64x128xi1>
    %add3A_181 = vector.broadcast %select_n3A_166 : i32 to vector<64x128xi32>
    %add3A_182 = arith.addi %rem3A_168, %add3A_181 : vector<64x128xi32>
    %select_n3A_183 = arith.select %and3A_180, %add3A_182, %rem3A_168 : vector<64x128xi1>, vector<64x128xi32>
    %eq3A_184 = arith.constant 0 : i32
    %eq3A_185 = vector.broadcast %eq3A_184 : i32 to vector<64x128xi32>
    %eq3A_186 = arith.cmpi eq, %select_n3A_183, %eq3A_185 : vector<64x128xi32>
    %eq3A_187 = arith.constant 1 : i32
    %eq3A_188 = vector.broadcast %eq3A_187 : i32 to vector<64x128xi32>
    %eq3A_189 = arith.cmpi eq, %select_n3A_183, %eq3A_188 : vector<64x128xi32>
    %add3A_190 = arith.constant 128 : i32
    %add3A_191 = vector.broadcast %add3A_190 : i32 to vector<64x128xi32>
    %add3A_192 = arith.addi %add3A_191, %iota3A_127 : vector<64x128xi32>
    %jit3A_193 = arith.constant 3 : i32
    %div3A_194 = vector.broadcast %jit3A_193 : i32 to vector<64x128xi32>
    %div3A_195 = arith.divsi %add3A_192, %div3A_194 : vector<64x128xi32>
    %sign3A_196 = arith.constant 0 : i32
    %sign3A_197 = vector.broadcast %sign3A_196 : i32 to vector<64x128xi32>
    %sign3A_198 = arith.cmpi sgt, %add3A_192, %sign3A_197 : vector<64x128xi32>
    %sign3A_199 = arith.extui %sign3A_198 : vector<64x128xi1> to vector<64x128xi32>
    %sign3A_200 = arith.constant 0 : i32
    %sign3A_201 = vector.broadcast %sign3A_200 : i32 to vector<64x128xi32>
    %sign3A_202 = arith.cmpi slt, %add3A_192, %sign3A_201 : vector<64x128xi32>
    %sign3A_203 = arith.extui %sign3A_202 : vector<64x128xi1> to vector<64x128xi32>
    %sign3A_204 = arith.subi %sign3A_199, %sign3A_203 : vector<64x128xi32>
    %sign3A_205 = arith.constant 0 : i32
    %sign3A_206 = arith.cmpi sgt, %jit3A_193, %sign3A_205 : i32
    %sign3A_207 = arith.extui %sign3A_206 : i1 to i32
    %sign3A_208 = arith.constant 0 : i32
    %sign3A_209 = arith.cmpi slt, %jit3A_193, %sign3A_208 : i32
    %sign3A_210 = arith.extui %sign3A_209 : i1 to i32
    %sign3A_211 = arith.subi %sign3A_207, %sign3A_210 : i32
    %ne3A_212 = vector.broadcast %sign3A_211 : i32 to vector<64x128xi32>
    %ne3A_213 = arith.cmpi ne, %sign3A_204, %ne3A_212 : vector<64x128xi32>
    %rem3A_214 = vector.broadcast %jit3A_193 : i32 to vector<64x128xi32>
    %rem3A_215 = arith.remsi %add3A_192, %rem3A_214 : vector<64x128xi32>
    %ne3A_216 = arith.constant 0 : i32
    %ne3A_217 = vector.broadcast %ne3A_216 : i32 to vector<64x128xi32>
    %ne3A_218 = arith.cmpi ne, %rem3A_215, %ne3A_217 : vector<64x128xi32>
    %and3A_219 = arith.andi %ne3A_213, %ne3A_218 : vector<64x128xi1>
    %sub3A_220 = arith.constant 1 : i32
    %sub3A_221 = vector.broadcast %sub3A_220 : i32 to vector<64x128xi32>
    %sub3A_222 = arith.subi %div3A_195, %sub3A_221 : vector<64x128xi32>
    %select_n3A_223 = arith.select %and3A_219, %sub3A_222, %div3A_195 : vector<64x128xi1>, vector<64x128xi32>
    %jit3A_224 = arith.constant 3 : i32
    %eq3A_225 = arith.constant 0 : i32
    %eq3A_226 = arith.cmpi eq, %jit3A_224, %eq3A_225 : i32
    %jit3A_227 = arith.constant 1 : i32
    %select_n3A_228 = arith.select %eq3A_226, %jit3A_227, %jit3A_224 : i32
    %rem3A_229 = vector.broadcast %select_n3A_228 : i32 to vector<64x128xi32>
    %rem3A_230 = arith.remsi %add3A_192, %rem3A_229 : vector<64x128xi32>
    %ne3A_231 = arith.constant 0 : i32
    %ne3A_232 = vector.broadcast %ne3A_231 : i32 to vector<64x128xi32>
    %ne3A_233 = arith.cmpi ne, %rem3A_230, %ne3A_232 : vector<64x128xi32>
    %lt3A_234 = arith.constant 0 : i32
    %lt3A_235 = vector.broadcast %lt3A_234 : i32 to vector<64x128xi32>
    %lt3A_236 = arith.cmpi slt, %rem3A_230, %lt3A_235 : vector<64x128xi32>
    %lt3A_237 = arith.constant 0 : i32
    %lt3A_238 = arith.cmpi slt, %select_n3A_228, %lt3A_237 : i32
    %ne3A_239 = vector.broadcast %lt3A_238 : i1 to vector<64x128xi1>
    %ne3A_240 = vector.broadcast %ne3A_239 : vector<64x128xi1> to vector<64x128xi1>
    %ne3A_241 = arith.xori %lt3A_236, %ne3A_240 : vector<64x128xi1>
    %and3A_242 = arith.andi %ne3A_241, %ne3A_233 : vector<64x128xi1>
    %add3A_243 = vector.broadcast %select_n3A_228 : i32 to vector<64x128xi32>
    %add3A_244 = arith.addi %rem3A_230, %add3A_243 : vector<64x128xi32>
    %select_n3A_245 = arith.select %and3A_242, %add3A_244, %rem3A_230 : vector<64x128xi1>, vector<64x128xi32>
    %eq3A_246 = arith.constant 0 : i32
    %eq3A_247 = vector.broadcast %eq3A_246 : i32 to vector<64x128xi32>
    %eq3A_248 = arith.cmpi eq, %select_n3A_245, %eq3A_247 : vector<64x128xi32>
    %eq3A_249 = arith.constant 1 : i32
    %eq3A_250 = vector.broadcast %eq3A_249 : i32 to vector<64x128xi32>
    %eq3A_251 = arith.cmpi eq, %select_n3A_245, %eq3A_250 : vector<64x128xi32>
    %add3A_252 = arith.constant 256 : i32
    %add3A_253 = vector.broadcast %add3A_252 : i32 to vector<64x128xi32>
    %add3A_254 = arith.addi %add3A_253, %iota3A_127 : vector<64x128xi32>
    %jit3A_255 = arith.constant 3 : i32
    %div3A_256 = vector.broadcast %jit3A_255 : i32 to vector<64x128xi32>
    %div3A_257 = arith.divsi %add3A_254, %div3A_256 : vector<64x128xi32>
    %sign3A_258 = arith.constant 0 : i32
    %sign3A_259 = vector.broadcast %sign3A_258 : i32 to vector<64x128xi32>
    %sign3A_260 = arith.cmpi sgt, %add3A_254, %sign3A_259 : vector<64x128xi32>
    %sign3A_261 = arith.extui %sign3A_260 : vector<64x128xi1> to vector<64x128xi32>
    %sign3A_262 = arith.constant 0 : i32
    %sign3A_263 = vector.broadcast %sign3A_262 : i32 to vector<64x128xi32>
    %sign3A_264 = arith.cmpi slt, %add3A_254, %sign3A_263 : vector<64x128xi32>
    %sign3A_265 = arith.extui %sign3A_264 : vector<64x128xi1> to vector<64x128xi32>
    %sign3A_266 = arith.subi %sign3A_261, %sign3A_265 : vector<64x128xi32>
    %sign3A_267 = arith.constant 0 : i32
    %sign3A_268 = arith.cmpi sgt, %jit3A_255, %sign3A_267 : i32
    %sign3A_269 = arith.extui %sign3A_268 : i1 to i32
    %sign3A_270 = arith.constant 0 : i32
    %sign3A_271 = arith.cmpi slt, %jit3A_255, %sign3A_270 : i32
    %sign3A_272 = arith.extui %sign3A_271 : i1 to i32
    %sign3A_273 = arith.subi %sign3A_269, %sign3A_272 : i32
    %ne3A_274 = vector.broadcast %sign3A_273 : i32 to vector<64x128xi32>
    %ne3A_275 = arith.cmpi ne, %sign3A_266, %ne3A_274 : vector<64x128xi32>
    %rem3A_276 = vector.broadcast %jit3A_255 : i32 to vector<64x128xi32>
    %rem3A_277 = arith.remsi %add3A_254, %rem3A_276 : vector<64x128xi32>
    %ne3A_278 = arith.constant 0 : i32
    %ne3A_279 = vector.broadcast %ne3A_278 : i32 to vector<64x128xi32>
    %ne3A_280 = arith.cmpi ne, %rem3A_277, %ne3A_279 : vector<64x128xi32>
    %and3A_281 = arith.andi %ne3A_275, %ne3A_280 : vector<64x128xi1>
    %sub3A_282 = arith.constant 1 : i32
    %sub3A_283 = vector.broadcast %sub3A_282 : i32 to vector<64x128xi32>
    %sub3A_284 = arith.subi %div3A_257, %sub3A_283 : vector<64x128xi32>
    %select_n3A_285 = arith.select %and3A_281, %sub3A_284, %div3A_257 : vector<64x128xi1>, vector<64x128xi32>
    %jit3A_286 = arith.constant 3 : i32
    %eq3A_287 = arith.constant 0 : i32
    %eq3A_288 = arith.cmpi eq, %jit3A_286, %eq3A_287 : i32
    %jit3A_289 = arith.constant 1 : i32
    %select_n3A_290 = arith.select %eq3A_288, %jit3A_289, %jit3A_286 : i32
    %rem3A_291 = vector.broadcast %select_n3A_290 : i32 to vector<64x128xi32>
    %rem3A_292 = arith.remsi %add3A_254, %rem3A_291 : vector<64x128xi32>
    %ne3A_293 = arith.constant 0 : i32
    %ne3A_294 = vector.broadcast %ne3A_293 : i32 to vector<64x128xi32>
    %ne3A_295 = arith.cmpi ne, %rem3A_292, %ne3A_294 : vector<64x128xi32>
    %lt3A_296 = arith.constant 0 : i32
    %lt3A_297 = vector.broadcast %lt3A_296 : i32 to vector<64x128xi32>
    %lt3A_298 = arith.cmpi slt, %rem3A_292, %lt3A_297 : vector<64x128xi32>
    %lt3A_299 = arith.constant 0 : i32
    %lt3A_300 = arith.cmpi slt, %select_n3A_290, %lt3A_299 : i32
    %ne3A_301 = vector.broadcast %lt3A_300 : i1 to vector<64x128xi1>
    %ne3A_302 = vector.broadcast %ne3A_301 : vector<64x128xi1> to vector<64x128xi1>
    %ne3A_303 = arith.xori %lt3A_298, %ne3A_302 : vector<64x128xi1>
    %and3A_304 = arith.andi %ne3A_303, %ne3A_295 : vector<64x128xi1>
    %add3A_305 = vector.broadcast %select_n3A_290 : i32 to vector<64x128xi32>
    %add3A_306 = arith.addi %rem3A_292, %add3A_305 : vector<64x128xi32>
    %select_n3A_307 = arith.select %and3A_304, %add3A_306, %rem3A_292 : vector<64x128xi1>, vector<64x128xi32>
    %eq3A_308 = arith.constant 0 : i32
    %eq3A_309 = vector.broadcast %eq3A_308 : i32 to vector<64x128xi32>
    %eq3A_310 = arith.cmpi eq, %select_n3A_307, %eq3A_309 : vector<64x128xi32>
    %eq3A_311 = arith.constant 1 : i32
    %eq3A_312 = vector.broadcast %eq3A_311 : i32 to vector<64x128xi32>
    %eq3A_313 = arith.cmpi eq, %select_n3A_307, %eq3A_312 : vector<64x128xi32>
    %slice3A_314 = vector.extract_strided_slice %select_n3A_104 {offsets = [0, 0], sizes = [64, 128], strides = [1, 1]} : vector<64x4096xf32> to vector<64x128xf32>
    %slice3A_315 = vector.extract_strided_slice %select_n3A_115 {offsets = [0, 0], sizes = [64, 128], strides = [1, 1]} : vector<64x4096xf32> to vector<64x128xf32>
    %slice3A_316 = vector.extract_strided_slice %select_n3A_126 {offsets = [0, 0], sizes = [64, 128], strides = [1, 1]} : vector<64x4096xf32> to vector<64x128xf32>
    %lt3A_317 = arith.constant 0 : i32
    %lt3A_318 = vector.broadcast %lt3A_317 : i32 to vector<64x128xi32>
    %lt3A_319 = arith.cmpi slt, %select_n3A_161, %lt3A_318 : vector<64x128xi32>
    %add3A_320 = arith.constant 128 : i32
    %add3A_321 = vector.broadcast %add3A_320 : i32 to vector<64x128xi32>
    %add3A_322 = arith.addi %select_n3A_161, %add3A_321 : vector<64x128xi32>
    %select_n3A_323 = arith.select %lt3A_319, %add3A_322, %select_n3A_161 : vector<64x128xi1>, vector<64x128xi32>
    %reshape3A = vector.shape_cast %select_n3A_323 : vector<64x128xi32> to vector<64x128x1xi32>
    %gather3A = vector.shape_cast %reshape3A : vector<64x128x1xi32> to vector<64x128xi32>
    %gather3A_324 = tpu.dynamic_gather %slice3A_314[%gather3A] in [1] : vector<64x128xf32>, vector<64x128xi32> -> vector<64x128xf32>
    %lt3A_325 = arith.constant 0 : i32
    %lt3A_326 = vector.broadcast %lt3A_325 : i32 to vector<64x128xi32>
    %lt3A_327 = arith.cmpi slt, %select_n3A_161, %lt3A_326 : vector<64x128xi32>
    %add3A_328 = arith.constant 128 : i32
    %add3A_329 = vector.broadcast %add3A_328 : i32 to vector<64x128xi32>
    %add3A_330 = arith.addi %select_n3A_161, %add3A_329 : vector<64x128xi32>
    %select_n3A_331 = arith.select %lt3A_327, %add3A_330, %select_n3A_161 : vector<64x128xi1>, vector<64x128xi32>
    %reshape3A_332 = vector.shape_cast %select_n3A_331 : vector<64x128xi32> to vector<64x128x1xi32>
    %gather3A_333 = vector.shape_cast %reshape3A_332 : vector<64x128x1xi32> to vector<64x128xi32>
    %gather3A_334 = tpu.dynamic_gather %slice3A_315[%gather3A_333] in [1] : vector<64x128xf32>, vector<64x128xi32> -> vector<64x128xf32>
    %lt3A_335 = arith.constant 0 : i32
    %lt3A_336 = vector.broadcast %lt3A_335 : i32 to vector<64x128xi32>
    %lt3A_337 = arith.cmpi slt, %select_n3A_161, %lt3A_336 : vector<64x128xi32>
    %add3A_338 = arith.constant 128 : i32
    %add3A_339 = vector.broadcast %add3A_338 : i32 to vector<64x128xi32>
    %add3A_340 = arith.addi %select_n3A_161, %add3A_339 : vector<64x128xi32>
    %select_n3A_341 = arith.select %lt3A_337, %add3A_340, %select_n3A_161 : vector<64x128xi1>, vector<64x128xi32>
    %reshape3A_342 = vector.shape_cast %select_n3A_341 : vector<64x128xi32> to vector<64x128x1xi32>
    %gather3A_343 = vector.shape_cast %reshape3A_342 : vector<64x128x1xi32> to vector<64x128xi32>
    %gather3A_344 = tpu.dynamic_gather %slice3A_316[%gather3A_343] in [1] : vector<64x128xf32>, vector<64x128xi32> -> vector<64x128xf32>
    %select_n3A_345 = arith.select %eq3A_189, %gather3A_334, %gather3A_344 : vector<64x128xi1>, vector<64x128xf32>
    %select_n3A_346 = arith.select %eq3A_186, %gather3A_324, %select_n3A_345 : vector<64x128xi1>, vector<64x128xf32>
    %swap3A = arith.constant 0 : index
    %swap3A_347 = arith.constant 0 : index
    %swap3A_348 = arith.constant 0 : index
    %swap3A_349 = vector.load %arg2[%swap3A, %swap3A_347, %swap3A_348] : memref<1x64x12288xf32, #tpu.memory_space<vmem>>, vector<1x64x128xf32>
    %swap3A_350 = vector.shape_cast %swap3A_349 : vector<1x64x128xf32> to vector<64x128xf32>
    %swap3A_351 = vector.shape_cast %select_n3A_346 : vector<64x128xf32> to vector<1x64x128xf32>
    tpu.vector_store %arg2[%swap3A, %swap3A_347, %swap3A_348], %swap3A_351 {strides = array<i32>} : memref<1x64x12288xf32, #tpu.memory_space<vmem>>, vector<1x64x128xf32>,
    %lt3A_352 = arith.constant 0 : i32
    %lt3A_353 = vector.broadcast %lt3A_352 : i32 to vector<64x128xi32>
    %lt3A_354 = arith.cmpi slt, %select_n3A_223, %lt3A_353 : vector<64x128xi32>
    %add3A_355 = arith.constant 128 : i32
    %add3A_356 = vector.broadcast %add3A_355 : i32 to vector<64x128xi32>
    %add3A_357 = arith.addi %select_n3A_223, %add3A_356 : vector<64x128xi32>
    %select_n3A_358 = arith.select %lt3A_354, %add3A_357, %select_n3A_223 : vector<64x128xi1>, vector<64x128xi32>
    %reshape3A_359 = vector.shape_cast %select_n3A_358 : vector<64x128xi32> to vector<64x128x1xi32>
    %gather3A_360 = vector.shape_cast %reshape3A_359 : vector<64x128x1xi32> to vector<64x128xi32>
    %gather3A_361 = tpu.dynamic_gather %slice3A_314[%gather3A_360] in [1] : vector<64x128xf32>, vector<64x128xi32> -> vector<64x128xf32>
    %lt3A_362 = arith.constant 0 : i32
    %lt3A_363 = vector.broadcast %lt3A_362 : i32 to vector<64x128xi32>
    %lt3A_364 = arith.cmpi slt, %select_n3A_223, %lt3A_363 : vector<64x128xi32>
    %add3A_365 = arith.constant 128 : i32
    %add3A_366 = vector.broadcast %add3A_365 : i32 to vector<64x128xi32>
    %add3A_367 = arith.addi %select_n3A_223, %add3A_366 : vector<64x128xi32>
    %select_n3A_368 = arith.select %lt3A_364, %add3A_367, %select_n3A_223 : vector<64x128xi1>, vector<64x128xi32>
    %reshape3A_369 = vector.shape_cast %select_n3A_368 : vector<64x128xi32> to vector<64x128x1xi32>
    %gather3A_370 = vector.shape_cast %reshape3A_369 : vector<64x128x1xi32> to vector<64x128xi32>
    %gather3A_371 = tpu.dynamic_gather %slice3A_315[%gather3A_370] in [1] : vector<64x128xf32>, vector<64x128xi32> -> vector<64x128xf32>
    %lt3A_372 = arith.constant 0 : i32
    %lt3A_373 = vector.broadcast %lt3A_372 : i32 to vector<64x128xi32>
    %lt3A_374 = arith.cmpi slt, %select_n3A_223, %lt3A_373 : vector<64x128xi32>
    %add3A_375 = arith.constant 128 : i32
    %add3A_376 = vector.broadcast %add3A_375 : i32 to vector<64x128xi32>
    %add3A_377 = arith.addi %select_n3A_223, %add3A_376 : vector<64x128xi32>
    %select_n3A_378 = arith.select %lt3A_374, %add3A_377, %select_n3A_223 : vector<64x128xi1>, vector<64x128xi32>
    %reshape3A_379 = vector.shape_cast %select_n3A_378 : vector<64x128xi32> to vector<64x128x1xi32>
    %gather3A_380 = vector.shape_cast %reshape3A_379 : vector<64x128x1xi32> to vector<64x128xi32>
    %gather3A_381 = tpu.dynamic_gather %slice3A_316[%gather3A_380] in [1] : vector<64x128xf32>, vector<64x128xi32> -> vector<64x128xf32>
    %select_n3A_382 = arith.select %eq3A_251, %gather3A_371, %gather3A_381 : vector<64x128xi1>, vector<64x128xf32>
    %select_n3A_383 = arith.select %eq3A_248, %gather3A_361, %select_n3A_382 : vector<64x128xi1>, vector<64x128xf32>
    %swap3A_384 = arith.constant 0 : index
    %swap3A_385 = arith.constant 0 : index
    %swap3A_386 = arith.constant 128 : index
    %swap3A_387 = vector.load %arg2[%swap3A_384, %swap3A_385, %swap3A_386] : memref<1x64x12288xf32, #tpu.memory_space<vmem>>, vector<1x64x128xf32>
    %swap3A_388 = vector.shape_cast %swap3A_387 : vector<1x64x128xf32> to vector<64x128xf32>
    %swap3A_389 = vector.shape_cast %select_n3A_383 : vector<64x128xf32> to vector<1x64x128xf32>
    tpu.vector_store %arg2[%swap3A_384, %swap3A_385, %swap3A_386], %swap3A_389 {strides = array<i32>} : memref<1x64x12288xf32, #tpu.memory_space<vmem>>, vector<1x64x128xf32>,
    %lt3A_390 = arith.constant 0 : i32
    %lt3A_391 = vector.broadcast %lt3A_390 : i32 to vector<64x128xi32>
    %lt3A_392 = arith.cmpi slt, %select_n3A_285, %lt3A_391 : vector<64x128xi32>
    %add3A_393 = arith.constant 128 : i32
    %add3A_394 = vector.broadcast %add3A_393 : i32 to vector<64x128xi32>
    %add3A_395 = arith.addi %select_n3A_285, %add3A_394 : vector<64x128xi32>
    %select_n3A_396 = arith.select %lt3A_392, %add3A_395, %select_n3A_285 : vector<64x128xi1>, vector<64x128xi32>
    %reshape3A_397 = vector.shape_cast %select_n3A_396 : vector<64x128xi32> to vector<64x128x1xi32>
    %gather3A_398 = vector.shape_cast %reshape3A_397 : vector<64x128x1xi32> to vector<64x128xi32>
    %gather3A_399 = tpu.dynamic_gather %slice3A_314[%gather3A_398] in [1] : vector<64x128xf32>, vector<64x128xi32> -> vector<64x128xf32>
    %lt3A_400 = arith.constant 0 : i32
    %lt3A_401 = vector.broadcast %lt3A_400 : i32 to vector<64x128xi32>
    %lt3A_402 = arith.cmpi slt, %select_n3A_285, %lt3A_401 : vector<64x128xi32>
    %add3A_403 = arith.constant 128 : i32
    %add3A_404 = vector.broadcast %add3A_403 : i32 to vector<64x128xi32>
    %add3A_405 = arith.addi %select_n3A_285, %add3A_404 : vector<64x128xi32>
    %select_n3A_406 = arith.select %lt3A_402, %add3A_405, %select_n3A_285 : vector<64x128xi1>, vector<64x128xi32>
    %reshape3A_407 = vector.shape_cast %select_n3A_406 : vector<64x128xi32> to vector<64x128x1xi32>
    %gather3A_408 = vector.shape_cast %reshape3A_407 : vector<64x128x1xi32> to vector<64x128xi32>
    %gather3A_409 = tpu.dynamic_gather %slice3A_315[%gather3A_408] in [1] : vector<64x128xf32>, vector<64x128xi32> -> vector<64x128xf32>
    %lt3A_410 = arith.constant 0 : i32
    %lt3A_411 = vector.broadcast %lt3A_410 : i32 to vector<64x128xi32>
    %lt3A_412 = arith.cmpi slt, %select_n3A_285, %lt3A_411 : vector<64x128xi32>
    %add3A_413 = arith.constant 128 : i32
    %add3A_414 = vector.broadcast %add3A_413 : i32 to vector<64x128xi32>
    %add3A_415 = arith.addi %select_n3A_285, %add3A_414 : vector<64x128xi32>
    %select_n3A_416 = arith.select %lt3A_412, %add3A_415, %select_n3A_285 : vector<64x128xi1>, vector<64x128xi32>
    %reshape3A_417 = vector.shape_cast %select_n3A_416 : vector<64x128xi32> to vector<64x128x1xi32>
    %gather3A_418 = vector.shape_cast %reshape3A_417 : vector<64x128x1xi32> to vector<64x128xi32>
    %gather3A_419 = tpu.dynamic_gather %slice3A_316[%gather3A_418] in [1] : vector<64x128xf32>, vector<64x128xi32> -> vector<64x128xf32>
    %select_n3A_420 = arith.select %eq3A_313, %gather3A_409, %gather3A_419 : vector<64x128xi1>, vector<64x128xf32>
    %select_n3A_421 = arith.select %eq3A_310, %gather3A_399, %select_n3A_420 : vector<64x128xi1>, vector<64x128xf32>
    %swap3A_422 = arith.constant 0 : index
    %swap3A_423 = arith.constant 0 : index
    %swap3A_424 = arith.constant 256 : index
    %swap3A_425 = vector.load %arg2[%swap3A_422, %swap3A_423, %swap3A_424] : memref<1x64x12288xf32, #tpu.memory_space<vmem>>, vector<1x64x128xf32>
    %swap3A_426 = vector.shape_cast %swap3A_425 : vector<1x64x128xf32> to vector<64x128xf32>
    %swap3A_427 = vector.shape_cast %select_n3A_421 : vector<64x128xf32> to vector<1x64x128xf32>
    tpu.vector_store %arg2[%swap3A_422, %swap3A_423, %swap3A_424], %swap3A_427 {strides = array<i32>} : memref<1x64x12288xf32, #tpu.memory_space<vmem>>, vector<1x64x128xf32>,
    %slice3A_428 = vector.extract_strided_slice %select_n3A_104 {offsets = [0, 128], sizes = [64, 128], strides = [1, 1]} : vector<64x4096xf32> to vector<64x128xf32>
    %slice3A_429 = vector.extract_strided_slice %select_n3A_115 {offsets = [0, 128], sizes = [64, 128], strides = [1, 1]} : vector<64x4096xf32> to vector<64x128xf32>
    %slice3A_430 = vector.extract_strided_slice %select_n3A_126 {offsets = [0, 128], sizes = [64, 128], strides = [1, 1]} : vector<64x4096xf32> to vector<64x128xf32>
    %lt3A_431 = arith.constant 0 : i32
    %lt3A_432 = vector.broadcast %lt3A_431 : i32 to vector<64x128xi32>
    %lt3A_433 = arith.cmpi slt, %select_n3A_161, %lt3A_432 : vector<64x128xi32>
    %add3A_434 = arith.constant 128 : i32
    %add3A_435 = vector.broadcast %add3A_434 : i32 to vector<64x128xi32>
    %add3A_436 = arith.addi %select_n3A_161, %add3A_435 : vector<64x128xi32>
    %select_n3A_437 = arith.select %lt3A_433, %add3A_436, %select_n3A_161 : vector<64x128xi1>, vector<64x128xi32>
    %reshape3A_438 = vector.shape_cast %select_n3A_437 : vector<64x128xi32> to vector<64x128x1xi32>
    %gather3A_439 = vector.shape_cast %reshape3A_438 : vector<64x128x1xi32> to vector<64x128xi32>
    %gather3A_440 = tpu.dynamic_gather %slice3A_428[%gather3A_439] in [1] : vector<64x128xf32>, vector<64x128xi32> -> vector<64x128xf32>
    %lt3A_441 = arith.constant 0 : i32
    %lt3A_442 = vector.broadcast %lt3A_441 : i32 to vector<64x128xi32>
    %lt3A_443 = arith.cmpi slt, %select_n3A_161, %lt3A_442 : vector<64x128xi32>
    %add3A_444 = arith.constant 128 : i32
    %add3A_445 = vector.broadcast %add3A_444 : i32 to vector<64x128xi32>
    %add3A_446 = arith.addi %select_n3A_161, %add3A_445 : vector<64x128xi32>
    %select_n3A_447 = arith.select %lt3A_443, %add3A_446, %select_n3A_161 : vector<64x128xi1>, vector<64x128xi32>
    %reshape3A_448 = vector.shape_cast %select_n3A_447 : vector<64x128xi32> to vector<64x128x1xi32>
    %gather3A_449 = vector.shape_cast %reshape3A_448 : vector<64x128x1xi32> to vector<64x128xi32>
    %gather3A_450 = tpu.dynamic_gather %slice3A_429[%gather3A_449] in [1] : vector<64x128xf32>, vector<64x128xi32> -> vector<64x128xf32>
    %lt3A_451 = arith.constant 0 : i32
    %lt3A_452 = vector.broadcast %lt3A_451 : i32 to vector<64x128xi32>
    %lt3A_453 = arith.cmpi slt, %select_n3A_161, %lt3A_452 : vector<64x128xi32>
    %add3A_454 = arith.constant 128 : i32
    %add3A_455 = vector.broadcast %add3A_454 : i32 to vector<64x128xi32>
    %add3A_456 = arith.addi %select_n3A_161, %add3A_455 : vector<64x128xi32>
    %select_n3A_457 = arith.select %lt3A_453, %add3A_456, %select_n3A_161 : vector<64x128xi1>, vector<64x128xi32>
    %reshape3A_458 = vector.shape_cast %select_n3A_457 : vector<64x128xi32> to vector<64x128x1xi32>
    %gather3A_459 = vector.shape_cast %reshape3A_458 : vector<64x128x1xi32> to vector<64x128xi32>
    %gather3A_460 = tpu.dynamic_gather %slice3A_430[%gather3A_459] in [1] : vector<64x128xf32>, vector<64x128xi32> -> vector<64x128xf32>
    %select_n3A_461 = arith.select %eq3A_189, %gather3A_450, %gather3A_460 : vector<64x128xi1>, vector<64x128xf32>
    %select_n3A_462 = arith.select %eq3A_186, %gather3A_440, %select_n3A_461 : vector<64x128xi1>, vector<64x128xf32>
    %swap3A_463 = arith.constant 0 : index
    %swap3A_464 = arith.constant 0 : index
    %swap3A_465 = arith.constant 384 : index
    %swap3A_466 = vector.load %arg2[%swap3A_463, %swap3A_464, %swap3A_465] : memref<1x64x12288xf32, #tpu.memory_space<vmem>>, vector<1x64x128xf32>
    %swap3A_467 = vector.shape_cast %swap3A_466 : vector<1x64x128xf32> to vector<64x128xf32>
    %swap3A_468 = vector.shape_cast %select_n3A_462 : vector<64x128xf32> to vector<1x64x128xf32>
    tpu.vector_store %arg2[%swap3A_463, %swap3A_464, %swap3A_465], %swap3A_468 {strides = array<i32>} : memref<1x64x12288xf32, #tpu.memory_space<vmem>>, vector<1x64x128xf32>,
    %lt3A_469 = arith.constant 0 : i32
    %lt3A_470 = vector.broadcast %lt3A_469 : i32 to vector<64x128xi32>
    %lt3A_471 = arith.cmpi slt, %select_n3A_223, %lt3A_470 : vector<64x128xi32>
    %add3A_472 = arith.constant 128 : i32
    %add3A_473 = vector.broadcast %add3A_472 : i32 to vector<64x128xi32>
    %add3A_474 = arith.addi %select_n3A_223, %add3A_473 : vector<64x128xi32>
    %select_n3A_475 = arith.select %lt3A_471, %add3A_474, %select_n3A_223 : vector<64x128xi1>, vector<64x128xi32>
    %reshape3A_476 = vector.shape_cast %select_n3A_475 : vector<64x128xi32> to vector<64x128x1xi32>
    %gather3A_477 = vector.shape_cast %reshape3A_476 : vector<64x128x1xi32> to vector<64x128xi32>
    %gather3A_478 = tpu.dynamic_gather %slice3A_428[%gather3A_477] in [1] : vector<64x128xf32>, vector<64x128xi32> -> vector<64x128xf32>
    %lt3A_479 = arith.constant 0 : i32
    %lt3A_480 = vector.broadcast %lt3A_479 : i32 to vector<64x128xi32>
    %lt3A_481 = arith.cmpi slt, %select_n3A_223, %lt3A_480 : vector<64x128xi32>
    %add3A_482 = arith.constant 128 : i32
    %add3A_483 = vector.broadcast %add3A_482 : i32 to vector<64x128xi32>
    %add3A_484 = arith.addi %select_n3A_223, %add3A_483 : vector<64x128xi32>
    %select_n3A_485 = arith.select %lt3A_481, %add3A_484, %select_n3A_223 : vector<64x128xi1>, vector<64x128xi32>
    %reshape3A_486 = vector.shape_cast %select_n3A_485 : vector<64x128xi32> to vector<64x128x1xi32>
    %gather3A_487 = vector.shape_cast %reshape3A_486 : vector<64x128x1xi32> to vector<64x128xi32>
    %gather3A_488 = tpu.dynamic_gather %slice3A_429[%gather3A_487] in [1] : vector<64x128xf32>, vector<64x128xi32> -> vector<64x128xf32>
    %lt3A_489 = arith.constant 0 : i32
    %lt3A_490 = vector.broadcast %lt3A_489 : i32 to vector<64x128xi32>
    %lt3A_491 = arith.cmpi slt, %select_n3A_223, %lt3A_490 : vector<64x128xi32>
    %add3A_492 = arith.constant 128 : i32
    %add3A_493 = vector.broadcast %add3A_492 : i32 to vector<64x128xi32>
    %add3A_494 = arith.addi %select_n3A_223, %add3A_493 : vector<64x128xi32>
    %select_n3A_495 = arith.select %lt3A_491, %add3A_494, %select_n3A_223 : vector<64x128xi1>, vector<64x128xi32>
    %reshape3A_496 = vector.shape_cast %select_n3A_495 : vector<64x128xi32> to vector<64x128x1xi32>
    %gather3A_497 = vector.shape_cast %reshape3A_496 : vector<64x128x1xi32> to vector<64x128xi32>
    %gather3A_498 = tpu.dynamic_gather %slice3A_430[%gather3A_497] in [1] : vector<64x128xf32>, vector<64x128xi32> -> vector<64x128xf32>
    %select_n3A_499 = arith.select %eq3A_251, %gather3A_488, %gather3A_498 : vector<64x128xi1>, vector<64x128xf32>
    %select_n3A_500 = arith.select %eq3A_248, %gather3A_478, %select_n3A_499 : vector<64x128xi1>, vector<64x128xf32>
    %swap3A_501 = arith.constant 0 : index
    %swap3A_502 = arith.constant 0 : index
    %swap3A_503 = arith.constant 512 : index
    %swap3A_504 = vector.load %arg2[%swap3A_501, %swap3A_502, %swap3A_503] : memref<1x64x12288xf32, #tpu.memory_space<vmem>>, vector<1x64x128xf32>
    %swap3A_505 = vector.shape_cast %swap3A_504 : vector<1x64x128xf32> to vector<64x128xf32>
    %swap3A_506 = vector.shape_cast %select_n3A_500 : vector<64x128xf32> to vector<1x64x128xf32>
    tpu.vector_store %arg2[%swap3A_501, %swap3A_502, %swap3A_503], %swap3A_506 {strides = array<i32>} : memref<1x64x12288xf32, #tpu.memory_space<vmem>>, vector<1x64x128xf32>,
    %lt3A_507 = arith.constant 0 : i32
    %lt3A_508 = vector.broadcast %lt3A_507 : i32 to vector<64x128xi32>
    %lt3A_509 = arith.cmpi slt, %select_n3A_285, %lt3A_508 : vector<64x128xi32>
    %add3A_510 = arith.constant 128 : i32
    %add3A_511 = vector.broadcast %add3A_510 : i32 to vector<64x128xi32>
    %add3A_512 = arith.addi %select_n3A_285, %add3A_511 : vector<64x128xi32>
    %select_n3A_513 = arith.select %lt3A_509, %add3A_512, %select_n3A_285 : vector<64x128xi1>, vector<64x128xi32>
    %reshape3A_514 = vector.shape_cast %select_n3A_513 : vector<64x128xi32> to vector<64x128x1xi32>
    %gather3A_515 = vector.shape_cast %reshape3A_514 : vector<64x128x1xi32> to vector<64x128xi32>
    %gather3A_516 = tpu.dynamic_gather %slice3A_428[%gather3A_515] in [1] : vector<64x128xf32>, vector<64x128xi32> -> vector<64x128xf32>
    %lt3A_517 = arith.constant 0 : i32
    %lt3A_518 = vector.broadcast %lt3A_517 : i32 to vector<64x128xi32>
    %lt3A_519 = arith.cmpi slt, %select_n3A_285, %lt3A_518 : vector<64x128xi32>
    %add3A_520 = arith.constant 128 : i32
    %add3A_521 = vector.broadcast %add3A_520 : i32 to vector<64x128xi32>
    %add3A_522 = arith.addi %select_n3A_285, %add3A_521 : vector<64x128xi32>
    %select_n3A_523 = arith.select %lt3A_519, %add3A_522, %select_n3A_285 : vector<64x128xi1>, vector<64x128xi32>
    %reshape3A_524 = vector.shape_cast %select_n3A_523 : vector<64x128xi32> to vector<64x128x1xi32>
    %gather3A_525 = vector.shape_cast %reshape3A_524 : vector<64x128x1xi32> to vector<64x128xi32>
    %gather3A_526 = tpu.dynamic_gather %slice3A_429[%gather3A_525] in [1] : vector<64x128xf32>, vector<64x128xi32> -> vector<64x128xf32>
    %lt3A_527 = arith.constant 0 : i32
    %lt3A_528 = vector.broadcast %lt3A_527 : i32 to vector<64x128xi32>
    %lt3A_529 = arith.cmpi slt, %select_n3A_285, %lt3A_528 : vector<64x128xi32>
    %add3A_530 = arith.constant 128 : i32
    %add3A_531 = vector.broadcast %add3A_530 : i32 to vector<64x128xi32>
    %add3A_532 = arith.addi %select_n3A_285, %add3A_531 : vector<64x128xi32>
    %select_n3A_533 = arith.select %lt3A_529, %add3A_532, %select_n3A_285 : vector<64x128xi1>, vector<64x128xi32>
    %reshape3A_534 = vector.shape_cast %select_n3A_533 : vector<64x128xi32> to vector<64x128x1xi32>
    %gather3A_535 = vector.shape_cast %reshape3A_534 : vector<64x128x1xi32> to vector<64x128xi32>
    %gather3A_536 = tpu.dynamic_gather %slice3A_430[%gather3A_535] in [1] : vector<64x128xf32>, vector<64x128xi32> -> vector<64x128xf32>
    %select_n3A_537 = arith.select %eq3A_313, %gather3A_526, %gather3A_536 : vector<64x128xi1>, vector<64x128xf32>
    %select_n3A_538 = arith.select %eq3A_310, %gather3A_516, %select_n3A_537 : vector<64x128xi1>, vector<64x128xf32>
    %swap3A_539 = arith.constant 0 : index
    %swap3A_540 = arith.constant 0 : index
    %swap3A_541 = arith.constant 640 : index
    %swap3A_542 = vector.load %arg2[%swap3A_539, %swap3A_540, %swap3A_541] : memref<1x64x12288xf32, #tpu.memory_space<vmem>>, vector<1x64x128xf32>
    %swap3A_543 = vector.shape_cast %swap3A_542 : vector<1x64x128xf32> to vector<64x128xf32>
    %swap3A_544 = vector.shape_cast %select_n3A_538 : vector<64x128xf32> to vector<1x64x128xf32>
    tpu.vector_store %arg2[%swap3A_539, %swap3A_540, %swap3A_541], %swap3A_544 {strides = array<i32>} : memref<1x64x12288xf32, #tpu.memory_space<vmem>>, vector<1x64x128xf32>,
    %slice3A_545 = vector.extract_strided_slice %select_n3A_104 {offsets = [0, 256], sizes = [64, 128], strides = [1, 1]} : vector<64x4096xf32> to vector<64x128xf32>
    %slice3A_546 = vector.extract_strided_slice %select_n3A_115 {offsets = [0, 256], sizes = [64, 128], strides = [1, 1]} : vector<64x4096xf32> to vector<64x128xf32>
    %slice3A_547 = vector.extract_strided_slice %select_n3A_126 {offsets = [0, 256], sizes = [64, 128], strides = [1, 1]} : vector<64x4096xf32> to vector<64x128xf32>
    %lt3A_548 = arith.constant 0 : i32
    %lt3A_549 = vector.broadcast %lt3A_548 : i32 to vector<64x128xi32>
    %lt3A_550 = arith.cmpi slt, %select_n3A_161, %lt3A_549 : vector<64x128xi32>
    %add3A_551 = arith.constant 128 : i32
    %add3A_552 = vector.broadcast %add3A_551 : i32 to vector<64x128xi32>
    %add3A_553 = arith.addi %select_n3A_161, %add3A_552 : vector<64x128xi32>
    %select_n3A_554 = arith.select %lt3A_550, %add3A_553, %select_n3A_161 : vector<64x128xi1>, vector<64x128xi32>
    %reshape3A_555 = vector.shape_cast %select_n3A_554 : vector<64x128xi32> to vector<64x128x1xi32>
    %gather3A_556 = vector.shape_cast %reshape3A_555 : vector<64x128x1xi32> to vector<64x128xi32>
    %gather3A_557 = tpu.dynamic_gather %slice3A_545[%gather3A_556] in [1] : vector<64x128xf32>, vector<64x128xi32> -> vector<64x128xf32>
    %lt3A_558 = arith.constant 0 : i32
    %lt3A_559 = vector.broadcast %lt3A_558 : i32 to vector<64x128xi32>
    %lt3A_560 = arith.cmpi slt, %select_n3A_161, %lt3A_559 : vector<64x128xi32>
    %add3A_561 = arith.constant 128 : i32
    %add3A_562 = vector.broadcast %add3A_561 : i32 to vector<64x128xi32>
    %add3A_563 = arith.addi %select_n3A_161, %add3A_562 : vector<64x128xi32>
    %select_n3A_564 = arith.select %lt3A_560, %add3A_563, %select_n3A_161 : vector<64x128xi1>, vector<64x128xi32>
    %reshape3A_565 = vector.shape_cast %select_n3A_564 : vector<64x128xi32> to vector<64x128x1xi32>
    %gather3A_566 = vector.shape_cast %reshape3A_565 : vector<64x128x1xi32> to vector<64x128xi32>
    %gather3A_567 = tpu.dynamic_gather %slice3A_546[%gather3A_566] in [1] : vector<64x128xf32>, vector<64x128xi32> -> vector<64x128xf32>
    %lt3A_568 = arith.constant 0 : i32
    %lt3A_569 = vector.broadcast %lt3A_568 : i32 to vector<64x128xi32>
    %lt3A_570 = arith.cmpi slt, %select_n3A_161, %lt3A_569 : vector<64x128xi32>
    %add3A_571 = arith.constant 128 : i32
    %add3A_572 = vector.broadcast %add3A_571 : i32 to vector<64x128xi32>
    %add3A_573 = arith.addi %select_n3A_161, %add3A_572 : vector<64x128xi32>
    %select_n3A_574 = arith.select %lt3A_570, %add3A_573, %select_n3A_161 : vector<64x128xi1>, vector<64x128xi32>
    %reshape3A_575 = vector.shape_cast %select_n3A_574 : vector<64x128xi32> to vector<64x128x1xi32>
    %gather3A_576 = vector.shape_cast %reshape3A_575 : vector<64x128x1xi32> to vector<64x128xi32>
    %gather3A_577 = tpu.dynamic_gather %slice3A_547[%gather3A_576] in [1] : vector<64x128xf32>, vector<64x128xi32> -> vector<64x128xf32>
    %select_n3A_578 = arith.select %eq3A_189, %gather3A_567, %gather3A_577 : vector<64x128xi1>, vector<64x128xf32>
    %select_n3A_579 = arith.select %eq3A_186, %gather3A_557, %select_n3A_578 : vector<64x128xi1>, vector<64x128xf32>
    %swap3A_580 = arith.constant 0 : index
    %swap3A_581 = arith.constant 0 : index
    %swap3A_582 = arith.constant 768 : index
    %swap3A_583 = vector.load %arg2[%swap3A_580, %swap3A_581, %swap3A_582] : memref<1x64x12288xf32, #tpu.memory_space<vmem>>, vector<1x64x128xf32>
    %swap3A_584 = vector.shape_cast %swap3A_583 : vector<1x64x128xf32> to vector<64x128xf32>
    %swap3A_585 = vector.shape_cast %select_n3A_579 : vector<64x128xf32> to vector<1x64x128xf32>
    tpu.vector_store %arg2[%swap3A_580, %swap3A_581, %swap3A_582], %swap3A_585 {strides = array<i32>} : memref<1x64x12288xf32, #tpu.memory_space<vmem>>, vector<1x64x128xf32>,
    %lt3A_586 = arith.constant 0 : i32
    %lt3A_587 = vector.broadcast %lt3A_586 : i32 to vector<64x128xi32>
    %lt3A_588 = arith.cmpi slt, %select_n3A_223, %lt3A_587 : vector<64x128xi32>
    %add3A_589 = arith.constant 128 : i32
    %add3A_590 = vector.broadcast %add3A_589 : i32 to vector<64x128xi32>
    %add3A_591 = arith.addi %select_n3A_223, %add3A_590 : vector<64x128xi32>
    %select_n3A_592 = arith.select %lt3A_588, %add3A_591, %select_n3A_223 : vector<64x128xi1>, vector<64x128xi32>
    %reshape3A_593 = vector.shape_cast %select_n3A_592 : vector<64x128xi32> to vector<64x128x1xi32>
    %gather3A_594 = vector.shape_cast %reshape3A_593 : vector<64x128x1xi32> to vector<64x128xi32>
    %gather3A_595 = tpu.dynamic_gather %slice3A_545[%gather3A_594] in [1] : vector<64x128xf32>, vector<64x128xi32> -> vector<64x128xf32>
    %lt3A_596 = arith.constant 0 : i32
    %lt3A_597 = vector.broadcast %lt3A_596 : i32 to vector<64x128xi32>
    %lt3A_598 = arith.cmpi slt, %select_n3A_223, %lt3A_597 : vector<64x128xi32>
    %add3A_599 = arith.constant 128 : i32
    %add3A_600 = vector.broadcast %add3A_599 : i32 to vector<64x128xi32>
    %add3A_601 = arith.addi %select_n3A_223, %add3A_600 : vector<64x128xi32>
    %select_n3A_602 = arith.select %lt3A_598, %add3A_601, %select_n3A_223 : vector<64x128xi1>, vector<64x128xi32>
    %reshape3A_603 = vector.shape_cast %select_n3A_602 : vector<64x128xi32> to vector<64x128x1xi32>
    %gather3A_604 = vector.shape_cast %reshape3A_603 : vector<64x128x1xi32> to vector<64x128xi32>
    %gather3A_605 = tpu.dynamic_gather %slice3A_546[%gather3A_604] in [1] : vector<64x128xf32>, vector<64x128xi32> -> vector<64x128xf32>
    %lt3A_606 = arith.constant 0 : i32
    %lt3A_607 = vector.broadcast %lt3A_606 : i32 to vector<64x128xi32>
    %lt3A_608 = arith.cmpi slt, %select_n3A_223, %lt3A_607 : vector<64x128xi32>
    %add3A_609 = arith.constant 128 : i32
    %add3A_610 = vector.broadcast %add3A_609 : i32 to vector<64x128xi32>
    %add3A_611 = arith.addi %select_n3A_223, %add3A_610 : vector<64x128xi32>
    %select_n3A_612 = arith.select %lt3A_608, %add3A_611, %select_n3A_223 : vector<64x128xi1>, vector<64x128xi32>
    %reshape3A_613 = vector.shape_cast %select_n3A_612 : vector<64x128xi32> to vector<64x128x1xi32>
    %gather3A_614 = vector.shape_cast %reshape3A_613 : vector<64x128x1xi32> to vector<64x128xi32>
    %gather3A_615 = tpu.dynamic_gather %slice3A_547[%gather3A_614] in [1] : vector<64x128xf32>, vector<64x128xi32> -> vector<64x128xf32>
    %select_n3A_616 = arith.select %eq3A_251, %gather3A_605, %gather3A_615 : vector<64x128xi1>, vector<64x128xf32>
    %select_n3A_617 = arith.select %eq3A_248, %gather3A_595, %select_n3A_616 : vector<64x128xi1>, vector<64x128xf32>
    %swap3A_618 = arith.constant 0 : index
    %swap3A_619 = arith.constant 0 : index
    %swap3A_620 = arith.constant 896 : index
    %swap3A_621 = vector.load %arg2[%swap3A_618, %swap3A_619, %swap3A_620] : memref<1x64x12288xf32, #tpu.memory_space<vmem>>, vector<1x64x128xf32>
    %swap3A_622 = vector.shape_cast %swap3A_621 : vector<1x64x128xf32> to vector<64x128xf32>
    %swap3A_623 = vector.shape_cast %select_n3A_617 : vector<64x128xf32> to vector<1x64x128xf32>
    tpu.vector_store %arg2[%swap3A_618, %swap3A_619, %swap3A_620], %swap3A_623 {strides = array<i32>} : memref<1x64x12288xf32, #tpu.memory_space<vmem>>, vector<1x64x128xf32>,
    %lt3A_624 = arith.constant 0 : i32
    %lt3A_625 = vector.broadcast %lt3A_624 : i32 to vector<64x128xi32>
    %lt3A_626 = arith.cmpi slt, %select_n3A_285, %lt3A_625 : vector<64x128xi32>
    %add3A_627 = arith.constant 128 : i32
    %add3A_628 = vector.broadcast %add3A_627 : i32 to vector<64x128xi32>
    %add3A_629 = arith.addi %select_n3A_285, %add3A_628 : vector<64x128xi32>
    %select_n3A_630 = arith.select %lt3A_626, %add3A_629, %select_n3A_285 : vector<64x128xi1>, vector<64x128xi32>
    %reshape3A_631 = vector.shape_cast %select_n3A_630 : vector<64x128xi32> to vector<64x128x1xi32>
    %gather3A_632 = vector.shape_cast %reshape3A_631 : vector<64x128x1xi32> to vector<64x128xi32>
    %gather3A_633 = tpu.dynamic_gather %slice3A_545[%gather3A_632] in [1] : vector<64x128xf32>, vector<64x128xi32> -> vector<64x128xf32>
    %lt3A_634 = arith.constant 0 : i32
    %lt3A_635 = vector.broadcast %lt3A_634 : i32 to vector<64x128xi32>
    %lt3A_636 = arith.cmpi slt, %select_n3A_285, %lt3A_635 : vector<64x128xi32>
    %add3A_637 = arith.constant 128 : i32
    %add3A_638 = vector.broadcast %add3A_637 : i32 to vector<64x128xi32>
    %add3A_639 = arith.addi %select_n3A_285, %add3A_638 : vector<64x128xi32>
    %select_n3A_640 = arith.select %lt3A_636, %add3A_639, %select_n3A_285 : vector<64x128xi1>, vector<64x128xi32>
    %reshape3A_641 = vector.shape_cast %select_n3A_640 : vector<64x128xi32> to vector<64x128x1xi32>
    %gather3A_642 = vector.shape_cast %reshape3A_641 : vector<64x128x1xi32> to vector<64x128xi32>
    %gather3A_643 = tpu.dynamic_gather %slice3A_546[%gather3A_642] in [1] : vector<64x128xf32>, vector<64x128xi32> -> vector<64x128xf32>
    %lt3A_644 = arith.constant 0 : i32
    %lt3A_645 = vector.broadcast %lt3A_644 : i32 to vector<64x128xi32>
    %lt3A_646 = arith.cmpi slt, %select_n3A_285, %lt3A_645 : vector<64x128xi32>
    %add3A_647 = arith.constant 128 : i32
    %add3A_648 = vector.broadcast %add3A_647 : i32 to vector<64x128xi32>
    %add3A_649 = arith.addi %select_n3A_285, %add3A_648 : vector<64x128xi32>
    %select_n3A_650 = arith.select %lt3A_646, %add3A_649, %select_n3A_285 : vector<64x128xi1>, vector<64x128xi32>
    %reshape3A_651 = vector.shape_cast %select_n3A_650 : vector<64x128xi32> to vector<64x128x1xi32>
    %gather3A_652 = vector.shape_cast %reshape3A_651 : vector<64x128x1xi32> to vector<64x128xi32>
    %gather3A_653 = tpu.dynamic_gather %slice3A_547[%gather3A_652] in [1] : vector<64x128xf32>, vector<64x128xi32> -> vector<64x128xf32>
    %select_n3A_654 = arith.select %eq3A_313, %gather3A_643, %gather3A_653 : vector<64x128xi1>, vector<64x128xf32>
    %select_n3A_655 = arith.select %eq3A_310, %gather3A_633, %select_n3A_654 : vector<64x128xi1>, vector<64x128xf32>
    %swap3A_656 = arith.constant 0 : index
    %swap3A_657 = arith.constant 0 : index
    %swap3A_658 = arith.constant 1024 : index
    %swap3A_659 = vector.load %arg2[%swap3A_656, %swap3A_657, %swap3A_658] : memref<1x64x12288xf32, #tpu.memory_space<vmem>>, vector<1x64x128xf32>
    %swap3A_660 = vector.shape_cast %swap3A_659 : vector<1x64x128xf32> to vector<64x128xf32>
    %swap3A_661 = vector.shape_cast %select_n3A_655 : vector<64x128xf32> to vector<1x64x128xf32>
    tpu.vector_store %arg2[%swap3A_656, %swap3A_657, %swap3A_658], %swap3A_661 {strides = array<i32>} : memref<1x64x12288xf32, #tpu.memory_space<vmem>>, vector<1x64x128xf32>,
    %slice3A_662 = vector.extract_strided_slice %select_n3A_104 {offsets = [0, 384], sizes = [64, 128], strides = [1, 1]} : vector<64x4096xf32> to vector<64x128xf32>
    %slice3A_663 = vector.extract_strided_slice %select_n3A_115 {offsets = [0, 384], sizes = [64, 128], strides = [1, 1]} : vector<64x4096xf32> to vector<64x128xf32>
    %slice3A_664 = vector.extract_strided_slice %select_n3A_126 {offsets = [0, 384], sizes = [64, 128], strides = [1, 1]} : vector<64x4096xf32> to vector<64x128xf32>
    %lt3A_665 = arith.constant 0 : i32
    %lt3A_666 = vector.broadcast %lt3A_665 : i32 to vector<64x128xi32>
    %lt3A_667 = arith.cmpi slt, %select_n3A_161, %lt3A_666 : vector<64x128xi32>
    %add3A_668 = arith.constant 128 : i32
    %add3A_669 = vector.broadcast %add3A_668 : i32 to vector<64x128xi32>
    %add3A_670 = arith.addi %select_n3A_161, %add3A_669 : vector<64x128xi32>
    %select_n3A_671 = arith.select %lt3A_667, %add3A_670, %select_n3A_161 : vector<64x128xi1>, vector<64x128xi32>
    %reshape3A_672 = vector.shape_cast %select_n3A_671 : vector<64x128xi32> to vector<64x128x1xi32>
    %gather3A_673 = vector.shape_cast %reshape3A_672 : vector<64x128x1xi32> to vector<64x128xi32>
    %gather3A_674 = tpu.dynamic_gather %slice3A_662[%gather3A_673] in [1] : vector<64x128xf32>, vector<64x128xi32> -> vector<64x128xf32>
    %lt3A_675 = arith.constant 0 : i32
    %lt3A_676 = vector.broadcast %lt3A_675 : i32 to vector<64x128xi32>
    %lt3A_677 = arith.cmpi slt, %select_n3A_161, %lt3A_676 : vector<64x128xi32>
    %add3A_678 = arith.constant 128 : i32
    %add3A_679 = vector.broadcast %add3A_678 : i32 to vector<64x128xi32>
    %add3A_680 = arith.addi %select_n3A_161, %add3A_679 : vector<64x128xi32>
    %select_n3A_681 = arith.select %lt3A_677, %add3A_680, %select_n3A_161 : vector<64x128xi1>, vector<64x128xi32>
    %reshape3A_682 = vector.shape_cast %select_n3A_681 : vector<64x128xi32> to vector<64x128x1xi32>
    %gather3A_683 = vector.shape_cast %reshape3A_682 : vector<64x128x1xi32> to vector<64x128xi32>
    %gather3A_684 = tpu.dynamic_gather %slice3A_663[%gather3A_683] in [1] : vector<64x128xf32>, vector<64x128xi32> -> vector<64x128xf32>
    %lt3A_685 = arith.constant 0 : i32
    %lt3A_686 = vector.broadcast %lt3A_685 : i32 to vector<64x128xi32>
    %lt3A_687 = arith.cmpi slt, %select_n3A_161, %lt3A_686 : vector<64x128xi32>
    %add3A_688 = arith.constant 128 : i32
    %add3A_689 = vector.broadcast %add3A_688 : i32 to vector<64x128xi32>
    %add3A_690 = arith.addi %select_n3A_161, %add3A_689 : vector<64x128xi32>
    %select_n3A_691 = arith.select %lt3A_687, %add3A_690, %select_n3A_161 : vector<64x128xi1>, vector<64x128xi32>
    %reshape3A_692 = vector.shape_cast %select_n3A_691 : vector<64x128xi32> to vector<64x128x1xi32>
    %gather3A_693 = vector.shape_cast %reshape3A_692 : vector<64x128x1xi32> to vector<64x128xi32>
    %gather3A_694 = tpu.dynamic_gather %slice3A_664[%gather3A_693] in [1] : vector<64x128xf32>, vector<64x128xi32> -> vector<64x128xf32>
    %select_n3A_695 = arith.select %eq3A_189, %gather3A_684, %gather3A_694 : vector<64x128xi1>, vector<64x128xf32>
    %select_n3A_696 = arith.select %eq3A_186, %gather3A_674, %select_n3A_695 : vector<64x128xi1>, vector<64x128xf32>
    %swap3A_697 = arith.constant 0 : index
    %swap3A_698 = arith.constant 0 : index
    %swap3A_699 = arith.constant 1152 : index
    %swap3A_700 = vector.load %arg2[%swap3A_697, %swap3A_698, %swap3A_699] : memref<1x64x12288xf32, #tpu.memory_space<vmem>>, vector<1x64x128xf32>
    %swap3A_701 = vector.shape_cast %swap3A_700 : vector<1x64x128xf32> to vector<64x128xf32>
    %swap3A_702 = vector.shape_cast %select_n3A_696 : vector<64x128xf32> to vector<1x64x128xf32>
    tpu.vector_store %arg2[%swap3A_697, %swap3A_698, %swap3A_699], %swap3A_702 {strides = array<i32>} : memref<1x64x12288xf32, #tpu.memory_space<vmem>>, vector<1x64x128xf32>,
    %lt3A_703 = arith.constant 0 : i32
    %lt3A_704 = vector.broadcast %lt3A_703 : i32 to vector<64x128xi32>
    %lt3A_705 = arith.cmpi slt, %select_n3A_223, %lt3A_704 : vector<64x128xi32>
    %add3A_706 = arith.constant 128 : i32
    %add3A_707 = vector.broadcast %add3A_706 : i32 to vector<64x128xi32>
    %add3A_708 = arith.addi %select_n3A_223, %add3A_707 : vector<64x128xi32>
    %select_n3A_709 = arith.select %lt3A_705, %add3A_708, %select_n3A_223 : vector<64x128xi1>, vector<64x128xi32>
    %reshape3A_710 = vector.shape_cast %select_n3A_709 : vector<64x128xi32> to vector<64x128x1xi32>
    %gather3A_711 = vector.shape_cast %reshape3A_710 : vector<64x128x1xi32> to vector<64x128xi32>
    %gather3A_712 = tpu.dynamic_gather %slice3A_662[%gather3A_711] in [1] : vector<64x128xf32>, vector<64x128xi32> -> vector<64x128xf32>
    %lt3A_713 = arith.constant 0 : i32
    %lt3A_714 = vector.broadcast %lt3A_713 : i32 to vector<64x128xi32>
    %lt3A_715 = arith.cmpi slt, %select_n3A_223, %lt3A_714 : vector<64x128xi32>
    %add3A_716 = arith.constant 128 : i32
    %add3A_717 = vector.broadcast %add3A_716 : i32 to vector<64x128xi32>
    %add3A_718 = arith.addi %select_n3A_223, %add3A_717 : vector<64x128xi32>
    %select_n3A_719 = arith.select %lt3A_715, %add3A_718, %select_n3A_223 : vector<64x128xi1>, vector<64x128xi32>
    %reshape3A_720 = vector.shape_cast %select_n3A_719 : vector<64x128xi32> to vector<64x128x1xi32>
    %gather3A_721 = vector.shape_cast %reshape3A_720 : vector<64x128x1xi32> to vector<64x128xi32>
    %gather3A_722 = tpu.dynamic_gather %slice3A_663[%gather3A_721] in [1] : vector<64x128xf32>, vector<64x128xi32> -> vector<64x128xf32>
    %lt3A_723 = arith.constant 0 : i32
    %lt3A_724 = vector.broadcast %lt3A_723 : i32 to vector<64x128xi32>
    %lt3A_725 = arith.cmpi slt, %select_n3A_223, %lt3A_724 : vector<64x128xi32>
    %add3A_726 = arith.constant 128 : i32
    %add3A_727 = vector.broadcast %add3A_726 : i32 to vector<64x128xi32>
    %add3A_728 = arith.addi %select_n3A_223, %add3A_727 : vector<64x128xi32>
    %select_n3A_729 = arith.select %lt3A_725, %add3A_728, %select_n3A_223 : vector<64x128xi1>, vector<64x128xi32>
    %reshape3A_730 = vector.shape_cast %select_n3A_729 : vector<64x128xi32> to vector<64x128x1xi32>
    %gather3A_731 = vector.shape_cast %reshape3A_730 : vector<64x128x1xi32> to vector<64x128xi32>
    %gather3A_732 = tpu.dynamic_gather %slice3A_664[%gather3A_731] in [1] : vector<64x128xf32>, vector<64x128xi32> -> vector<64x128xf32>
    %select_n3A_733 = arith.select %eq3A_251, %gather3A_722, %gather3A_732 : vector<64x128xi1>, vector<64x128xf32>
    %select_n3A_734 = arith.select %eq3A_248, %gather3A_712, %select_n3A_733 : vector<64x128xi1>, vector<64x128xf32>
    %swap3A_735 = arith.constant 0 : index
    %swap3A_736 = arith.constant 0 : index
    %swap3A_737 = arith.constant 1280 : index
    %swap3A_738 = vector.load %arg2[%swap3A_735, %swap3A_736, %swap3A_737] : memref<1x64x12288xf32, #tpu.memory_space<vmem>>, vector<1x64x128xf32>
    %swap3A_739 = vector.shape_cast %swap3A_738 : vector<1x64x128xf32> to vector<64x128xf32>
    %swap3A_740 = vector.shape_cast %select_n3A_734 : vector<64x128xf32> to vector<1x64x128xf32>
    tpu.vector_store %arg2[%swap3A_735, %swap3A_736, %swap3A_737], %swap3A_740 {strides = array<i32>} : memref<1x64x12288xf32, #tpu.memory_space<vmem>>, vector<1x64x128xf32>,
    %lt3A_741 = arith.constant 0 : i32
    %lt3A_742 = vector.broadcast %lt3A_741 : i32 to vector<64x128xi32>
    %lt3A_743 = arith.cmpi slt, %select_n3A_285, %lt3A_742 : vector<64x128xi32>
    %add3A_744 = arith.constant 128 : i32
    %add3A_745 = vector.broadcast %add3A_744 : i32 to vector<64x128xi32>
    %add3A_746 = arith.addi %select_n3A_285, %add3A_745 : vector<64x128xi32>
    %select_n3A_747 = arith.select %lt3A_743, %add3A_746, %select_n3A_285 : vector<64x128xi1>, vector<64x128xi32>
    %reshape3A_748 = vector.shape_cast %select_n3A_747 : vector<64x128xi32> to vector<64x128x1xi32>
    %gather3A_749 = vector.shape_cast %reshape3A_748 : vector<64x128x1xi32> to vector<64x128xi32>
    %gather3A_750 = tpu.dynamic_gather %slice3A_662[%gather3A_749] in [1] : vector<64x128xf32>, vector<64x128xi32> -> vector<64x128xf32>
    %lt3A_751 = arith.constant 0 : i32
    %lt3A_752 = vector.broadcast %lt3A_751 : i32 to vector<64x128xi32>
    %lt3A_753 = arith.cmpi slt, %select_n3A_285, %lt3A_752 : vector<64x128xi32>
    %add3A_754 = arith.constant 128 : i32
    %add3A_755 = vector.broadcast %add3A_754 : i32 to vector<64x128xi32>
    %add3A_756 = arith.addi %select_n3A_285, %add3A_755 : vector<64x128xi32>
    %select_n3A_757 = arith.select %lt3A_753, %add3A_756, %select_n3A_285 : vector<64x128xi1>, vector<64x128xi32>
    %reshape3A_758 = vector.shape_cast %select_n3A_757 : vector<64x128xi32> to vector<64x128x1xi32>
    %gather3A_759 = vector.shape_cast %reshape3A_758 : vector<64x128x1xi32> to vector<64x128xi32>
    %gather3A_760 = tpu.dynamic_gather %slice3A_663[%gather3A_759] in [1] : vector<64x128xf32>, vector<64x128xi32> -> vector<64x128xf32>
    %lt3A_761 = arith.constant 0 : i32
    %lt3A_762 = vector.broadcast %lt3A_761 : i32 to vector<64x128xi32>
    %lt3A_763 = arith.cmpi slt, %select_n3A_285, %lt3A_762 : vector<64x128xi32>
    %add3A_764 = arith.constant 128 : i32
    %add3A_765 = vector.broadcast %add3A_764 : i32 to vector<64x128xi32>
    %add3A_766 = arith.addi %select_n3A_285, %add3A_765 : vector<64x128xi32>
    %select_n3A_767 = arith.select %lt3A_763, %add3A_766, %select_n3A_285 : vector<64x128xi1>, vector<64x128xi32>
    %reshape3A_768 = vector.shape_cast %select_n3A_767 : vector<64x128xi32> to vector<64x128x1xi32>
    %gather3A_769 = vector.shape_cast %reshape3A_768 : vector<64x128x1xi32> to vector<64x128xi32>
    %gather3A_770 = tpu.dynamic_gather %slice3A_664[%gather3A_769] in [1] : vector<64x128xf32>, vector<64x128xi32> -> vector<64x128xf32>
    %select_n3A_771 = arith.select %eq3A_313, %gather3A_760, %gather3A_770 : vector<64x128xi1>, vector<64x128xf32>
    %select_n3A_772 = arith.select %eq3A_310, %gather3A_750, %select_n3A_771 : vector<64x128xi1>, vector<64x128xf32>
    %swap3A_773 = arith.constant 0 : index
    %swap3A_774 = arith.constant 0 : index
    %swap3A_775 = arith.constant 1408 : index
    %swap3A_776 = vector.load %arg2[%swap3A_773, %swap3A_774, %swap3A_775] : memref<1x64x12288xf32, #tpu.memory_space<vmem>>, vector<1x64x128xf32>
    %swap3A_777 = vector.shape_cast %swap3A_776 : vector<1x64x128xf32> to vector<64x128xf32>
    %swap3A_778 = vector.shape_cast %select_n3A_772 : vector<64x128xf32> to vector<1x64x128xf32>
    tpu.vector_store %arg2[%swap3A_773, %swap3A_774, %swap3A_775], %swap3A_778 {strides = array<i32>} : memref<1x64x12288xf32, #tpu.memory_space<vmem>>, vector<1x64x128xf32>,
    %slice3A_779 = vector.extract_strided_slice %select_n3A_104 {offsets = [0, 512], sizes = [64, 128], strides = [1, 1]} : vector<64x4096xf32> to vector<64x128xf32>
    %slice3A_780 = vector.extract_strided_slice %select_n3A_115 {offsets = [0, 512], sizes = [64, 128], strides = [1, 1]} : vector<64x4096xf32> to vector<64x128xf32>
    %slice3A_781 = vector.extract_strided_slice %select_n3A_126 {offsets = [0, 512], sizes = [64, 128], strides = [1, 1]} : vector<64x4096xf32> to vector<64x128xf32>
    %lt3A_782 = arith.constant 0 : i32
    %lt3A_783 = vector.broadcast %lt3A_782 : i32 to vector<64x128xi32>
    %lt3A_784 = arith.cmpi slt, %select_n3A_161, %lt3A_783 : vector<64x128xi32>
    %add3A_785 = arith.constant 128 : i32
    %add3A_786 = vector.broadcast %add3A_785 : i32 to vector<64x128xi32>
    %add3A_787 = arith.addi %select_n3A_161, %add3A_786 : vector<64x128xi32>
    %select_n3A_788 = arith.select %lt3A_784, %add3A_787, %select_n3A_161 : vector<64x128xi1>, vector<64x128xi32>
    %reshape3A_789 = vector.shape_cast %select_n3A_788 : vector<64x128xi32> to vector<64x128x1xi32>
    %gather3A_790 = vector.shape_cast %reshape3A_789 : vector<64x128x1xi32> to vector<64x128xi32>
    %gather3A_791 = tpu.dynamic_gather %slice3A_779[%gather3A_790] in [1] : vector<64x128xf32>, vector<64x128xi32> -> vector<64x128xf32>
    %lt3A_792 = arith.constant 0 : i32
    %lt3A_793 = vector.broadcast %lt3A_792 : i32 to vector<64x128xi32>
    %lt3A_794 = arith.cmpi slt, %select_n3A_161, %lt3A_793 : vector<64x128xi32>
    %add3A_795 = arith.constant 128 : i32
    %add3A_796 = vector.broadcast %add3A_795 : i32 to vector<64x128xi32>
    %add3A_797 = arith.addi %select_n3A_161, %add3A_796 : vector<64x128xi32>
    %select_n3A_798 = arith.select %lt3A_794, %add3A_797, %select_n3A_161 : vector<64x128xi1>, vector<64x128xi32>
    %reshape3A_799 = vector.shape_cast %select_n3A_798 : vector<64x128xi32> to vector<64x128x1xi32>
    %gather3A_800 = vector.shape_cast %reshape3A_799 : vector<64x128x1xi32> to vector<64x128xi32>
    %gather3A_801 = tpu.dynamic_gather %slice3A_780[%gather3A_800] in [1] : vector<64x128xf32>, vector<64x128xi32> -> vector<64x128xf32>
    %lt3A_802 = arith.constant 0 : i32
    %lt3A_803 = vector.broadcast %lt3A_802 : i32 to vector<64x128xi32>
    %lt3A_804 = arith.cmpi slt, %select_n3A_161, %lt3A_803 : vector<64x128xi32>
    %add3A_805 = arith.constant 128 : i32
    %add3A_806 = vector.broadcast %add3A_805 : i32 to vector<64x128xi32>
    %add3A_807 = arith.addi %select_n3A_161, %add3A_806 : vector<64x128xi32>
    %select_n3A_808 = arith.select %lt3A_804, %add3A_807, %select_n3A_161 : vector<64x128xi1>, vector<64x128xi32>
    %reshape3A_809 = vector.shape_cast %select_n3A_808 : vector<64x128xi32> to vector<64x128x1xi32>
    %gather3A_810 = vector.shape_cast %reshape3A_809 : vector<64x128x1xi32> to vector<64x128xi32>
    %gather3A_811 = tpu.dynamic_gather %slice3A_781[%gather3A_810] in [1] : vector<64x128xf32>, vector<64x128xi32> -> vector<64x128xf32>
    %select_n3A_812 = arith.select %eq3A_189, %gather3A_801, %gather3A_811 : vector<64x128xi1>, vector<64x128xf32>
    %select_n3A_813 = arith.select %eq3A_186, %gather3A_791, %select_n3A_812 : vector<64x128xi1>, vector<64x128xf32>
    %swap3A_814 = arith.constant 0 : index
    %swap3A_815 = arith.constant 0 : index
    %swap3A_816 = arith.constant 1536 : index
    %swap3A_817 = vector.load %arg2[%swap3A_814, %swap3A_815, %swap3A_816] : memref<1x64x12288xf32, #tpu.memory_space<vmem>>, vector<1x64x128xf32>
    %swap3A_818 = vector.shape_cast %swap3A_817 : vector<1x64x128xf32> to vector<64x128xf32>
    %swap3A_819 = vector.shape_cast %select_n3A_813 : vector<64x128xf32> to vector<1x64x128xf32>
    tpu.vector_store %arg2[%swap3A_814, %swap3A_815, %swap3A_816], %swap3A_819 {strides = array<i32>} : memref<1x64x12288xf32, #tpu.memory_space<vmem>>, vector<1x64x128xf32>,
    %lt3A_820 = arith.constant 0 : i32
    %lt3A_821 = vector.broadcast %lt3A_820 : i32 to vector<64x128xi32>
    %lt3A_822 = arith.cmpi slt, %select_n3A_223, %lt3A_821 : vector<64x128xi32>
    %add3A_823 = arith.constant 128 : i32
    %add3A_824 = vector.broadcast %add3A_823 : i32 to vector<64x128xi32>
    %add3A_825 = arith.addi %select_n3A_223, %add3A_824 : vector<64x128xi32>
    %select_n3A_826 = arith.select %lt3A_822, %add3A_825, %select_n3A_223 : vector<64x128xi1>, vector<64x128xi32>
    %reshape3A_827 = vector.shape_cast %select_n3A_826 : vector<64x128xi32> to vector<64x128x1xi32>
    %gather3A_828 = vector.shape_cast %reshape3A_827 : vector<64x128x1xi32> to vector<64x128xi32>
    %gather3A_829 = tpu.dynamic_gather %slice3A_779[%gather3A_828] in [1] : vector<64x128xf32>, vector<64x128xi32> -> vector<64x128xf32>
    %lt3A_830 = arith.constant 0 : i32
    %lt3A_831 = vector.broadcast %lt3A_830 : i32 to vector<64x128xi32>
    %lt3A_832 = arith.cmpi slt, %select_n3A_223, %lt3A_831 : vector<64x128xi32>
    %add3A_833 = arith.constant 128 : i32
    %add3A_834 = vector.broadcast %add3A_833 : i32 to vector<64x128xi32>
    %add3A_835 = arith.addi %select_n3A_223, %add3A_834 : vector<64x128xi32>
    %select_n3A_836 = arith.select %lt3A_832, %add3A_835, %select_n3A_223 : vector<64x128xi1>, vector<64x128xi32>
    %reshape3A_837 = vector.shape_cast %select_n3A_836 : vector<64x128xi32> to vector<64x128x1xi32>
    %gather3A_838 = vector.shape_cast %reshape3A_837 : vector<64x128x1xi32> to vector<64x128xi32>
    %gather3A_839 = tpu.dynamic_gather %slice3A_780[%gather3A_838] in [1] : vector<64x128xf32>, vector<64x128xi32> -> vector<64x128xf32>
    %lt3A_840 = arith.constant 0 : i32
    %lt3A_841 = vector.broadcast %lt3A_840 : i32 to vector<64x128xi32>
    %lt3A_842 = arith.cmpi slt, %select_n3A_223, %lt3A_841 : vector<64x128xi32>
    %add3A_843 = arith.constant 128 : i32
    %add3A_844 = vector.broadcast %add3A_843 : i32 to vector<64x128xi32>
    %add3A_845 = arith.addi %select_n3A_223, %add3A_844 : vector<64x128xi32>
    %select_n3A_846 = arith.select %lt3A_842, %add3A_845, %select_n3A_223 : vector<64x128xi1>, vector<64x128xi32>
    %reshape3A_847 = vector.shape_cast %select_n3A_846 : vector<64x128xi32> to vector<64x128x1xi32>
    %gather3A_848 = vector.shape_cast %reshape3A_847 : vector<64x128x1xi32> to vector<64x128xi32>
    %gather3A_849 = tpu.dynamic_gather %slice3A_781[%gather3A_848] in [1] : vector<64x128xf32>, vector<64x128xi32> -> vector<64x128xf32>
    %select_n3A_850 = arith.select %eq3A_251, %gather3A_839, %gather3A_849 : vector<64x128xi1>, vector<64x128xf32>
    %select_n3A_851 = arith.select %eq3A_248, %gather3A_829, %select_n3A_850 : vector<64x128xi1>, vector<64x128xf32>
    %swap3A_852 = arith.constant 0 : index
    %swap3A_853 = arith.constant 0 : index
    %swap3A_854 = arith.constant 1664 : index
    %swap3A_855 = vector.load %arg2[%swap3A_852, %swap3A_853, %swap3A_854] : memref<1x64x12288xf32, #tpu.memory_space<vmem>>, vector<1x64x128xf32>
    %swap3A_856 = vector.shape_cast %swap3A_855 : vector<1x64x128xf32> to vector<64x128xf32>
    %swap3A_857 = vector.shape_cast %select_n3A_851 : vector<64x128xf32> to vector<1x64x128xf32>
    tpu.vector_store %arg2[%swap3A_852, %swap3A_853, %swap3A_854], %swap3A_857 {strides = array<i32>} : memref<1x64x12288xf32, #tpu.memory_space<vmem>>, vector<1x64x128xf32>,
    %lt3A_858 = arith.constant 0 : i32
    %lt3A_859 = vector.broadcast %lt3A_858 : i32 to vector<64x128xi32>
    %lt3A_860 = arith.cmpi slt, %select_n3A_285, %lt3A_859 : vector<64x128xi32>
    %add3A_861 = arith.constant 128 : i32
    %add3A_862 = vector.broadcast %add3A_861 : i32 to vector<64x128xi32>
    %add3A_863 = arith.addi %select_n3A_285, %add3A_862 : vector<64x128xi32>
    %select_n3A_864 = arith.select %lt3A_860, %add3A_863, %select_n3A_285 : vector<64x128xi1>, vector<64x128xi32>
    %reshape3A_865 = vector.shape_cast %select_n3A_864 : vector<64x128xi32> to vector<64x128x1xi32>
    %gather3A_866 = vector.shape_cast %reshape3A_865 : vector<64x128x1xi32> to vector<64x128xi32>
    %gather3A_867 = tpu.dynamic_gather %slice3A_779[%gather3A_866] in [1] : vector<64x128xf32>, vector<64x128xi32> -> vector<64x128xf32>
    %lt3A_868 = arith.constant 0 : i32
    %lt3A_869 = vector.broadcast %lt3A_868 : i32 to vector<64x128xi32>
    %lt3A_870 = arith.cmpi slt, %select_n3A_285, %lt3A_869 : vector<64x128xi32>
    %add3A_871 = arith.constant 128 : i32
    %add3A_872 = vector.broadcast %add3A_871 : i32 to vector<64x128xi32>
    %add3A_873 = arith.addi %select_n3A_285, %add3A_872 : vector<64x128xi32>
    %select_n3A_874 = arith.select %lt3A_870, %add3A_873, %select_n3A_285 : vector<64x128xi1>, vector<64x128xi32>
    %reshape3A_875 = vector.shape_cast %select_n3A_874 : vector<64x128xi32> to vector<64x128x1xi32>
    %gather3A_876 = vector.shape_cast %reshape3A_875 : vector<64x128x1xi32> to vector<64x128xi32>
    %gather3A_877 = tpu.dynamic_gather %slice3A_780[%gather3A_876] in [1] : vector<64x128xf32>, vector<64x128xi32> -> vector<64x128xf32>
    %lt3A_878 = arith.constant 0 : i32
    %lt3A_879 = vector.broadcast %lt3A_878 : i32 to vector<64x128xi32>
    %lt3A_880 = arith.cmpi slt, %select_n3A_285, %lt3A_879 : vector<64x128xi32>
    %add3A_881 = arith.constant 128 : i32
    %add3A_882 = vector.broadcast %add3A_881 : i32 to vector<64x128xi32>
    %add3A_883 = arith.addi %select_n3A_285, %add3A_882 : vector<64x128xi32>
    %select_n3A_884 = arith.select %lt3A_880, %add3A_883, %select_n3A_285 : vector<64x128xi1>, vector<64x128xi32>
    %reshape3A_885 = vector.shape_cast %select_n3A_884 : vector<64x128xi32> to vector<64x128x1xi32>
    %gather3A_886 = vector.shape_cast %reshape3A_885 : vector<64x128x1xi32> to vector<64x128xi32>
    %gather3A_887 = tpu.dynamic_gather %slice3A_781[%gather3A_886] in [1] : vector<64x128xf32>, vector<64x128xi32> -> vector<64x128xf32>
    %select_n3A_888 = arith.select %eq3A_313, %gather3A_877, %gather3A_887 : vector<64x128xi1>, vector<64x128xf32>
    %select_n3A_889 = arith.select %eq3A_310, %gather3A_867, %select_n3A_888 : vector<64x128xi1>, vector<64x128xf32>
    %swap3A_890 = arith.constant 0 : index
    %swap3A_891 = arith.constant 0 : index
    %swap3A_892 = arith.constant 1792 : index
    %swap3A_893 = vector.load %arg2[%swap3A_890, %swap3A_891, %swap3A_892] : memref<1x64x12288xf32, #tpu.memory_space<vmem>>, vector<1x64x128xf32>
    %swap3A_894 = vector.shape_cast %swap3A_893 : vector<1x64x128xf32> to vector<64x128xf32>
    %swap3A_895 = vector.shape_cast %select_n3A_889 : vector<64x128xf32> to vector<1x64x128xf32>
    tpu.vector_store %arg2[%swap3A_890, %swap3A_891, %swap3A_892], %swap3A_895 {strides = array<i32>} : memref<1x64x12288xf32, #tpu.memory_space<vmem>>, vector<1x64x128xf32>,
    %slice3A_896 = vector.extract_strided_slice %select_n3A_104 {offsets = [0, 640], sizes = [64, 128], strides = [1, 1]} : vector<64x4096xf32> to vector<64x128xf32>
    %slice3A_897 = vector.extract_strided_slice %select_n3A_115 {offsets = [0, 640], sizes = [64, 128], strides = [1, 1]} : vector<64x4096xf32> to vector<64x128xf32>
    %slice3A_898 = vector.extract_strided_slice %select_n3A_126 {offsets = [0, 640], sizes = [64, 128], strides = [1, 1]} : vector<64x4096xf32> to vector<64x128xf32>
    %lt3A_899 = arith.constant 0 : i32
    %lt3A_900 = vector.broadcast %lt3A_899 : i32 to vector<64x128xi32>
    %lt3A_901 = arith.cmpi slt, %select_n3A_161, %lt3A_900 : vector<64x128xi32>
    %add3A_902 = arith.constant 128 : i32
    %add3A_903 = vector.broadcast %add3A_902 : i32 to vector<64x128xi32>
    %add3A_904 = arith.addi %select_n3A_161, %add3A_903 : vector<64x128xi32>
    %select_n3A_905 = arith.select %lt3A_901, %add3A_904, %select_n3A_161 : vector<64x128xi1>, vector<64x128xi32>
    %reshape3A_906 = vector.shape_cast %select_n3A_905 : vector<64x128xi32> to vector<64x128x1xi32>
    %gather3A_907 = vector.shape_cast %reshape3A_906 : vector<64x128x1xi32> to vector<64x128xi32>
    %gather3A_908 = tpu.dynamic_gather %slice3A_896[%gather3A_907] in [1] : vector<64x128xf32>, vector<64x128xi32> -> vector<64x128xf32>
    %lt3A_909 = arith.constant 0 : i32
    %lt3A_910 = vector.broadcast %lt3A_909 : i32 to vector<64x128xi32>
    %lt3A_911 = arith.cmpi slt, %select_n3A_161, %lt3A_910 : vector<64x128xi32>
    %add3A_912 = arith.constant 128 : i32
    %add3A_913 = vector.broadcast %add3A_912 : i32 to vector<64x128xi32>
    %add3A_914 = arith.addi %select_n3A_161, %add3A_913 : vector<64x128xi32>
    %select_n3A_915 = arith.select %lt3A_911, %add3A_914, %select_n3A_161 : vector<64x128xi1>, vector<64x128xi32>
    %reshape3A_916 = vector.shape_cast %select_n3A_915 : vector<64x128xi32> to vector<64x128x1xi32>
    %gather3A_917 = vector.shape_cast %reshape3A_916 : vector<64x128x1xi32> to vector<64x128xi32>
    %gather3A_918 = tpu.dynamic_gather %slice3A_897[%gather3A_917] in [1] : vector<64x128xf32>, vector<64x128xi32> -> vector<64x128xf32>
    %lt3A_919 = arith.constant 0 : i32
    %lt3A_920 = vector.broadcast %lt3A_919 : i32 to vector<64x128xi32>
    %lt3A_921 = arith.cmpi slt, %select_n3A_161, %lt3A_920 : vector<64x128xi32>
    %add3A_922 = arith.constant 128 : i32
    %add3A_923 = vector.broadcast %add3A_922 : i32 to vector<64x128xi32>
    %add3A_924 = arith.addi %select_n3A_161, %add3A_923 : vector<64x128xi32>
    %select_n3A_925 = arith.select %lt3A_921, %add3A_924, %select_n3A_161 : vector<64x128xi1>, vector<64x128xi32>
    %reshape3A_926 = vector.shape_cast %select_n3A_925 : vector<64x128xi32> to vector<64x128x1xi32>
    %gather3A_927 = vector.shape_cast %reshape3A_926 : vector<64x128x1xi32> to vector<64x128xi32>
    %gather3A_928 = tpu.dynamic_gather %slice3A_898[%gather3A_927] in [1] : vector<64x128xf32>, vector<64x128xi32> -> vector<64x128xf32>
    %select_n3A_929 = arith.select %eq3A_189, %gather3A_918, %gather3A_928 : vector<64x128xi1>, vector<64x128xf32>
    %select_n3A_930 = arith.select %eq3A_186, %gather3A_908, %select_n3A_929 : vector<64x128xi1>, vector<64x128xf32>
    %swap3A_931 = arith.constant 0 : index
    %swap3A_932 = arith.constant 0 : index
    %swap3A_933 = arith.constant 1920 : index
    %swap3A_934 = vector.load %arg2[%swap3A_931, %swap3A_932, %swap3A_933] : memref<1x64x12288xf32, #tpu.memory_space<vmem>>, vector<1x64x128xf32>
    %swap3A_935 = vector.shape_cast %swap3A_934 : vector<1x64x128xf32> to vector<64x128xf32>
    %swap3A_936 = vector.shape_cast %select_n3A_930 : vector<64x128xf32> to vector<1x64x128xf32>
    tpu.vector_store %arg2[%swap3A_931, %swap3A_932, %swap3A_933], %swap3A_936 {strides = array<i32>} : memref<1x64x12288xf32, #tpu.memory_space<vmem>>, vector<1x64x128xf32>,
    %lt3A_937 = arith.constant 0 : i32
    %lt3A_938 = vector.broadcast %lt3A_937 : i32 to vector<64x128xi32>
    %lt3A_939 = arith.cmpi slt, %select_n3A_223, %lt3A_938 : vector<64x128xi32>
    %add3A_940 = arith.constant 128 : i32
    %add3A_941 = vector.broadcast %add3A_940 : i32 to vector<64x128xi32>
    %add3A_942 = arith.addi %select_n3A_223, %add3A_941 : vector<64x128xi32>
    %select_n3A_943 = arith.select %lt3A_939, %add3A_942, %select_n3A_223 : vector<64x128xi1>, vector<64x128xi32>
    %reshape3A_944 = vector.shape_cast %select_n3A_943 : vector<64x128xi32> to vector<64x128x1xi32>
    %gather3A_945 = vector.shape_cast %reshape3A_944 : vector<64x128x1xi32> to vector<64x128xi32>
    %gather3A_946 = tpu.dynamic_gather %slice3A_896[%gather3A_945] in [1] : vector<64x128xf32>, vector<64x128xi32> -> vector<64x128xf32>
    %lt3A_947 = arith.constant 0 : i32
    %lt3A_948 = vector.broadcast %lt3A_947 : i32 to vector<64x128xi32>
    %lt3A_949 = arith.cmpi slt, %select_n3A_223, %lt3A_948 : vector<64x128xi32>
    %add3A_950 = arith.constant 128 : i32
    %add3A_951 = vector.broadcast %add3A_950 : i32 to vector<64x128xi32>
    %add3A_952 = arith.addi %select_n3A_223, %add3A_951 : vector<64x128xi32>
    %select_n3A_953 = arith.select %lt3A_949, %add3A_952, %select_n3A_223 : vector<64x128xi1>, vector<64x128xi32>
    %reshape3A_954 = vector.shape_cast %select_n3A_953 : vector<64x128xi32> to vector<64x128x1xi32>
    %gather3A_955 = vector.shape_cast %reshape3A_954 : vector<64x128x1xi32> to vector<64x128xi32>
    %gather3A_956 = tpu.dynamic_gather %slice3A_897[%gather3A_955] in [1] : vector<64x128xf32>, vector<64x128xi32> -> vector<64x128xf32>
    %lt3A_957 = arith.constant 0 : i32
    %lt3A_958 = vector.broadcast %lt3A_957 : i32 to vector<64x128xi32>
    %lt3A_959 = arith.cmpi slt, %select_n3A_223, %lt3A_958 : vector<64x128xi32>
    %add3A_960 = arith.constant 128 : i32
    %add3A_961 = vector.broadcast %add3A_960 : i32 to vector<64x128xi32>
    %add3A_962 = arith.addi %select_n3A_223, %add3A_961 : vector<64x128xi32>
    %select_n3A_963 = arith.select %lt3A_959, %add3A_962, %select_n3A_223 : vector<64x128xi1>, vector<64x128xi32>
    %reshape3A_964 = vector.shape_cast %select_n3A_963 : vector<64x128xi32> to vector<64x128x1xi32>
    %gather3A_965 = vector.shape_cast %reshape3A_964 : vector<64x128x1xi32> to vector<64x128xi32>
    %gather3A_966 = tpu.dynamic_gather %slice3A_898[%gather3A_965] in [1] : vector<64x128xf32>, vector<64x128xi32> -> vector<64x128xf32>
    %select_n3A_967 = arith.select %eq3A_251, %gather3A_956, %gather3A_966 : vector<64x128xi1>, vector<64x128xf32>
    %select_n3A_968 = arith.select %eq3A_248, %gather3A_946, %select_n3A_967 : vector<64x128xi1>, vector<64x128xf32>
    %swap3A_969 = arith.constant 0 : index
    %swap3A_970 = arith.constant 0 : index
    %swap3A_971 = arith.constant 2048 : index
    %swap3A_972 = vector.load %arg2[%swap3A_969, %swap3A_970, %swap3A_971] : memref<1x64x12288xf32, #tpu.memory_space<vmem>>, vector<1x64x128xf32>
    %swap3A_973 = vector.shape_cast %swap3A_972 : vector<1x64x128xf32> to vector<64x128xf32>
    %swap3A_974 = vector.shape_cast %select_n3A_968 : vector<64x128xf32> to vector<1x64x128xf32>
    tpu.vector_store %arg2[%swap3A_969, %swap3A_970, %swap3A_971], %swap3A_974 {strides = array<i32>} : memref<1x64x12288xf32, #tpu.memory_space<vmem>>, vector<1x64x128xf32>,
    %lt3A_975 = arith.constant 0 : i32
    %lt3A_976 = vector.broadcast %lt3A_975 : i32 to vector<64x128xi32>
    %lt3A_977 = arith.cmpi slt, %select_n3A_285, %lt3A_976 : vector<64x128xi32>
    %add3A_978 = arith.constant 128 : i32
    %add3A_979 = vector.broadcast %add3A_978 : i32 to vector<64x128xi32>
    %add3A_980 = arith.addi %select_n3A_285, %add3A_979 : vector<64x128xi32>
    %select_n3A_981 = arith.select %lt3A_977, %add3A_980, %select_n3A_285 : vector<64x128xi1>, vector<64x128xi32>
    %reshape3A_982 = vector.shape_cast %select_n3A_981 : vector<64x128xi32> to vector<64x128x1xi32>
    %gather3A_983 = vector.shape_cast %reshape3A_982 : vector<64x128x1xi32> to vector<64x128xi32>
    %gather3A_984 = tpu.dynamic_gather %slice3A_896[%gather3A_983] in [1] : vector<64x128xf32>, vector<64x128xi32> -> vector<64x128xf32>
    %lt3A_985 = arith.constant 0 : i32
    %lt3A_986 = vector.broadcast %lt3A_985 : i32 to vector<64x128xi32>
    %lt3A_987 = arith.cmpi slt, %select_n3A_285, %lt3A_986 : vector<64x128xi32>
    %add3A_988 = arith.constant 128 : i32
    %add3A_989 = vector.broadcast %add3A_988 : i32 to vector<64x128xi32>
    %add3A_990 = arith.addi %select_n3A_285, %add3A_989 : vector<64x128xi32>
    %select_n3A_991 = arith.select %lt3A_987, %add3A_990, %select_n3A_285 : vector<64x128xi1>, vector<64x128xi32>
    %reshape3A_992 = vector.shape_cast %select_n3A_991 : vector<64x128xi32> to vector<64x128x1xi32>
    %gather3A_993 = vector.shape_cast %reshape3A_992 : vector<64x128x1xi32> to vector<64x128xi32>
    %gather3A_994 = tpu.dynamic_gather %slice3A_897[%gather3A_993] in [1] : vector<64x128xf32>, vector<64x128xi32> -> vector<64x128xf32>
    %lt3A_995 = arith.constant 0 : i32
    %lt3A_996 = vector.broadcast %lt3A_995 : i32 to vector<64x128xi32>
    %lt3A_997 = arith.cmpi slt, %select_n3A_285, %lt3A_996 : vector<64x128xi32>
    %add3A_998 = arith.constant 128 : i32
    %add3A_999 = vector.broadcast %add3A_998 : i32 to vector<64x128xi32>
    %add3A_1000 = arith.addi %select_n3A_285, %add3A_999 : vector<64x128xi32>
    %select_n3A_1001 = arith.select %lt3A_997, %add3A_1000, %select_n3A_285 : vector<64x128xi1>, vector<64x128xi32>
    %reshape3A_1002 = vector.shape_cast %select_n3A_1001 : vector<64x128xi32> to vector<64x128x1xi32>
    %gather3A_1003 = vector.shape_cast %reshape3A_1002 : vector<64x128x1xi32> to vector<64x128xi32>
    %gather3A_1004 = tpu.dynamic_gather %slice3A_898[%gather3A_1003] in [1] : vector<64x128xf32>, vector<64x128xi32> -> vector<64x128xf32>
    %select_n3A_1005 = arith.select %eq3A_313, %gather3A_994, %gather3A_1004 : vector<64x128xi1>, vector<64x128xf32>
    %select_n3A_1006 = arith.select %eq3A_310, %gather3A_984, %select_n3A_1005 : vector<64x128xi1>, vector<64x128xf32>
    %swap3A_1007 = arith.constant 0 : index
    %swap3A_1008 = arith.constant 0 : index
    %swap3A_1009 = arith.constant 2176 : index
    %swap3A_1010 = vector.load %arg2[%swap3A_1007, %swap3A_1008, %swap3A_1009] : memref<1x64x12288xf32, #tpu.memory_space<vmem>>, vector<1x64x128xf32>
    %swap3A_1011 = vector.shape_cast %swap3A_1010 : vector<1x64x128xf32> to vector<64x128xf32>
    %swap3A_1012 = vector.shape_cast %select_n3A_1006 : vector<64x128xf32> to vector<1x64x128xf32>
    tpu.vector_store %arg2[%swap3A_1007, %swap3A_1008, %swap3A_1009], %swap3A_1012 {strides = array<i32>} : memref<1x64x12288xf32, #tpu.memory_space<vmem>>, vector<1x64x128xf32>,
    %slice3A_1013 = vector.extract_strided_slice %select_n3A_104 {offsets = [0, 768], sizes = [64, 128], strides = [1, 1]} : vector<64x4096xf32> to vector<64x128xf32>
    %slice3A_1014 = vector.extract_strided_slice %select_n3A_115 {offsets = [0, 768], sizes = [64, 128], strides = [1, 1]} : vector<64x4096xf32> to vector<64x128xf32>
    %slice3A_1015 = vector.extract_strided_slice %select_n3A_126 {offsets = [0, 768], sizes = [64, 128], strides = [1, 1]} : vector<64x4096xf32> to vector<64x128xf32>
    %lt3A_1016 = arith.constant 0 : i32
    %lt3A_1017 = vector.broadcast %lt3A_1016 : i32 to vector<64x128xi32>
    %lt3A_1018 = arith.cmpi slt, %select_n3A_161, %lt3A_1017 : vector<64x128xi32>
    %add3A_1019 = arith.constant 128 : i32
    %add3A_1020 = vector.broadcast %add3A_1019 : i32 to vector<64x128xi32>
    %add3A_1021 = arith.addi %select_n3A_161, %add3A_1020 : vector<64x128xi32>
    %select_n3A_1022 = arith.select %lt3A_1018, %add3A_1021, %select_n3A_161 : vector<64x128xi1>, vector<64x128xi32>
    %reshape3A_1023 = vector.shape_cast %select_n3A_1022 : vector<64x128xi32> to vector<64x128x1xi32>
    %gather3A_1024 = vector.shape_cast %reshape3A_1023 : vector<64x128x1xi32> to vector<64x128xi32>
    %gather3A_1025 = tpu.dynamic_gather %slice3A_1013[%gather3A_1024] in [1] : vector<64x128xf32>, vector<64x128xi32> -> vector<64x128xf32>
    %lt3A_1026 = arith.constant 0 : i32
    %lt3A_1027 = vector.broadcast %lt3A_1026 : i32 to vector<64x128xi32>
    %lt3A_1028 = arith.cmpi slt, %select_n3A_161, %lt3A_1027 : vector<64x128xi32>
    %add3A_1029 = arith.constant 128 : i32
    %add3A_1030 = vector.broadcast %add3A_1029 : i32 to vector<64x128xi32>
    %add3A_1031 = arith.addi %select_n3A_161, %add3A_1030 : vector<64x128xi32>
    %select_n3A_1032 = arith.select %lt3A_1028, %add3A_1031, %select_n3A_161 : vector<64x128xi1>, vector<64x128xi32>
    %reshape3A_1033 = vector.shape_cast %select_n3A_1032 : vector<64x128xi32> to vector<64x128x1xi32>
    %gather3A_1034 = vector.shape_cast %reshape3A_1033 : vector<64x128x1xi32> to vector<64x128xi32>
    %gather3A_1035 = tpu.dynamic_gather %slice3A_1014[%gather3A_1034] in [1] : vector<64x128xf32>, vector<64x128xi32> -> vector<64x128xf32>
    %lt3A_1036 = arith.constant 0 : i32
    %lt3A_1037 = vector.broadcast %lt3A_1036 : i32 to vector<64x128xi32>
    %lt3A_1038 = arith.cmpi slt, %select_n3A_161, %lt3A_1037 : vector<64x128xi32>
    %add3A_1039 = arith.constant 128 : i32
    %add3A_1040 = vector.broadcast %add3A_1039 : i32 to vector<64x128xi32>
    %add3A_1041 = arith.addi %select_n3A_161, %add3A_1040 : vector<64x128xi32>
    %select_n3A_1042 = arith.select %lt3A_1038, %add3A_1041, %select_n3A_161 : vector<64x128xi1>, vector<64x128xi32>
    %reshape3A_1043 = vector.shape_cast %select_n3A_1042 : vector<64x128xi32> to vector<64x128x1xi32>
    %gather3A_1044 = vector.shape_cast %reshape3A_1043 : vector<64x128x1xi32> to vector<64x128xi32>
    %gather3A_1045 = tpu.dynamic_gather %slice3A_1015[%gather3A_1044] in [1] : vector<64x128xf32>, vector<64x128xi32> -> vector<64x128xf32>
    %select_n3A_1046 = arith.select %eq3A_189, %gather3A_1035, %gather3A_1045 : vector<64x128xi1>, vector<64x128xf32>
    %select_n3A_1047 = arith.select %eq3A_186, %gather3A_1025, %select_n3A_1046 : vector<64x128xi1>, vector<64x128xf32>
    %swap3A_1048 = arith.constant 0 : index
    %swap3A_1049 = arith.constant 0 : index
    %swap3A_1050 = arith.constant 2304 : index
    %swap3A_1051 = vector.load %arg2[%swap3A_1048, %swap3A_1049, %swap3A_1050] : memref<1x64x12288xf32, #tpu.memory_space<vmem>>, vector<1x64x128xf32>
    %swap3A_1052 = vector.shape_cast %swap3A_1051 : vector<1x64x128xf32> to vector<64x128xf32>
    %swap3A_1053 = vector.shape_cast %select_n3A_1047 : vector<64x128xf32> to vector<1x64x128xf32>
    tpu.vector_store %arg2[%swap3A_1048, %swap3A_1049, %swap3A_1050], %swap3A_1053 {strides = array<i32>} : memref<1x64x12288xf32, #tpu.memory_space<vmem>>, vector<1x64x128xf32>,
    %lt3A_1054 = arith.constant 0 : i32
    %lt3A_1055 = vector.broadcast %lt3A_1054 : i32 to vector<64x128xi32>
    %lt3A_1056 = arith.cmpi slt, %select_n3A_223, %lt3A_1055 : vector<64x128xi32>
    %add3A_1057 = arith.constant 128 : i32
    %add3A_1058 = vector.broadcast %add3A_1057 : i32 to vector<64x128xi32>
    %add3A_1059 = arith.addi %select_n3A_223, %add3A_1058 : vector<64x128xi32>
    %select_n3A_1060 = arith.select %lt3A_1056, %add3A_1059, %select_n3A_223 : vector<64x128xi1>, vector<64x128xi32>
    %reshape3A_1061 = vector.shape_cast %select_n3A_1060 : vector<64x128xi32> to vector<64x128x1xi32>
    %gather3A_1062 = vector.shape_cast %reshape3A_1061 : vector<64x128x1xi32> to vector<64x128xi32>
    %gather3A_1063 = tpu.dynamic_gather %slice3A_1013[%gather3A_1062] in [1] : vector<64x128xf32>, vector<64x128xi32> -> vector<64x128xf32>
    %lt3A_1064 = arith.constant 0 : i32
    %lt3A_1065 = vector.broadcast %lt3A_1064 : i32 to vector<64x128xi32>
    %lt3A_1066 = arith.cmpi slt, %select_n3A_223, %lt3A_1065 : vector<64x128xi32>
    %add3A_1067 = arith.constant 128 : i32
    %add3A_1068 = vector.broadcast %add3A_1067 : i32 to vector<64x128xi32>
    %add3A_1069 = arith.addi %select_n3A_223, %add3A_1068 : vector<64x128xi32>
    %select_n3A_1070 = arith.select %lt3A_1066, %add3A_1069, %select_n3A_223 : vector<64x128xi1>, vector<64x128xi32>
    %reshape3A_1071 = vector.shape_cast %select_n3A_1070 : vector<64x128xi32> to vector<64x128x1xi32>
    %gather3A_1072 = vector.shape_cast %reshape3A_1071 : vector<64x128x1xi32> to vector<64x128xi32>
    %gather3A_1073 = tpu.dynamic_gather %slice3A_1014[%gather3A_1072] in [1] : vector<64x128xf32>, vector<64x128xi32> -> vector<64x128xf32>
    %lt3A_1074 = arith.constant 0 : i32
    %lt3A_1075 = vector.broadcast %lt3A_1074 : i32 to vector<64x128xi32>
    %lt3A_1076 = arith.cmpi slt, %select_n3A_223, %lt3A_1075 : vector<64x128xi32>
    %add3A_1077 = arith.constant 128 : i32
    %add3A_1078 = vector.broadcast %add3A_1077 : i32 to vector<64x128xi32>
    %add3A_1079 = arith.addi %select_n3A_223, %add3A_1078 : vector<64x128xi32>
    %select_n3A_1080 = arith.select %lt3A_1076, %add3A_1079, %select_n3A_223 : vector<64x128xi1>, vector<64x128xi32>
    %reshape3A_1081 = vector.shape_cast %select_n3A_1080 : vector<64x128xi32> to vector<64x128x1xi32>
    %gather3A_1082 = vector.shape_cast %reshape3A_1081 : vector<64x128x1xi32> to vector<64x128xi32>
    %gather3A_1083 = tpu.dynamic_gather %slice3A_1015[%gather3A_1082] in [1] : vector<64x128xf32>, vector<64x128xi32> -> vector<64x128xf32>
    %select_n3A_1084 = arith.select %eq3A_251, %gather3A_1073, %gather3A_1083 : vector<64x128xi1>, vector<64x128xf32>
    %select_n3A_1085 = arith.select %eq3A_248, %gather3A_1063, %select_n3A_1084 : vector<64x128xi1>, vector<64x128xf32>
    %swap3A_1086 = arith.constant 0 : index
    %swap3A_1087 = arith.constant 0 : index
    %swap3A_1088 = arith.constant 2432 : index
    %swap3A_1089 = vector.load %arg2[%swap3A_1086, %swap3A_1087, %swap3A_1088] : memref<1x64x12288xf32, #tpu.memory_space<vmem>>, vector<1x64x128xf32>
    %swap3A_1090 = vector.shape_cast %swap3A_1089 : vector<1x64x128xf32> to vector<64x128xf32>
    %swap3A_1091 = vector.shape_cast %select_n3A_1085 : vector<64x128xf32> to vector<1x64x128xf32>
    tpu.vector_store %arg2[%swap3A_1086, %swap3A_1087, %swap3A_1088], %swap3A_1091 {strides = array<i32>} : memref<1x64x12288xf32, #tpu.memory_space<vmem>>, vector<1x64x128xf32>,
    %lt3A_1092 = arith.constant 0 : i32
    %lt3A_1093 = vector.broadcast %lt3A_1092 : i32 to vector<64x128xi32>
    %lt3A_1094 = arith.cmpi slt, %select_n3A_285, %lt3A_1093 : vector<64x128xi32>
    %add3A_1095 = arith.constant 128 : i32
    %add3A_1096 = vector.broadcast %add3A_1095 : i32 to vector<64x128xi32>
    %add3A_1097 = arith.addi %select_n3A_285, %add3A_1096 : vector<64x128xi32>
    %select_n3A_1098 = arith.select %lt3A_1094, %add3A_1097, %select_n3A_285 : vector<64x128xi1>, vector<64x128xi32>
    %reshape3A_1099 = vector.shape_cast %select_n3A_1098 : vector<64x128xi32> to vector<64x128x1xi32>
    %gather3A_1100 = vector.shape_cast %reshape3A_1099 : vector<64x128x1xi32> to vector<64x128xi32>
    %gather3A_1101 = tpu.dynamic_gather %slice3A_1013[%gather3A_1100] in [1] : vector<64x128xf32>, vector<64x128xi32> -> vector<64x128xf32>
    %lt3A_1102 = arith.constant 0 : i32
    %lt3A_1103 = vector.broadcast %lt3A_1102 : i32 to vector<64x128xi32>
    %lt3A_1104 = arith.cmpi slt, %select_n3A_285, %lt3A_1103 : vector<64x128xi32>
    %add3A_1105 = arith.constant 128 : i32
    %add3A_1106 = vector.broadcast %add3A_1105 : i32 to vector<64x128xi32>
    %add3A_1107 = arith.addi %select_n3A_285, %add3A_1106 : vector<64x128xi32>
    %select_n3A_1108 = arith.select %lt3A_1104, %add3A_1107, %select_n3A_285 : vector<64x128xi1>, vector<64x128xi32>
    %reshape3A_1109 = vector.shape_cast %select_n3A_1108 : vector<64x128xi32> to vector<64x128x1xi32>
    %gather3A_1110 = vector.shape_cast %reshape3A_1109 : vector<64x128x1xi32> to vector<64x128xi32>
    %gather3A_1111 = tpu.dynamic_gather %slice3A_1014[%gather3A_1110] in [1] : vector<64x128xf32>, vector<64x128xi32> -> vector<64x128xf32>
    %lt3A_1112 = arith.constant 0 : i32
    %lt3A_1113 = vector.broadcast %lt3A_1112 : i32 to vector<64x128xi32>
    %lt3A_1114 = arith.cmpi slt, %select_n3A_285, %lt3A_1113 : vector<64x128xi32>
    %add3A_1115 = arith.constant 128 : i32
    %add3A_1116 = vector.broadcast %add3A_1115 : i32 to vector<64x128xi32>
    %add3A_1117 = arith.addi %select_n3A_285, %add3A_1116 : vector<64x128xi32>
    %select_n3A_1118 = arith.select %lt3A_1114, %add3A_1117, %select_n3A_285 : vector<64x128xi1>, vector<64x128xi32>
    %reshape3A_1119 = vector.shape_cast %select_n3A_1118 : vector<64x128xi32> to vector<64x128x1xi32>
    %gather3A_1120 = vector.shape_cast %reshape3A_1119 : vector<64x128x1xi32> to vector<64x128xi32>
    %gather3A_1121 = tpu.dynamic_gather %slice3A_1015[%gather3A_1120] in [1] : vector<64x128xf32>, vector<64x128xi32> -> vector<64x128xf32>
    %select_n3A_1122 = arith.select %eq3A_313, %gather3A_1111, %gather3A_1121 : vector<64x128xi1>, vector<64x128xf32>
    %select_n3A_1123 = arith.select %eq3A_310, %gather3A_1101, %select_n3A_1122 : vector<64x128xi1>, vector<64x128xf32>
    %swap3A_1124 = arith.constant 0 : index
    %swap3A_1125 = arith.constant 0 : index
    %swap3A_1126 = arith.constant 2560 : index
    %swap3A_1127 = vector.load %arg2[%swap3A_1124, %swap3A_1125, %swap3A_1126] : memref<1x64x12288xf32, #tpu.memory_space<vmem>>, vector<1x64x128xf32>
    %swap3A_1128 = vector.shape_cast %swap3A_1127 : vector<1x64x128xf32> to vector<64x128xf32>
    %swap3A_1129 = vector.shape_cast %select_n3A_1123 : vector<64x128xf32> to vector<1x64x128xf32>
    tpu.vector_store %arg2[%swap3A_1124, %swap3A_1125, %swap3A_1126], %swap3A_1129 {strides = array<i32>} : memref<1x64x12288xf32, #tpu.memory_space<vmem>>, vector<1x64x128xf32>,
    %slice3A_1130 = vector.extract_strided_slice %select_n3A_104 {offsets = [0, 896], sizes = [64, 128], strides = [1, 1]} : vector<64x4096xf32> to vector<64x128xf32>
    %slice3A_1131 = vector.extract_strided_slice %select_n3A_115 {offsets = [0, 896], sizes = [64, 128], strides = [1, 1]} : vector<64x4096xf32> to vector<64x128xf32>
    %slice3A_1132 = vector.extract_strided_slice %select_n3A_126 {offsets = [0, 896], sizes = [64, 128], strides = [1, 1]} : vector<64x4096xf32> to vector<64x128xf32>
    %lt3A_1133 = arith.constant 0 : i32
    %lt3A_1134 = vector.broadcast %lt3A_1133 : i32 to vector<64x128xi32>
    %lt3A_1135 = arith.cmpi slt, %select_n3A_161, %lt3A_1134 : vector<64x128xi32>
    %add3A_1136 = arith.constant 128 : i32
    %add3A_1137 = vector.broadcast %add3A_1136 : i32 to vector<64x128xi32>
    %add3A_1138 = arith.addi %select_n3A_161, %add3A_1137 : vector<64x128xi32>
    %select_n3A_1139 = arith.select %lt3A_1135, %add3A_1138, %select_n3A_161 : vector<64x128xi1>, vector<64x128xi32>
    %reshape3A_1140 = vector.shape_cast %select_n3A_1139 : vector<64x128xi32> to vector<64x128x1xi32>
    %gather3A_1141 = vector.shape_cast %reshape3A_1140 : vector<64x128x1xi32> to vector<64x128xi32>
    %gather3A_1142 = tpu.dynamic_gather %slice3A_1130[%gather3A_1141] in [1] : vector<64x128xf32>, vector<64x128xi32> -> vector<64x128xf32>
    %lt3A_1143 = arith.constant 0 : i32
    %lt3A_1144 = vector.broadcast %lt3A_1143 : i32 to vector<64x128xi32>
    %lt3A_1145 = arith.cmpi slt, %select_n3A_161, %lt3A_1144 : vector<64x128xi32>
    %add3A_1146 = arith.constant 128 : i32
    %add3A_1147 = vector.broadcast %add3A_1146 : i32 to vector<64x128xi32>
    %add3A_1148 = arith.addi %select_n3A_161, %add3A_1147 : vector<64x128xi32>
    %select_n3A_1149 = arith.select %lt3A_1145, %add3A_1148, %select_n3A_161 : vector<64x128xi1>, vector<64x128xi32>
    %reshape3A_1150 = vector.shape_cast %select_n3A_1149 : vector<64x128xi32> to vector<64x128x1xi32>
    %gather3A_1151 = vector.shape_cast %reshape3A_1150 : vector<64x128x1xi32> to vector<64x128xi32>
    %gather3A_1152 = tpu.dynamic_gather %slice3A_1131[%gather3A_1151] in [1] : vector<64x128xf32>, vector<64x128xi32> -> vector<64x128xf32>
    %lt3A_1153 = arith.constant 0 : i32
    %lt3A_1154 = vector.broadcast %lt3A_1153 : i32 to vector<64x128xi32>
    %lt3A_1155 = arith.cmpi slt, %select_n3A_161, %lt3A_1154 : vector<64x128xi32>
    %add3A_1156 = arith.constant 128 : i32
    %add3A_1157 = vector.broadcast %add3A_1156 : i32 to vector<64x128xi32>
    %add3A_1158 = arith.addi %select_n3A_161, %add3A_1157 : vector<64x128xi32>
    %select_n3A_1159 = arith.select %lt3A_1155, %add3A_1158, %select_n3A_161 : vector<64x128xi1>, vector<64x128xi32>
    %reshape3A_1160 = vector.shape_cast %select_n3A_1159 : vector<64x128xi32> to vector<64x128x1xi32>
    %gather3A_1161 = vector.shape_cast %reshape3A_1160 : vector<64x128x1xi32> to vector<64x128xi32>
    %gather3A_1162 = tpu.dynamic_gather %slice3A_1132[%gather3A_1161] in [1] : vector<64x128xf32>, vector<64x128xi32> -> vector<64x128xf32>
    %select_n3A_1163 = arith.select %eq3A_189, %gather3A_1152, %gather3A_1162 : vector<64x128xi1>, vector<64x128xf32>
    %select_n3A_1164 = arith.select %eq3A_186, %gather3A_1142, %select_n3A_1163 : vector<64x128xi1>, vector<64x128xf32>
    %swap3A_1165 = arith.constant 0 : index
    %swap3A_1166 = arith.constant 0 : index
    %swap3A_1167 = arith.constant 2688 : index
    %swap3A_1168 = vector.load %arg2[%swap3A_1165, %swap3A_1166, %swap3A_1167] : memref<1x64x12288xf32, #tpu.memory_space<vmem>>, vector<1x64x128xf32>
    %swap3A_1169 = vector.shape_cast %swap3A_1168 : vector<1x64x128xf32> to vector<64x128xf32>
    %swap3A_1170 = vector.shape_cast %select_n3A_1164 : vector<64x128xf32> to vector<1x64x128xf32>
    tpu.vector_store %arg2[%swap3A_1165, %swap3A_1166, %swap3A_1167], %swap3A_1170 {strides = array<i32>} : memref<1x64x12288xf32, #tpu.memory_space<vmem>>, vector<1x64x128xf32>,
    %lt3A_1171 = arith.constant 0 : i32
    %lt3A_1172 = vector.broadcast %lt3A_1171 : i32 to vector<64x128xi32>
    %lt3A_1173 = arith.cmpi slt, %select_n3A_223, %lt3A_1172 : vector<64x128xi32>
    %add3A_1174 = arith.constant 128 : i32
    %add3A_1175 = vector.broadcast %add3A_1174 : i32 to vector<64x128xi32>
    %add3A_1176 = arith.addi %select_n3A_223, %add3A_1175 : vector<64x128xi32>
    %select_n3A_1177 = arith.select %lt3A_1173, %add3A_1176, %select_n3A_223 : vector<64x128xi1>, vector<64x128xi32>
    %reshape3A_1178 = vector.shape_cast %select_n3A_1177 : vector<64x128xi32> to vector<64x128x1xi32>
    %gather3A_1179 = vector.shape_cast %reshape3A_1178 : vector<64x128x1xi32> to vector<64x128xi32>
    %gather3A_1180 = tpu.dynamic_gather %slice3A_1130[%gather3A_1179] in [1] : vector<64x128xf32>, vector<64x128xi32> -> vector<64x128xf32>
    %lt3A_1181 = arith.constant 0 : i32
    %lt3A_1182 = vector.broadcast %lt3A_1181 : i32 to vector<64x128xi32>
    %lt3A_1183 = arith.cmpi slt, %select_n3A_223, %lt3A_1182 : vector<64x128xi32>
    %add3A_1184 = arith.constant 128 : i32
    %add3A_1185 = vector.broadcast %add3A_1184 : i32 to vector<64x128xi32>
    %add3A_1186 = arith.addi %select_n3A_223, %add3A_1185 : vector<64x128xi32>
    %select_n3A_1187 = arith.select %lt3A_1183, %add3A_1186, %select_n3A_223 : vector<64x128xi1>, vector<64x128xi32>
    %reshape3A_1188 = vector.shape_cast %select_n3A_1187 : vector<64x128xi32> to vector<64x128x1xi32>
    %gather3A_1189 = vector.shape_cast %reshape3A_1188 : vector<64x128x1xi32> to vector<64x128xi32>
    %gather3A_1190 = tpu.dynamic_gather %slice3A_1131[%gather3A_1189] in [1] : vector<64x128xf32>, vector<64x128xi32> -> vector<64x128xf32>
    %lt3A_1191 = arith.constant 0 : i32
    %lt3A_1192 = vector.broadcast %lt3A_1191 : i32 to vector<64x128xi32>
    %lt3A_1193 = arith.cmpi slt, %select_n3A_223, %lt3A_1192 : vector<64x128xi32>
    %add3A_1194 = arith.constant 128 : i32
    %add3A_1195 = vector.broadcast %add3A_1194 : i32 to vector<64x128xi32>
    %add3A_1196 = arith.addi %select_n3A_223, %add3A_1195 : vector<64x128xi32>
    %select_n3A_1197 = arith.select %lt3A_1193, %add3A_1196, %select_n3A_223 : vector<64x128xi1>, vector<64x128xi32>
    %reshape3A_1198 = vector.shape_cast %select_n3A_1197 : vector<64x128xi32> to vector<64x128x1xi32>
    %gather3A_1199 = vector.shape_cast %reshape3A_1198 : vector<64x128x1xi32> to vector<64x128xi32>
    %gather3A_1200 = tpu.dynamic_gather %slice3A_1132[%gather3A_1199] in [1] : vector<64x128xf32>, vector<64x128xi32> -> vector<64x128xf32>
    %select_n3A_1201 = arith.select %eq3A_251, %gather3A_1190, %gather3A_1200 : vector<64x128xi1>, vector<64x128xf32>
    %select_n3A_1202 = arith.select %eq3A_248, %gather3A_1180, %select_n3A_1201 : vector<64x128xi1>, vector<64x128xf32>
    %swap3A_1203 = arith.constant 0 : index
    %swap3A_1204 = arith.constant 0 : index
    %swap3A_1205 = arith.constant 2816 : index
    %swap3A_1206 = vector.load %arg2[%swap3A_1203, %swap3A_1204, %swap3A_1205] : memref<1x64x12288xf32, #tpu.memory_space<vmem>>, vector<1x64x128xf32>
    %swap3A_1207 = vector.shape_cast %swap3A_1206 : vector<1x64x128xf32> to vector<64x128xf32>
    %swap3A_1208 = vector.shape_cast %select_n3A_1202 : vector<64x128xf32> to vector<1x64x128xf32>
    tpu.vector_store %arg2[%swap3A_1203, %swap3A_1204, %swap3A_1205], %swap3A_1208 {strides = array<i32>} : memref<1x64x12288xf32, #tpu.memory_space<vmem>>, vector<1x64x128xf32>,
    %lt3A_1209 = arith.constant 0 : i32
    %lt3A_1210 = vector.broadcast %lt3A_1209 : i32 to vector<64x128xi32>
    %lt3A_1211 = arith.cmpi slt, %select_n3A_285, %lt3A_1210 : vector<64x128xi32>
    %add3A_1212 = arith.constant 128 : i32
    %add3A_1213 = vector.broadcast %add3A_1212 : i32 to vector<64x128xi32>
    %add3A_1214 = arith.addi %select_n3A_285, %add3A_1213 : vector<64x128xi32>
    %select_n3A_1215 = arith.select %lt3A_1211, %add3A_1214, %select_n3A_285 : vector<64x128xi1>, vector<64x128xi32>
    %reshape3A_1216 = vector.shape_cast %select_n3A_1215 : vector<64x128xi32> to vector<64x128x1xi32>
    %gather3A_1217 = vector.shape_cast %reshape3A_1216 : vector<64x128x1xi32> to vector<64x128xi32>
    %gather3A_1218 = tpu.dynamic_gather %slice3A_1130[%gather3A_1217] in [1] : vector<64x128xf32>, vector<64x128xi32> -> vector<64x128xf32>
    %lt3A_1219 = arith.constant 0 : i32
    %lt3A_1220 = vector.broadcast %lt3A_1219 : i32 to vector<64x128xi32>
    %lt3A_1221 = arith.cmpi slt, %select_n3A_285, %lt3A_1220 : vector<64x128xi32>
    %add3A_1222 = arith.constant 128 : i32
    %add3A_1223 = vector.broadcast %add3A_1222 : i32 to vector<64x128xi32>
    %add3A_1224 = arith.addi %select_n3A_285, %add3A_1223 : vector<64x128xi32>
    %select_n3A_1225 = arith.select %lt3A_1221, %add3A_1224, %select_n3A_285 : vector<64x128xi1>, vector<64x128xi32>
    %reshape3A_1226 = vector.shape_cast %select_n3A_1225 : vector<64x128xi32> to vector<64x128x1xi32>
    %gather3A_1227 = vector.shape_cast %reshape3A_1226 : vector<64x128x1xi32> to vector<64x128xi32>
    %gather3A_1228 = tpu.dynamic_gather %slice3A_1131[%gather3A_1227] in [1] : vector<64x128xf32>, vector<64x128xi32> -> vector<64x128xf32>
    %lt3A_1229 = arith.constant 0 : i32
    %lt3A_1230 = vector.broadcast %lt3A_1229 : i32 to vector<64x128xi32>
    %lt3A_1231 = arith.cmpi slt, %select_n3A_285, %lt3A_1230 : vector<64x128xi32>
    %add3A_1232 = arith.constant 128 : i32
    %add3A_1233 = vector.broadcast %add3A_1232 : i32 to vector<64x128xi32>
    %add3A_1234 = arith.addi %select_n3A_285, %add3A_1233 : vector<64x128xi32>
    %select_n3A_1235 = arith.select %lt3A_1231, %add3A_1234, %select_n3A_285 : vector<64x128xi1>, vector<64x128xi32>
    %reshape3A_1236 = vector.shape_cast %select_n3A_1235 : vector<64x128xi32> to vector<64x128x1xi32>
    %gather3A_1237 = vector.shape_cast %reshape3A_1236 : vector<64x128x1xi32> to vector<64x128xi32>
    %gather3A_1238 = tpu.dynamic_gather %slice3A_1132[%gather3A_1237] in [1] : vector<64x128xf32>, vector<64x128xi32> -> vector<64x128xf32>
    %select_n3A_1239 = arith.select %eq3A_313, %gather3A_1228, %gather3A_1238 : vector<64x128xi1>, vector<64x128xf32>
    %select_n3A_1240 = arith.select %eq3A_310, %gather3A_1218, %select_n3A_1239 : vector<64x128xi1>, vector<64x128xf32>
    %swap3A_1241 = arith.constant 0 : index
    %swap3A_1242 = arith.constant 0 : index
    %swap3A_1243 = arith.constant 2944 : index
    %swap3A_1244 = vector.load %arg2[%swap3A_1241, %swap3A_1242, %swap3A_1243] : memref<1x64x12288xf32, #tpu.memory_space<vmem>>, vector<1x64x128xf32>
    %swap3A_1245 = vector.shape_cast %swap3A_1244 : vector<1x64x128xf32> to vector<64x128xf32>
    %swap3A_1246 = vector.shape_cast %select_n3A_1240 : vector<64x128xf32> to vector<1x64x128xf32>
    tpu.vector_store %arg2[%swap3A_1241, %swap3A_1242, %swap3A_1243], %swap3A_1246 {strides = array<i32>} : memref<1x64x12288xf32, #tpu.memory_space<vmem>>, vector<1x64x128xf32>,
    %slice3A_1247 = vector.extract_strided_slice %select_n3A_104 {offsets = [0, 1024], sizes = [64, 128], strides = [1, 1]} : vector<64x4096xf32> to vector<64x128xf32>
    %slice3A_1248 = vector.extract_strided_slice %select_n3A_115 {offsets = [0, 1024], sizes = [64, 128], strides = [1, 1]} : vector<64x4096xf32> to vector<64x128xf32>
    %slice3A_1249 = vector.extract_strided_slice %select_n3A_126 {offsets = [0, 1024], sizes = [64, 128], strides = [1, 1]} : vector<64x4096xf32> to vector<64x128xf32>
    %lt3A_1250 = arith.constant 0 : i32
    %lt3A_1251 = vector.broadcast %lt3A_1250 : i32 to vector<64x128xi32>
    %lt3A_1252 = arith.cmpi slt, %select_n3A_161, %lt3A_1251 : vector<64x128xi32>
    %add3A_1253 = arith.constant 128 : i32
    %add3A_1254 = vector.broadcast %add3A_1253 : i32 to vector<64x128xi32>
    %add3A_1255 = arith.addi %select_n3A_161, %add3A_1254 : vector<64x128xi32>
    %select_n3A_1256 = arith.select %lt3A_1252, %add3A_1255, %select_n3A_161 : vector<64x128xi1>, vector<64x128xi32>
    %reshape3A_1257 = vector.shape_cast %select_n3A_1256 : vector<64x128xi32> to vector<64x128x1xi32>
    %gather3A_1258 = vector.shape_cast %reshape3A_1257 : vector<64x128x1xi32> to vector<64x128xi32>
    %gather3A_1259 = tpu.dynamic_gather %slice3A_1247[%gather3A_1258] in [1] : vector<64x128xf32>, vector<64x128xi32> -> vector<64x128xf32>
    %lt3A_1260 = arith.constant 0 : i32
    %lt3A_1261 = vector.broadcast %lt3A_1260 : i32 to vector<64x128xi32>
    %lt3A_1262 = arith.cmpi slt, %select_n3A_161, %lt3A_1261 : vector<64x128xi32>
    %add3A_1263 = arith.constant 128 : i32
    %add3A_1264 = vector.broadcast %add3A_1263 : i32 to vector<64x128xi32>
    %add3A_1265 = arith.addi %select_n3A_161, %add3A_1264 : vector<64x128xi32>
    %select_n3A_1266 = arith.select %lt3A_1262, %add3A_1265, %select_n3A_161 : vector<64x128xi1>, vector<64x128xi32>
    %reshape3A_1267 = vector.shape_cast %select_n3A_1266 : vector<64x128xi32> to vector<64x128x1xi32>
    %gather3A_1268 = vector.shape_cast %reshape3A_1267 : vector<64x128x1xi32> to vector<64x128xi32>
    %gather3A_1269 = tpu.dynamic_gather %slice3A_1248[%gather3A_1268] in [1] : vector<64x128xf32>, vector<64x128xi32> -> vector<64x128xf32>
    %lt3A_1270 = arith.constant 0 : i32
    %lt3A_1271 = vector.broadcast %lt3A_1270 : i32 to vector<64x128xi32>
    %lt3A_1272 = arith.cmpi slt, %select_n3A_161, %lt3A_1271 : vector<64x128xi32>
    %add3A_1273 = arith.constant 128 : i32
    %add3A_1274 = vector.broadcast %add3A_1273 : i32 to vector<64x128xi32>
    %add3A_1275 = arith.addi %select_n3A_161, %add3A_1274 : vector<64x128xi32>
    %select_n3A_1276 = arith.select %lt3A_1272, %add3A_1275, %select_n3A_161 : vector<64x128xi1>, vector<64x128xi32>
    %reshape3A_1277 = vector.shape_cast %select_n3A_1276 : vector<64x128xi32> to vector<64x128x1xi32>
    %gather3A_1278 = vector.shape_cast %reshape3A_1277 : vector<64x128x1xi32> to vector<64x128xi32>
    %gather3A_1279 = tpu.dynamic_gather %slice3A_1249[%gather3A_1278] in [1] : vector<64x128xf32>, vector<64x128xi32> -> vector<64x128xf32>
    %select_n3A_1280 = arith.select %eq3A_189, %gather3A_1269, %gather3A_1279 : vector<64x128xi1>, vector<64x128xf32>
    %select_n3A_1281 = arith.select %eq3A_186, %gather3A_1259, %select_n3A_1280 : vector<64x128xi1>, vector<64x128xf32>
    %swap3A_1282 = arith.constant 0 : index
    %swap3A_1283 = arith.constant 0 : index
    %swap3A_1284 = arith.constant 3072 : index
    %swap3A_1285 = vector.load %arg2[%swap3A_1282, %swap3A_1283, %swap3A_1284] : memref<1x64x12288xf32, #tpu.memory_space<vmem>>, vector<1x64x128xf32>
    %swap3A_1286 = vector.shape_cast %swap3A_1285 : vector<1x64x128xf32> to vector<64x128xf32>
    %swap3A_1287 = vector.shape_cast %select_n3A_1281 : vector<64x128xf32> to vector<1x64x128xf32>
    tpu.vector_store %arg2[%swap3A_1282, %swap3A_1283, %swap3A_1284], %swap3A_1287 {strides = array<i32>} : memref<1x64x12288xf32, #tpu.memory_space<vmem>>, vector<1x64x128xf32>,
    %lt3A_1288 = arith.constant 0 : i32
    %lt3A_1289 = vector.broadcast %lt3A_1288 : i32 to vector<64x128xi32>
    %lt3A_1290 = arith.cmpi slt, %select_n3A_223, %lt3A_1289 : vector<64x128xi32>
    %add3A_1291 = arith.constant 128 : i32
    %add3A_1292 = vector.broadcast %add3A_1291 : i32 to vector<64x128xi32>
    %add3A_1293 = arith.addi %select_n3A_223, %add3A_1292 : vector<64x128xi32>
    %select_n3A_1294 = arith.select %lt3A_1290, %add3A_1293, %select_n3A_223 : vector<64x128xi1>, vector<64x128xi32>
    %reshape3A_1295 = vector.shape_cast %select_n3A_1294 : vector<64x128xi32> to vector<64x128x1xi32>
    %gather3A_1296 = vector.shape_cast %reshape3A_1295 : vector<64x128x1xi32> to vector<64x128xi32>
    %gather3A_1297 = tpu.dynamic_gather %slice3A_1247[%gather3A_1296] in [1] : vector<64x128xf32>, vector<64x128xi32> -> vector<64x128xf32>
    %lt3A_1298 = arith.constant 0 : i32
    %lt3A_1299 = vector.broadcast %lt3A_1298 : i32 to vector<64x128xi32>
    %lt3A_1300 = arith.cmpi slt, %select_n3A_223, %lt3A_1299 : vector<64x128xi32>
    %add3A_1301 = arith.constant 128 : i32
    %add3A_1302 = vector.broadcast %add3A_1301 : i32 to vector<64x128xi32>
    %add3A_1303 = arith.addi %select_n3A_223, %add3A_1302 : vector<64x128xi32>
    %select_n3A_1304 = arith.select %lt3A_1300, %add3A_1303, %select_n3A_223 : vector<64x128xi1>, vector<64x128xi32>
    %reshape3A_1305 = vector.shape_cast %select_n3A_1304 : vector<64x128xi32> to vector<64x128x1xi32>
    %gather3A_1306 = vector.shape_cast %reshape3A_1305 : vector<64x128x1xi32> to vector<64x128xi32>
    %gather3A_1307 = tpu.dynamic_gather %slice3A_1248[%gather3A_1306] in [1] : vector<64x128xf32>, vector<64x128xi32> -> vector<64x128xf32>
    %lt3A_1308 = arith.constant 0 : i32
    %lt3A_1309 = vector.broadcast %lt3A_1308 : i32 to vector<64x128xi32>
    %lt3A_1310 = arith.cmpi slt, %select_n3A_223, %lt3A_1309 : vector<64x128xi32>
    %add3A_1311 = arith.constant 128 : i32
    %add3A_1312 = vector.broadcast %add3A_1311 : i32 to vector<64x128xi32>
    %add3A_1313 = arith.addi %select_n3A_223, %add3A_1312 : vector<64x128xi32>
    %select_n3A_1314 = arith.select %lt3A_1310, %add3A_1313, %select_n3A_223 : vector<64x128xi1>, vector<64x128xi32>
    %reshape3A_1315 = vector.shape_cast %select_n3A_1314 : vector<64x128xi32> to vector<64x128x1xi32>
    %gather3A_1316 = vector.shape_cast %reshape3A_1315 : vector<64x128x1xi32> to vector<64x128xi32>
    %gather3A_1317 = tpu.dynamic_gather %slice3A_1249[%gather3A_1316] in [1] : vector<64x128xf32>, vector<64x128xi32> -> vector<64x128xf32>
    %select_n3A_1318 = arith.select %eq3A_251, %gather3A_1307, %gather3A_1317 : vector<64x128xi1>, vector<64x128xf32>
    %select_n3A_1319 = arith.select %eq3A_248, %gather3A_1297, %select_n3A_1318 : vector<64x128xi1>, vector<64x128xf32>
    %swap3A_1320 = arith.constant 0 : index
    %swap3A_1321 = arith.constant 0 : index
    %swap3A_1322 = arith.constant 3200 : index
    %swap3A_1323 = vector.load %arg2[%swap3A_1320, %swap3A_1321, %swap3A_1322] : memref<1x64x12288xf32, #tpu.memory_space<vmem>>, vector<1x64x128xf32>
    %swap3A_1324 = vector.shape_cast %swap3A_1323 : vector<1x64x128xf32> to vector<64x128xf32>
    %swap3A_1325 = vector.shape_cast %select_n3A_1319 : vector<64x128xf32> to vector<1x64x128xf32>
    tpu.vector_store %arg2[%swap3A_1320, %swap3A_1321, %swap3A_1322], %swap3A_1325 {strides = array<i32>} : memref<1x64x12288xf32, #tpu.memory_space<vmem>>, vector<1x64x128xf32>,
    %lt3A_1326 = arith.constant 0 : i32
    %lt3A_1327 = vector.broadcast %lt3A_1326 : i32 to vector<64x128xi32>
    %lt3A_1328 = arith.cmpi slt, %select_n3A_285, %lt3A_1327 : vector<64x128xi32>
    %add3A_1329 = arith.constant 128 : i32
    %add3A_1330 = vector.broadcast %add3A_1329 : i32 to vector<64x128xi32>
    %add3A_1331 = arith.addi %select_n3A_285, %add3A_1330 : vector<64x128xi32>
    %select_n3A_1332 = arith.select %lt3A_1328, %add3A_1331, %select_n3A_285 : vector<64x128xi1>, vector<64x128xi32>
    %reshape3A_1333 = vector.shape_cast %select_n3A_1332 : vector<64x128xi32> to vector<64x128x1xi32>
    %gather3A_1334 = vector.shape_cast %reshape3A_1333 : vector<64x128x1xi32> to vector<64x128xi32>
    %gather3A_1335 = tpu.dynamic_gather %slice3A_1247[%gather3A_1334] in [1] : vector<64x128xf32>, vector<64x128xi32> -> vector<64x128xf32>
    %lt3A_1336 = arith.constant 0 : i32
    %lt3A_1337 = vector.broadcast %lt3A_1336 : i32 to vector<64x128xi32>
    %lt3A_1338 = arith.cmpi slt, %select_n3A_285, %lt3A_1337 : vector<64x128xi32>
    %add3A_1339 = arith.constant 128 : i32
    %add3A_1340 = vector.broadcast %add3A_1339 : i32 to vector<64x128xi32>
    %add3A_1341 = arith.addi %select_n3A_285, %add3A_1340 : vector<64x128xi32>
    %select_n3A_1342 = arith.select %lt3A_1338, %add3A_1341, %select_n3A_285 : vector<64x128xi1>, vector<64x128xi32>
    %reshape3A_1343 = vector.shape_cast %select_n3A_1342 : vector<64x128xi32> to vector<64x128x1xi32>
    %gather3A_1344 = vector.shape_cast %reshape3A_1343 : vector<64x128x1xi32> to vector<64x128xi32>
    %gather3A_1345 = tpu.dynamic_gather %slice3A_1248[%gather3A_1344] in [1] : vector<64x128xf32>, vector<64x128xi32> -> vector<64x128xf32>
    %lt3A_1346 = arith.constant 0 : i32
    %lt3A_1347 = vector.broadcast %lt3A_1346 : i32 to vector<64x128xi32>
    %lt3A_1348 = arith.cmpi slt, %select_n3A_285, %lt3A_1347 : vector<64x128xi32>
    %add3A_1349 = arith.constant 128 : i32
    %add3A_1350 = vector.broadcast %add3A_1349 : i32 to vector<64x128xi32>
    %add3A_1351 = arith.addi %select_n3A_285, %add3A_1350 : vector<64x128xi32>
    %select_n3A_1352 = arith.select %lt3A_1348, %add3A_1351, %select_n3A_285 : vector<64x128xi1>, vector<64x128xi32>
    %reshape3A_1353 = vector.shape_cast %select_n3A_1352 : vector<64x128xi32> to vector<64x128x1xi32>
    %gather3A_1354 = vector.shape_cast %reshape3A_1353 : vector<64x128x1xi32> to vector<64x128xi32>
    %gather3A_1355 = tpu.dynamic_gather %slice3A_1249[%gather3A_1354] in [1] : vector<64x128xf32>, vector<64x128xi32> -> vector<64x128xf32>
    %select_n3A_1356 = arith.select %eq3A_313, %gather3A_1345, %gather3A_1355 : vector<64x128xi1>, vector<64x128xf32>
    %select_n3A_1357 = arith.select %eq3A_310, %gather3A_1335, %select_n3A_1356 : vector<64x128xi1>, vector<64x128xf32>
    %swap3A_1358 = arith.constant 0 : index
    %swap3A_1359 = arith.constant 0 : index
    %swap3A_1360 = arith.constant 3328 : index
    %swap3A_1361 = vector.load %arg2[%swap3A_1358, %swap3A_1359, %swap3A_1360] : memref<1x64x12288xf32, #tpu.memory_space<vmem>>, vector<1x64x128xf32>
    %swap3A_1362 = vector.shape_cast %swap3A_1361 : vector<1x64x128xf32> to vector<64x128xf32>
    %swap3A_1363 = vector.shape_cast %select_n3A_1357 : vector<64x128xf32> to vector<1x64x128xf32>
    tpu.vector_store %arg2[%swap3A_1358, %swap3A_1359, %swap3A_1360], %swap3A_1363 {strides = array<i32>} : memref<1x64x12288xf32, #tpu.memory_space<vmem>>, vector<1x64x128xf32>,
    %slice3A_1364 = vector.extract_strided_slice %select_n3A_104 {offsets = [0, 1152], sizes = [64, 128], strides = [1, 1]} : vector<64x4096xf32> to vector<64x128xf32>
    %slice3A_1365 = vector.extract_strided_slice %select_n3A_115 {offsets = [0, 1152], sizes = [64, 128], strides = [1, 1]} : vector<64x4096xf32> to vector<64x128xf32>
    %slice3A_1366 = vector.extract_strided_slice %select_n3A_126 {offsets = [0, 1152], sizes = [64, 128], strides = [1, 1]} : vector<64x4096xf32> to vector<64x128xf32>
    %lt3A_1367 = arith.constant 0 : i32
    %lt3A_1368 = vector.broadcast %lt3A_1367 : i32 to vector<64x128xi32>
    %lt3A_1369 = arith.cmpi slt, %select_n3A_161, %lt3A_1368 : vector<64x128xi32>
    %add3A_1370 = arith.constant 128 : i32
    %add3A_1371 = vector.broadcast %add3A_1370 : i32 to vector<64x128xi32>
    %add3A_1372 = arith.addi %select_n3A_161, %add3A_1371 : vector<64x128xi32>
    %select_n3A_1373 = arith.select %lt3A_1369, %add3A_1372, %select_n3A_161 : vector<64x128xi1>, vector<64x128xi32>
    %reshape3A_1374 = vector.shape_cast %select_n3A_1373 : vector<64x128xi32> to vector<64x128x1xi32>
    %gather3A_1375 = vector.shape_cast %reshape3A_1374 : vector<64x128x1xi32> to vector<64x128xi32>
    %gather3A_1376 = tpu.dynamic_gather %slice3A_1364[%gather3A_1375] in [1] : vector<64x128xf32>, vector<64x128xi32> -> vector<64x128xf32>
    %lt3A_1377 = arith.constant 0 : i32
    %lt3A_1378 = vector.broadcast %lt3A_1377 : i32 to vector<64x128xi32>
    %lt3A_1379 = arith.cmpi slt, %select_n3A_161, %lt3A_1378 : vector<64x128xi32>
    %add3A_1380 = arith.constant 128 : i32
    %add3A_1381 = vector.broadcast %add3A_1380 : i32 to vector<64x128xi32>
    %add3A_1382 = arith.addi %select_n3A_161, %add3A_1381 : vector<64x128xi32>
    %select_n3A_1383 = arith.select %lt3A_1379, %add3A_1382, %select_n3A_161 : vector<64x128xi1>, vector<64x128xi32>
    %reshape3A_1384 = vector.shape_cast %select_n3A_1383 : vector<64x128xi32> to vector<64x128x1xi32>
    %gather3A_1385 = vector.shape_cast %reshape3A_1384 : vector<64x128x1xi32> to vector<64x128xi32>
    %gather3A_1386 = tpu.dynamic_gather %slice3A_1365[%gather3A_1385] in [1] : vector<64x128xf32>, vector<64x128xi32> -> vector<64x128xf32>
    %lt3A_1387 = arith.constant 0 : i32
    %lt3A_1388 = vector.broadcast %lt3A_1387 : i32 to vector<64x128xi32>
    %lt3A_1389 = arith.cmpi slt, %select_n3A_161, %lt3A_1388 : vector<64x128xi32>
    %add3A_1390 = arith.constant 128 : i32
    %add3A_1391 = vector.broadcast %add3A_1390 : i32 to vector<64x128xi32>
    %add3A_1392 = arith.addi %select_n3A_161, %add3A_1391 : vector<64x128xi32>
    %select_n3A_1393 = arith.select %lt3A_1389, %add3A_1392, %select_n3A_161 : vector<64x128xi1>, vector<64x128xi32>
    %reshape3A_1394 = vector.shape_cast %select_n3A_1393 : vector<64x128xi32> to vector<64x128x1xi32>
    %gather3A_1395 = vector.shape_cast %reshape3A_1394 : vector<64x128x1xi32> to vector<64x128xi32>
    %gather3A_1396 = tpu.dynamic_gather %slice3A_1366[%gather3A_1395] in [1] : vector<64x128xf32>, vector<64x128xi32> -> vector<64x128xf32>
    %select_n3A_1397 = arith.select %eq3A_189, %gather3A_1386, %gather3A_1396 : vector<64x128xi1>, vector<64x128xf32>
    %select_n3A_1398 = arith.select %eq3A_186, %gather3A_1376, %select_n3A_1397 : vector<64x128xi1>, vector<64x128xf32>
    %swap3A_1399 = arith.constant 0 : index
    %swap3A_1400 = arith.constant 0 : index
    %swap3A_1401 = arith.constant 3456 : index
    %swap3A_1402 = vector.load %arg2[%swap3A_1399, %swap3A_1400, %swap3A_1401] : memref<1x64x12288xf32, #tpu.memory_space<vmem>>, vector<1x64x128xf32>
    %swap3A_1403 = vector.shape_cast %swap3A_1402 : vector<1x64x128xf32> to vector<64x128xf32>
    %swap3A_1404 = vector.shape_cast %select_n3A_1398 : vector<64x128xf32> to vector<1x64x128xf32>
    tpu.vector_store %arg2[%swap3A_1399, %swap3A_1400, %swap3A_1401], %swap3A_1404 {strides = array<i32>} : memref<1x64x12288xf32, #tpu.memory_space<vmem>>, vector<1x64x128xf32>,
    %lt3A_1405 = arith.constant 0 : i32
    %lt3A_1406 = vector.broadcast %lt3A_1405 : i32 to vector<64x128xi32>
    %lt3A_1407 = arith.cmpi slt, %select_n3A_223, %lt3A_1406 : vector<64x128xi32>
    %add3A_1408 = arith.constant 128 : i32
    %add3A_1409 = vector.broadcast %add3A_1408 : i32 to vector<64x128xi32>
    %add3A_1410 = arith.addi %select_n3A_223, %add3A_1409 : vector<64x128xi32>
    %select_n3A_1411 = arith.select %lt3A_1407, %add3A_1410, %select_n3A_223 : vector<64x128xi1>, vector<64x128xi32>
    %reshape3A_1412 = vector.shape_cast %select_n3A_1411 : vector<64x128xi32> to vector<64x128x1xi32>
    %gather3A_1413 = vector.shape_cast %reshape3A_1412 : vector<64x128x1xi32> to vector<64x128xi32>
    %gather3A_1414 = tpu.dynamic_gather %slice3A_1364[%gather3A_1413] in [1] : vector<64x128xf32>, vector<64x128xi32> -> vector<64x128xf32>
    %lt3A_1415 = arith.constant 0 : i32
    %lt3A_1416 = vector.broadcast %lt3A_1415 : i32 to vector<64x128xi32>
    %lt3A_1417 = arith.cmpi slt, %select_n3A_223, %lt3A_1416 : vector<64x128xi32>
    %add3A_1418 = arith.constant 128 : i32
    %add3A_1419 = vector.broadcast %add3A_1418 : i32 to vector<64x128xi32>
    %add3A_1420 = arith.addi %select_n3A_223, %add3A_1419 : vector<64x128xi32>
    %select_n3A_1421 = arith.select %lt3A_1417, %add3A_1420, %select_n3A_223 : vector<64x128xi1>, vector<64x128xi32>
    %reshape3A_1422 = vector.shape_cast %select_n3A_1421 : vector<64x128xi32> to vector<64x128x1xi32>
    %gather3A_1423 = vector.shape_cast %reshape3A_1422 : vector<64x128x1xi32> to vector<64x128xi32>
    %gather3A_1424 = tpu.dynamic_gather %slice3A_1365[%gather3A_1423] in [1] : vector<64x128xf32>, vector<64x128xi32> -> vector<64x128xf32>
    %lt3A_1425 = arith.constant 0 : i32
    %lt3A_1426 = vector.broadcast %lt3A_1425 : i32 to vector<64x128xi32>
    %lt3A_1427 = arith.cmpi slt, %select_n3A_223, %lt3A_1426 : vector<64x128xi32>
    %add3A_1428 = arith.constant 128 : i32
    %add3A_1429 = vector.broadcast %add3A_1428 : i32 to vector<64x128xi32>
    %add3A_1430 = arith.addi %select_n3A_223, %add3A_1429 : vector<64x128xi32>
    %select_n3A_1431 = arith.select %lt3A_1427, %add3A_1430, %select_n3A_223 : vector<64x128xi1>, vector<64x128xi32>
    %reshape3A_1432 = vector.shape_cast %select_n3A_1431 : vector<64x128xi32> to vector<64x128x1xi32>
    %gather3A_1433 = vector.shape_cast %reshape3A_1432 : vector<64x128x1xi32> to vector<64x128xi32>
    %gather3A_1434 = tpu.dynamic_gather %slice3A_1366[%gather3A_1433] in [1] : vector<64x128xf32>, vector<64x128xi32> -> vector<64x128xf32>
    %select_n3A_1435 = arith.select %eq3A_251, %gather3A_1424, %gather3A_1434 : vector<64x128xi1>, vector<64x128xf32>
    %select_n3A_1436 = arith.select %eq3A_248, %gather3A_1414, %select_n3A_1435 : vector<64x128xi1>, vector<64x128xf32>
    %swap3A_1437 = arith.constant 0 : index
    %swap3A_1438 = arith.constant 0 : index
    %swap3A_1439 = arith.constant 3584 : index
    %swap3A_1440 = vector.load %arg2[%swap3A_1437, %swap3A_1438, %swap3A_1439] : memref<1x64x12288xf32, #tpu.memory_space<vmem>>, vector<1x64x128xf32>
    %swap3A_1441 = vector.shape_cast %swap3A_1440 : vector<1x64x128xf32> to vector<64x128xf32>
    %swap3A_1442 = vector.shape_cast %select_n3A_1436 : vector<64x128xf32> to vector<1x64x128xf32>
    tpu.vector_store %arg2[%swap3A_1437, %swap3A_1438, %swap3A_1439], %swap3A_1442 {strides = array<i32>} : memref<1x64x12288xf32, #tpu.memory_space<vmem>>, vector<1x64x128xf32>,
    %lt3A_1443 = arith.constant 0 : i32
    %lt3A_1444 = vector.broadcast %lt3A_1443 : i32 to vector<64x128xi32>
    %lt3A_1445 = arith.cmpi slt, %select_n3A_285, %lt3A_1444 : vector<64x128xi32>
    %add3A_1446 = arith.constant 128 : i32
    %add3A_1447 = vector.broadcast %add3A_1446 : i32 to vector<64x128xi32>
    %add3A_1448 = arith.addi %select_n3A_285, %add3A_1447 : vector<64x128xi32>
    %select_n3A_1449 = arith.select %lt3A_1445, %add3A_1448, %select_n3A_285 : vector<64x128xi1>, vector<64x128xi32>
    %reshape3A_1450 = vector.shape_cast %select_n3A_1449 : vector<64x128xi32> to vector<64x128x1xi32>
    %gather3A_1451 = vector.shape_cast %reshape3A_1450 : vector<64x128x1xi32> to vector<64x128xi32>
    %gather3A_1452 = tpu.dynamic_gather %slice3A_1364[%gather3A_1451] in [1] : vector<64x128xf32>, vector<64x128xi32> -> vector<64x128xf32>
    %lt3A_1453 = arith.constant 0 : i32
    %lt3A_1454 = vector.broadcast %lt3A_1453 : i32 to vector<64x128xi32>
    %lt3A_1455 = arith.cmpi slt, %select_n3A_285, %lt3A_1454 : vector<64x128xi32>
    %add3A_1456 = arith.constant 128 : i32
    %add3A_1457 = vector.broadcast %add3A_1456 : i32 to vector<64x128xi32>
    %add3A_1458 = arith.addi %select_n3A_285, %add3A_1457 : vector<64x128xi32>
    %select_n3A_1459 = arith.select %lt3A_1455, %add3A_1458, %select_n3A_285 : vector<64x128xi1>, vector<64x128xi32>
    %reshape3A_1460 = vector.shape_cast %select_n3A_1459 : vector<64x128xi32> to vector<64x128x1xi32>
    %gather3A_1461 = vector.shape_cast %reshape3A_1460 : vector<64x128x1xi32> to vector<64x128xi32>
    %gather3A_1462 = tpu.dynamic_gather %slice3A_1365[%gather3A_1461] in [1] : vector<64x128xf32>, vector<64x128xi32> -> vector<64x128xf32>
    %lt3A_1463 = arith.constant 0 : i32
    %lt3A_1464 = vector.broadcast %lt3A_1463 : i32 to vector<64x128xi32>
    %lt3A_1465 = arith.cmpi slt, %select_n3A_285, %lt3A_1464 : vector<64x128xi32>
    %add3A_1466 = arith.constant 128 : i32
    %add3A_1467 = vector.broadcast %add3A_1466 : i32 to vector<64x128xi32>
    %add3A_1468 = arith.addi %select_n3A_285, %add3A_1467 : vector<64x128xi32>
    %select_n3A_1469 = arith.select %lt3A_1465, %add3A_1468, %select_n3A_285 : vector<64x128xi1>, vector<64x128xi32>
    %reshape3A_1470 = vector.shape_cast %select_n3A_1469 : vector<64x128xi32> to vector<64x128x1xi32>
    %gather3A_1471 = vector.shape_cast %reshape3A_1470 : vector<64x128x1xi32> to vector<64x128xi32>
    %gather3A_1472 = tpu.dynamic_gather %slice3A_1366[%gather3A_1471] in [1] : vector<64x128xf32>, vector<64x128xi32> -> vector<64x128xf32>
    %select_n3A_1473 = arith.select %eq3A_313, %gather3A_1462, %gather3A_1472 : vector<64x128xi1>, vector<64x128xf32>
    %select_n3A_1474 = arith.select %eq3A_310, %gather3A_1452, %select_n3A_1473 : vector<64x128xi1>, vector<64x128xf32>
    %swap3A_1475 = arith.constant 0 : index
    %swap3A_1476 = arith.constant 0 : index
    %swap3A_1477 = arith.constant 3712 : index
    %swap3A_1478 = vector.load %arg2[%swap3A_1475, %swap3A_1476, %swap3A_1477] : memref<1x64x12288xf32, #tpu.memory_space<vmem>>, vector<1x64x128xf32>
    %swap3A_1479 = vector.shape_cast %swap3A_1478 : vector<1x64x128xf32> to vector<64x128xf32>
    %swap3A_1480 = vector.shape_cast %select_n3A_1474 : vector<64x128xf32> to vector<1x64x128xf32>
    tpu.vector_store %arg2[%swap3A_1475, %swap3A_1476, %swap3A_1477], %swap3A_1480 {strides = array<i32>} : memref<1x64x12288xf32, #tpu.memory_space<vmem>>, vector<1x64x128xf32>,
    %slice3A_1481 = vector.extract_strided_slice %select_n3A_104 {offsets = [0, 1280], sizes = [64, 128], strides = [1, 1]} : vector<64x4096xf32> to vector<64x128xf32>
    %slice3A_1482 = vector.extract_strided_slice %select_n3A_115 {offsets = [0, 1280], sizes = [64, 128], strides = [1, 1]} : vector<64x4096xf32> to vector<64x128xf32>
    %slice3A_1483 = vector.extract_strided_slice %select_n3A_126 {offsets = [0, 1280], sizes = [64, 128], strides = [1, 1]} : vector<64x4096xf32> to vector<64x128xf32>
    %lt3A_1484 = arith.constant 0 : i32
    %lt3A_1485 = vector.broadcast %lt3A_1484 : i32 to vector<64x128xi32>
    %lt3A_1486 = arith.cmpi slt, %select_n3A_161, %lt3A_1485 : vector<64x128xi32>
    %add3A_1487 = arith.constant 128 : i32
    %add3A_1488 = vector.broadcast %add3A_1487 : i32 to vector<64x128xi32>
    %add3A_1489 = arith.addi %select_n3A_161, %add3A_1488 : vector<64x128xi32>
    %select_n3A_1490 = arith.select %lt3A_1486, %add3A_1489, %select_n3A_161 : vector<64x128xi1>, vector<64x128xi32>
    %reshape3A_1491 = vector.shape_cast %select_n3A_1490 : vector<64x128xi32> to vector<64x128x1xi32>
    %gather3A_1492 = vector.shape_cast %reshape3A_1491 : vector<64x128x1xi32> to vector<64x128xi32>
    %gather3A_1493 = tpu.dynamic_gather %slice3A_1481[%gather3A_1492] in [1] : vector<64x128xf32>, vector<64x128xi32> -> vector<64x128xf32>
    %lt3A_1494 = arith.constant 0 : i32
    %lt3A_1495 = vector.broadcast %lt3A_1494 : i32 to vector<64x128xi32>
    %lt3A_1496 = arith.cmpi slt, %select_n3A_161, %lt3A_1495 : vector<64x128xi32>
    %add3A_1497 = arith.constant 128 : i32
    %add3A_1498 = vector.broadcast %add3A_1497 : i32 to vector<64x128xi32>
    %add3A_1499 = arith.addi %select_n3A_161, %add3A_1498 : vector<64x128xi32>
    %select_n3A_1500 = arith.select %lt3A_1496, %add3A_1499, %select_n3A_161 : vector<64x128xi1>, vector<64x128xi32>
    %reshape3A_1501 = vector.shape_cast %select_n3A_1500 : vector<64x128xi32> to vector<64x128x1xi32>
    %gather3A_1502 = vector.shape_cast %reshape3A_1501 : vector<64x128x1xi32> to vector<64x128xi32>
    %gather3A_1503 = tpu.dynamic_gather %slice3A_1482[%gather3A_1502] in [1] : vector<64x128xf32>, vector<64x128xi32> -> vector<64x128xf32>
    %lt3A_1504 = arith.constant 0 : i32
    %lt3A_1505 = vector.broadcast %lt3A_1504 : i32 to vector<64x128xi32>
    %lt3A_1506 = arith.cmpi slt, %select_n3A_161, %lt3A_1505 : vector<64x128xi32>
    %add3A_1507 = arith.constant 128 : i32
    %add3A_1508 = vector.broadcast %add3A_1507 : i32 to vector<64x128xi32>
    %add3A_1509 = arith.addi %select_n3A_161, %add3A_1508 : vector<64x128xi32>
    %select_n3A_1510 = arith.select %lt3A_1506, %add3A_1509, %select_n3A_161 : vector<64x128xi1>, vector<64x128xi32>
    %reshape3A_1511 = vector.shape_cast %select_n3A_1510 : vector<64x128xi32> to vector<64x128x1xi32>
    %gather3A_1512 = vector.shape_cast %reshape3A_1511 : vector<64x128x1xi32> to vector<64x128xi32>
    %gather3A_1513 = tpu.dynamic_gather %slice3A_1483[%gather3A_1512] in [1] : vector<64x128xf32>, vector<64x128xi32> -> vector<64x128xf32>
    %select_n3A_1514 = arith.select %eq3A_189, %gather3A_1503, %gather3A_1513 : vector<64x128xi1>, vector<64x128xf32>
    %select_n3A_1515 = arith.select %eq3A_186, %gather3A_1493, %select_n3A_1514 : vector<64x128xi1>, vector<64x128xf32>
    %swap3A_1516 = arith.constant 0 : index
    %swap3A_1517 = arith.constant 0 : index
    %swap3A_1518 = arith.constant 3840 : index
    %swap3A_1519 = vector.load %arg2[%swap3A_1516, %swap3A_1517, %swap3A_1518] : memref<1x64x12288xf32, #tpu.memory_space<vmem>>, vector<1x64x128xf32>
    %swap3A_1520 = vector.shape_cast %swap3A_1519 : vector<1x64x128xf32> to vector<64x128xf32>
    %swap3A_1521 = vector.shape_cast %select_n3A_1515 : vector<64x128xf32> to vector<1x64x128xf32>
    tpu.vector_store %arg2[%swap3A_1516, %swap3A_1517, %swap3A_1518], %swap3A_1521 {strides = array<i32>} : memref<1x64x12288xf32, #tpu.memory_space<vmem>>, vector<1x64x128xf32>,
    %lt3A_1522 = arith.constant 0 : i32
    %lt3A_1523 = vector.broadcast %lt3A_1522 : i32 to vector<64x128xi32>
    %lt3A_1524 = arith.cmpi slt, %select_n3A_223, %lt3A_1523 : vector<64x128xi32>
    %add3A_1525 = arith.constant 128 : i32
    %add3A_1526 = vector.broadcast %add3A_1525 : i32 to vector<64x128xi32>
    %add3A_1527 = arith.addi %select_n3A_223, %add3A_1526 : vector<64x128xi32>
    %select_n3A_1528 = arith.select %lt3A_1524, %add3A_1527, %select_n3A_223 : vector<64x128xi1>, vector<64x128xi32>
    %reshape3A_1529 = vector.shape_cast %select_n3A_1528 : vector<64x128xi32> to vector<64x128x1xi32>
    %gather3A_1530 = vector.shape_cast %reshape3A_1529 : vector<64x128x1xi32> to vector<64x128xi32>
    %gather3A_1531 = tpu.dynamic_gather %slice3A_1481[%gather3A_1530] in [1] : vector<64x128xf32>, vector<64x128xi32> -> vector<64x128xf32>
    %lt3A_1532 = arith.constant 0 : i32
    %lt3A_1533 = vector.broadcast %lt3A_1532 : i32 to vector<64x128xi32>
    %lt3A_1534 = arith.cmpi slt, %select_n3A_223, %lt3A_1533 : vector<64x128xi32>
    %add3A_1535 = arith.constant 128 : i32
    %add3A_1536 = vector.broadcast %add3A_1535 : i32 to vector<64x128xi32>
    %add3A_1537 = arith.addi %select_n3A_223, %add3A_1536 : vector<64x128xi32>
    %select_n3A_1538 = arith.select %lt3A_1534, %add3A_1537, %select_n3A_223 : vector<64x128xi1>, vector<64x128xi32>
    %reshape3A_1539 = vector.shape_cast %select_n3A_1538 : vector<64x128xi32> to vector<64x128x1xi32>
    %gather3A_1540 = vector.shape_cast %reshape3A_1539 : vector<64x128x1xi32> to vector<64x128xi32>
    %gather3A_1541 = tpu.dynamic_gather %slice3A_1482[%gather3A_1540] in [1] : vector<64x128xf32>, vector<64x128xi32> -> vector<64x128xf32>
    %lt3A_1542 = arith.constant 0 : i32
    %lt3A_1543 = vector.broadcast %lt3A_1542 : i32 to vector<64x128xi32>
    %lt3A_1544 = arith.cmpi slt, %select_n3A_223, %lt3A_1543 : vector<64x128xi32>
    %add3A_1545 = arith.constant 128 : i32
    %add3A_1546 = vector.broadcast %add3A_1545 : i32 to vector<64x128xi32>
    %add3A_1547 = arith.addi %select_n3A_223, %add3A_1546 : vector<64x128xi32>
    %select_n3A_1548 = arith.select %lt3A_1544, %add3A_1547, %select_n3A_223 : vector<64x128xi1>, vector<64x128xi32>
    %reshape3A_1549 = vector.shape_cast %select_n3A_1548 : vector<64x128xi32> to vector<64x128x1xi32>
    %gather3A_1550 = vector.shape_cast %reshape3A_1549 : vector<64x128x1xi32> to vector<64x128xi32>
    %gather3A_1551 = tpu.dynamic_gather %slice3A_1483[%gather3A_1550] in [1] : vector<64x128xf32>, vector<64x128xi32> -> vector<64x128xf32>
    %select_n3A_1552 = arith.select %eq3A_251, %gather3A_1541, %gather3A_1551 : vector<64x128xi1>, vector<64x128xf32>
    %select_n3A_1553 = arith.select %eq3A_248, %gather3A_1531, %select_n3A_1552 : vector<64x128xi1>, vector<64x128xf32>
    %swap3A_1554 = arith.constant 0 : index
    %swap3A_1555 = arith.constant 0 : index
    %swap3A_1556 = arith.constant 3968 : index
    %swap3A_1557 = vector.load %arg2[%swap3A_1554, %swap3A_1555, %swap3A_1556] : memref<1x64x12288xf32, #tpu.memory_space<vmem>>, vector<1x64x128xf32>
    %swap3A_1558 = vector.shape_cast %swap3A_1557 : vector<1x64x128xf32> to vector<64x128xf32>
    %swap3A_1559 = vector.shape_cast %select_n3A_1553 : vector<64x128xf32> to vector<1x64x128xf32>
    tpu.vector_store %arg2[%swap3A_1554, %swap3A_1555, %swap3A_1556], %swap3A_1559 {strides = array<i32>} : memref<1x64x12288xf32, #tpu.memory_space<vmem>>, vector<1x64x128xf32>,
    %lt3A_1560 = arith.constant 0 : i32
    %lt3A_1561 = vector.broadcast %lt3A_1560 : i32 to vector<64x128xi32>
    %lt3A_1562 = arith.cmpi slt, %select_n3A_285, %lt3A_1561 : vector<64x128xi32>
    %add3A_1563 = arith.constant 128 : i32
    %add3A_1564 = vector.broadcast %add3A_1563 : i32 to vector<64x128xi32>
    %add3A_1565 = arith.addi %select_n3A_285, %add3A_1564 : vector<64x128xi32>
    %select_n3A_1566 = arith.select %lt3A_1562, %add3A_1565, %select_n3A_285 : vector<64x128xi1>, vector<64x128xi32>
    %reshape3A_1567 = vector.shape_cast %select_n3A_1566 : vector<64x128xi32> to vector<64x128x1xi32>
    %gather3A_1568 = vector.shape_cast %reshape3A_1567 : vector<64x128x1xi32> to vector<64x128xi32>
    %gather3A_1569 = tpu.dynamic_gather %slice3A_1481[%gather3A_1568] in [1] : vector<64x128xf32>, vector<64x128xi32> -> vector<64x128xf32>
    %lt3A_1570 = arith.constant 0 : i32
    %lt3A_1571 = vector.broadcast %lt3A_1570 : i32 to vector<64x128xi32>
    %lt3A_1572 = arith.cmpi slt, %select_n3A_285, %lt3A_1571 : vector<64x128xi32>
    %add3A_1573 = arith.constant 128 : i32
    %add3A_1574 = vector.broadcast %add3A_1573 : i32 to vector<64x128xi32>
    %add3A_1575 = arith.addi %select_n3A_285, %add3A_1574 : vector<64x128xi32>
    %select_n3A_1576 = arith.select %lt3A_1572, %add3A_1575, %select_n3A_285 : vector<64x128xi1>, vector<64x128xi32>
    %reshape3A_1577 = vector.shape_cast %select_n3A_1576 : vector<64x128xi32> to vector<64x128x1xi32>
    %gather3A_1578 = vector.shape_cast %reshape3A_1577 : vector<64x128x1xi32> to vector<64x128xi32>
    %gather3A_1579 = tpu.dynamic_gather %slice3A_1482[%gather3A_1578] in [1] : vector<64x128xf32>, vector<64x128xi32> -> vector<64x128xf32>
    %lt3A_1580 = arith.constant 0 : i32
    %lt3A_1581 = vector.broadcast %lt3A_1580 : i32 to vector<64x128xi32>
    %lt3A_1582 = arith.cmpi slt, %select_n3A_285, %lt3A_1581 : vector<64x128xi32>
    %add3A_1583 = arith.constant 128 : i32
    %add3A_1584 = vector.broadcast %add3A_1583 : i32 to vector<64x128xi32>
    %add3A_1585 = arith.addi %select_n3A_285, %add3A_1584 : vector<64x128xi32>
    %select_n3A_1586 = arith.select %lt3A_1582, %add3A_1585, %select_n3A_285 : vector<64x128xi1>, vector<64x128xi32>
    %reshape3A_1587 = vector.shape_cast %select_n3A_1586 : vector<64x128xi32> to vector<64x128x1xi32>
    %gather3A_1588 = vector.shape_cast %reshape3A_1587 : vector<64x128x1xi32> to vector<64x128xi32>
    %gather3A_1589 = tpu.dynamic_gather %slice3A_1483[%gather3A_1588] in [1] : vector<64x128xf32>, vector<64x128xi32> -> vector<64x128xf32>
    %select_n3A_1590 = arith.select %eq3A_313, %gather3A_1579, %gather3A_1589 : vector<64x128xi1>, vector<64x128xf32>
    %select_n3A_1591 = arith.select %eq3A_310, %gather3A_1569, %select_n3A_1590 : vector<64x128xi1>, vector<64x128xf32>
    %swap3A_1592 = arith.constant 0 : index
    %swap3A_1593 = arith.constant 0 : index
    %swap3A_1594 = arith.constant 4096 : index
    %swap3A_1595 = vector.load %arg2[%swap3A_1592, %swap3A_1593, %swap3A_1594] : memref<1x64x12288xf32, #tpu.memory_space<vmem>>, vector<1x64x128xf32>
    %swap3A_1596 = vector.shape_cast %swap3A_1595 : vector<1x64x128xf32> to vector<64x128xf32>
    %swap3A_1597 = vector.shape_cast %select_n3A_1591 : vector<64x128xf32> to vector<1x64x128xf32>
    tpu.vector_store %arg2[%swap3A_1592, %swap3A_1593, %swap3A_1594], %swap3A_1597 {strides = array<i32>} : memref<1x64x12288xf32, #tpu.memory_space<vmem>>, vector<1x64x128xf32>,
    %slice3A_1598 = vector.extract_strided_slice %select_n3A_104 {offsets = [0, 1408], sizes = [64, 128], strides = [1, 1]} : vector<64x4096xf32> to vector<64x128xf32>
    %slice3A_1599 = vector.extract_strided_slice %select_n3A_115 {offsets = [0, 1408], sizes = [64, 128], strides = [1, 1]} : vector<64x4096xf32> to vector<64x128xf32>
    %slice3A_1600 = vector.extract_strided_slice %select_n3A_126 {offsets = [0, 1408], sizes = [64, 128], strides = [1, 1]} : vector<64x4096xf32> to vector<64x128xf32>
    %lt3A_1601 = arith.constant 0 : i32
    %lt3A_1602 = vector.broadcast %lt3A_1601 : i32 to vector<64x128xi32>
    %lt3A_1603 = arith.cmpi slt, %select_n3A_161, %lt3A_1602 : vector<64x128xi32>
    %add3A_1604 = arith.constant 128 : i32
    %add3A_1605 = vector.broadcast %add3A_1604 : i32 to vector<64x128xi32>
    %add3A_1606 = arith.addi %select_n3A_161, %add3A_1605 : vector<64x128xi32>
    %select_n3A_1607 = arith.select %lt3A_1603, %add3A_1606, %select_n3A_161 : vector<64x128xi1>, vector<64x128xi32>
    %reshape3A_1608 = vector.shape_cast %select_n3A_1607 : vector<64x128xi32> to vector<64x128x1xi32>
    %gather3A_1609 = vector.shape_cast %reshape3A_1608 : vector<64x128x1xi32> to vector<64x128xi32>
    %gather3A_1610 = tpu.dynamic_gather %slice3A_1598[%gather3A_1609] in [1] : vector<64x128xf32>, vector<64x128xi32> -> vector<64x128xf32>
    %lt3A_1611 = arith.constant 0 : i32
    %lt3A_1612 = vector.broadcast %lt3A_1611 : i32 to vector<64x128xi32>
    %lt3A_1613 = arith.cmpi slt, %select_n3A_161, %lt3A_1612 : vector<64x128xi32>
    %add3A_1614 = arith.constant 128 : i32
    %add3A_1615 = vector.broadcast %add3A_1614 : i32 to vector<64x128xi32>
    %add3A_1616 = arith.addi %select_n3A_161, %add3A_1615 : vector<64x128xi32>
    %select_n3A_1617 = arith.select %lt3A_1613, %add3A_1616, %select_n3A_161 : vector<64x128xi1>, vector<64x128xi32>
    %reshape3A_1618 = vector.shape_cast %select_n3A_1617 : vector<64x128xi32> to vector<64x128x1xi32>
    %gather3A_1619 = vector.shape_cast %reshape3A_1618 : vector<64x128x1xi32> to vector<64x128xi32>
    %gather3A_1620 = tpu.dynamic_gather %slice3A_1599[%gather3A_1619] in [1] : vector<64x128xf32>, vector<64x128xi32> -> vector<64x128xf32>
    %lt3A_1621 = arith.constant 0 : i32
    %lt3A_1622 = vector.broadcast %lt3A_1621 : i32 to vector<64x128xi32>
    %lt3A_1623 = arith.cmpi slt, %select_n3A_161, %lt3A_1622 : vector<64x128xi32>
    %add3A_1624 = arith.constant 128 : i32
    %add3A_1625 = vector.broadcast %add3A_1624 : i32 to vector<64x128xi32>
    %add3A_1626 = arith.addi %select_n3A_161, %add3A_1625 : vector<64x128xi32>
    %select_n3A_1627 = arith.select %lt3A_1623, %add3A_1626, %select_n3A_161 : vector<64x128xi1>, vector<64x128xi32>
    %reshape3A_1628 = vector.shape_cast %select_n3A_1627 : vector<64x128xi32> to vector<64x128x1xi32>
    %gather3A_1629 = vector.shape_cast %reshape3A_1628 : vector<64x128x1xi32> to vector<64x128xi32>
    %gather3A_1630 = tpu.dynamic_gather %slice3A_1600[%gather3A_1629] in [1] : vector<64x128xf32>, vector<64x128xi32> -> vector<64x128xf32>
    %select_n3A_1631 = arith.select %eq3A_189, %gather3A_1620, %gather3A_1630 : vector<64x128xi1>, vector<64x128xf32>
    %select_n3A_1632 = arith.select %eq3A_186, %gather3A_1610, %select_n3A_1631 : vector<64x128xi1>, vector<64x128xf32>
    %swap3A_1633 = arith.constant 0 : index
    %swap3A_1634 = arith.constant 0 : index
    %swap3A_1635 = arith.constant 4224 : index
    %swap3A_1636 = vector.load %arg2[%swap3A_1633, %swap3A_1634, %swap3A_1635] : memref<1x64x12288xf32, #tpu.memory_space<vmem>>, vector<1x64x128xf32>
    %swap3A_1637 = vector.shape_cast %swap3A_1636 : vector<1x64x128xf32> to vector<64x128xf32>
    %swap3A_1638 = vector.shape_cast %select_n3A_1632 : vector<64x128xf32> to vector<1x64x128xf32>
    tpu.vector_store %arg2[%swap3A_1633, %swap3A_1634, %swap3A_1635], %swap3A_1638 {strides = array<i32>} : memref<1x64x12288xf32, #tpu.memory_space<vmem>>, vector<1x64x128xf32>,
    %lt3A_1639 = arith.constant 0 : i32
    %lt3A_1640 = vector.broadcast %lt3A_1639 : i32 to vector<64x128xi32>
    %lt3A_1641 = arith.cmpi slt, %select_n3A_223, %lt3A_1640 : vector<64x128xi32>
    %add3A_1642 = arith.constant 128 : i32
    %add3A_1643 = vector.broadcast %add3A_1642 : i32 to vector<64x128xi32>
    %add3A_1644 = arith.addi %select_n3A_223, %add3A_1643 : vector<64x128xi32>
    %select_n3A_1645 = arith.select %lt3A_1641, %add3A_1644, %select_n3A_223 : vector<64x128xi1>, vector<64x128xi32>
    %reshape3A_1646 = vector.shape_cast %select_n3A_1645 : vector<64x128xi32> to vector<64x128x1xi32>
    %gather3A_1647 = vector.shape_cast %reshape3A_1646 : vector<64x128x1xi32> to vector<64x128xi32>
    %gather3A_1648 = tpu.dynamic_gather %slice3A_1598[%gather3A_1647] in [1] : vector<64x128xf32>, vector<64x128xi32> -> vector<64x128xf32>
    %lt3A_1649 = arith.constant 0 : i32
    %lt3A_1650 = vector.broadcast %lt3A_1649 : i32 to vector<64x128xi32>
    %lt3A_1651 = arith.cmpi slt, %select_n3A_223, %lt3A_1650 : vector<64x128xi32>
    %add3A_1652 = arith.constant 128 : i32
    %add3A_1653 = vector.broadcast %add3A_1652 : i32 to vector<64x128xi32>
    %add3A_1654 = arith.addi %select_n3A_223, %add3A_1653 : vector<64x128xi32>
    %select_n3A_1655 = arith.select %lt3A_1651, %add3A_1654, %select_n3A_223 : vector<64x128xi1>, vector<64x128xi32>
    %reshape3A_1656 = vector.shape_cast %select_n3A_1655 : vector<64x128xi32> to vector<64x128x1xi32>
    %gather3A_1657 = vector.shape_cast %reshape3A_1656 : vector<64x128x1xi32> to vector<64x128xi32>
    %gather3A_1658 = tpu.dynamic_gather %slice3A_1599[%gather3A_1657] in [1] : vector<64x128xf32>, vector<64x128xi32> -> vector<64x128xf32>
    %lt3A_1659 = arith.constant 0 : i32
    %lt3A_1660 = vector.broadcast %lt3A_1659 : i32 to vector<64x128xi32>
    %lt3A_1661 = arith.cmpi slt, %select_n3A_223, %lt3A_1660 : vector<64x128xi32>
    %add3A_1662 = arith.constant 128 : i32
    %add3A_1663 = vector.broadcast %add3A_1662 : i32 to vector<64x128xi32>
    %add3A_1664 = arith.addi %select_n3A_223, %add3A_1663 : vector<64x128xi32>
    %select_n3A_1665 = arith.select %lt3A_1661, %add3A_1664, %select_n3A_223 : vector<64x128xi1>, vector<64x128xi32>
    %reshape3A_1666 = vector.shape_cast %select_n3A_1665 : vector<64x128xi32> to vector<64x128x1xi32>
    %gather3A_1667 = vector.shape_cast %reshape3A_1666 : vector<64x128x1xi32> to vector<64x128xi32>
    %gather3A_1668 = tpu.dynamic_gather %slice3A_1600[%gather3A_1667] in [1] : vector<64x128xf32>, vector<64x128xi32> -> vector<64x128xf32>
    %select_n3A_1669 = arith.select %eq3A_251, %gather3A_1658, %gather3A_1668 : vector<64x128xi1>, vector<64x128xf32>
    %select_n3A_1670 = arith.select %eq3A_248, %gather3A_1648, %select_n3A_1669 : vector<64x128xi1>, vector<64x128xf32>
    %swap3A_1671 = arith.constant 0 : index
    %swap3A_1672 = arith.constant 0 : index
    %swap3A_1673 = arith.constant 4352 : index
    %swap3A_1674 = vector.load %arg2[%swap3A_1671, %swap3A_1672, %swap3A_1673] : memref<1x64x12288xf32, #tpu.memory_space<vmem>>, vector<1x64x128xf32>
    %swap3A_1675 = vector.shape_cast %swap3A_1674 : vector<1x64x128xf32> to vector<64x128xf32>
    %swap3A_1676 = vector.shape_cast %select_n3A_1670 : vector<64x128xf32> to vector<1x64x128xf32>
    tpu.vector_store %arg2[%swap3A_1671, %swap3A_1672, %swap3A_1673], %swap3A_1676 {strides = array<i32>} : memref<1x64x12288xf32, #tpu.memory_space<vmem>>, vector<1x64x128xf32>,
    %lt3A_1677 = arith.constant 0 : i32
    %lt3A_1678 = vector.broadcast %lt3A_1677 : i32 to vector<64x128xi32>
    %lt3A_1679 = arith.cmpi slt, %select_n3A_285, %lt3A_1678 : vector<64x128xi32>
    %add3A_1680 = arith.constant 128 : i32
    %add3A_1681 = vector.broadcast %add3A_1680 : i32 to vector<64x128xi32>
    %add3A_1682 = arith.addi %select_n3A_285, %add3A_1681 : vector<64x128xi32>
    %select_n3A_1683 = arith.select %lt3A_1679, %add3A_1682, %select_n3A_285 : vector<64x128xi1>, vector<64x128xi32>
    %reshape3A_1684 = vector.shape_cast %select_n3A_1683 : vector<64x128xi32> to vector<64x128x1xi32>
    %gather3A_1685 = vector.shape_cast %reshape3A_1684 : vector<64x128x1xi32> to vector<64x128xi32>
    %gather3A_1686 = tpu.dynamic_gather %slice3A_1598[%gather3A_1685] in [1] : vector<64x128xf32>, vector<64x128xi32> -> vector<64x128xf32>
    %lt3A_1687 = arith.constant 0 : i32
    %lt3A_1688 = vector.broadcast %lt3A_1687 : i32 to vector<64x128xi32>
    %lt3A_1689 = arith.cmpi slt, %select_n3A_285, %lt3A_1688 : vector<64x128xi32>
    %add3A_1690 = arith.constant 128 : i32
    %add3A_1691 = vector.broadcast %add3A_1690 : i32 to vector<64x128xi32>
    %add3A_1692 = arith.addi %select_n3A_285, %add3A_1691 : vector<64x128xi32>
    %select_n3A_1693 = arith.select %lt3A_1689, %add3A_1692, %select_n3A_285 : vector<64x128xi1>, vector<64x128xi32>
    %reshape3A_1694 = vector.shape_cast %select_n3A_1693 : vector<64x128xi32> to vector<64x128x1xi32>
    %gather3A_1695 = vector.shape_cast %reshape3A_1694 : vector<64x128x1xi32> to vector<64x128xi32>
    %gather3A_1696 = tpu.dynamic_gather %slice3A_1599[%gather3A_1695] in [1] : vector<64x128xf32>, vector<64x128xi32> -> vector<64x128xf32>
    %lt3A_1697 = arith.constant 0 : i32
    %lt3A_1698 = vector.broadcast %lt3A_1697 : i32 to vector<64x128xi32>
    %lt3A_1699 = arith.cmpi slt, %select_n3A_285, %lt3A_1698 : vector<64x128xi32>
    %add3A_1700 = arith.constant 128 : i32
    %add3A_1701 = vector.broadcast %add3A_1700 : i32 to vector<64x128xi32>
    %add3A_1702 = arith.addi %select_n3A_285, %add3A_1701 : vector<64x128xi32>
    %select_n3A_1703 = arith.select %lt3A_1699, %add3A_1702, %select_n3A_285 : vector<64x128xi1>, vector<64x128xi32>
    %reshape3A_1704 = vector.shape_cast %select_n3A_1703 : vector<64x128xi32> to vector<64x128x1xi32>
    %gather3A_1705 = vector.shape_cast %reshape3A_1704 : vector<64x128x1xi32> to vector<64x128xi32>
    %gather3A_1706 = tpu.dynamic_gather %slice3A_1600[%gather3A_1705] in [1] : vector<64x128xf32>, vector<64x128xi32> -> vector<64x128xf32>
    %select_n3A_1707 = arith.select %eq3A_313, %gather3A_1696, %gather3A_1706 : vector<64x128xi1>, vector<64x128xf32>
    %select_n3A_1708 = arith.select %eq3A_310, %gather3A_1686, %select_n3A_1707 : vector<64x128xi1>, vector<64x128xf32>
    %swap3A_1709 = arith.constant 0 : index
    %swap3A_1710 = arith.constant 0 : index
    %swap3A_1711 = arith.constant 4480 : index
    %swap3A_1712 = vector.load %arg2[%swap3A_1709, %swap3A_1710, %swap3A_1711] : memref<1x64x12288xf32, #tpu.memory_space<vmem>>, vector<1x64x128xf32>
    %swap3A_1713 = vector.shape_cast %swap3A_1712 : vector<1x64x128xf32> to vector<64x128xf32>
    %swap3A_1714 = vector.shape_cast %select_n3A_1708 : vector<64x128xf32> to vector<1x64x128xf32>
    tpu.vector_store %arg2[%swap3A_1709, %swap3A_1710, %swap3A_1711], %swap3A_1714 {strides = array<i32>} : memref<1x64x12288xf32, #tpu.memory_space<vmem>>, vector<1x64x128xf32>,
    %slice3A_1715 = vector.extract_strided_slice %select_n3A_104 {offsets = [0, 1536], sizes = [64, 128], strides = [1, 1]} : vector<64x4096xf32> to vector<64x128xf32>
    %slice3A_1716 = vector.extract_strided_slice %select_n3A_115 {offsets = [0, 1536], sizes = [64, 128], strides = [1, 1]} : vector<64x4096xf32> to vector<64x128xf32>
    %slice3A_1717 = vector.extract_strided_slice %select_n3A_126 {offsets = [0, 1536], sizes = [64, 128], strides = [1, 1]} : vector<64x4096xf32> to vector<64x128xf32>
    %lt3A_1718 = arith.constant 0 : i32
    %lt3A_1719 = vector.broadcast %lt3A_1718 : i32 to vector<64x128xi32>
    %lt3A_1720 = arith.cmpi slt, %select_n3A_161, %lt3A_1719 : vector<64x128xi32>
    %add3A_1721 = arith.constant 128 : i32
    %add3A_1722 = vector.broadcast %add3A_1721 : i32 to vector<64x128xi32>
    %add3A_1723 = arith.addi %select_n3A_161, %add3A_1722 : vector<64x128xi32>
    %select_n3A_1724 = arith.select %lt3A_1720, %add3A_1723, %select_n3A_161 : vector<64x128xi1>, vector<64x128xi32>
    %reshape3A_1725 = vector.shape_cast %select_n3A_1724 : vector<64x128xi32> to vector<64x128x1xi32>
    %gather3A_1726 = vector.shape_cast %reshape3A_1725 : vector<64x128x1xi32> to vector<64x128xi32>
    %gather3A_1727 = tpu.dynamic_gather %slice3A_1715[%gather3A_1726] in [1] : vector<64x128xf32>, vector<64x128xi32> -> vector<64x128xf32>
    %lt3A_1728 = arith.constant 0 : i32
    %lt3A_1729 = vector.broadcast %lt3A_1728 : i32 to vector<64x128xi32>
    %lt3A_1730 = arith.cmpi slt, %select_n3A_161, %lt3A_1729 : vector<64x128xi32>
    %add3A_1731 = arith.constant 128 : i32
    %add3A_1732 = vector.broadcast %add3A_1731 : i32 to vector<64x128xi32>
    %add3A_1733 = arith.addi %select_n3A_161, %add3A_1732 : vector<64x128xi32>
    %select_n3A_1734 = arith.select %lt3A_1730, %add3A_1733, %select_n3A_161 : vector<64x128xi1>, vector<64x128xi32>
    %reshape3A_1735 = vector.shape_cast %select_n3A_1734 : vector<64x128xi32> to vector<64x128x1xi32>
    %gather3A_1736 = vector.shape_cast %reshape3A_1735 : vector<64x128x1xi32> to vector<64x128xi32>
    %gather3A_1737 = tpu.dynamic_gather %slice3A_1716[%gather3A_1736] in [1] : vector<64x128xf32>, vector<64x128xi32> -> vector<64x128xf32>
    %lt3A_1738 = arith.constant 0 : i32
    %lt3A_1739 = vector.broadcast %lt3A_1738 : i32 to vector<64x128xi32>
    %lt3A_1740 = arith.cmpi slt, %select_n3A_161, %lt3A_1739 : vector<64x128xi32>
    %add3A_1741 = arith.constant 128 : i32
    %add3A_1742 = vector.broadcast %add3A_1741 : i32 to vector<64x128xi32>
    %add3A_1743 = arith.addi %select_n3A_161, %add3A_1742 : vector<64x128xi32>
    %select_n3A_1744 = arith.select %lt3A_1740, %add3A_1743, %select_n3A_161 : vector<64x128xi1>, vector<64x128xi32>
    %reshape3A_1745 = vector.shape_cast %select_n3A_1744 : vector<64x128xi32> to vector<64x128x1xi32>
    %gather3A_1746 = vector.shape_cast %reshape3A_1745 : vector<64x128x1xi32> to vector<64x128xi32>
    %gather3A_1747 = tpu.dynamic_gather %slice3A_1717[%gather3A_1746] in [1] : vector<64x128xf32>, vector<64x128xi32> -> vector<64x128xf32>
    %select_n3A_1748 = arith.select %eq3A_189, %gather3A_1737, %gather3A_1747 : vector<64x128xi1>, vector<64x128xf32>
    %select_n3A_1749 = arith.select %eq3A_186, %gather3A_1727, %select_n3A_1748 : vector<64x128xi1>, vector<64x128xf32>
    %swap3A_1750 = arith.constant 0 : index
    %swap3A_1751 = arith.constant 0 : index
    %swap3A_1752 = arith.constant 4608 : index
    %swap3A_1753 = vector.load %arg2[%swap3A_1750, %swap3A_1751, %swap3A_1752] : memref<1x64x12288xf32, #tpu.memory_space<vmem>>, vector<1x64x128xf32>
    %swap3A_1754 = vector.shape_cast %swap3A_1753 : vector<1x64x128xf32> to vector<64x128xf32>
    %swap3A_1755 = vector.shape_cast %select_n3A_1749 : vector<64x128xf32> to vector<1x64x128xf32>
    tpu.vector_store %arg2[%swap3A_1750, %swap3A_1751, %swap3A_1752], %swap3A_1755 {strides = array<i32>} : memref<1x64x12288xf32, #tpu.memory_space<vmem>>, vector<1x64x128xf32>,
    %lt3A_1756 = arith.constant 0 : i32
    %lt3A_1757 = vector.broadcast %lt3A_1756 : i32 to vector<64x128xi32>
    %lt3A_1758 = arith.cmpi slt, %select_n3A_223, %lt3A_1757 : vector<64x128xi32>
    %add3A_1759 = arith.constant 128 : i32
    %add3A_1760 = vector.broadcast %add3A_1759 : i32 to vector<64x128xi32>
    %add3A_1761 = arith.addi %select_n3A_223, %add3A_1760 : vector<64x128xi32>
    %select_n3A_1762 = arith.select %lt3A_1758, %add3A_1761, %select_n3A_223 : vector<64x128xi1>, vector<64x128xi32>
    %reshape3A_1763 = vector.shape_cast %select_n3A_1762 : vector<64x128xi32> to vector<64x128x1xi32>
    %gather3A_1764 = vector.shape_cast %reshape3A_1763 : vector<64x128x1xi32> to vector<64x128xi32>
    %gather3A_1765 = tpu.dynamic_gather %slice3A_1715[%gather3A_1764] in [1] : vector<64x128xf32>, vector<64x128xi32> -> vector<64x128xf32>
    %lt3A_1766 = arith.constant 0 : i32
    %lt3A_1767 = vector.broadcast %lt3A_1766 : i32 to vector<64x128xi32>
    %lt3A_1768 = arith.cmpi slt, %select_n3A_223, %lt3A_1767 : vector<64x128xi32>
    %add3A_1769 = arith.constant 128 : i32
    %add3A_1770 = vector.broadcast %add3A_1769 : i32 to vector<64x128xi32>
    %add3A_1771 = arith.addi %select_n3A_223, %add3A_1770 : vector<64x128xi32>
    %select_n3A_1772 = arith.select %lt3A_1768, %add3A_1771, %select_n3A_223 : vector<64x128xi1>, vector<64x128xi32>
    %reshape3A_1773 = vector.shape_cast %select_n3A_1772 : vector<64x128xi32> to vector<64x128x1xi32>
    %gather3A_1774 = vector.shape_cast %reshape3A_1773 : vector<64x128x1xi32> to vector<64x128xi32>
    %gather3A_1775 = tpu.dynamic_gather %slice3A_1716[%gather3A_1774] in [1] : vector<64x128xf32>, vector<64x128xi32> -> vector<64x128xf32>
    %lt3A_1776 = arith.constant 0 : i32
    %lt3A_1777 = vector.broadcast %lt3A_1776 : i32 to vector<64x128xi32>
    %lt3A_1778 = arith.cmpi slt, %select_n3A_223, %lt3A_1777 : vector<64x128xi32>
    %add3A_1779 = arith.constant 128 : i32
    %add3A_1780 = vector.broadcast %add3A_1779 : i32 to vector<64x128xi32>
    %add3A_1781 = arith.addi %select_n3A_223, %add3A_1780 : vector<64x128xi32>
    %select_n3A_1782 = arith.select %lt3A_1778, %add3A_1781, %select_n3A_223 : vector<64x128xi1>, vector<64x128xi32>
    %reshape3A_1783 = vector.shape_cast %select_n3A_1782 : vector<64x128xi32> to vector<64x128x1xi32>
    %gather3A_1784 = vector.shape_cast %reshape3A_1783 : vector<64x128x1xi32> to vector<64x128xi32>
    %gather3A_1785 = tpu.dynamic_gather %slice3A_1717[%gather3A_1784] in [1] : vector<64x128xf32>, vector<64x128xi32> -> vector<64x128xf32>
    %select_n3A_1786 = arith.select %eq3A_251, %gather3A_1775, %gather3A_1785 : vector<64x128xi1>, vector<64x128xf32>
    %select_n3A_1787 = arith.select %eq3A_248, %gather3A_1765, %select_n3A_1786 : vector<64x128xi1>, vector<64x128xf32>
    %swap3A_1788 = arith.constant 0 : index
    %swap3A_1789 = arith.constant 0 : index
    %swap3A_1790 = arith.constant 4736 : index
    %swap3A_1791 = vector.load %arg2[%swap3A_1788, %swap3A_1789, %swap3A_1790] : memref<1x64x12288xf32, #tpu.memory_space<vmem>>, vector<1x64x128xf32>
    %swap3A_1792 = vector.shape_cast %swap3A_1791 : vector<1x64x128xf32> to vector<64x128xf32>
    %swap3A_1793 = vector.shape_cast %select_n3A_1787 : vector<64x128xf32> to vector<1x64x128xf32>
    tpu.vector_store %arg2[%swap3A_1788, %swap3A_1789, %swap3A_1790], %swap3A_1793 {strides = array<i32>} : memref<1x64x12288xf32, #tpu.memory_space<vmem>>, vector<1x64x128xf32>,
    %lt3A_1794 = arith.constant 0 : i32
    %lt3A_1795 = vector.broadcast %lt3A_1794 : i32 to vector<64x128xi32>
    %lt3A_1796 = arith.cmpi slt, %select_n3A_285, %lt3A_1795 : vector<64x128xi32>
    %add3A_1797 = arith.constant 128 : i32
    %add3A_1798 = vector.broadcast %add3A_1797 : i32 to vector<64x128xi32>
    %add3A_1799 = arith.addi %select_n3A_285, %add3A_1798 : vector<64x128xi32>
    %select_n3A_1800 = arith.select %lt3A_1796, %add3A_1799, %select_n3A_285 : vector<64x128xi1>, vector<64x128xi32>
    %reshape3A_1801 = vector.shape_cast %select_n3A_1800 : vector<64x128xi32> to vector<64x128x1xi32>
    %gather3A_1802 = vector.shape_cast %reshape3A_1801 : vector<64x128x1xi32> to vector<64x128xi32>
    %gather3A_1803 = tpu.dynamic_gather %slice3A_1715[%gather3A_1802] in [1] : vector<64x128xf32>, vector<64x128xi32> -> vector<64x128xf32>
    %lt3A_1804 = arith.constant 0 : i32
    %lt3A_1805 = vector.broadcast %lt3A_1804 : i32 to vector<64x128xi32>
    %lt3A_1806 = arith.cmpi slt, %select_n3A_285, %lt3A_1805 : vector<64x128xi32>
    %add3A_1807 = arith.constant 128 : i32
    %add3A_1808 = vector.broadcast %add3A_1807 : i32 to vector<64x128xi32>
    %add3A_1809 = arith.addi %select_n3A_285, %add3A_1808 : vector<64x128xi32>
    %select_n3A_1810 = arith.select %lt3A_1806, %add3A_1809, %select_n3A_285 : vector<64x128xi1>, vector<64x128xi32>
    %reshape3A_1811 = vector.shape_cast %select_n3A_1810 : vector<64x128xi32> to vector<64x128x1xi32>
    %gather3A_1812 = vector.shape_cast %reshape3A_1811 : vector<64x128x1xi32> to vector<64x128xi32>
    %gather3A_1813 = tpu.dynamic_gather %slice3A_1716[%gather3A_1812] in [1] : vector<64x128xf32>, vector<64x128xi32> -> vector<64x128xf32>
    %lt3A_1814 = arith.constant 0 : i32
    %lt3A_1815 = vector.broadcast %lt3A_1814 : i32 to vector<64x128xi32>
    %lt3A_1816 = arith.cmpi slt, %select_n3A_285, %lt3A_1815 : vector<64x128xi32>
    %add3A_1817 = arith.constant 128 : i32
    %add3A_1818 = vector.broadcast %add3A_1817 : i32 to vector<64x128xi32>
    %add3A_1819 = arith.addi %select_n3A_285, %add3A_1818 : vector<64x128xi32>
    %select_n3A_1820 = arith.select %lt3A_1816, %add3A_1819, %select_n3A_285 : vector<64x128xi1>, vector<64x128xi32>
    %reshape3A_1821 = vector.shape_cast %select_n3A_1820 : vector<64x128xi32> to vector<64x128x1xi32>
    %gather3A_1822 = vector.shape_cast %reshape3A_1821 : vector<64x128x1xi32> to vector<64x128xi32>
    %gather3A_1823 = tpu.dynamic_gather %slice3A_1717[%gather3A_1822] in [1] : vector<64x128xf32>, vector<64x128xi32> -> vector<64x128xf32>
    %select_n3A_1824 = arith.select %eq3A_313, %gather3A_1813, %gather3A_1823 : vector<64x128xi1>, vector<64x128xf32>
    %select_n3A_1825 = arith.select %eq3A_310, %gather3A_1803, %select_n3A_1824 : vector<64x128xi1>, vector<64x128xf32>
    %swap3A_1826 = arith.constant 0 : index
    %swap3A_1827 = arith.constant 0 : index
    %swap3A_1828 = arith.constant 4864 : index
    %swap3A_1829 = vector.load %arg2[%swap3A_1826, %swap3A_1827, %swap3A_1828] : memref<1x64x12288xf32, #tpu.memory_space<vmem>>, vector<1x64x128xf32>
    %swap3A_1830 = vector.shape_cast %swap3A_1829 : vector<1x64x128xf32> to vector<64x128xf32>
    %swap3A_1831 = vector.shape_cast %select_n3A_1825 : vector<64x128xf32> to vector<1x64x128xf32>
    tpu.vector_store %arg2[%swap3A_1826, %swap3A_1827, %swap3A_1828], %swap3A_1831 {strides = array<i32>} : memref<1x64x12288xf32, #tpu.memory_space<vmem>>, vector<1x64x128xf32>,
    %slice3A_1832 = vector.extract_strided_slice %select_n3A_104 {offsets = [0, 1664], sizes = [64, 128], strides = [1, 1]} : vector<64x4096xf32> to vector<64x128xf32>
    %slice3A_1833 = vector.extract_strided_slice %select_n3A_115 {offsets = [0, 1664], sizes = [64, 128], strides = [1, 1]} : vector<64x4096xf32> to vector<64x128xf32>
    %slice3A_1834 = vector.extract_strided_slice %select_n3A_126 {offsets = [0, 1664], sizes = [64, 128], strides = [1, 1]} : vector<64x4096xf32> to vector<64x128xf32>
    %lt3A_1835 = arith.constant 0 : i32
    %lt3A_1836 = vector.broadcast %lt3A_1835 : i32 to vector<64x128xi32>
    %lt3A_1837 = arith.cmpi slt, %select_n3A_161, %lt3A_1836 : vector<64x128xi32>
    %add3A_1838 = arith.constant 128 : i32
    %add3A_1839 = vector.broadcast %add3A_1838 : i32 to vector<64x128xi32>
    %add3A_1840 = arith.addi %select_n3A_161, %add3A_1839 : vector<64x128xi32>
    %select_n3A_1841 = arith.select %lt3A_1837, %add3A_1840, %select_n3A_161 : vector<64x128xi1>, vector<64x128xi32>
    %reshape3A_1842 = vector.shape_cast %select_n3A_1841 : vector<64x128xi32> to vector<64x128x1xi32>
    %gather3A_1843 = vector.shape_cast %reshape3A_1842 : vector<64x128x1xi32> to vector<64x128xi32>
    %gather3A_1844 = tpu.dynamic_gather %slice3A_1832[%gather3A_1843] in [1] : vector<64x128xf32>, vector<64x128xi32> -> vector<64x128xf32>
    %lt3A_1845 = arith.constant 0 : i32
    %lt3A_1846 = vector.broadcast %lt3A_1845 : i32 to vector<64x128xi32>
    %lt3A_1847 = arith.cmpi slt, %select_n3A_161, %lt3A_1846 : vector<64x128xi32>
    %add3A_1848 = arith.constant 128 : i32
    %add3A_1849 = vector.broadcast %add3A_1848 : i32 to vector<64x128xi32>
    %add3A_1850 = arith.addi %select_n3A_161, %add3A_1849 : vector<64x128xi32>
    %select_n3A_1851 = arith.select %lt3A_1847, %add3A_1850, %select_n3A_161 : vector<64x128xi1>, vector<64x128xi32>
    %reshape3A_1852 = vector.shape_cast %select_n3A_1851 : vector<64x128xi32> to vector<64x128x1xi32>
    %gather3A_1853 = vector.shape_cast %reshape3A_1852 : vector<64x128x1xi32> to vector<64x128xi32>
    %gather3A_1854 = tpu.dynamic_gather %slice3A_1833[%gather3A_1853] in [1] : vector<64x128xf32>, vector<64x128xi32> -> vector<64x128xf32>
    %lt3A_1855 = arith.constant 0 : i32
    %lt3A_1856 = vector.broadcast %lt3A_1855 : i32 to vector<64x128xi32>
    %lt3A_1857 = arith.cmpi slt, %select_n3A_161, %lt3A_1856 : vector<64x128xi32>
    %add3A_1858 = arith.constant 128 : i32
    %add3A_1859 = vector.broadcast %add3A_1858 : i32 to vector<64x128xi32>
    %add3A_1860 = arith.addi %select_n3A_161, %add3A_1859 : vector<64x128xi32>
    %select_n3A_1861 = arith.select %lt3A_1857, %add3A_1860, %select_n3A_161 : vector<64x128xi1>, vector<64x128xi32>
    %reshape3A_1862 = vector.shape_cast %select_n3A_1861 : vector<64x128xi32> to vector<64x128x1xi32>
    %gather3A_1863 = vector.shape_cast %reshape3A_1862 : vector<64x128x1xi32> to vector<64x128xi32>
    %gather3A_1864 = tpu.dynamic_gather %slice3A_1834[%gather3A_1863] in [1] : vector<64x128xf32>, vector<64x128xi32> -> vector<64x128xf32>
    %select_n3A_1865 = arith.select %eq3A_189, %gather3A_1854, %gather3A_1864 : vector<64x128xi1>, vector<64x128xf32>
    %select_n3A_1866 = arith.select %eq3A_186, %gather3A_1844, %select_n3A_1865 : vector<64x128xi1>, vector<64x128xf32>
    %swap3A_1867 = arith.constant 0 : index
    %swap3A_1868 = arith.constant 0 : index
    %swap3A_1869 = arith.constant 4992 : index
    %swap3A_1870 = vector.load %arg2[%swap3A_1867, %swap3A_1868, %swap3A_1869] : memref<1x64x12288xf32, #tpu.memory_space<vmem>>, vector<1x64x128xf32>
    %swap3A_1871 = vector.shape_cast %swap3A_1870 : vector<1x64x128xf32> to vector<64x128xf32>
    %swap3A_1872 = vector.shape_cast %select_n3A_1866 : vector<64x128xf32> to vector<1x64x128xf32>
    tpu.vector_store %arg2[%swap3A_1867, %swap3A_1868, %swap3A_1869], %swap3A_1872 {strides = array<i32>} : memref<1x64x12288xf32, #tpu.memory_space<vmem>>, vector<1x64x128xf32>,
    %lt3A_1873 = arith.constant 0 : i32
    %lt3A_1874 = vector.broadcast %lt3A_1873 : i32 to vector<64x128xi32>
    %lt3A_1875 = arith.cmpi slt, %select_n3A_223, %lt3A_1874 : vector<64x128xi32>
    %add3A_1876 = arith.constant 128 : i32
    %add3A_1877 = vector.broadcast %add3A_1876 : i32 to vector<64x128xi32>
    %add3A_1878 = arith.addi %select_n3A_223, %add3A_1877 : vector<64x128xi32>
    %select_n3A_1879 = arith.select %lt3A_1875, %add3A_1878, %select_n3A_223 : vector<64x128xi1>, vector<64x128xi32>
    %reshape3A_1880 = vector.shape_cast %select_n3A_1879 : vector<64x128xi32> to vector<64x128x1xi32>
    %gather3A_1881 = vector.shape_cast %reshape3A_1880 : vector<64x128x1xi32> to vector<64x128xi32>
    %gather3A_1882 = tpu.dynamic_gather %slice3A_1832[%gather3A_1881] in [1] : vector<64x128xf32>, vector<64x128xi32> -> vector<64x128xf32>
    %lt3A_1883 = arith.constant 0 : i32
    %lt3A_1884 = vector.broadcast %lt3A_1883 : i32 to vector<64x128xi32>
    %lt3A_1885 = arith.cmpi slt, %select_n3A_223, %lt3A_1884 : vector<64x128xi32>
    %add3A_1886 = arith.constant 128 : i32
    %add3A_1887 = vector.broadcast %add3A_1886 : i32 to vector<64x128xi32>
    %add3A_1888 = arith.addi %select_n3A_223, %add3A_1887 : vector<64x128xi32>
    %select_n3A_1889 = arith.select %lt3A_1885, %add3A_1888, %select_n3A_223 : vector<64x128xi1>, vector<64x128xi32>
    %reshape3A_1890 = vector.shape_cast %select_n3A_1889 : vector<64x128xi32> to vector<64x128x1xi32>
    %gather3A_1891 = vector.shape_cast %reshape3A_1890 : vector<64x128x1xi32> to vector<64x128xi32>
    %gather3A_1892 = tpu.dynamic_gather %slice3A_1833[%gather3A_1891] in [1] : vector<64x128xf32>, vector<64x128xi32> -> vector<64x128xf32>
    %lt3A_1893 = arith.constant 0 : i32
    %lt3A_1894 = vector.broadcast %lt3A_1893 : i32 to vector<64x128xi32>
    %lt3A_1895 = arith.cmpi slt, %select_n3A_223, %lt3A_1894 : vector<64x128xi32>
    %add3A_1896 = arith.constant 128 : i32
    %add3A_1897 = vector.broadcast %add3A_1896 : i32 to vector<64x128xi32>
    %add3A_1898 = arith.addi %select_n3A_223, %add3A_1897 : vector<64x128xi32>
    %select_n3A_1899 = arith.select %lt3A_1895, %add3A_1898, %select_n3A_223 : vector<64x128xi1>, vector<64x128xi32>
    %reshape3A_1900 = vector.shape_cast %select_n3A_1899 : vector<64x128xi32> to vector<64x128x1xi32>
    %gather3A_1901 = vector.shape_cast %reshape3A_1900 : vector<64x128x1xi32> to vector<64x128xi32>
    %gather3A_1902 = tpu.dynamic_gather %slice3A_1834[%gather3A_1901] in [1] : vector<64x128xf32>, vector<64x128xi32> -> vector<64x128xf32>
    %select_n3A_1903 = arith.select %eq3A_251, %gather3A_1892, %gather3A_1902 : vector<64x128xi1>, vector<64x128xf32>
    %select_n3A_1904 = arith.select %eq3A_248, %gather3A_1882, %select_n3A_1903 : vector<64x128xi1>, vector<64x128xf32>
    %swap3A_1905 = arith.constant 0 : index
    %swap3A_1906 = arith.constant 0 : index
    %swap3A_1907 = arith.constant 5120 : index
    %swap3A_1908 = vector.load %arg2[%swap3A_1905, %swap3A_1906, %swap3A_1907] : memref<1x64x12288xf32, #tpu.memory_space<vmem>>, vector<1x64x128xf32>
    %swap3A_1909 = vector.shape_cast %swap3A_1908 : vector<1x64x128xf32> to vector<64x128xf32>
    %swap3A_1910 = vector.shape_cast %select_n3A_1904 : vector<64x128xf32> to vector<1x64x128xf32>
    tpu.vector_store %arg2[%swap3A_1905, %swap3A_1906, %swap3A_1907], %swap3A_1910 {strides = array<i32>} : memref<1x64x12288xf32, #tpu.memory_space<vmem>>, vector<1x64x128xf32>,
    %lt3A_1911 = arith.constant 0 : i32
    %lt3A_1912 = vector.broadcast %lt3A_1911 : i32 to vector<64x128xi32>
    %lt3A_1913 = arith.cmpi slt, %select_n3A_285, %lt3A_1912 : vector<64x128xi32>
    %add3A_1914 = arith.constant 128 : i32
    %add3A_1915 = vector.broadcast %add3A_1914 : i32 to vector<64x128xi32>
    %add3A_1916 = arith.addi %select_n3A_285, %add3A_1915 : vector<64x128xi32>
    %select_n3A_1917 = arith.select %lt3A_1913, %add3A_1916, %select_n3A_285 : vector<64x128xi1>, vector<64x128xi32>
    %reshape3A_1918 = vector.shape_cast %select_n3A_1917 : vector<64x128xi32> to vector<64x128x1xi32>
    %gather3A_1919 = vector.shape_cast %reshape3A_1918 : vector<64x128x1xi32> to vector<64x128xi32>
    %gather3A_1920 = tpu.dynamic_gather %slice3A_1832[%gather3A_1919] in [1] : vector<64x128xf32>, vector<64x128xi32> -> vector<64x128xf32>
    %lt3A_1921 = arith.constant 0 : i32
    %lt3A_1922 = vector.broadcast %lt3A_1921 : i32 to vector<64x128xi32>
    %lt3A_1923 = arith.cmpi slt, %select_n3A_285, %lt3A_1922 : vector<64x128xi32>
    %add3A_1924 = arith.constant 128 : i32
    %add3A_1925 = vector.broadcast %add3A_1924 : i32 to vector<64x128xi32>
    %add3A_1926 = arith.addi %select_n3A_285, %add3A_1925 : vector<64x128xi32>
    %select_n3A_1927 = arith.select %lt3A_1923, %add3A_1926, %select_n3A_285 : vector<64x128xi1>, vector<64x128xi32>
    %reshape3A_1928 = vector.shape_cast %select_n3A_1927 : vector<64x128xi32> to vector<64x128x1xi32>
    %gather3A_1929 = vector.shape_cast %reshape3A_1928 : vector<64x128x1xi32> to vector<64x128xi32>
    %gather3A_1930 = tpu.dynamic_gather %slice3A_1833[%gather3A_1929] in [1] : vector<64x128xf32>, vector<64x128xi32> -> vector<64x128xf32>
    %lt3A_1931 = arith.constant 0 : i32
    %lt3A_1932 = vector.broadcast %lt3A_1931 : i32 to vector<64x128xi32>
    %lt3A_1933 = arith.cmpi slt, %select_n3A_285, %lt3A_1932 : vector<64x128xi32>
    %add3A_1934 = arith.constant 128 : i32
    %add3A_1935 = vector.broadcast %add3A_1934 : i32 to vector<64x128xi32>
    %add3A_1936 = arith.addi %select_n3A_285, %add3A_1935 : vector<64x128xi32>
    %select_n3A_1937 = arith.select %lt3A_1933, %add3A_1936, %select_n3A_285 : vector<64x128xi1>, vector<64x128xi32>
    %reshape3A_1938 = vector.shape_cast %select_n3A_1937 : vector<64x128xi32> to vector<64x128x1xi32>
    %gather3A_1939 = vector.shape_cast %reshape3A_1938 : vector<64x128x1xi32> to vector<64x128xi32>
    %gather3A_1940 = tpu.dynamic_gather %slice3A_1834[%gather3A_1939] in [1] : vector<64x128xf32>, vector<64x128xi32> -> vector<64x128xf32>
    %select_n3A_1941 = arith.select %eq3A_313, %gather3A_1930, %gather3A_1940 : vector<64x128xi1>, vector<64x128xf32>
    %select_n3A_1942 = arith.select %eq3A_310, %gather3A_1920, %select_n3A_1941 : vector<64x128xi1>, vector<64x128xf32>
    %swap3A_1943 = arith.constant 0 : index
    %swap3A_1944 = arith.constant 0 : index
    %swap3A_1945 = arith.constant 5248 : index
    %swap3A_1946 = vector.load %arg2[%swap3A_1943, %swap3A_1944, %swap3A_1945] : memref<1x64x12288xf32, #tpu.memory_space<vmem>>, vector<1x64x128xf32>
    %swap3A_1947 = vector.shape_cast %swap3A_1946 : vector<1x64x128xf32> to vector<64x128xf32>
    %swap3A_1948 = vector.shape_cast %select_n3A_1942 : vector<64x128xf32> to vector<1x64x128xf32>
    tpu.vector_store %arg2[%swap3A_1943, %swap3A_1944, %swap3A_1945], %swap3A_1948 {strides = array<i32>} : memref<1x64x12288xf32, #tpu.memory_space<vmem>>, vector<1x64x128xf32>,
    %slice3A_1949 = vector.extract_strided_slice %select_n3A_104 {offsets = [0, 1792], sizes = [64, 128], strides = [1, 1]} : vector<64x4096xf32> to vector<64x128xf32>
    %slice3A_1950 = vector.extract_strided_slice %select_n3A_115 {offsets = [0, 1792], sizes = [64, 128], strides = [1, 1]} : vector<64x4096xf32> to vector<64x128xf32>
    %slice3A_1951 = vector.extract_strided_slice %select_n3A_126 {offsets = [0, 1792], sizes = [64, 128], strides = [1, 1]} : vector<64x4096xf32> to vector<64x128xf32>
    %lt3A_1952 = arith.constant 0 : i32
    %lt3A_1953 = vector.broadcast %lt3A_1952 : i32 to vector<64x128xi32>
    %lt3A_1954 = arith.cmpi slt, %select_n3A_161, %lt3A_1953 : vector<64x128xi32>
    %add3A_1955 = arith.constant 128 : i32
    %add3A_1956 = vector.broadcast %add3A_1955 : i32 to vector<64x128xi32>
    %add3A_1957 = arith.addi %select_n3A_161, %add3A_1956 : vector<64x128xi32>
    %select_n3A_1958 = arith.select %lt3A_1954, %add3A_1957, %select_n3A_161 : vector<64x128xi1>, vector<64x128xi32>
    %reshape3A_1959 = vector.shape_cast %select_n3A_1958 : vector<64x128xi32> to vector<64x128x1xi32>
    %gather3A_1960 = vector.shape_cast %reshape3A_1959 : vector<64x128x1xi32> to vector<64x128xi32>
    %gather3A_1961 = tpu.dynamic_gather %slice3A_1949[%gather3A_1960] in [1] : vector<64x128xf32>, vector<64x128xi32> -> vector<64x128xf32>
    %lt3A_1962 = arith.constant 0 : i32
    %lt3A_1963 = vector.broadcast %lt3A_1962 : i32 to vector<64x128xi32>
    %lt3A_1964 = arith.cmpi slt, %select_n3A_161, %lt3A_1963 : vector<64x128xi32>
    %add3A_1965 = arith.constant 128 : i32
    %add3A_1966 = vector.broadcast %add3A_1965 : i32 to vector<64x128xi32>
    %add3A_1967 = arith.addi %select_n3A_161, %add3A_1966 : vector<64x128xi32>
    %select_n3A_1968 = arith.select %lt3A_1964, %add3A_1967, %select_n3A_161 : vector<64x128xi1>, vector<64x128xi32>
    %reshape3A_1969 = vector.shape_cast %select_n3A_1968 : vector<64x128xi32> to vector<64x128x1xi32>
    %gather3A_1970 = vector.shape_cast %reshape3A_1969 : vector<64x128x1xi32> to vector<64x128xi32>
    %gather3A_1971 = tpu.dynamic_gather %slice3A_1950[%gather3A_1970] in [1] : vector<64x128xf32>, vector<64x128xi32> -> vector<64x128xf32>
    %lt3A_1972 = arith.constant 0 : i32
    %lt3A_1973 = vector.broadcast %lt3A_1972 : i32 to vector<64x128xi32>
    %lt3A_1974 = arith.cmpi slt, %select_n3A_161, %lt3A_1973 : vector<64x128xi32>
    %add3A_1975 = arith.constant 128 : i32
    %add3A_1976 = vector.broadcast %add3A_1975 : i32 to vector<64x128xi32>
    %add3A_1977 = arith.addi %select_n3A_161, %add3A_1976 : vector<64x128xi32>
    %select_n3A_1978 = arith.select %lt3A_1974, %add3A_1977, %select_n3A_161 : vector<64x128xi1>, vector<64x128xi32>
    %reshape3A_1979 = vector.shape_cast %select_n3A_1978 : vector<64x128xi32> to vector<64x128x1xi32>
    %gather3A_1980 = vector.shape_cast %reshape3A_1979 : vector<64x128x1xi32> to vector<64x128xi32>
    %gather3A_1981 = tpu.dynamic_gather %slice3A_1951[%gather3A_1980] in [1] : vector<64x128xf32>, vector<64x128xi32> -> vector<64x128xf32>
    %select_n3A_1982 = arith.select %eq3A_189, %gather3A_1971, %gather3A_1981 : vector<64x128xi1>, vector<64x128xf32>
    %select_n3A_1983 = arith.select %eq3A_186, %gather3A_1961, %select_n3A_1982 : vector<64x128xi1>, vector<64x128xf32>
    %swap3A_1984 = arith.constant 0 : index
    %swap3A_1985 = arith.constant 0 : index
    %swap3A_1986 = arith.constant 5376 : index
    %swap3A_1987 = vector.load %arg2[%swap3A_1984, %swap3A_1985, %swap3A_1986] : memref<1x64x12288xf32, #tpu.memory_space<vmem>>, vector<1x64x128xf32>
    %swap3A_1988 = vector.shape_cast %swap3A_1987 : vector<1x64x128xf32> to vector<64x128xf32>
    %swap3A_1989 = vector.shape_cast %select_n3A_1983 : vector<64x128xf32> to vector<1x64x128xf32>
    tpu.vector_store %arg2[%swap3A_1984, %swap3A_1985, %swap3A_1986], %swap3A_1989 {strides = array<i32>} : memref<1x64x12288xf32, #tpu.memory_space<vmem>>, vector<1x64x128xf32>,
    %lt3A_1990 = arith.constant 0 : i32
    %lt3A_1991 = vector.broadcast %lt3A_1990 : i32 to vector<64x128xi32>
    %lt3A_1992 = arith.cmpi slt, %select_n3A_223, %lt3A_1991 : vector<64x128xi32>
    %add3A_1993 = arith.constant 128 : i32
    %add3A_1994 = vector.broadcast %add3A_1993 : i32 to vector<64x128xi32>
    %add3A_1995 = arith.addi %select_n3A_223, %add3A_1994 : vector<64x128xi32>
    %select_n3A_1996 = arith.select %lt3A_1992, %add3A_1995, %select_n3A_223 : vector<64x128xi1>, vector<64x128xi32>
    %reshape3A_1997 = vector.shape_cast %select_n3A_1996 : vector<64x128xi32> to vector<64x128x1xi32>
    %gather3A_1998 = vector.shape_cast %reshape3A_1997 : vector<64x128x1xi32> to vector<64x128xi32>
    %gather3A_1999 = tpu.dynamic_gather %slice3A_1949[%gather3A_1998] in [1] : vector<64x128xf32>, vector<64x128xi32> -> vector<64x128xf32>
    %lt3A_2000 = arith.constant 0 : i32
    %lt3A_2001 = vector.broadcast %lt3A_2000 : i32 to vector<64x128xi32>
    %lt3A_2002 = arith.cmpi slt, %select_n3A_223, %lt3A_2001 : vector<64x128xi32>
    %add3A_2003 = arith.constant 128 : i32
    %add3A_2004 = vector.broadcast %add3A_2003 : i32 to vector<64x128xi32>
    %add3A_2005 = arith.addi %select_n3A_223, %add3A_2004 : vector<64x128xi32>
    %select_n3A_2006 = arith.select %lt3A_2002, %add3A_2005, %select_n3A_223 : vector<64x128xi1>, vector<64x128xi32>
    %reshape3A_2007 = vector.shape_cast %select_n3A_2006 : vector<64x128xi32> to vector<64x128x1xi32>
    %gather3A_2008 = vector.shape_cast %reshape3A_2007 : vector<64x128x1xi32> to vector<64x128xi32>
    %gather3A_2009 = tpu.dynamic_gather %slice3A_1950[%gather3A_2008] in [1] : vector<64x128xf32>, vector<64x128xi32> -> vector<64x128xf32>
    %lt3A_2010 = arith.constant 0 : i32
    %lt3A_2011 = vector.broadcast %lt3A_2010 : i32 to vector<64x128xi32>
    %lt3A_2012 = arith.cmpi slt, %select_n3A_223, %lt3A_2011 : vector<64x128xi32>
    %add3A_2013 = arith.constant 128 : i32
    %add3A_2014 = vector.broadcast %add3A_2013 : i32 to vector<64x128xi32>
    %add3A_2015 = arith.addi %select_n3A_223, %add3A_2014 : vector<64x128xi32>
    %select_n3A_2016 = arith.select %lt3A_2012, %add3A_2015, %select_n3A_223 : vector<64x128xi1>, vector<64x128xi32>
    %reshape3A_2017 = vector.shape_cast %select_n3A_2016 : vector<64x128xi32> to vector<64x128x1xi32>
    %gather3A_2018 = vector.shape_cast %reshape3A_2017 : vector<64x128x1xi32> to vector<64x128xi32>
    %gather3A_2019 = tpu.dynamic_gather %slice3A_1951[%gather3A_2018] in [1] : vector<64x128xf32>, vector<64x128xi32> -> vector<64x128xf32>
    %select_n3A_2020 = arith.select %eq3A_251, %gather3A_2009, %gather3A_2019 : vector<64x128xi1>, vector<64x128xf32>
    %select_n3A_2021 = arith.select %eq3A_248, %gather3A_1999, %select_n3A_2020 : vector<64x128xi1>, vector<64x128xf32>
    %swap3A_2022 = arith.constant 0 : index
    %swap3A_2023 = arith.constant 0 : index
    %swap3A_2024 = arith.constant 5504 : index
    %swap3A_2025 = vector.load %arg2[%swap3A_2022, %swap3A_2023, %swap3A_2024] : memref<1x64x12288xf32, #tpu.memory_space<vmem>>, vector<1x64x128xf32>
    %swap3A_2026 = vector.shape_cast %swap3A_2025 : vector<1x64x128xf32> to vector<64x128xf32>
    %swap3A_2027 = vector.shape_cast %select_n3A_2021 : vector<64x128xf32> to vector<1x64x128xf32>
    tpu.vector_store %arg2[%swap3A_2022, %swap3A_2023, %swap3A_2024], %swap3A_2027 {strides = array<i32>} : memref<1x64x12288xf32, #tpu.memory_space<vmem>>, vector<1x64x128xf32>,
    %lt3A_2028 = arith.constant 0 : i32
    %lt3A_2029 = vector.broadcast %lt3A_2028 : i32 to vector<64x128xi32>
    %lt3A_2030 = arith.cmpi slt, %select_n3A_285, %lt3A_2029 : vector<64x128xi32>
    %add3A_2031 = arith.constant 128 : i32
    %add3A_2032 = vector.broadcast %add3A_2031 : i32 to vector<64x128xi32>
    %add3A_2033 = arith.addi %select_n3A_285, %add3A_2032 : vector<64x128xi32>
    %select_n3A_2034 = arith.select %lt3A_2030, %add3A_2033, %select_n3A_285 : vector<64x128xi1>, vector<64x128xi32>
    %reshape3A_2035 = vector.shape_cast %select_n3A_2034 : vector<64x128xi32> to vector<64x128x1xi32>
    %gather3A_2036 = vector.shape_cast %reshape3A_2035 : vector<64x128x1xi32> to vector<64x128xi32>
    %gather3A_2037 = tpu.dynamic_gather %slice3A_1949[%gather3A_2036] in [1] : vector<64x128xf32>, vector<64x128xi32> -> vector<64x128xf32>
    %lt3A_2038 = arith.constant 0 : i32
    %lt3A_2039 = vector.broadcast %lt3A_2038 : i32 to vector<64x128xi32>
    %lt3A_2040 = arith.cmpi slt, %select_n3A_285, %lt3A_2039 : vector<64x128xi32>
    %add3A_2041 = arith.constant 128 : i32
    %add3A_2042 = vector.broadcast %add3A_2041 : i32 to vector<64x128xi32>
    %add3A_2043 = arith.addi %select_n3A_285, %add3A_2042 : vector<64x128xi32>
    %select_n3A_2044 = arith.select %lt3A_2040, %add3A_2043, %select_n3A_285 : vector<64x128xi1>, vector<64x128xi32>
    %reshape3A_2045 = vector.shape_cast %select_n3A_2044 : vector<64x128xi32> to vector<64x128x1xi32>
    %gather3A_2046 = vector.shape_cast %reshape3A_2045 : vector<64x128x1xi32> to vector<64x128xi32>
    %gather3A_2047 = tpu.dynamic_gather %slice3A_1950[%gather3A_2046] in [1] : vector<64x128xf32>, vector<64x128xi32> -> vector<64x128xf32>
    %lt3A_2048 = arith.constant 0 : i32
    %lt3A_2049 = vector.broadcast %lt3A_2048 : i32 to vector<64x128xi32>
    %lt3A_2050 = arith.cmpi slt, %select_n3A_285, %lt3A_2049 : vector<64x128xi32>
    %add3A_2051 = arith.constant 128 : i32
    %add3A_2052 = vector.broadcast %add3A_2051 : i32 to vector<64x128xi32>
    %add3A_2053 = arith.addi %select_n3A_285, %add3A_2052 : vector<64x128xi32>
    %select_n3A_2054 = arith.select %lt3A_2050, %add3A_2053, %select_n3A_285 : vector<64x128xi1>, vector<64x128xi32>
    %reshape3A_2055 = vector.shape_cast %select_n3A_2054 : vector<64x128xi32> to vector<64x128x1xi32>
    %gather3A_2056 = vector.shape_cast %reshape3A_2055 : vector<64x128x1xi32> to vector<64x128xi32>
    %gather3A_2057 = tpu.dynamic_gather %slice3A_1951[%gather3A_2056] in [1] : vector<64x128xf32>, vector<64x128xi32> -> vector<64x128xf32>
    %select_n3A_2058 = arith.select %eq3A_313, %gather3A_2047, %gather3A_2057 : vector<64x128xi1>, vector<64x128xf32>
    %select_n3A_2059 = arith.select %eq3A_310, %gather3A_2037, %select_n3A_2058 : vector<64x128xi1>, vector<64x128xf32>
    %swap3A_2060 = arith.constant 0 : index
    %swap3A_2061 = arith.constant 0 : index
    %swap3A_2062 = arith.constant 5632 : index
    %swap3A_2063 = vector.load %arg2[%swap3A_2060, %swap3A_2061, %swap3A_2062] : memref<1x64x12288xf32, #tpu.memory_space<vmem>>, vector<1x64x128xf32>
    %swap3A_2064 = vector.shape_cast %swap3A_2063 : vector<1x64x128xf32> to vector<64x128xf32>
    %swap3A_2065 = vector.shape_cast %select_n3A_2059 : vector<64x128xf32> to vector<1x64x128xf32>
    tpu.vector_store %arg2[%swap3A_2060, %swap3A_2061, %swap3A_2062], %swap3A_2065 {strides = array<i32>} : memref<1x64x12288xf32, #tpu.memory_space<vmem>>, vector<1x64x128xf32>,
    %slice3A_2066 = vector.extract_strided_slice %select_n3A_104 {offsets = [0, 1920], sizes = [64, 128], strides = [1, 1]} : vector<64x4096xf32> to vector<64x128xf32>
    %slice3A_2067 = vector.extract_strided_slice %select_n3A_115 {offsets = [0, 1920], sizes = [64, 128], strides = [1, 1]} : vector<64x4096xf32> to vector<64x128xf32>
    %slice3A_2068 = vector.extract_strided_slice %select_n3A_126 {offsets = [0, 1920], sizes = [64, 128], strides = [1, 1]} : vector<64x4096xf32> to vector<64x128xf32>
    %lt3A_2069 = arith.constant 0 : i32
    %lt3A_2070 = vector.broadcast %lt3A_2069 : i32 to vector<64x128xi32>
    %lt3A_2071 = arith.cmpi slt, %select_n3A_161, %lt3A_2070 : vector<64x128xi32>
    %add3A_2072 = arith.constant 128 : i32
    %add3A_2073 = vector.broadcast %add3A_2072 : i32 to vector<64x128xi32>
    %add3A_2074 = arith.addi %select_n3A_161, %add3A_2073 : vector<64x128xi32>
    %select_n3A_2075 = arith.select %lt3A_2071, %add3A_2074, %select_n3A_161 : vector<64x128xi1>, vector<64x128xi32>
    %reshape3A_2076 = vector.shape_cast %select_n3A_2075 : vector<64x128xi32> to vector<64x128x1xi32>
    %gather3A_2077 = vector.shape_cast %reshape3A_2076 : vector<64x128x1xi32> to vector<64x128xi32>
    %gather3A_2078 = tpu.dynamic_gather %slice3A_2066[%gather3A_2077] in [1] : vector<64x128xf32>, vector<64x128xi32> -> vector<64x128xf32>
    %lt3A_2079 = arith.constant 0 : i32
    %lt3A_2080 = vector.broadcast %lt3A_2079 : i32 to vector<64x128xi32>
    %lt3A_2081 = arith.cmpi slt, %select_n3A_161, %lt3A_2080 : vector<64x128xi32>
    %add3A_2082 = arith.constant 128 : i32
    %add3A_2083 = vector.broadcast %add3A_2082 : i32 to vector<64x128xi32>
    %add3A_2084 = arith.addi %select_n3A_161, %add3A_2083 : vector<64x128xi32>
    %select_n3A_2085 = arith.select %lt3A_2081, %add3A_2084, %select_n3A_161 : vector<64x128xi1>, vector<64x128xi32>
    %reshape3A_2086 = vector.shape_cast %select_n3A_2085 : vector<64x128xi32> to vector<64x128x1xi32>
    %gather3A_2087 = vector.shape_cast %reshape3A_2086 : vector<64x128x1xi32> to vector<64x128xi32>
    %gather3A_2088 = tpu.dynamic_gather %slice3A_2067[%gather3A_2087] in [1] : vector<64x128xf32>, vector<64x128xi32> -> vector<64x128xf32>
    %lt3A_2089 = arith.constant 0 : i32
    %lt3A_2090 = vector.broadcast %lt3A_2089 : i32 to vector<64x128xi32>
    %lt3A_2091 = arith.cmpi slt, %select_n3A_161, %lt3A_2090 : vector<64x128xi32>
    %add3A_2092 = arith.constant 128 : i32
    %add3A_2093 = vector.broadcast %add3A_2092 : i32 to vector<64x128xi32>
    %add3A_2094 = arith.addi %select_n3A_161, %add3A_2093 : vector<64x128xi32>
    %select_n3A_2095 = arith.select %lt3A_2091, %add3A_2094, %select_n3A_161 : vector<64x128xi1>, vector<64x128xi32>
    %reshape3A_2096 = vector.shape_cast %select_n3A_2095 : vector<64x128xi32> to vector<64x128x1xi32>
    %gather3A_2097 = vector.shape_cast %reshape3A_2096 : vector<64x128x1xi32> to vector<64x128xi32>
    %gather3A_2098 = tpu.dynamic_gather %slice3A_2068[%gather3A_2097] in [1] : vector<64x128xf32>, vector<64x128xi32> -> vector<64x128xf32>
    %select_n3A_2099 = arith.select %eq3A_189, %gather3A_2088, %gather3A_2098 : vector<64x128xi1>, vector<64x128xf32>
    %select_n3A_2100 = arith.select %eq3A_186, %gather3A_2078, %select_n3A_2099 : vector<64x128xi1>, vector<64x128xf32>
    %swap3A_2101 = arith.constant 0 : index
    %swap3A_2102 = arith.constant 0 : index
    %swap3A_2103 = arith.constant 5760 : index
    %swap3A_2104 = vector.load %arg2[%swap3A_2101, %swap3A_2102, %swap3A_2103] : memref<1x64x12288xf32, #tpu.memory_space<vmem>>, vector<1x64x128xf32>
    %swap3A_2105 = vector.shape_cast %swap3A_2104 : vector<1x64x128xf32> to vector<64x128xf32>
    %swap3A_2106 = vector.shape_cast %select_n3A_2100 : vector<64x128xf32> to vector<1x64x128xf32>
    tpu.vector_store %arg2[%swap3A_2101, %swap3A_2102, %swap3A_2103], %swap3A_2106 {strides = array<i32>} : memref<1x64x12288xf32, #tpu.memory_space<vmem>>, vector<1x64x128xf32>,
    %lt3A_2107 = arith.constant 0 : i32
    %lt3A_2108 = vector.broadcast %lt3A_2107 : i32 to vector<64x128xi32>
    %lt3A_2109 = arith.cmpi slt, %select_n3A_223, %lt3A_2108 : vector<64x128xi32>
    %add3A_2110 = arith.constant 128 : i32
    %add3A_2111 = vector.broadcast %add3A_2110 : i32 to vector<64x128xi32>
    %add3A_2112 = arith.addi %select_n3A_223, %add3A_2111 : vector<64x128xi32>
    %select_n3A_2113 = arith.select %lt3A_2109, %add3A_2112, %select_n3A_223 : vector<64x128xi1>, vector<64x128xi32>
    %reshape3A_2114 = vector.shape_cast %select_n3A_2113 : vector<64x128xi32> to vector<64x128x1xi32>
    %gather3A_2115 = vector.shape_cast %reshape3A_2114 : vector<64x128x1xi32> to vector<64x128xi32>
    %gather3A_2116 = tpu.dynamic_gather %slice3A_2066[%gather3A_2115] in [1] : vector<64x128xf32>, vector<64x128xi32> -> vector<64x128xf32>
    %lt3A_2117 = arith.constant 0 : i32
    %lt3A_2118 = vector.broadcast %lt3A_2117 : i32 to vector<64x128xi32>
    %lt3A_2119 = arith.cmpi slt, %select_n3A_223, %lt3A_2118 : vector<64x128xi32>
    %add3A_2120 = arith.constant 128 : i32
    %add3A_2121 = vector.broadcast %add3A_2120 : i32 to vector<64x128xi32>
    %add3A_2122 = arith.addi %select_n3A_223, %add3A_2121 : vector<64x128xi32>
    %select_n3A_2123 = arith.select %lt3A_2119, %add3A_2122, %select_n3A_223 : vector<64x128xi1>, vector<64x128xi32>
    %reshape3A_2124 = vector.shape_cast %select_n3A_2123 : vector<64x128xi32> to vector<64x128x1xi32>
    %gather3A_2125 = vector.shape_cast %reshape3A_2124 : vector<64x128x1xi32> to vector<64x128xi32>
    %gather3A_2126 = tpu.dynamic_gather %slice3A_2067[%gather3A_2125] in [1] : vector<64x128xf32>, vector<64x128xi32> -> vector<64x128xf32>
    %lt3A_2127 = arith.constant 0 : i32
    %lt3A_2128 = vector.broadcast %lt3A_2127 : i32 to vector<64x128xi32>
    %lt3A_2129 = arith.cmpi slt, %select_n3A_223, %lt3A_2128 : vector<64x128xi32>
    %add3A_2130 = arith.constant 128 : i32
    %add3A_2131 = vector.broadcast %add3A_2130 : i32 to vector<64x128xi32>
    %add3A_2132 = arith.addi %select_n3A_223, %add3A_2131 : vector<64x128xi32>
    %select_n3A_2133 = arith.select %lt3A_2129, %add3A_2132, %select_n3A_223 : vector<64x128xi1>, vector<64x128xi32>
    %reshape3A_2134 = vector.shape_cast %select_n3A_2133 : vector<64x128xi32> to vector<64x128x1xi32>
    %gather3A_2135 = vector.shape_cast %reshape3A_2134 : vector<64x128x1xi32> to vector<64x128xi32>
    %gather3A_2136 = tpu.dynamic_gather %slice3A_2068[%gather3A_2135] in [1] : vector<64x128xf32>, vector<64x128xi32> -> vector<64x128xf32>
    %select_n3A_2137 = arith.select %eq3A_251, %gather3A_2126, %gather3A_2136 : vector<64x128xi1>, vector<64x128xf32>
    %select_n3A_2138 = arith.select %eq3A_248, %gather3A_2116, %select_n3A_2137 : vector<64x128xi1>, vector<64x128xf32>
    %swap3A_2139 = arith.constant 0 : index
    %swap3A_2140 = arith.constant 0 : index
    %swap3A_2141 = arith.constant 5888 : index
    %swap3A_2142 = vector.load %arg2[%swap3A_2139, %swap3A_2140, %swap3A_2141] : memref<1x64x12288xf32, #tpu.memory_space<vmem>>, vector<1x64x128xf32>
    %swap3A_2143 = vector.shape_cast %swap3A_2142 : vector<1x64x128xf32> to vector<64x128xf32>
    %swap3A_2144 = vector.shape_cast %select_n3A_2138 : vector<64x128xf32> to vector<1x64x128xf32>
    tpu.vector_store %arg2[%swap3A_2139, %swap3A_2140, %swap3A_2141], %swap3A_2144 {strides = array<i32>} : memref<1x64x12288xf32, #tpu.memory_space<vmem>>, vector<1x64x128xf32>,
    %lt3A_2145 = arith.constant 0 : i32
    %lt3A_2146 = vector.broadcast %lt3A_2145 : i32 to vector<64x128xi32>
    %lt3A_2147 = arith.cmpi slt, %select_n3A_285, %lt3A_2146 : vector<64x128xi32>
    %add3A_2148 = arith.constant 128 : i32
    %add3A_2149 = vector.broadcast %add3A_2148 : i32 to vector<64x128xi32>
    %add3A_2150 = arith.addi %select_n3A_285, %add3A_2149 : vector<64x128xi32>
    %select_n3A_2151 = arith.select %lt3A_2147, %add3A_2150, %select_n3A_285 : vector<64x128xi1>, vector<64x128xi32>
    %reshape3A_2152 = vector.shape_cast %select_n3A_2151 : vector<64x128xi32> to vector<64x128x1xi32>
    %gather3A_2153 = vector.shape_cast %reshape3A_2152 : vector<64x128x1xi32> to vector<64x128xi32>
    %gather3A_2154 = tpu.dynamic_gather %slice3A_2066[%gather3A_2153] in [1] : vector<64x128xf32>, vector<64x128xi32> -> vector<64x128xf32>
    %lt3A_2155 = arith.constant 0 : i32
    %lt3A_2156 = vector.broadcast %lt3A_2155 : i32 to vector<64x128xi32>
    %lt3A_2157 = arith.cmpi slt, %select_n3A_285, %lt3A_2156 : vector<64x128xi32>
    %add3A_2158 = arith.constant 128 : i32
    %add3A_2159 = vector.broadcast %add3A_2158 : i32 to vector<64x128xi32>
    %add3A_2160 = arith.addi %select_n3A_285, %add3A_2159 : vector<64x128xi32>
    %select_n3A_2161 = arith.select %lt3A_2157, %add3A_2160, %select_n3A_285 : vector<64x128xi1>, vector<64x128xi32>
    %reshape3A_2162 = vector.shape_cast %select_n3A_2161 : vector<64x128xi32> to vector<64x128x1xi32>
    %gather3A_2163 = vector.shape_cast %reshape3A_2162 : vector<64x128x1xi32> to vector<64x128xi32>
    %gather3A_2164 = tpu.dynamic_gather %slice3A_2067[%gather3A_2163] in [1] : vector<64x128xf32>, vector<64x128xi32> -> vector<64x128xf32>
    %lt3A_2165 = arith.constant 0 : i32
    %lt3A_2166 = vector.broadcast %lt3A_2165 : i32 to vector<64x128xi32>
    %lt3A_2167 = arith.cmpi slt, %select_n3A_285, %lt3A_2166 : vector<64x128xi32>
    %add3A_2168 = arith.constant 128 : i32
    %add3A_2169 = vector.broadcast %add3A_2168 : i32 to vector<64x128xi32>
    %add3A_2170 = arith.addi %select_n3A_285, %add3A_2169 : vector<64x128xi32>
    %select_n3A_2171 = arith.select %lt3A_2167, %add3A_2170, %select_n3A_285 : vector<64x128xi1>, vector<64x128xi32>
    %reshape3A_2172 = vector.shape_cast %select_n3A_2171 : vector<64x128xi32> to vector<64x128x1xi32>
    %gather3A_2173 = vector.shape_cast %reshape3A_2172 : vector<64x128x1xi32> to vector<64x128xi32>
    %gather3A_2174 = tpu.dynamic_gather %slice3A_2068[%gather3A_2173] in [1] : vector<64x128xf32>, vector<64x128xi32> -> vector<64x128xf32>
    %select_n3A_2175 = arith.select %eq3A_313, %gather3A_2164, %gather3A_2174 : vector<64x128xi1>, vector<64x128xf32>
    %select_n3A_2176 = arith.select %eq3A_310, %gather3A_2154, %select_n3A_2175 : vector<64x128xi1>, vector<64x128xf32>
    %swap3A_2177 = arith.constant 0 : index
    %swap3A_2178 = arith.constant 0 : index
    %swap3A_2179 = arith.constant 6016 : index
    %swap3A_2180 = vector.load %arg2[%swap3A_2177, %swap3A_2178, %swap3A_2179] : memref<1x64x12288xf32, #tpu.memory_space<vmem>>, vector<1x64x128xf32>
    %swap3A_2181 = vector.shape_cast %swap3A_2180 : vector<1x64x128xf32> to vector<64x128xf32>
    %swap3A_2182 = vector.shape_cast %select_n3A_2176 : vector<64x128xf32> to vector<1x64x128xf32>
    tpu.vector_store %arg2[%swap3A_2177, %swap3A_2178, %swap3A_2179], %swap3A_2182 {strides = array<i32>} : memref<1x64x12288xf32, #tpu.memory_space<vmem>>, vector<1x64x128xf32>,
    %slice3A_2183 = vector.extract_strided_slice %select_n3A_104 {offsets = [0, 2048], sizes = [64, 128], strides = [1, 1]} : vector<64x4096xf32> to vector<64x128xf32>
    %slice3A_2184 = vector.extract_strided_slice %select_n3A_115 {offsets = [0, 2048], sizes = [64, 128], strides = [1, 1]} : vector<64x4096xf32> to vector<64x128xf32>
    %slice3A_2185 = vector.extract_strided_slice %select_n3A_126 {offsets = [0, 2048], sizes = [64, 128], strides = [1, 1]} : vector<64x4096xf32> to vector<64x128xf32>
    %lt3A_2186 = arith.constant 0 : i32
    %lt3A_2187 = vector.broadcast %lt3A_2186 : i32 to vector<64x128xi32>
    %lt3A_2188 = arith.cmpi slt, %select_n3A_161, %lt3A_2187 : vector<64x128xi32>
    %add3A_2189 = arith.constant 128 : i32
    %add3A_2190 = vector.broadcast %add3A_2189 : i32 to vector<64x128xi32>
    %add3A_2191 = arith.addi %select_n3A_161, %add3A_2190 : vector<64x128xi32>
    %select_n3A_2192 = arith.select %lt3A_2188, %add3A_2191, %select_n3A_161 : vector<64x128xi1>, vector<64x128xi32>
    %reshape3A_2193 = vector.shape_cast %select_n3A_2192 : vector<64x128xi32> to vector<64x128x1xi32>
    %gather3A_2194 = vector.shape_cast %reshape3A_2193 : vector<64x128x1xi32> to vector<64x128xi32>
    %gather3A_2195 = tpu.dynamic_gather %slice3A_2183[%gather3A_2194] in [1] : vector<64x128xf32>, vector<64x128xi32> -> vector<64x128xf32>
    %lt3A_2196 = arith.constant 0 : i32
    %lt3A_2197 = vector.broadcast %lt3A_2196 : i32 to vector<64x128xi32>
    %lt3A_2198 = arith.cmpi slt, %select_n3A_161, %lt3A_2197 : vector<64x128xi32>
    %add3A_2199 = arith.constant 128 : i32
    %add3A_2200 = vector.broadcast %add3A_2199 : i32 to vector<64x128xi32>
    %add3A_2201 = arith.addi %select_n3A_161, %add3A_2200 : vector<64x128xi32>
    %select_n3A_2202 = arith.select %lt3A_2198, %add3A_2201, %select_n3A_161 : vector<64x128xi1>, vector<64x128xi32>
    %reshape3A_2203 = vector.shape_cast %select_n3A_2202 : vector<64x128xi32> to vector<64x128x1xi32>
    %gather3A_2204 = vector.shape_cast %reshape3A_2203 : vector<64x128x1xi32> to vector<64x128xi32>
    %gather3A_2205 = tpu.dynamic_gather %slice3A_2184[%gather3A_2204] in [1] : vector<64x128xf32>, vector<64x128xi32> -> vector<64x128xf32>
    %lt3A_2206 = arith.constant 0 : i32
    %lt3A_2207 = vector.broadcast %lt3A_2206 : i32 to vector<64x128xi32>
    %lt3A_2208 = arith.cmpi slt, %select_n3A_161, %lt3A_2207 : vector<64x128xi32>
    %add3A_2209 = arith.constant 128 : i32
    %add3A_2210 = vector.broadcast %add3A_2209 : i32 to vector<64x128xi32>
    %add3A_2211 = arith.addi %select_n3A_161, %add3A_2210 : vector<64x128xi32>
    %select_n3A_2212 = arith.select %lt3A_2208, %add3A_2211, %select_n3A_161 : vector<64x128xi1>, vector<64x128xi32>
    %reshape3A_2213 = vector.shape_cast %select_n3A_2212 : vector<64x128xi32> to vector<64x128x1xi32>
    %gather3A_2214 = vector.shape_cast %reshape3A_2213 : vector<64x128x1xi32> to vector<64x128xi32>
    %gather3A_2215 = tpu.dynamic_gather %slice3A_2185[%gather3A_2214] in [1] : vector<64x128xf32>, vector<64x128xi32> -> vector<64x128xf32>
    %select_n3A_2216 = arith.select %eq3A_189, %gather3A_2205, %gather3A_2215 : vector<64x128xi1>, vector<64x128xf32>
    %select_n3A_2217 = arith.select %eq3A_186, %gather3A_2195, %select_n3A_2216 : vector<64x128xi1>, vector<64x128xf32>
    %swap3A_2218 = arith.constant 0 : index
    %swap3A_2219 = arith.constant 0 : index
    %swap3A_2220 = arith.constant 6144 : index
    %swap3A_2221 = vector.load %arg2[%swap3A_2218, %swap3A_2219, %swap3A_2220] : memref<1x64x12288xf32, #tpu.memory_space<vmem>>, vector<1x64x128xf32>
    %swap3A_2222 = vector.shape_cast %swap3A_2221 : vector<1x64x128xf32> to vector<64x128xf32>
    %swap3A_2223 = vector.shape_cast %select_n3A_2217 : vector<64x128xf32> to vector<1x64x128xf32>
    tpu.vector_store %arg2[%swap3A_2218, %swap3A_2219, %swap3A_2220], %swap3A_2223 {strides = array<i32>} : memref<1x64x12288xf32, #tpu.memory_space<vmem>>, vector<1x64x128xf32>,
    %lt3A_2224 = arith.constant 0 : i32
    %lt3A_2225 = vector.broadcast %lt3A_2224 : i32 to vector<64x128xi32>
    %lt3A_2226 = arith.cmpi slt, %select_n3A_223, %lt3A_2225 : vector<64x128xi32>
    %add3A_2227 = arith.constant 128 : i32
    %add3A_2228 = vector.broadcast %add3A_2227 : i32 to vector<64x128xi32>
    %add3A_2229 = arith.addi %select_n3A_223, %add3A_2228 : vector<64x128xi32>
    %select_n3A_2230 = arith.select %lt3A_2226, %add3A_2229, %select_n3A_223 : vector<64x128xi1>, vector<64x128xi32>
    %reshape3A_2231 = vector.shape_cast %select_n3A_2230 : vector<64x128xi32> to vector<64x128x1xi32>
    %gather3A_2232 = vector.shape_cast %reshape3A_2231 : vector<64x128x1xi32> to vector<64x128xi32>
    %gather3A_2233 = tpu.dynamic_gather %slice3A_2183[%gather3A_2232] in [1] : vector<64x128xf32>, vector<64x128xi32> -> vector<64x128xf32>
    %lt3A_2234 = arith.constant 0 : i32
    %lt3A_2235 = vector.broadcast %lt3A_2234 : i32 to vector<64x128xi32>
    %lt3A_2236 = arith.cmpi slt, %select_n3A_223, %lt3A_2235 : vector<64x128xi32>
    %add3A_2237 = arith.constant 128 : i32
    %add3A_2238 = vector.broadcast %add3A_2237 : i32 to vector<64x128xi32>
    %add3A_2239 = arith.addi %select_n3A_223, %add3A_2238 : vector<64x128xi32>
    %select_n3A_2240 = arith.select %lt3A_2236, %add3A_2239, %select_n3A_223 : vector<64x128xi1>, vector<64x128xi32>
    %reshape3A_2241 = vector.shape_cast %select_n3A_2240 : vector<64x128xi32> to vector<64x128x1xi32>
    %gather3A_2242 = vector.shape_cast %reshape3A_2241 : vector<64x128x1xi32> to vector<64x128xi32>
    %gather3A_2243 = tpu.dynamic_gather %slice3A_2184[%gather3A_2242] in [1] : vector<64x128xf32>, vector<64x128xi32> -> vector<64x128xf32>
    %lt3A_2244 = arith.constant 0 : i32
    %lt3A_2245 = vector.broadcast %lt3A_2244 : i32 to vector<64x128xi32>
    %lt3A_2246 = arith.cmpi slt, %select_n3A_223, %lt3A_2245 : vector<64x128xi32>
    %add3A_2247 = arith.constant 128 : i32
    %add3A_2248 = vector.broadcast %add3A_2247 : i32 to vector<64x128xi32>
    %add3A_2249 = arith.addi %select_n3A_223, %add3A_2248 : vector<64x128xi32>
    %select_n3A_2250 = arith.select %lt3A_2246, %add3A_2249, %select_n3A_223 : vector<64x128xi1>, vector<64x128xi32>
    %reshape3A_2251 = vector.shape_cast %select_n3A_2250 : vector<64x128xi32> to vector<64x128x1xi32>
    %gather3A_2252 = vector.shape_cast %reshape3A_2251 : vector<64x128x1xi32> to vector<64x128xi32>
    %gather3A_2253 = tpu.dynamic_gather %slice3A_2185[%gather3A_2252] in [1] : vector<64x128xf32>, vector<64x128xi32> -> vector<64x128xf32>
    %select_n3A_2254 = arith.select %eq3A_251, %gather3A_2243, %gather3A_2253 : vector<64x128xi1>, vector<64x128xf32>
    %select_n3A_2255 = arith.select %eq3A_248, %gather3A_2233, %select_n3A_2254 : vector<64x128xi1>, vector<64x128xf32>
    %swap3A_2256 = arith.constant 0 : index
    %swap3A_2257 = arith.constant 0 : index
    %swap3A_2258 = arith.constant 6272 : index
    %swap3A_2259 = vector.load %arg2[%swap3A_2256, %swap3A_2257, %swap3A_2258] : memref<1x64x12288xf32, #tpu.memory_space<vmem>>, vector<1x64x128xf32>
    %swap3A_2260 = vector.shape_cast %swap3A_2259 : vector<1x64x128xf32> to vector<64x128xf32>
    %swap3A_2261 = vector.shape_cast %select_n3A_2255 : vector<64x128xf32> to vector<1x64x128xf32>
    tpu.vector_store %arg2[%swap3A_2256, %swap3A_2257, %swap3A_2258], %swap3A_2261 {strides = array<i32>} : memref<1x64x12288xf32, #tpu.memory_space<vmem>>, vector<1x64x128xf32>,
    %lt3A_2262 = arith.constant 0 : i32
    %lt3A_2263 = vector.broadcast %lt3A_2262 : i32 to vector<64x128xi32>
    %lt3A_2264 = arith.cmpi slt, %select_n3A_285, %lt3A_2263 : vector<64x128xi32>
    %add3A_2265 = arith.constant 128 : i32
    %add3A_2266 = vector.broadcast %add3A_2265 : i32 to vector<64x128xi32>
    %add3A_2267 = arith.addi %select_n3A_285, %add3A_2266 : vector<64x128xi32>
    %select_n3A_2268 = arith.select %lt3A_2264, %add3A_2267, %select_n3A_285 : vector<64x128xi1>, vector<64x128xi32>
    %reshape3A_2269 = vector.shape_cast %select_n3A_2268 : vector<64x128xi32> to vector<64x128x1xi32>
    %gather3A_2270 = vector.shape_cast %reshape3A_2269 : vector<64x128x1xi32> to vector<64x128xi32>
    %gather3A_2271 = tpu.dynamic_gather %slice3A_2183[%gather3A_2270] in [1] : vector<64x128xf32>, vector<64x128xi32> -> vector<64x128xf32>
    %lt3A_2272 = arith.constant 0 : i32
    %lt3A_2273 = vector.broadcast %lt3A_2272 : i32 to vector<64x128xi32>
    %lt3A_2274 = arith.cmpi slt, %select_n3A_285, %lt3A_2273 : vector<64x128xi32>
    %add3A_2275 = arith.constant 128 : i32
    %add3A_2276 = vector.broadcast %add3A_2275 : i32 to vector<64x128xi32>
    %add3A_2277 = arith.addi %select_n3A_285, %add3A_2276 : vector<64x128xi32>
    %select_n3A_2278 = arith.select %lt3A_2274, %add3A_2277, %select_n3A_285 : vector<64x128xi1>, vector<64x128xi32>
    %reshape3A_2279 = vector.shape_cast %select_n3A_2278 : vector<64x128xi32> to vector<64x128x1xi32>
    %gather3A_2280 = vector.shape_cast %reshape3A_2279 : vector<64x128x1xi32> to vector<64x128xi32>
    %gather3A_2281 = tpu.dynamic_gather %slice3A_2184[%gather3A_2280] in [1] : vector<64x128xf32>, vector<64x128xi32> -> vector<64x128xf32>
    %lt3A_2282 = arith.constant 0 : i32
    %lt3A_2283 = vector.broadcast %lt3A_2282 : i32 to vector<64x128xi32>
    %lt3A_2284 = arith.cmpi slt, %select_n3A_285, %lt3A_2283 : vector<64x128xi32>
    %add3A_2285 = arith.constant 128 : i32
    %add3A_2286 = vector.broadcast %add3A_2285 : i32 to vector<64x128xi32>
    %add3A_2287 = arith.addi %select_n3A_285, %add3A_2286 : vector<64x128xi32>
    %select_n3A_2288 = arith.select %lt3A_2284, %add3A_2287, %select_n3A_285 : vector<64x128xi1>, vector<64x128xi32>
    %reshape3A_2289 = vector.shape_cast %select_n3A_2288 : vector<64x128xi32> to vector<64x128x1xi32>
    %gather3A_2290 = vector.shape_cast %reshape3A_2289 : vector<64x128x1xi32> to vector<64x128xi32>
    %gather3A_2291 = tpu.dynamic_gather %slice3A_2185[%gather3A_2290] in [1] : vector<64x128xf32>, vector<64x128xi32> -> vector<64x128xf32>
    %select_n3A_2292 = arith.select %eq3A_313, %gather3A_2281, %gather3A_2291 : vector<64x128xi1>, vector<64x128xf32>
    %select_n3A_2293 = arith.select %eq3A_310, %gather3A_2271, %select_n3A_2292 : vector<64x128xi1>, vector<64x128xf32>
    %swap3A_2294 = arith.constant 0 : index
    %swap3A_2295 = arith.constant 0 : index
    %swap3A_2296 = arith.constant 6400 : index
    %swap3A_2297 = vector.load %arg2[%swap3A_2294, %swap3A_2295, %swap3A_2296] : memref<1x64x12288xf32, #tpu.memory_space<vmem>>, vector<1x64x128xf32>
    %swap3A_2298 = vector.shape_cast %swap3A_2297 : vector<1x64x128xf32> to vector<64x128xf32>
    %swap3A_2299 = vector.shape_cast %select_n3A_2293 : vector<64x128xf32> to vector<1x64x128xf32>
    tpu.vector_store %arg2[%swap3A_2294, %swap3A_2295, %swap3A_2296], %swap3A_2299 {strides = array<i32>} : memref<1x64x12288xf32, #tpu.memory_space<vmem>>, vector<1x64x128xf32>,
    %slice3A_2300 = vector.extract_strided_slice %select_n3A_104 {offsets = [0, 2176], sizes = [64, 128], strides = [1, 1]} : vector<64x4096xf32> to vector<64x128xf32>
    %slice3A_2301 = vector.extract_strided_slice %select_n3A_115 {offsets = [0, 2176], sizes = [64, 128], strides = [1, 1]} : vector<64x4096xf32> to vector<64x128xf32>
    %slice3A_2302 = vector.extract_strided_slice %select_n3A_126 {offsets = [0, 2176], sizes = [64, 128], strides = [1, 1]} : vector<64x4096xf32> to vector<64x128xf32>
    %lt3A_2303 = arith.constant 0 : i32
    %lt3A_2304 = vector.broadcast %lt3A_2303 : i32 to vector<64x128xi32>
    %lt3A_2305 = arith.cmpi slt, %select_n3A_161, %lt3A_2304 : vector<64x128xi32>
    %add3A_2306 = arith.constant 128 : i32
    %add3A_2307 = vector.broadcast %add3A_2306 : i32 to vector<64x128xi32>
    %add3A_2308 = arith.addi %select_n3A_161, %add3A_2307 : vector<64x128xi32>
    %select_n3A_2309 = arith.select %lt3A_2305, %add3A_2308, %select_n3A_161 : vector<64x128xi1>, vector<64x128xi32>
    %reshape3A_2310 = vector.shape_cast %select_n3A_2309 : vector<64x128xi32> to vector<64x128x1xi32>
    %gather3A_2311 = vector.shape_cast %reshape3A_2310 : vector<64x128x1xi32> to vector<64x128xi32>
    %gather3A_2312 = tpu.dynamic_gather %slice3A_2300[%gather3A_2311] in [1] : vector<64x128xf32>, vector<64x128xi32> -> vector<64x128xf32>
    %lt3A_2313 = arith.constant 0 : i32
    %lt3A_2314 = vector.broadcast %lt3A_2313 : i32 to vector<64x128xi32>
    %lt3A_2315 = arith.cmpi slt, %select_n3A_161, %lt3A_2314 : vector<64x128xi32>
    %add3A_2316 = arith.constant 128 : i32
    %add3A_2317 = vector.broadcast %add3A_2316 : i32 to vector<64x128xi32>
    %add3A_2318 = arith.addi %select_n3A_161, %add3A_2317 : vector<64x128xi32>
    %select_n3A_2319 = arith.select %lt3A_2315, %add3A_2318, %select_n3A_161 : vector<64x128xi1>, vector<64x128xi32>
    %reshape3A_2320 = vector.shape_cast %select_n3A_2319 : vector<64x128xi32> to vector<64x128x1xi32>
    %gather3A_2321 = vector.shape_cast %reshape3A_2320 : vector<64x128x1xi32> to vector<64x128xi32>
    %gather3A_2322 = tpu.dynamic_gather %slice3A_2301[%gather3A_2321] in [1] : vector<64x128xf32>, vector<64x128xi32> -> vector<64x128xf32>
    %lt3A_2323 = arith.constant 0 : i32
    %lt3A_2324 = vector.broadcast %lt3A_2323 : i32 to vector<64x128xi32>
    %lt3A_2325 = arith.cmpi slt, %select_n3A_161, %lt3A_2324 : vector<64x128xi32>
    %add3A_2326 = arith.constant 128 : i32
    %add3A_2327 = vector.broadcast %add3A_2326 : i32 to vector<64x128xi32>
    %add3A_2328 = arith.addi %select_n3A_161, %add3A_2327 : vector<64x128xi32>
    %select_n3A_2329 = arith.select %lt3A_2325, %add3A_2328, %select_n3A_161 : vector<64x128xi1>, vector<64x128xi32>
    %reshape3A_2330 = vector.shape_cast %select_n3A_2329 : vector<64x128xi32> to vector<64x128x1xi32>
    %gather3A_2331 = vector.shape_cast %reshape3A_2330 : vector<64x128x1xi32> to vector<64x128xi32>
    %gather3A_2332 = tpu.dynamic_gather %slice3A_2302[%gather3A_2331] in [1] : vector<64x128xf32>, vector<64x128xi32> -> vector<64x128xf32>
    %select_n3A_2333 = arith.select %eq3A_189, %gather3A_2322, %gather3A_2332 : vector<64x128xi1>, vector<64x128xf32>
    %select_n3A_2334 = arith.select %eq3A_186, %gather3A_2312, %select_n3A_2333 : vector<64x128xi1>, vector<64x128xf32>
    %swap3A_2335 = arith.constant 0 : index
    %swap3A_2336 = arith.constant 0 : index
    %swap3A_2337 = arith.constant 6528 : index
    %swap3A_2338 = vector.load %arg2[%swap3A_2335, %swap3A_2336, %swap3A_2337] : memref<1x64x12288xf32, #tpu.memory_space<vmem>>, vector<1x64x128xf32>
    %swap3A_2339 = vector.shape_cast %swap3A_2338 : vector<1x64x128xf32> to vector<64x128xf32>
    %swap3A_2340 = vector.shape_cast %select_n3A_2334 : vector<64x128xf32> to vector<1x64x128xf32>
    tpu.vector_store %arg2[%swap3A_2335, %swap3A_2336, %swap3A_2337], %swap3A_2340 {strides = array<i32>} : memref<1x64x12288xf32, #tpu.memory_space<vmem>>, vector<1x64x128xf32>,
    %lt3A_2341 = arith.constant 0 : i32
    %lt3A_2342 = vector.broadcast %lt3A_2341 : i32 to vector<64x128xi32>
    %lt3A_2343 = arith.cmpi slt, %select_n3A_223, %lt3A_2342 : vector<64x128xi32>
    %add3A_2344 = arith.constant 128 : i32
    %add3A_2345 = vector.broadcast %add3A_2344 : i32 to vector<64x128xi32>
    %add3A_2346 = arith.addi %select_n3A_223, %add3A_2345 : vector<64x128xi32>
    %select_n3A_2347 = arith.select %lt3A_2343, %add3A_2346, %select_n3A_223 : vector<64x128xi1>, vector<64x128xi32>
    %reshape3A_2348 = vector.shape_cast %select_n3A_2347 : vector<64x128xi32> to vector<64x128x1xi32>
    %gather3A_2349 = vector.shape_cast %reshape3A_2348 : vector<64x128x1xi32> to vector<64x128xi32>
    %gather3A_2350 = tpu.dynamic_gather %slice3A_2300[%gather3A_2349] in [1] : vector<64x128xf32>, vector<64x128xi32> -> vector<64x128xf32>
    %lt3A_2351 = arith.constant 0 : i32
    %lt3A_2352 = vector.broadcast %lt3A_2351 : i32 to vector<64x128xi32>
    %lt3A_2353 = arith.cmpi slt, %select_n3A_223, %lt3A_2352 : vector<64x128xi32>
    %add3A_2354 = arith.constant 128 : i32
    %add3A_2355 = vector.broadcast %add3A_2354 : i32 to vector<64x128xi32>
    %add3A_2356 = arith.addi %select_n3A_223, %add3A_2355 : vector<64x128xi32>
    %select_n3A_2357 = arith.select %lt3A_2353, %add3A_2356, %select_n3A_223 : vector<64x128xi1>, vector<64x128xi32>
    %reshape3A_2358 = vector.shape_cast %select_n3A_2357 : vector<64x128xi32> to vector<64x128x1xi32>
    %gather3A_2359 = vector.shape_cast %reshape3A_2358 : vector<64x128x1xi32> to vector<64x128xi32>
    %gather3A_2360 = tpu.dynamic_gather %slice3A_2301[%gather3A_2359] in [1] : vector<64x128xf32>, vector<64x128xi32> -> vector<64x128xf32>
    %lt3A_2361 = arith.constant 0 : i32
    %lt3A_2362 = vector.broadcast %lt3A_2361 : i32 to vector<64x128xi32>
    %lt3A_2363 = arith.cmpi slt, %select_n3A_223, %lt3A_2362 : vector<64x128xi32>
    %add3A_2364 = arith.constant 128 : i32
    %add3A_2365 = vector.broadcast %add3A_2364 : i32 to vector<64x128xi32>
    %add3A_2366 = arith.addi %select_n3A_223, %add3A_2365 : vector<64x128xi32>
    %select_n3A_2367 = arith.select %lt3A_2363, %add3A_2366, %select_n3A_223 : vector<64x128xi1>, vector<64x128xi32>
    %reshape3A_2368 = vector.shape_cast %select_n3A_2367 : vector<64x128xi32> to vector<64x128x1xi32>
    %gather3A_2369 = vector.shape_cast %reshape3A_2368 : vector<64x128x1xi32> to vector<64x128xi32>
    %gather3A_2370 = tpu.dynamic_gather %slice3A_2302[%gather3A_2369] in [1] : vector<64x128xf32>, vector<64x128xi32> -> vector<64x128xf32>
    %select_n3A_2371 = arith.select %eq3A_251, %gather3A_2360, %gather3A_2370 : vector<64x128xi1>, vector<64x128xf32>
    %select_n3A_2372 = arith.select %eq3A_248, %gather3A_2350, %select_n3A_2371 : vector<64x128xi1>, vector<64x128xf32>
    %swap3A_2373 = arith.constant 0 : index
    %swap3A_2374 = arith.constant 0 : index
    %swap3A_2375 = arith.constant 6656 : index
    %swap3A_2376 = vector.load %arg2[%swap3A_2373, %swap3A_2374, %swap3A_2375] : memref<1x64x12288xf32, #tpu.memory_space<vmem>>, vector<1x64x128xf32>
    %swap3A_2377 = vector.shape_cast %swap3A_2376 : vector<1x64x128xf32> to vector<64x128xf32>
    %swap3A_2378 = vector.shape_cast %select_n3A_2372 : vector<64x128xf32> to vector<1x64x128xf32>
    tpu.vector_store %arg2[%swap3A_2373, %swap3A_2374, %swap3A_2375], %swap3A_2378 {strides = array<i32>} : memref<1x64x12288xf32, #tpu.memory_space<vmem>>, vector<1x64x128xf32>,
    %lt3A_2379 = arith.constant 0 : i32
    %lt3A_2380 = vector.broadcast %lt3A_2379 : i32 to vector<64x128xi32>
    %lt3A_2381 = arith.cmpi slt, %select_n3A_285, %lt3A_2380 : vector<64x128xi32>
    %add3A_2382 = arith.constant 128 : i32
    %add3A_2383 = vector.broadcast %add3A_2382 : i32 to vector<64x128xi32>
    %add3A_2384 = arith.addi %select_n3A_285, %add3A_2383 : vector<64x128xi32>
    %select_n3A_2385 = arith.select %lt3A_2381, %add3A_2384, %select_n3A_285 : vector<64x128xi1>, vector<64x128xi32>
    %reshape3A_2386 = vector.shape_cast %select_n3A_2385 : vector<64x128xi32> to vector<64x128x1xi32>
    %gather3A_2387 = vector.shape_cast %reshape3A_2386 : vector<64x128x1xi32> to vector<64x128xi32>
    %gather3A_2388 = tpu.dynamic_gather %slice3A_2300[%gather3A_2387] in [1] : vector<64x128xf32>, vector<64x128xi32> -> vector<64x128xf32>
    %lt3A_2389 = arith.constant 0 : i32
    %lt3A_2390 = vector.broadcast %lt3A_2389 : i32 to vector<64x128xi32>
    %lt3A_2391 = arith.cmpi slt, %select_n3A_285, %lt3A_2390 : vector<64x128xi32>
    %add3A_2392 = arith.constant 128 : i32
    %add3A_2393 = vector.broadcast %add3A_2392 : i32 to vector<64x128xi32>
    %add3A_2394 = arith.addi %select_n3A_285, %add3A_2393 : vector<64x128xi32>
    %select_n3A_2395 = arith.select %lt3A_2391, %add3A_2394, %select_n3A_285 : vector<64x128xi1>, vector<64x128xi32>
    %reshape3A_2396 = vector.shape_cast %select_n3A_2395 : vector<64x128xi32> to vector<64x128x1xi32>
    %gather3A_2397 = vector.shape_cast %reshape3A_2396 : vector<64x128x1xi32> to vector<64x128xi32>
    %gather3A_2398 = tpu.dynamic_gather %slice3A_2301[%gather3A_2397] in [1] : vector<64x128xf32>, vector<64x128xi32> -> vector<64x128xf32>
    %lt3A_2399 = arith.constant 0 : i32
    %lt3A_2400 = vector.broadcast %lt3A_2399 : i32 to vector<64x128xi32>
    %lt3A_2401 = arith.cmpi slt, %select_n3A_285, %lt3A_2400 : vector<64x128xi32>
    %add3A_2402 = arith.constant 128 : i32
    %add3A_2403 = vector.broadcast %add3A_2402 : i32 to vector<64x128xi32>
    %add3A_2404 = arith.addi %select_n3A_285, %add3A_2403 : vector<64x128xi32>
    %select_n3A_2405 = arith.select %lt3A_2401, %add3A_2404, %select_n3A_285 : vector<64x128xi1>, vector<64x128xi32>
    %reshape3A_2406 = vector.shape_cast %select_n3A_2405 : vector<64x128xi32> to vector<64x128x1xi32>
    %gather3A_2407 = vector.shape_cast %reshape3A_2406 : vector<64x128x1xi32> to vector<64x128xi32>
    %gather3A_2408 = tpu.dynamic_gather %slice3A_2302[%gather3A_2407] in [1] : vector<64x128xf32>, vector<64x128xi32> -> vector<64x128xf32>
    %select_n3A_2409 = arith.select %eq3A_313, %gather3A_2398, %gather3A_2408 : vector<64x128xi1>, vector<64x128xf32>
    %select_n3A_2410 = arith.select %eq3A_310, %gather3A_2388, %select_n3A_2409 : vector<64x128xi1>, vector<64x128xf32>
    %swap3A_2411 = arith.constant 0 : index
    %swap3A_2412 = arith.constant 0 : index
    %swap3A_2413 = arith.constant 6784 : index
    %swap3A_2414 = vector.load %arg2[%swap3A_2411, %swap3A_2412, %swap3A_2413] : memref<1x64x12288xf32, #tpu.memory_space<vmem>>, vector<1x64x128xf32>
    %swap3A_2415 = vector.shape_cast %swap3A_2414 : vector<1x64x128xf32> to vector<64x128xf32>
    %swap3A_2416 = vector.shape_cast %select_n3A_2410 : vector<64x128xf32> to vector<1x64x128xf32>
    tpu.vector_store %arg2[%swap3A_2411, %swap3A_2412, %swap3A_2413], %swap3A_2416 {strides = array<i32>} : memref<1x64x12288xf32, #tpu.memory_space<vmem>>, vector<1x64x128xf32>,
    %slice3A_2417 = vector.extract_strided_slice %select_n3A_104 {offsets = [0, 2304], sizes = [64, 128], strides = [1, 1]} : vector<64x4096xf32> to vector<64x128xf32>
    %slice3A_2418 = vector.extract_strided_slice %select_n3A_115 {offsets = [0, 2304], sizes = [64, 128], strides = [1, 1]} : vector<64x4096xf32> to vector<64x128xf32>
    %slice3A_2419 = vector.extract_strided_slice %select_n3A_126 {offsets = [0, 2304], sizes = [64, 128], strides = [1, 1]} : vector<64x4096xf32> to vector<64x128xf32>
    %lt3A_2420 = arith.constant 0 : i32
    %lt3A_2421 = vector.broadcast %lt3A_2420 : i32 to vector<64x128xi32>
    %lt3A_2422 = arith.cmpi slt, %select_n3A_161, %lt3A_2421 : vector<64x128xi32>
    %add3A_2423 = arith.constant 128 : i32
    %add3A_2424 = vector.broadcast %add3A_2423 : i32 to vector<64x128xi32>
    %add3A_2425 = arith.addi %select_n3A_161, %add3A_2424 : vector<64x128xi32>
    %select_n3A_2426 = arith.select %lt3A_2422, %add3A_2425, %select_n3A_161 : vector<64x128xi1>, vector<64x128xi32>
    %reshape3A_2427 = vector.shape_cast %select_n3A_2426 : vector<64x128xi32> to vector<64x128x1xi32>
    %gather3A_2428 = vector.shape_cast %reshape3A_2427 : vector<64x128x1xi32> to vector<64x128xi32>
    %gather3A_2429 = tpu.dynamic_gather %slice3A_2417[%gather3A_2428] in [1] : vector<64x128xf32>, vector<64x128xi32> -> vector<64x128xf32>
    %lt3A_2430 = arith.constant 0 : i32
    %lt3A_2431 = vector.broadcast %lt3A_2430 : i32 to vector<64x128xi32>
    %lt3A_2432 = arith.cmpi slt, %select_n3A_161, %lt3A_2431 : vector<64x128xi32>
    %add3A_2433 = arith.constant 128 : i32
    %add3A_2434 = vector.broadcast %add3A_2433 : i32 to vector<64x128xi32>
    %add3A_2435 = arith.addi %select_n3A_161, %add3A_2434 : vector<64x128xi32>
    %select_n3A_2436 = arith.select %lt3A_2432, %add3A_2435, %select_n3A_161 : vector<64x128xi1>, vector<64x128xi32>
    %reshape3A_2437 = vector.shape_cast %select_n3A_2436 : vector<64x128xi32> to vector<64x128x1xi32>
    %gather3A_2438 = vector.shape_cast %reshape3A_2437 : vector<64x128x1xi32> to vector<64x128xi32>
    %gather3A_2439 = tpu.dynamic_gather %slice3A_2418[%gather3A_2438] in [1] : vector<64x128xf32>, vector<64x128xi32> -> vector<64x128xf32>
    %lt3A_2440 = arith.constant 0 : i32
    %lt3A_2441 = vector.broadcast %lt3A_2440 : i32 to vector<64x128xi32>
    %lt3A_2442 = arith.cmpi slt, %select_n3A_161, %lt3A_2441 : vector<64x128xi32>
    %add3A_2443 = arith.constant 128 : i32
    %add3A_2444 = vector.broadcast %add3A_2443 : i32 to vector<64x128xi32>
    %add3A_2445 = arith.addi %select_n3A_161, %add3A_2444 : vector<64x128xi32>
    %select_n3A_2446 = arith.select %lt3A_2442, %add3A_2445, %select_n3A_161 : vector<64x128xi1>, vector<64x128xi32>
    %reshape3A_2447 = vector.shape_cast %select_n3A_2446 : vector<64x128xi32> to vector<64x128x1xi32>
    %gather3A_2448 = vector.shape_cast %reshape3A_2447 : vector<64x128x1xi32> to vector<64x128xi32>
    %gather3A_2449 = tpu.dynamic_gather %slice3A_2419[%gather3A_2448] in [1] : vector<64x128xf32>, vector<64x128xi32> -> vector<64x128xf32>
    %select_n3A_2450 = arith.select %eq3A_189, %gather3A_2439, %gather3A_2449 : vector<64x128xi1>, vector<64x128xf32>
    %select_n3A_2451 = arith.select %eq3A_186, %gather3A_2429, %select_n3A_2450 : vector<64x128xi1>, vector<64x128xf32>
    %swap3A_2452 = arith.constant 0 : index
    %swap3A_2453 = arith.constant 0 : index
    %swap3A_2454 = arith.constant 6912 : index
    %swap3A_2455 = vector.load %arg2[%swap3A_2452, %swap3A_2453, %swap3A_2454] : memref<1x64x12288xf32, #tpu.memory_space<vmem>>, vector<1x64x128xf32>
    %swap3A_2456 = vector.shape_cast %swap3A_2455 : vector<1x64x128xf32> to vector<64x128xf32>
    %swap3A_2457 = vector.shape_cast %select_n3A_2451 : vector<64x128xf32> to vector<1x64x128xf32>
    tpu.vector_store %arg2[%swap3A_2452, %swap3A_2453, %swap3A_2454], %swap3A_2457 {strides = array<i32>} : memref<1x64x12288xf32, #tpu.memory_space<vmem>>, vector<1x64x128xf32>,
    %lt3A_2458 = arith.constant 0 : i32
    %lt3A_2459 = vector.broadcast %lt3A_2458 : i32 to vector<64x128xi32>
    %lt3A_2460 = arith.cmpi slt, %select_n3A_223, %lt3A_2459 : vector<64x128xi32>
    %add3A_2461 = arith.constant 128 : i32
    %add3A_2462 = vector.broadcast %add3A_2461 : i32 to vector<64x128xi32>
    %add3A_2463 = arith.addi %select_n3A_223, %add3A_2462 : vector<64x128xi32>
    %select_n3A_2464 = arith.select %lt3A_2460, %add3A_2463, %select_n3A_223 : vector<64x128xi1>, vector<64x128xi32>
    %reshape3A_2465 = vector.shape_cast %select_n3A_2464 : vector<64x128xi32> to vector<64x128x1xi32>
    %gather3A_2466 = vector.shape_cast %reshape3A_2465 : vector<64x128x1xi32> to vector<64x128xi32>
    %gather3A_2467 = tpu.dynamic_gather %slice3A_2417[%gather3A_2466] in [1] : vector<64x128xf32>, vector<64x128xi32> -> vector<64x128xf32>
    %lt3A_2468 = arith.constant 0 : i32
    %lt3A_2469 = vector.broadcast %lt3A_2468 : i32 to vector<64x128xi32>
    %lt3A_2470 = arith.cmpi slt, %select_n3A_223, %lt3A_2469 : vector<64x128xi32>
    %add3A_2471 = arith.constant 128 : i32
    %add3A_2472 = vector.broadcast %add3A_2471 : i32 to vector<64x128xi32>
    %add3A_2473 = arith.addi %select_n3A_223, %add3A_2472 : vector<64x128xi32>
    %select_n3A_2474 = arith.select %lt3A_2470, %add3A_2473, %select_n3A_223 : vector<64x128xi1>, vector<64x128xi32>
    %reshape3A_2475 = vector.shape_cast %select_n3A_2474 : vector<64x128xi32> to vector<64x128x1xi32>
    %gather3A_2476 = vector.shape_cast %reshape3A_2475 : vector<64x128x1xi32> to vector<64x128xi32>
    %gather3A_2477 = tpu.dynamic_gather %slice3A_2418[%gather3A_2476] in [1] : vector<64x128xf32>, vector<64x128xi32> -> vector<64x128xf32>
    %lt3A_2478 = arith.constant 0 : i32
    %lt3A_2479 = vector.broadcast %lt3A_2478 : i32 to vector<64x128xi32>
    %lt3A_2480 = arith.cmpi slt, %select_n3A_223, %lt3A_2479 : vector<64x128xi32>
    %add3A_2481 = arith.constant 128 : i32
    %add3A_2482 = vector.broadcast %add3A_2481 : i32 to vector<64x128xi32>
    %add3A_2483 = arith.addi %select_n3A_223, %add3A_2482 : vector<64x128xi32>
    %select_n3A_2484 = arith.select %lt3A_2480, %add3A_2483, %select_n3A_223 : vector<64x128xi1>, vector<64x128xi32>
    %reshape3A_2485 = vector.shape_cast %select_n3A_2484 : vector<64x128xi32> to vector<64x128x1xi32>
    %gather3A_2486 = vector.shape_cast %reshape3A_2485 : vector<64x128x1xi32> to vector<64x128xi32>
    %gather3A_2487 = tpu.dynamic_gather %slice3A_2419[%gather3A_2486] in [1] : vector<64x128xf32>, vector<64x128xi32> -> vector<64x128xf32>
    %select_n3A_2488 = arith.select %eq3A_251, %gather3A_2477, %gather3A_2487 : vector<64x128xi1>, vector<64x128xf32>
    %select_n3A_2489 = arith.select %eq3A_248, %gather3A_2467, %select_n3A_2488 : vector<64x128xi1>, vector<64x128xf32>
    %swap3A_2490 = arith.constant 0 : index
    %swap3A_2491 = arith.constant 0 : index
    %swap3A_2492 = arith.constant 7040 : index
    %swap3A_2493 = vector.load %arg2[%swap3A_2490, %swap3A_2491, %swap3A_2492] : memref<1x64x12288xf32, #tpu.memory_space<vmem>>, vector<1x64x128xf32>
    %swap3A_2494 = vector.shape_cast %swap3A_2493 : vector<1x64x128xf32> to vector<64x128xf32>
    %swap3A_2495 = vector.shape_cast %select_n3A_2489 : vector<64x128xf32> to vector<1x64x128xf32>
    tpu.vector_store %arg2[%swap3A_2490, %swap3A_2491, %swap3A_2492], %swap3A_2495 {strides = array<i32>} : memref<1x64x12288xf32, #tpu.memory_space<vmem>>, vector<1x64x128xf32>,
    %lt3A_2496 = arith.constant 0 : i32
    %lt3A_2497 = vector.broadcast %lt3A_2496 : i32 to vector<64x128xi32>
    %lt3A_2498 = arith.cmpi slt, %select_n3A_285, %lt3A_2497 : vector<64x128xi32>
    %add3A_2499 = arith.constant 128 : i32
    %add3A_2500 = vector.broadcast %add3A_2499 : i32 to vector<64x128xi32>
    %add3A_2501 = arith.addi %select_n3A_285, %add3A_2500 : vector<64x128xi32>
    %select_n3A_2502 = arith.select %lt3A_2498, %add3A_2501, %select_n3A_285 : vector<64x128xi1>, vector<64x128xi32>
    %reshape3A_2503 = vector.shape_cast %select_n3A_2502 : vector<64x128xi32> to vector<64x128x1xi32>
    %gather3A_2504 = vector.shape_cast %reshape3A_2503 : vector<64x128x1xi32> to vector<64x128xi32>
    %gather3A_2505 = tpu.dynamic_gather %slice3A_2417[%gather3A_2504] in [1] : vector<64x128xf32>, vector<64x128xi32> -> vector<64x128xf32>
    %lt3A_2506 = arith.constant 0 : i32
    %lt3A_2507 = vector.broadcast %lt3A_2506 : i32 to vector<64x128xi32>
    %lt3A_2508 = arith.cmpi slt, %select_n3A_285, %lt3A_2507 : vector<64x128xi32>
    %add3A_2509 = arith.constant 128 : i32
    %add3A_2510 = vector.broadcast %add3A_2509 : i32 to vector<64x128xi32>
    %add3A_2511 = arith.addi %select_n3A_285, %add3A_2510 : vector<64x128xi32>
    %select_n3A_2512 = arith.select %lt3A_2508, %add3A_2511, %select_n3A_285 : vector<64x128xi1>, vector<64x128xi32>
    %reshape3A_2513 = vector.shape_cast %select_n3A_2512 : vector<64x128xi32> to vector<64x128x1xi32>
    %gather3A_2514 = vector.shape_cast %reshape3A_2513 : vector<64x128x1xi32> to vector<64x128xi32>
    %gather3A_2515 = tpu.dynamic_gather %slice3A_2418[%gather3A_2514] in [1] : vector<64x128xf32>, vector<64x128xi32> -> vector<64x128xf32>
    %lt3A_2516 = arith.constant 0 : i32
    %lt3A_2517 = vector.broadcast %lt3A_2516 : i32 to vector<64x128xi32>
    %lt3A_2518 = arith.cmpi slt, %select_n3A_285, %lt3A_2517 : vector<64x128xi32>
    %add3A_2519 = arith.constant 128 : i32
    %add3A_2520 = vector.broadcast %add3A_2519 : i32 to vector<64x128xi32>
    %add3A_2521 = arith.addi %select_n3A_285, %add3A_2520 : vector<64x128xi32>
    %select_n3A_2522 = arith.select %lt3A_2518, %add3A_2521, %select_n3A_285 : vector<64x128xi1>, vector<64x128xi32>
    %reshape3A_2523 = vector.shape_cast %select_n3A_2522 : vector<64x128xi32> to vector<64x128x1xi32>
    %gather3A_2524 = vector.shape_cast %reshape3A_2523 : vector<64x128x1xi32> to vector<64x128xi32>
    %gather3A_2525 = tpu.dynamic_gather %slice3A_2419[%gather3A_2524] in [1] : vector<64x128xf32>, vector<64x128xi32> -> vector<64x128xf32>
    %select_n3A_2526 = arith.select %eq3A_313, %gather3A_2515, %gather3A_2525 : vector<64x128xi1>, vector<64x128xf32>
    %select_n3A_2527 = arith.select %eq3A_310, %gather3A_2505, %select_n3A_2526 : vector<64x128xi1>, vector<64x128xf32>
    %swap3A_2528 = arith.constant 0 : index
    %swap3A_2529 = arith.constant 0 : index
    %swap3A_2530 = arith.constant 7168 : index
    %swap3A_2531 = vector.load %arg2[%swap3A_2528, %swap3A_2529, %swap3A_2530] : memref<1x64x12288xf32, #tpu.memory_space<vmem>>, vector<1x64x128xf32>
    %swap3A_2532 = vector.shape_cast %swap3A_2531 : vector<1x64x128xf32> to vector<64x128xf32>
    %swap3A_2533 = vector.shape_cast %select_n3A_2527 : vector<64x128xf32> to vector<1x64x128xf32>
    tpu.vector_store %arg2[%swap3A_2528, %swap3A_2529, %swap3A_2530], %swap3A_2533 {strides = array<i32>} : memref<1x64x12288xf32, #tpu.memory_space<vmem>>, vector<1x64x128xf32>,
    %slice3A_2534 = vector.extract_strided_slice %select_n3A_104 {offsets = [0, 2432], sizes = [64, 128], strides = [1, 1]} : vector<64x4096xf32> to vector<64x128xf32>
    %slice3A_2535 = vector.extract_strided_slice %select_n3A_115 {offsets = [0, 2432], sizes = [64, 128], strides = [1, 1]} : vector<64x4096xf32> to vector<64x128xf32>
    %slice3A_2536 = vector.extract_strided_slice %select_n3A_126 {offsets = [0, 2432], sizes = [64, 128], strides = [1, 1]} : vector<64x4096xf32> to vector<64x128xf32>
    %lt3A_2537 = arith.constant 0 : i32
    %lt3A_2538 = vector.broadcast %lt3A_2537 : i32 to vector<64x128xi32>
    %lt3A_2539 = arith.cmpi slt, %select_n3A_161, %lt3A_2538 : vector<64x128xi32>
    %add3A_2540 = arith.constant 128 : i32
    %add3A_2541 = vector.broadcast %add3A_2540 : i32 to vector<64x128xi32>
    %add3A_2542 = arith.addi %select_n3A_161, %add3A_2541 : vector<64x128xi32>
    %select_n3A_2543 = arith.select %lt3A_2539, %add3A_2542, %select_n3A_161 : vector<64x128xi1>, vector<64x128xi32>
    %reshape3A_2544 = vector.shape_cast %select_n3A_2543 : vector<64x128xi32> to vector<64x128x1xi32>
    %gather3A_2545 = vector.shape_cast %reshape3A_2544 : vector<64x128x1xi32> to vector<64x128xi32>
    %gather3A_2546 = tpu.dynamic_gather %slice3A_2534[%gather3A_2545] in [1] : vector<64x128xf32>, vector<64x128xi32> -> vector<64x128xf32>
    %lt3A_2547 = arith.constant 0 : i32
    %lt3A_2548 = vector.broadcast %lt3A_2547 : i32 to vector<64x128xi32>
    %lt3A_2549 = arith.cmpi slt, %select_n3A_161, %lt3A_2548 : vector<64x128xi32>
    %add3A_2550 = arith.constant 128 : i32
    %add3A_2551 = vector.broadcast %add3A_2550 : i32 to vector<64x128xi32>
    %add3A_2552 = arith.addi %select_n3A_161, %add3A_2551 : vector<64x128xi32>
    %select_n3A_2553 = arith.select %lt3A_2549, %add3A_2552, %select_n3A_161 : vector<64x128xi1>, vector<64x128xi32>
    %reshape3A_2554 = vector.shape_cast %select_n3A_2553 : vector<64x128xi32> to vector<64x128x1xi32>
    %gather3A_2555 = vector.shape_cast %reshape3A_2554 : vector<64x128x1xi32> to vector<64x128xi32>
    %gather3A_2556 = tpu.dynamic_gather %slice3A_2535[%gather3A_2555] in [1] : vector<64x128xf32>, vector<64x128xi32> -> vector<64x128xf32>
    %lt3A_2557 = arith.constant 0 : i32
    %lt3A_2558 = vector.broadcast %lt3A_2557 : i32 to vector<64x128xi32>
    %lt3A_2559 = arith.cmpi slt, %select_n3A_161, %lt3A_2558 : vector<64x128xi32>
    %add3A_2560 = arith.constant 128 : i32
    %add3A_2561 = vector.broadcast %add3A_2560 : i32 to vector<64x128xi32>
    %add3A_2562 = arith.addi %select_n3A_161, %add3A_2561 : vector<64x128xi32>
    %select_n3A_2563 = arith.select %lt3A_2559, %add3A_2562, %select_n3A_161 : vector<64x128xi1>, vector<64x128xi32>
    %reshape3A_2564 = vector.shape_cast %select_n3A_2563 : vector<64x128xi32> to vector<64x128x1xi32>
    %gather3A_2565 = vector.shape_cast %reshape3A_2564 : vector<64x128x1xi32> to vector<64x128xi32>
    %gather3A_2566 = tpu.dynamic_gather %slice3A_2536[%gather3A_2565] in [1] : vector<64x128xf32>, vector<64x128xi32> -> vector<64x128xf32>
    %select_n3A_2567 = arith.select %eq3A_189, %gather3A_2556, %gather3A_2566 : vector<64x128xi1>, vector<64x128xf32>
    %select_n3A_2568 = arith.select %eq3A_186, %gather3A_2546, %select_n3A_2567 : vector<64x128xi1>, vector<64x128xf32>
    %swap3A_2569 = arith.constant 0 : index
    %swap3A_2570 = arith.constant 0 : index
    %swap3A_2571 = arith.constant 7296 : index
    %swap3A_2572 = vector.load %arg2[%swap3A_2569, %swap3A_2570, %swap3A_2571] : memref<1x64x12288xf32, #tpu.memory_space<vmem>>, vector<1x64x128xf32>
    %swap3A_2573 = vector.shape_cast %swap3A_2572 : vector<1x64x128xf32> to vector<64x128xf32>
    %swap3A_2574 = vector.shape_cast %select_n3A_2568 : vector<64x128xf32> to vector<1x64x128xf32>
    tpu.vector_store %arg2[%swap3A_2569, %swap3A_2570, %swap3A_2571], %swap3A_2574 {strides = array<i32>} : memref<1x64x12288xf32, #tpu.memory_space<vmem>>, vector<1x64x128xf32>,
    %lt3A_2575 = arith.constant 0 : i32
    %lt3A_2576 = vector.broadcast %lt3A_2575 : i32 to vector<64x128xi32>
    %lt3A_2577 = arith.cmpi slt, %select_n3A_223, %lt3A_2576 : vector<64x128xi32>
    %add3A_2578 = arith.constant 128 : i32
    %add3A_2579 = vector.broadcast %add3A_2578 : i32 to vector<64x128xi32>
    %add3A_2580 = arith.addi %select_n3A_223, %add3A_2579 : vector<64x128xi32>
    %select_n3A_2581 = arith.select %lt3A_2577, %add3A_2580, %select_n3A_223 : vector<64x128xi1>, vector<64x128xi32>
    %reshape3A_2582 = vector.shape_cast %select_n3A_2581 : vector<64x128xi32> to vector<64x128x1xi32>
    %gather3A_2583 = vector.shape_cast %reshape3A_2582 : vector<64x128x1xi32> to vector<64x128xi32>
    %gather3A_2584 = tpu.dynamic_gather %slice3A_2534[%gather3A_2583] in [1] : vector<64x128xf32>, vector<64x128xi32> -> vector<64x128xf32>
    %lt3A_2585 = arith.constant 0 : i32
    %lt3A_2586 = vector.broadcast %lt3A_2585 : i32 to vector<64x128xi32>
    %lt3A_2587 = arith.cmpi slt, %select_n3A_223, %lt3A_2586 : vector<64x128xi32>
    %add3A_2588 = arith.constant 128 : i32
    %add3A_2589 = vector.broadcast %add3A_2588 : i32 to vector<64x128xi32>
    %add3A_2590 = arith.addi %select_n3A_223, %add3A_2589 : vector<64x128xi32>
    %select_n3A_2591 = arith.select %lt3A_2587, %add3A_2590, %select_n3A_223 : vector<64x128xi1>, vector<64x128xi32>
    %reshape3A_2592 = vector.shape_cast %select_n3A_2591 : vector<64x128xi32> to vector<64x128x1xi32>
    %gather3A_2593 = vector.shape_cast %reshape3A_2592 : vector<64x128x1xi32> to vector<64x128xi32>
    %gather3A_2594 = tpu.dynamic_gather %slice3A_2535[%gather3A_2593] in [1] : vector<64x128xf32>, vector<64x128xi32> -> vector<64x128xf32>
    %lt3A_2595 = arith.constant 0 : i32
    %lt3A_2596 = vector.broadcast %lt3A_2595 : i32 to vector<64x128xi32>
    %lt3A_2597 = arith.cmpi slt, %select_n3A_223, %lt3A_2596 : vector<64x128xi32>
    %add3A_2598 = arith.constant 128 : i32
    %add3A_2599 = vector.broadcast %add3A_2598 : i32 to vector<64x128xi32>
    %add3A_2600 = arith.addi %select_n3A_223, %add3A_2599 : vector<64x128xi32>
    %select_n3A_2601 = arith.select %lt3A_2597, %add3A_2600, %select_n3A_223 : vector<64x128xi1>, vector<64x128xi32>
    %reshape3A_2602 = vector.shape_cast %select_n3A_2601 : vector<64x128xi32> to vector<64x128x1xi32>
    %gather3A_2603 = vector.shape_cast %reshape3A_2602 : vector<64x128x1xi32> to vector<64x128xi32>
    %gather3A_2604 = tpu.dynamic_gather %slice3A_2536[%gather3A_2603] in [1] : vector<64x128xf32>, vector<64x128xi32> -> vector<64x128xf32>
    %select_n3A_2605 = arith.select %eq3A_251, %gather3A_2594, %gather3A_2604 : vector<64x128xi1>, vector<64x128xf32>
    %select_n3A_2606 = arith.select %eq3A_248, %gather3A_2584, %select_n3A_2605 : vector<64x128xi1>, vector<64x128xf32>
    %swap3A_2607 = arith.constant 0 : index
    %swap3A_2608 = arith.constant 0 : index
    %swap3A_2609 = arith.constant 7424 : index
    %swap3A_2610 = vector.load %arg2[%swap3A_2607, %swap3A_2608, %swap3A_2609] : memref<1x64x12288xf32, #tpu.memory_space<vmem>>, vector<1x64x128xf32>
    %swap3A_2611 = vector.shape_cast %swap3A_2610 : vector<1x64x128xf32> to vector<64x128xf32>
    %swap3A_2612 = vector.shape_cast %select_n3A_2606 : vector<64x128xf32> to vector<1x64x128xf32>
    tpu.vector_store %arg2[%swap3A_2607, %swap3A_2608, %swap3A_2609], %swap3A_2612 {strides = array<i32>} : memref<1x64x12288xf32, #tpu.memory_space<vmem>>, vector<1x64x128xf32>,
    %lt3A_2613 = arith.constant 0 : i32
    %lt3A_2614 = vector.broadcast %lt3A_2613 : i32 to vector<64x128xi32>
    %lt3A_2615 = arith.cmpi slt, %select_n3A_285, %lt3A_2614 : vector<64x128xi32>
    %add3A_2616 = arith.constant 128 : i32
    %add3A_2617 = vector.broadcast %add3A_2616 : i32 to vector<64x128xi32>
    %add3A_2618 = arith.addi %select_n3A_285, %add3A_2617 : vector<64x128xi32>
    %select_n3A_2619 = arith.select %lt3A_2615, %add3A_2618, %select_n3A_285 : vector<64x128xi1>, vector<64x128xi32>
    %reshape3A_2620 = vector.shape_cast %select_n3A_2619 : vector<64x128xi32> to vector<64x128x1xi32>
    %gather3A_2621 = vector.shape_cast %reshape3A_2620 : vector<64x128x1xi32> to vector<64x128xi32>
    %gather3A_2622 = tpu.dynamic_gather %slice3A_2534[%gather3A_2621] in [1] : vector<64x128xf32>, vector<64x128xi32> -> vector<64x128xf32>
    %lt3A_2623 = arith.constant 0 : i32
    %lt3A_2624 = vector.broadcast %lt3A_2623 : i32 to vector<64x128xi32>
    %lt3A_2625 = arith.cmpi slt, %select_n3A_285, %lt3A_2624 : vector<64x128xi32>
    %add3A_2626 = arith.constant 128 : i32
    %add3A_2627 = vector.broadcast %add3A_2626 : i32 to vector<64x128xi32>
    %add3A_2628 = arith.addi %select_n3A_285, %add3A_2627 : vector<64x128xi32>
    %select_n3A_2629 = arith.select %lt3A_2625, %add3A_2628, %select_n3A_285 : vector<64x128xi1>, vector<64x128xi32>
    %reshape3A_2630 = vector.shape_cast %select_n3A_2629 : vector<64x128xi32> to vector<64x128x1xi32>
    %gather3A_2631 = vector.shape_cast %reshape3A_2630 : vector<64x128x1xi32> to vector<64x128xi32>
    %gather3A_2632 = tpu.dynamic_gather %slice3A_2535[%gather3A_2631] in [1] : vector<64x128xf32>, vector<64x128xi32> -> vector<64x128xf32>
    %lt3A_2633 = arith.constant 0 : i32
    %lt3A_2634 = vector.broadcast %lt3A_2633 : i32 to vector<64x128xi32>
    %lt3A_2635 = arith.cmpi slt, %select_n3A_285, %lt3A_2634 : vector<64x128xi32>
    %add3A_2636 = arith.constant 128 : i32
    %add3A_2637 = vector.broadcast %add3A_2636 : i32 to vector<64x128xi32>
    %add3A_2638 = arith.addi %select_n3A_285, %add3A_2637 : vector<64x128xi32>
    %select_n3A_2639 = arith.select %lt3A_2635, %add3A_2638, %select_n3A_285 : vector<64x128xi1>, vector<64x128xi32>
    %reshape3A_2640 = vector.shape_cast %select_n3A_2639 : vector<64x128xi32> to vector<64x128x1xi32>
    %gather3A_2641 = vector.shape_cast %reshape3A_2640 : vector<64x128x1xi32> to vector<64x128xi32>
    %gather3A_2642 = tpu.dynamic_gather %slice3A_2536[%gather3A_2641] in [1] : vector<64x128xf32>, vector<64x128xi32> -> vector<64x128xf32>
    %select_n3A_2643 = arith.select %eq3A_313, %gather3A_2632, %gather3A_2642 : vector<64x128xi1>, vector<64x128xf32>
    %select_n3A_2644 = arith.select %eq3A_310, %gather3A_2622, %select_n3A_2643 : vector<64x128xi1>, vector<64x128xf32>
    %swap3A_2645 = arith.constant 0 : index
    %swap3A_2646 = arith.constant 0 : index
    %swap3A_2647 = arith.constant 7552 : index
    %swap3A_2648 = vector.load %arg2[%swap3A_2645, %swap3A_2646, %swap3A_2647] : memref<1x64x12288xf32, #tpu.memory_space<vmem>>, vector<1x64x128xf32>
    %swap3A_2649 = vector.shape_cast %swap3A_2648 : vector<1x64x128xf32> to vector<64x128xf32>
    %swap3A_2650 = vector.shape_cast %select_n3A_2644 : vector<64x128xf32> to vector<1x64x128xf32>
    tpu.vector_store %arg2[%swap3A_2645, %swap3A_2646, %swap3A_2647], %swap3A_2650 {strides = array<i32>} : memref<1x64x12288xf32, #tpu.memory_space<vmem>>, vector<1x64x128xf32>,
    %slice3A_2651 = vector.extract_strided_slice %select_n3A_104 {offsets = [0, 2560], sizes = [64, 128], strides = [1, 1]} : vector<64x4096xf32> to vector<64x128xf32>
    %slice3A_2652 = vector.extract_strided_slice %select_n3A_115 {offsets = [0, 2560], sizes = [64, 128], strides = [1, 1]} : vector<64x4096xf32> to vector<64x128xf32>
    %slice3A_2653 = vector.extract_strided_slice %select_n3A_126 {offsets = [0, 2560], sizes = [64, 128], strides = [1, 1]} : vector<64x4096xf32> to vector<64x128xf32>
    %lt3A_2654 = arith.constant 0 : i32
    %lt3A_2655 = vector.broadcast %lt3A_2654 : i32 to vector<64x128xi32>
    %lt3A_2656 = arith.cmpi slt, %select_n3A_161, %lt3A_2655 : vector<64x128xi32>
    %add3A_2657 = arith.constant 128 : i32
    %add3A_2658 = vector.broadcast %add3A_2657 : i32 to vector<64x128xi32>
    %add3A_2659 = arith.addi %select_n3A_161, %add3A_2658 : vector<64x128xi32>
    %select_n3A_2660 = arith.select %lt3A_2656, %add3A_2659, %select_n3A_161 : vector<64x128xi1>, vector<64x128xi32>
    %reshape3A_2661 = vector.shape_cast %select_n3A_2660 : vector<64x128xi32> to vector<64x128x1xi32>
    %gather3A_2662 = vector.shape_cast %reshape3A_2661 : vector<64x128x1xi32> to vector<64x128xi32>
    %gather3A_2663 = tpu.dynamic_gather %slice3A_2651[%gather3A_2662] in [1] : vector<64x128xf32>, vector<64x128xi32> -> vector<64x128xf32>
    %lt3A_2664 = arith.constant 0 : i32
    %lt3A_2665 = vector.broadcast %lt3A_2664 : i32 to vector<64x128xi32>
    %lt3A_2666 = arith.cmpi slt, %select_n3A_161, %lt3A_2665 : vector<64x128xi32>
    %add3A_2667 = arith.constant 128 : i32
    %add3A_2668 = vector.broadcast %add3A_2667 : i32 to vector<64x128xi32>
    %add3A_2669 = arith.addi %select_n3A_161, %add3A_2668 : vector<64x128xi32>
    %select_n3A_2670 = arith.select %lt3A_2666, %add3A_2669, %select_n3A_161 : vector<64x128xi1>, vector<64x128xi32>
    %reshape3A_2671 = vector.shape_cast %select_n3A_2670 : vector<64x128xi32> to vector<64x128x1xi32>
    %gather3A_2672 = vector.shape_cast %reshape3A_2671 : vector<64x128x1xi32> to vector<64x128xi32>
    %gather3A_2673 = tpu.dynamic_gather %slice3A_2652[%gather3A_2672] in [1] : vector<64x128xf32>, vector<64x128xi32> -> vector<64x128xf32>
    %lt3A_2674 = arith.constant 0 : i32
    %lt3A_2675 = vector.broadcast %lt3A_2674 : i32 to vector<64x128xi32>
    %lt3A_2676 = arith.cmpi slt, %select_n3A_161, %lt3A_2675 : vector<64x128xi32>
    %add3A_2677 = arith.constant 128 : i32
    %add3A_2678 = vector.broadcast %add3A_2677 : i32 to vector<64x128xi32>
    %add3A_2679 = arith.addi %select_n3A_161, %add3A_2678 : vector<64x128xi32>
    %select_n3A_2680 = arith.select %lt3A_2676, %add3A_2679, %select_n3A_161 : vector<64x128xi1>, vector<64x128xi32>
    %reshape3A_2681 = vector.shape_cast %select_n3A_2680 : vector<64x128xi32> to vector<64x128x1xi32>
    %gather3A_2682 = vector.shape_cast %reshape3A_2681 : vector<64x128x1xi32> to vector<64x128xi32>
    %gather3A_2683 = tpu.dynamic_gather %slice3A_2653[%gather3A_2682] in [1] : vector<64x128xf32>, vector<64x128xi32> -> vector<64x128xf32>
    %select_n3A_2684 = arith.select %eq3A_189, %gather3A_2673, %gather3A_2683 : vector<64x128xi1>, vector<64x128xf32>
    %select_n3A_2685 = arith.select %eq3A_186, %gather3A_2663, %select_n3A_2684 : vector<64x128xi1>, vector<64x128xf32>
    %swap3A_2686 = arith.constant 0 : index
    %swap3A_2687 = arith.constant 0 : index
    %swap3A_2688 = arith.constant 7680 : index
    %swap3A_2689 = vector.load %arg2[%swap3A_2686, %swap3A_2687, %swap3A_2688] : memref<1x64x12288xf32, #tpu.memory_space<vmem>>, vector<1x64x128xf32>
    %swap3A_2690 = vector.shape_cast %swap3A_2689 : vector<1x64x128xf32> to vector<64x128xf32>
    %swap3A_2691 = vector.shape_cast %select_n3A_2685 : vector<64x128xf32> to vector<1x64x128xf32>
    tpu.vector_store %arg2[%swap3A_2686, %swap3A_2687, %swap3A_2688], %swap3A_2691 {strides = array<i32>} : memref<1x64x12288xf32, #tpu.memory_space<vmem>>, vector<1x64x128xf32>,
    %lt3A_2692 = arith.constant 0 : i32
    %lt3A_2693 = vector.broadcast %lt3A_2692 : i32 to vector<64x128xi32>
    %lt3A_2694 = arith.cmpi slt, %select_n3A_223, %lt3A_2693 : vector<64x128xi32>
    %add3A_2695 = arith.constant 128 : i32
    %add3A_2696 = vector.broadcast %add3A_2695 : i32 to vector<64x128xi32>
    %add3A_2697 = arith.addi %select_n3A_223, %add3A_2696 : vector<64x128xi32>
    %select_n3A_2698 = arith.select %lt3A_2694, %add3A_2697, %select_n3A_223 : vector<64x128xi1>, vector<64x128xi32>
    %reshape3A_2699 = vector.shape_cast %select_n3A_2698 : vector<64x128xi32> to vector<64x128x1xi32>
    %gather3A_2700 = vector.shape_cast %reshape3A_2699 : vector<64x128x1xi32> to vector<64x128xi32>
    %gather3A_2701 = tpu.dynamic_gather %slice3A_2651[%gather3A_2700] in [1] : vector<64x128xf32>, vector<64x128xi32> -> vector<64x128xf32>
    %lt3A_2702 = arith.constant 0 : i32
    %lt3A_2703 = vector.broadcast %lt3A_2702 : i32 to vector<64x128xi32>
    %lt3A_2704 = arith.cmpi slt, %select_n3A_223, %lt3A_2703 : vector<64x128xi32>
    %add3A_2705 = arith.constant 128 : i32
    %add3A_2706 = vector.broadcast %add3A_2705 : i32 to vector<64x128xi32>
    %add3A_2707 = arith.addi %select_n3A_223, %add3A_2706 : vector<64x128xi32>
    %select_n3A_2708 = arith.select %lt3A_2704, %add3A_2707, %select_n3A_223 : vector<64x128xi1>, vector<64x128xi32>
    %reshape3A_2709 = vector.shape_cast %select_n3A_2708 : vector<64x128xi32> to vector<64x128x1xi32>
    %gather3A_2710 = vector.shape_cast %reshape3A_2709 : vector<64x128x1xi32> to vector<64x128xi32>
    %gather3A_2711 = tpu.dynamic_gather %slice3A_2652[%gather3A_2710] in [1] : vector<64x128xf32>, vector<64x128xi32> -> vector<64x128xf32>
    %lt3A_2712 = arith.constant 0 : i32
    %lt3A_2713 = vector.broadcast %lt3A_2712 : i32 to vector<64x128xi32>
    %lt3A_2714 = arith.cmpi slt, %select_n3A_223, %lt3A_2713 : vector<64x128xi32>
    %add3A_2715 = arith.constant 128 : i32
    %add3A_2716 = vector.broadcast %add3A_2715 : i32 to vector<64x128xi32>
    %add3A_2717 = arith.addi %select_n3A_223, %add3A_2716 : vector<64x128xi32>
    %select_n3A_2718 = arith.select %lt3A_2714, %add3A_2717, %select_n3A_223 : vector<64x128xi1>, vector<64x128xi32>
    %reshape3A_2719 = vector.shape_cast %select_n3A_2718 : vector<64x128xi32> to vector<64x128x1xi32>
    %gather3A_2720 = vector.shape_cast %reshape3A_2719 : vector<64x128x1xi32> to vector<64x128xi32>
    %gather3A_2721 = tpu.dynamic_gather %slice3A_2653[%gather3A_2720] in [1] : vector<64x128xf32>, vector<64x128xi32> -> vector<64x128xf32>
    %select_n3A_2722 = arith.select %eq3A_251, %gather3A_2711, %gather3A_2721 : vector<64x128xi1>, vector<64x128xf32>
    %select_n3A_2723 = arith.select %eq3A_248, %gather3A_2701, %select_n3A_2722 : vector<64x128xi1>, vector<64x128xf32>
    %swap3A_2724 = arith.constant 0 : index
    %swap3A_2725 = arith.constant 0 : index
    %swap3A_2726 = arith.constant 7808 : index
    %swap3A_2727 = vector.load %arg2[%swap3A_2724, %swap3A_2725, %swap3A_2726] : memref<1x64x12288xf32, #tpu.memory_space<vmem>>, vector<1x64x128xf32>
    %swap3A_2728 = vector.shape_cast %swap3A_2727 : vector<1x64x128xf32> to vector<64x128xf32>
    %swap3A_2729 = vector.shape_cast %select_n3A_2723 : vector<64x128xf32> to vector<1x64x128xf32>
    tpu.vector_store %arg2[%swap3A_2724, %swap3A_2725, %swap3A_2726], %swap3A_2729 {strides = array<i32>} : memref<1x64x12288xf32, #tpu.memory_space<vmem>>, vector<1x64x128xf32>,
    %lt3A_2730 = arith.constant 0 : i32
    %lt3A_2731 = vector.broadcast %lt3A_2730 : i32 to vector<64x128xi32>
    %lt3A_2732 = arith.cmpi slt, %select_n3A_285, %lt3A_2731 : vector<64x128xi32>
    %add3A_2733 = arith.constant 128 : i32
    %add3A_2734 = vector.broadcast %add3A_2733 : i32 to vector<64x128xi32>
    %add3A_2735 = arith.addi %select_n3A_285, %add3A_2734 : vector<64x128xi32>
    %select_n3A_2736 = arith.select %lt3A_2732, %add3A_2735, %select_n3A_285 : vector<64x128xi1>, vector<64x128xi32>
    %reshape3A_2737 = vector.shape_cast %select_n3A_2736 : vector<64x128xi32> to vector<64x128x1xi32>
    %gather3A_2738 = vector.shape_cast %reshape3A_2737 : vector<64x128x1xi32> to vector<64x128xi32>
    %gather3A_2739 = tpu.dynamic_gather %slice3A_2651[%gather3A_2738] in [1] : vector<64x128xf32>, vector<64x128xi32> -> vector<64x128xf32>
    %lt3A_2740 = arith.constant 0 : i32
    %lt3A_2741 = vector.broadcast %lt3A_2740 : i32 to vector<64x128xi32>
    %lt3A_2742 = arith.cmpi slt, %select_n3A_285, %lt3A_2741 : vector<64x128xi32>
    %add3A_2743 = arith.constant 128 : i32
    %add3A_2744 = vector.broadcast %add3A_2743 : i32 to vector<64x128xi32>
    %add3A_2745 = arith.addi %select_n3A_285, %add3A_2744 : vector<64x128xi32>
    %select_n3A_2746 = arith.select %lt3A_2742, %add3A_2745, %select_n3A_285 : vector<64x128xi1>, vector<64x128xi32>
    %reshape3A_2747 = vector.shape_cast %select_n3A_2746 : vector<64x128xi32> to vector<64x128x1xi32>
    %gather3A_2748 = vector.shape_cast %reshape3A_2747 : vector<64x128x1xi32> to vector<64x128xi32>
    %gather3A_2749 = tpu.dynamic_gather %slice3A_2652[%gather3A_2748] in [1] : vector<64x128xf32>, vector<64x128xi32> -> vector<64x128xf32>
    %lt3A_2750 = arith.constant 0 : i32
    %lt3A_2751 = vector.broadcast %lt3A_2750 : i32 to vector<64x128xi32>
    %lt3A_2752 = arith.cmpi slt, %select_n3A_285, %lt3A_2751 : vector<64x128xi32>
    %add3A_2753 = arith.constant 128 : i32
    %add3A_2754 = vector.broadcast %add3A_2753 : i32 to vector<64x128xi32>
    %add3A_2755 = arith.addi %select_n3A_285, %add3A_2754 : vector<64x128xi32>
    %select_n3A_2756 = arith.select %lt3A_2752, %add3A_2755, %select_n3A_285 : vector<64x128xi1>, vector<64x128xi32>
    %reshape3A_2757 = vector.shape_cast %select_n3A_2756 : vector<64x128xi32> to vector<64x128x1xi32>
    %gather3A_2758 = vector.shape_cast %reshape3A_2757 : vector<64x128x1xi32> to vector<64x128xi32>
    %gather3A_2759 = tpu.dynamic_gather %slice3A_2653[%gather3A_2758] in [1] : vector<64x128xf32>, vector<64x128xi32> -> vector<64x128xf32>
    %select_n3A_2760 = arith.select %eq3A_313, %gather3A_2749, %gather3A_2759 : vector<64x128xi1>, vector<64x128xf32>
    %select_n3A_2761 = arith.select %eq3A_310, %gather3A_2739, %select_n3A_2760 : vector<64x128xi1>, vector<64x128xf32>
    %swap3A_2762 = arith.constant 0 : index
    %swap3A_2763 = arith.constant 0 : index
    %swap3A_2764 = arith.constant 7936 : index
    %swap3A_2765 = vector.load %arg2[%swap3A_2762, %swap3A_2763, %swap3A_2764] : memref<1x64x12288xf32, #tpu.memory_space<vmem>>, vector<1x64x128xf32>
    %swap3A_2766 = vector.shape_cast %swap3A_2765 : vector<1x64x128xf32> to vector<64x128xf32>
    %swap3A_2767 = vector.shape_cast %select_n3A_2761 : vector<64x128xf32> to vector<1x64x128xf32>
    tpu.vector_store %arg2[%swap3A_2762, %swap3A_2763, %swap3A_2764], %swap3A_2767 {strides = array<i32>} : memref<1x64x12288xf32, #tpu.memory_space<vmem>>, vector<1x64x128xf32>,
    %slice3A_2768 = vector.extract_strided_slice %select_n3A_104 {offsets = [0, 2688], sizes = [64, 128], strides = [1, 1]} : vector<64x4096xf32> to vector<64x128xf32>
    %slice3A_2769 = vector.extract_strided_slice %select_n3A_115 {offsets = [0, 2688], sizes = [64, 128], strides = [1, 1]} : vector<64x4096xf32> to vector<64x128xf32>
    %slice3A_2770 = vector.extract_strided_slice %select_n3A_126 {offsets = [0, 2688], sizes = [64, 128], strides = [1, 1]} : vector<64x4096xf32> to vector<64x128xf32>
    %lt3A_2771 = arith.constant 0 : i32
    %lt3A_2772 = vector.broadcast %lt3A_2771 : i32 to vector<64x128xi32>
    %lt3A_2773 = arith.cmpi slt, %select_n3A_161, %lt3A_2772 : vector<64x128xi32>
    %add3A_2774 = arith.constant 128 : i32
    %add3A_2775 = vector.broadcast %add3A_2774 : i32 to vector<64x128xi32>
    %add3A_2776 = arith.addi %select_n3A_161, %add3A_2775 : vector<64x128xi32>
    %select_n3A_2777 = arith.select %lt3A_2773, %add3A_2776, %select_n3A_161 : vector<64x128xi1>, vector<64x128xi32>
    %reshape3A_2778 = vector.shape_cast %select_n3A_2777 : vector<64x128xi32> to vector<64x128x1xi32>
    %gather3A_2779 = vector.shape_cast %reshape3A_2778 : vector<64x128x1xi32> to vector<64x128xi32>
    %gather3A_2780 = tpu.dynamic_gather %slice3A_2768[%gather3A_2779] in [1] : vector<64x128xf32>, vector<64x128xi32> -> vector<64x128xf32>
    %lt3A_2781 = arith.constant 0 : i32
    %lt3A_2782 = vector.broadcast %lt3A_2781 : i32 to vector<64x128xi32>
    %lt3A_2783 = arith.cmpi slt, %select_n3A_161, %lt3A_2782 : vector<64x128xi32>
    %add3A_2784 = arith.constant 128 : i32
    %add3A_2785 = vector.broadcast %add3A_2784 : i32 to vector<64x128xi32>
    %add3A_2786 = arith.addi %select_n3A_161, %add3A_2785 : vector<64x128xi32>
    %select_n3A_2787 = arith.select %lt3A_2783, %add3A_2786, %select_n3A_161 : vector<64x128xi1>, vector<64x128xi32>
    %reshape3A_2788 = vector.shape_cast %select_n3A_2787 : vector<64x128xi32> to vector<64x128x1xi32>
    %gather3A_2789 = vector.shape_cast %reshape3A_2788 : vector<64x128x1xi32> to vector<64x128xi32>
    %gather3A_2790 = tpu.dynamic_gather %slice3A_2769[%gather3A_2789] in [1] : vector<64x128xf32>, vector<64x128xi32> -> vector<64x128xf32>
    %lt3A_2791 = arith.constant 0 : i32
    %lt3A_2792 = vector.broadcast %lt3A_2791 : i32 to vector<64x128xi32>
    %lt3A_2793 = arith.cmpi slt, %select_n3A_161, %lt3A_2792 : vector<64x128xi32>
    %add3A_2794 = arith.constant 128 : i32
    %add3A_2795 = vector.broadcast %add3A_2794 : i32 to vector<64x128xi32>
    %add3A_2796 = arith.addi %select_n3A_161, %add3A_2795 : vector<64x128xi32>
    %select_n3A_2797 = arith.select %lt3A_2793, %add3A_2796, %select_n3A_161 : vector<64x128xi1>, vector<64x128xi32>
    %reshape3A_2798 = vector.shape_cast %select_n3A_2797 : vector<64x128xi32> to vector<64x128x1xi32>
    %gather3A_2799 = vector.shape_cast %reshape3A_2798 : vector<64x128x1xi32> to vector<64x128xi32>
    %gather3A_2800 = tpu.dynamic_gather %slice3A_2770[%gather3A_2799] in [1] : vector<64x128xf32>, vector<64x128xi32> -> vector<64x128xf32>
    %select_n3A_2801 = arith.select %eq3A_189, %gather3A_2790, %gather3A_2800 : vector<64x128xi1>, vector<64x128xf32>
    %select_n3A_2802 = arith.select %eq3A_186, %gather3A_2780, %select_n3A_2801 : vector<64x128xi1>, vector<64x128xf32>
    %swap3A_2803 = arith.constant 0 : index
    %swap3A_2804 = arith.constant 0 : index
    %swap3A_2805 = arith.constant 8064 : index
    %swap3A_2806 = vector.load %arg2[%swap3A_2803, %swap3A_2804, %swap3A_2805] : memref<1x64x12288xf32, #tpu.memory_space<vmem>>, vector<1x64x128xf32>
    %swap3A_2807 = vector.shape_cast %swap3A_2806 : vector<1x64x128xf32> to vector<64x128xf32>
    %swap3A_2808 = vector.shape_cast %select_n3A_2802 : vector<64x128xf32> to vector<1x64x128xf32>
    tpu.vector_store %arg2[%swap3A_2803, %swap3A_2804, %swap3A_2805], %swap3A_2808 {strides = array<i32>} : memref<1x64x12288xf32, #tpu.memory_space<vmem>>, vector<1x64x128xf32>,
    %lt3A_2809 = arith.constant 0 : i32
    %lt3A_2810 = vector.broadcast %lt3A_2809 : i32 to vector<64x128xi32>
    %lt3A_2811 = arith.cmpi slt, %select_n3A_223, %lt3A_2810 : vector<64x128xi32>
    %add3A_2812 = arith.constant 128 : i32
    %add3A_2813 = vector.broadcast %add3A_2812 : i32 to vector<64x128xi32>
    %add3A_2814 = arith.addi %select_n3A_223, %add3A_2813 : vector<64x128xi32>
    %select_n3A_2815 = arith.select %lt3A_2811, %add3A_2814, %select_n3A_223 : vector<64x128xi1>, vector<64x128xi32>
    %reshape3A_2816 = vector.shape_cast %select_n3A_2815 : vector<64x128xi32> to vector<64x128x1xi32>
    %gather3A_2817 = vector.shape_cast %reshape3A_2816 : vector<64x128x1xi32> to vector<64x128xi32>
    %gather3A_2818 = tpu.dynamic_gather %slice3A_2768[%gather3A_2817] in [1] : vector<64x128xf32>, vector<64x128xi32> -> vector<64x128xf32>
    %lt3A_2819 = arith.constant 0 : i32
    %lt3A_2820 = vector.broadcast %lt3A_2819 : i32 to vector<64x128xi32>
    %lt3A_2821 = arith.cmpi slt, %select_n3A_223, %lt3A_2820 : vector<64x128xi32>
    %add3A_2822 = arith.constant 128 : i32
    %add3A_2823 = vector.broadcast %add3A_2822 : i32 to vector<64x128xi32>
    %add3A_2824 = arith.addi %select_n3A_223, %add3A_2823 : vector<64x128xi32>
    %select_n3A_2825 = arith.select %lt3A_2821, %add3A_2824, %select_n3A_223 : vector<64x128xi1>, vector<64x128xi32>
    %reshape3A_2826 = vector.shape_cast %select_n3A_2825 : vector<64x128xi32> to vector<64x128x1xi32>
    %gather3A_2827 = vector.shape_cast %reshape3A_2826 : vector<64x128x1xi32> to vector<64x128xi32>
    %gather3A_2828 = tpu.dynamic_gather %slice3A_2769[%gather3A_2827] in [1] : vector<64x128xf32>, vector<64x128xi32> -> vector<64x128xf32>
    %lt3A_2829 = arith.constant 0 : i32
    %lt3A_2830 = vector.broadcast %lt3A_2829 : i32 to vector<64x128xi32>
    %lt3A_2831 = arith.cmpi slt, %select_n3A_223, %lt3A_2830 : vector<64x128xi32>
    %add3A_2832 = arith.constant 128 : i32
    %add3A_2833 = vector.broadcast %add3A_2832 : i32 to vector<64x128xi32>
    %add3A_2834 = arith.addi %select_n3A_223, %add3A_2833 : vector<64x128xi32>
    %select_n3A_2835 = arith.select %lt3A_2831, %add3A_2834, %select_n3A_223 : vector<64x128xi1>, vector<64x128xi32>
    %reshape3A_2836 = vector.shape_cast %select_n3A_2835 : vector<64x128xi32> to vector<64x128x1xi32>
    %gather3A_2837 = vector.shape_cast %reshape3A_2836 : vector<64x128x1xi32> to vector<64x128xi32>
    %gather3A_2838 = tpu.dynamic_gather %slice3A_2770[%gather3A_2837] in [1] : vector<64x128xf32>, vector<64x128xi32> -> vector<64x128xf32>
    %select_n3A_2839 = arith.select %eq3A_251, %gather3A_2828, %gather3A_2838 : vector<64x128xi1>, vector<64x128xf32>
    %select_n3A_2840 = arith.select %eq3A_248, %gather3A_2818, %select_n3A_2839 : vector<64x128xi1>, vector<64x128xf32>
    %swap3A_2841 = arith.constant 0 : index
    %swap3A_2842 = arith.constant 0 : index
    %swap3A_2843 = arith.constant 8192 : index
    %swap3A_2844 = vector.load %arg2[%swap3A_2841, %swap3A_2842, %swap3A_2843] : memref<1x64x12288xf32, #tpu.memory_space<vmem>>, vector<1x64x128xf32>
    %swap3A_2845 = vector.shape_cast %swap3A_2844 : vector<1x64x128xf32> to vector<64x128xf32>
    %swap3A_2846 = vector.shape_cast %select_n3A_2840 : vector<64x128xf32> to vector<1x64x128xf32>
    tpu.vector_store %arg2[%swap3A_2841, %swap3A_2842, %swap3A_2843], %swap3A_2846 {strides = array<i32>} : memref<1x64x12288xf32, #tpu.memory_space<vmem>>, vector<1x64x128xf32>,
    %lt3A_2847 = arith.constant 0 : i32
    %lt3A_2848 = vector.broadcast %lt3A_2847 : i32 to vector<64x128xi32>
    %lt3A_2849 = arith.cmpi slt, %select_n3A_285, %lt3A_2848 : vector<64x128xi32>
    %add3A_2850 = arith.constant 128 : i32
    %add3A_2851 = vector.broadcast %add3A_2850 : i32 to vector<64x128xi32>
    %add3A_2852 = arith.addi %select_n3A_285, %add3A_2851 : vector<64x128xi32>
    %select_n3A_2853 = arith.select %lt3A_2849, %add3A_2852, %select_n3A_285 : vector<64x128xi1>, vector<64x128xi32>
    %reshape3A_2854 = vector.shape_cast %select_n3A_2853 : vector<64x128xi32> to vector<64x128x1xi32>
    %gather3A_2855 = vector.shape_cast %reshape3A_2854 : vector<64x128x1xi32> to vector<64x128xi32>
    %gather3A_2856 = tpu.dynamic_gather %slice3A_2768[%gather3A_2855] in [1] : vector<64x128xf32>, vector<64x128xi32> -> vector<64x128xf32>
    %lt3A_2857 = arith.constant 0 : i32
    %lt3A_2858 = vector.broadcast %lt3A_2857 : i32 to vector<64x128xi32>
    %lt3A_2859 = arith.cmpi slt, %select_n3A_285, %lt3A_2858 : vector<64x128xi32>
    %add3A_2860 = arith.constant 128 : i32
    %add3A_2861 = vector.broadcast %add3A_2860 : i32 to vector<64x128xi32>
    %add3A_2862 = arith.addi %select_n3A_285, %add3A_2861 : vector<64x128xi32>
    %select_n3A_2863 = arith.select %lt3A_2859, %add3A_2862, %select_n3A_285 : vector<64x128xi1>, vector<64x128xi32>
    %reshape3A_2864 = vector.shape_cast %select_n3A_2863 : vector<64x128xi32> to vector<64x128x1xi32>
    %gather3A_2865 = vector.shape_cast %reshape3A_2864 : vector<64x128x1xi32> to vector<64x128xi32>
    %gather3A_2866 = tpu.dynamic_gather %slice3A_2769[%gather3A_2865] in [1] : vector<64x128xf32>, vector<64x128xi32> -> vector<64x128xf32>
    %lt3A_2867 = arith.constant 0 : i32
    %lt3A_2868 = vector.broadcast %lt3A_2867 : i32 to vector<64x128xi32>
    %lt3A_2869 = arith.cmpi slt, %select_n3A_285, %lt3A_2868 : vector<64x128xi32>
    %add3A_2870 = arith.constant 128 : i32
    %add3A_2871 = vector.broadcast %add3A_2870 : i32 to vector<64x128xi32>
    %add3A_2872 = arith.addi %select_n3A_285, %add3A_2871 : vector<64x128xi32>
    %select_n3A_2873 = arith.select %lt3A_2869, %add3A_2872, %select_n3A_285 : vector<64x128xi1>, vector<64x128xi32>
    %reshape3A_2874 = vector.shape_cast %select_n3A_2873 : vector<64x128xi32> to vector<64x128x1xi32>
    %gather3A_2875 = vector.shape_cast %reshape3A_2874 : vector<64x128x1xi32> to vector<64x128xi32>
    %gather3A_2876 = tpu.dynamic_gather %slice3A_2770[%gather3A_2875] in [1] : vector<64x128xf32>, vector<64x128xi32> -> vector<64x128xf32>
    %select_n3A_2877 = arith.select %eq3A_313, %gather3A_2866, %gather3A_2876 : vector<64x128xi1>, vector<64x128xf32>
    %select_n3A_2878 = arith.select %eq3A_310, %gather3A_2856, %select_n3A_2877 : vector<64x128xi1>, vector<64x128xf32>
    %swap3A_2879 = arith.constant 0 : index
    %swap3A_2880 = arith.constant 0 : index
    %swap3A_2881 = arith.constant 8320 : index
    %swap3A_2882 = vector.load %arg2[%swap3A_2879, %swap3A_2880, %swap3A_2881] : memref<1x64x12288xf32, #tpu.memory_space<vmem>>, vector<1x64x128xf32>
    %swap3A_2883 = vector.shape_cast %swap3A_2882 : vector<1x64x128xf32> to vector<64x128xf32>
    %swap3A_2884 = vector.shape_cast %select_n3A_2878 : vector<64x128xf32> to vector<1x64x128xf32>
    tpu.vector_store %arg2[%swap3A_2879, %swap3A_2880, %swap3A_2881], %swap3A_2884 {strides = array<i32>} : memref<1x64x12288xf32, #tpu.memory_space<vmem>>, vector<1x64x128xf32>,
    %slice3A_2885 = vector.extract_strided_slice %select_n3A_104 {offsets = [0, 2816], sizes = [64, 128], strides = [1, 1]} : vector<64x4096xf32> to vector<64x128xf32>
    %slice3A_2886 = vector.extract_strided_slice %select_n3A_115 {offsets = [0, 2816], sizes = [64, 128], strides = [1, 1]} : vector<64x4096xf32> to vector<64x128xf32>
    %slice3A_2887 = vector.extract_strided_slice %select_n3A_126 {offsets = [0, 2816], sizes = [64, 128], strides = [1, 1]} : vector<64x4096xf32> to vector<64x128xf32>
    %lt3A_2888 = arith.constant 0 : i32
    %lt3A_2889 = vector.broadcast %lt3A_2888 : i32 to vector<64x128xi32>
    %lt3A_2890 = arith.cmpi slt, %select_n3A_161, %lt3A_2889 : vector<64x128xi32>
    %add3A_2891 = arith.constant 128 : i32
    %add3A_2892 = vector.broadcast %add3A_2891 : i32 to vector<64x128xi32>
    %add3A_2893 = arith.addi %select_n3A_161, %add3A_2892 : vector<64x128xi32>
    %select_n3A_2894 = arith.select %lt3A_2890, %add3A_2893, %select_n3A_161 : vector<64x128xi1>, vector<64x128xi32>
    %reshape3A_2895 = vector.shape_cast %select_n3A_2894 : vector<64x128xi32> to vector<64x128x1xi32>
    %gather3A_2896 = vector.shape_cast %reshape3A_2895 : vector<64x128x1xi32> to vector<64x128xi32>
    %gather3A_2897 = tpu.dynamic_gather %slice3A_2885[%gather3A_2896] in [1] : vector<64x128xf32>, vector<64x128xi32> -> vector<64x128xf32>
    %lt3A_2898 = arith.constant 0 : i32
    %lt3A_2899 = vector.broadcast %lt3A_2898 : i32 to vector<64x128xi32>
    %lt3A_2900 = arith.cmpi slt, %select_n3A_161, %lt3A_2899 : vector<64x128xi32>
    %add3A_2901 = arith.constant 128 : i32
    %add3A_2902 = vector.broadcast %add3A_2901 : i32 to vector<64x128xi32>
    %add3A_2903 = arith.addi %select_n3A_161, %add3A_2902 : vector<64x128xi32>
    %select_n3A_2904 = arith.select %lt3A_2900, %add3A_2903, %select_n3A_161 : vector<64x128xi1>, vector<64x128xi32>
    %reshape3A_2905 = vector.shape_cast %select_n3A_2904 : vector<64x128xi32> to vector<64x128x1xi32>
    %gather3A_2906 = vector.shape_cast %reshape3A_2905 : vector<64x128x1xi32> to vector<64x128xi32>
    %gather3A_2907 = tpu.dynamic_gather %slice3A_2886[%gather3A_2906] in [1] : vector<64x128xf32>, vector<64x128xi32> -> vector<64x128xf32>
    %lt3A_2908 = arith.constant 0 : i32
    %lt3A_2909 = vector.broadcast %lt3A_2908 : i32 to vector<64x128xi32>
    %lt3A_2910 = arith.cmpi slt, %select_n3A_161, %lt3A_2909 : vector<64x128xi32>
    %add3A_2911 = arith.constant 128 : i32
    %add3A_2912 = vector.broadcast %add3A_2911 : i32 to vector<64x128xi32>
    %add3A_2913 = arith.addi %select_n3A_161, %add3A_2912 : vector<64x128xi32>
    %select_n3A_2914 = arith.select %lt3A_2910, %add3A_2913, %select_n3A_161 : vector<64x128xi1>, vector<64x128xi32>
    %reshape3A_2915 = vector.shape_cast %select_n3A_2914 : vector<64x128xi32> to vector<64x128x1xi32>
    %gather3A_2916 = vector.shape_cast %reshape3A_2915 : vector<64x128x1xi32> to vector<64x128xi32>
    %gather3A_2917 = tpu.dynamic_gather %slice3A_2887[%gather3A_2916] in [1] : vector<64x128xf32>, vector<64x128xi32> -> vector<64x128xf32>
    %select_n3A_2918 = arith.select %eq3A_189, %gather3A_2907, %gather3A_2917 : vector<64x128xi1>, vector<64x128xf32>
    %select_n3A_2919 = arith.select %eq3A_186, %gather3A_2897, %select_n3A_2918 : vector<64x128xi1>, vector<64x128xf32>
    %swap3A_2920 = arith.constant 0 : index
    %swap3A_2921 = arith.constant 0 : index
    %swap3A_2922 = arith.constant 8448 : index
    %swap3A_2923 = vector.load %arg2[%swap3A_2920, %swap3A_2921, %swap3A_2922] : memref<1x64x12288xf32, #tpu.memory_space<vmem>>, vector<1x64x128xf32>
    %swap3A_2924 = vector.shape_cast %swap3A_2923 : vector<1x64x128xf32> to vector<64x128xf32>
    %swap3A_2925 = vector.shape_cast %select_n3A_2919 : vector<64x128xf32> to vector<1x64x128xf32>
    tpu.vector_store %arg2[%swap3A_2920, %swap3A_2921, %swap3A_2922], %swap3A_2925 {strides = array<i32>} : memref<1x64x12288xf32, #tpu.memory_space<vmem>>, vector<1x64x128xf32>,
    %lt3A_2926 = arith.constant 0 : i32
    %lt3A_2927 = vector.broadcast %lt3A_2926 : i32 to vector<64x128xi32>
    %lt3A_2928 = arith.cmpi slt, %select_n3A_223, %lt3A_2927 : vector<64x128xi32>
    %add3A_2929 = arith.constant 128 : i32
    %add3A_2930 = vector.broadcast %add3A_2929 : i32 to vector<64x128xi32>
    %add3A_2931 = arith.addi %select_n3A_223, %add3A_2930 : vector<64x128xi32>
    %select_n3A_2932 = arith.select %lt3A_2928, %add3A_2931, %select_n3A_223 : vector<64x128xi1>, vector<64x128xi32>
    %reshape3A_2933 = vector.shape_cast %select_n3A_2932 : vector<64x128xi32> to vector<64x128x1xi32>
    %gather3A_2934 = vector.shape_cast %reshape3A_2933 : vector<64x128x1xi32> to vector<64x128xi32>
    %gather3A_2935 = tpu.dynamic_gather %slice3A_2885[%gather3A_2934] in [1] : vector<64x128xf32>, vector<64x128xi32> -> vector<64x128xf32>
    %lt3A_2936 = arith.constant 0 : i32
    %lt3A_2937 = vector.broadcast %lt3A_2936 : i32 to vector<64x128xi32>
    %lt3A_2938 = arith.cmpi slt, %select_n3A_223, %lt3A_2937 : vector<64x128xi32>
    %add3A_2939 = arith.constant 128 : i32
    %add3A_2940 = vector.broadcast %add3A_2939 : i32 to vector<64x128xi32>
    %add3A_2941 = arith.addi %select_n3A_223, %add3A_2940 : vector<64x128xi32>
    %select_n3A_2942 = arith.select %lt3A_2938, %add3A_2941, %select_n3A_223 : vector<64x128xi1>, vector<64x128xi32>
    %reshape3A_2943 = vector.shape_cast %select_n3A_2942 : vector<64x128xi32> to vector<64x128x1xi32>
    %gather3A_2944 = vector.shape_cast %reshape3A_2943 : vector<64x128x1xi32> to vector<64x128xi32>
    %gather3A_2945 = tpu.dynamic_gather %slice3A_2886[%gather3A_2944] in [1] : vector<64x128xf32>, vector<64x128xi32> -> vector<64x128xf32>
    %lt3A_2946 = arith.constant 0 : i32
    %lt3A_2947 = vector.broadcast %lt3A_2946 : i32 to vector<64x128xi32>
    %lt3A_2948 = arith.cmpi slt, %select_n3A_223, %lt3A_2947 : vector<64x128xi32>
    %add3A_2949 = arith.constant 128 : i32
    %add3A_2950 = vector.broadcast %add3A_2949 : i32 to vector<64x128xi32>
    %add3A_2951 = arith.addi %select_n3A_223, %add3A_2950 : vector<64x128xi32>
    %select_n3A_2952 = arith.select %lt3A_2948, %add3A_2951, %select_n3A_223 : vector<64x128xi1>, vector<64x128xi32>
    %reshape3A_2953 = vector.shape_cast %select_n3A_2952 : vector<64x128xi32> to vector<64x128x1xi32>
    %gather3A_2954 = vector.shape_cast %reshape3A_2953 : vector<64x128x1xi32> to vector<64x128xi32>
    %gather3A_2955 = tpu.dynamic_gather %slice3A_2887[%gather3A_2954] in [1] : vector<64x128xf32>, vector<64x128xi32> -> vector<64x128xf32>
    %select_n3A_2956 = arith.select %eq3A_251, %gather3A_2945, %gather3A_2955 : vector<64x128xi1>, vector<64x128xf32>
    %select_n3A_2957 = arith.select %eq3A_248, %gather3A_2935, %select_n3A_2956 : vector<64x128xi1>, vector<64x128xf32>
    %swap3A_2958 = arith.constant 0 : index
    %swap3A_2959 = arith.constant 0 : index
    %swap3A_2960 = arith.constant 8576 : index
    %swap3A_2961 = vector.load %arg2[%swap3A_2958, %swap3A_2959, %swap3A_2960] : memref<1x64x12288xf32, #tpu.memory_space<vmem>>, vector<1x64x128xf32>
    %swap3A_2962 = vector.shape_cast %swap3A_2961 : vector<1x64x128xf32> to vector<64x128xf32>
    %swap3A_2963 = vector.shape_cast %select_n3A_2957 : vector<64x128xf32> to vector<1x64x128xf32>
    tpu.vector_store %arg2[%swap3A_2958, %swap3A_2959, %swap3A_2960], %swap3A_2963 {strides = array<i32>} : memref<1x64x12288xf32, #tpu.memory_space<vmem>>, vector<1x64x128xf32>,
    %lt3A_2964 = arith.constant 0 : i32
    %lt3A_2965 = vector.broadcast %lt3A_2964 : i32 to vector<64x128xi32>
    %lt3A_2966 = arith.cmpi slt, %select_n3A_285, %lt3A_2965 : vector<64x128xi32>
    %add3A_2967 = arith.constant 128 : i32
    %add3A_2968 = vector.broadcast %add3A_2967 : i32 to vector<64x128xi32>
    %add3A_2969 = arith.addi %select_n3A_285, %add3A_2968 : vector<64x128xi32>
    %select_n3A_2970 = arith.select %lt3A_2966, %add3A_2969, %select_n3A_285 : vector<64x128xi1>, vector<64x128xi32>
    %reshape3A_2971 = vector.shape_cast %select_n3A_2970 : vector<64x128xi32> to vector<64x128x1xi32>
    %gather3A_2972 = vector.shape_cast %reshape3A_2971 : vector<64x128x1xi32> to vector<64x128xi32>
    %gather3A_2973 = tpu.dynamic_gather %slice3A_2885[%gather3A_2972] in [1] : vector<64x128xf32>, vector<64x128xi32> -> vector<64x128xf32>
    %lt3A_2974 = arith.constant 0 : i32
    %lt3A_2975 = vector.broadcast %lt3A_2974 : i32 to vector<64x128xi32>
    %lt3A_2976 = arith.cmpi slt, %select_n3A_285, %lt3A_2975 : vector<64x128xi32>
    %add3A_2977 = arith.constant 128 : i32
    %add3A_2978 = vector.broadcast %add3A_2977 : i32 to vector<64x128xi32>
    %add3A_2979 = arith.addi %select_n3A_285, %add3A_2978 : vector<64x128xi32>
    %select_n3A_2980 = arith.select %lt3A_2976, %add3A_2979, %select_n3A_285 : vector<64x128xi1>, vector<64x128xi32>
    %reshape3A_2981 = vector.shape_cast %select_n3A_2980 : vector<64x128xi32> to vector<64x128x1xi32>
    %gather3A_2982 = vector.shape_cast %reshape3A_2981 : vector<64x128x1xi32> to vector<64x128xi32>
    %gather3A_2983 = tpu.dynamic_gather %slice3A_2886[%gather3A_2982] in [1] : vector<64x128xf32>, vector<64x128xi32> -> vector<64x128xf32>
    %lt3A_2984 = arith.constant 0 : i32
    %lt3A_2985 = vector.broadcast %lt3A_2984 : i32 to vector<64x128xi32>
    %lt3A_2986 = arith.cmpi slt, %select_n3A_285, %lt3A_2985 : vector<64x128xi32>
    %add3A_2987 = arith.constant 128 : i32
    %add3A_2988 = vector.broadcast %add3A_2987 : i32 to vector<64x128xi32>
    %add3A_2989 = arith.addi %select_n3A_285, %add3A_2988 : vector<64x128xi32>
    %select_n3A_2990 = arith.select %lt3A_2986, %add3A_2989, %select_n3A_285 : vector<64x128xi1>, vector<64x128xi32>
    %reshape3A_2991 = vector.shape_cast %select_n3A_2990 : vector<64x128xi32> to vector<64x128x1xi32>
    %gather3A_2992 = vector.shape_cast %reshape3A_2991 : vector<64x128x1xi32> to vector<64x128xi32>
    %gather3A_2993 = tpu.dynamic_gather %slice3A_2887[%gather3A_2992] in [1] : vector<64x128xf32>, vector<64x128xi32> -> vector<64x128xf32>
    %select_n3A_2994 = arith.select %eq3A_313, %gather3A_2983, %gather3A_2993 : vector<64x128xi1>, vector<64x128xf32>
    %select_n3A_2995 = arith.select %eq3A_310, %gather3A_2973, %select_n3A_2994 : vector<64x128xi1>, vector<64x128xf32>
    %swap3A_2996 = arith.constant 0 : index
    %swap3A_2997 = arith.constant 0 : index
    %swap3A_2998 = arith.constant 8704 : index
    %swap3A_2999 = vector.load %arg2[%swap3A_2996, %swap3A_2997, %swap3A_2998] : memref<1x64x12288xf32, #tpu.memory_space<vmem>>, vector<1x64x128xf32>
    %swap3A_3000 = vector.shape_cast %swap3A_2999 : vector<1x64x128xf32> to vector<64x128xf32>
    %swap3A_3001 = vector.shape_cast %select_n3A_2995 : vector<64x128xf32> to vector<1x64x128xf32>
    tpu.vector_store %arg2[%swap3A_2996, %swap3A_2997, %swap3A_2998], %swap3A_3001 {strides = array<i32>} : memref<1x64x12288xf32, #tpu.memory_space<vmem>>, vector<1x64x128xf32>,
    %slice3A_3002 = vector.extract_strided_slice %select_n3A_104 {offsets = [0, 2944], sizes = [64, 128], strides = [1, 1]} : vector<64x4096xf32> to vector<64x128xf32>
    %slice3A_3003 = vector.extract_strided_slice %select_n3A_115 {offsets = [0, 2944], sizes = [64, 128], strides = [1, 1]} : vector<64x4096xf32> to vector<64x128xf32>
    %slice3A_3004 = vector.extract_strided_slice %select_n3A_126 {offsets = [0, 2944], sizes = [64, 128], strides = [1, 1]} : vector<64x4096xf32> to vector<64x128xf32>
    %lt3A_3005 = arith.constant 0 : i32
    %lt3A_3006 = vector.broadcast %lt3A_3005 : i32 to vector<64x128xi32>
    %lt3A_3007 = arith.cmpi slt, %select_n3A_161, %lt3A_3006 : vector<64x128xi32>
    %add3A_3008 = arith.constant 128 : i32
    %add3A_3009 = vector.broadcast %add3A_3008 : i32 to vector<64x128xi32>
    %add3A_3010 = arith.addi %select_n3A_161, %add3A_3009 : vector<64x128xi32>
    %select_n3A_3011 = arith.select %lt3A_3007, %add3A_3010, %select_n3A_161 : vector<64x128xi1>, vector<64x128xi32>
    %reshape3A_3012 = vector.shape_cast %select_n3A_3011 : vector<64x128xi32> to vector<64x128x1xi32>
    %gather3A_3013 = vector.shape_cast %reshape3A_3012 : vector<64x128x1xi32> to vector<64x128xi32>
    %gather3A_3014 = tpu.dynamic_gather %slice3A_3002[%gather3A_3013] in [1] : vector<64x128xf32>, vector<64x128xi32> -> vector<64x128xf32>
    %lt3A_3015 = arith.constant 0 : i32
    %lt3A_3016 = vector.broadcast %lt3A_3015 : i32 to vector<64x128xi32>
    %lt3A_3017 = arith.cmpi slt, %select_n3A_161, %lt3A_3016 : vector<64x128xi32>
    %add3A_3018 = arith.constant 128 : i32
    %add3A_3019 = vector.broadcast %add3A_3018 : i32 to vector<64x128xi32>
    %add3A_3020 = arith.addi %select_n3A_161, %add3A_3019 : vector<64x128xi32>
    %select_n3A_3021 = arith.select %lt3A_3017, %add3A_3020, %select_n3A_161 : vector<64x128xi1>, vector<64x128xi32>
    %reshape3A_3022 = vector.shape_cast %select_n3A_3021 : vector<64x128xi32> to vector<64x128x1xi32>
    %gather3A_3023 = vector.shape_cast %reshape3A_3022 : vector<64x128x1xi32> to vector<64x128xi32>
    %gather3A_3024 = tpu.dynamic_gather %slice3A_3003[%gather3A_3023] in [1] : vector<64x128xf32>, vector<64x128xi32> -> vector<64x128xf32>
    %lt3A_3025 = arith.constant 0 : i32
    %lt3A_3026 = vector.broadcast %lt3A_3025 : i32 to vector<64x128xi32>
    %lt3A_3027 = arith.cmpi slt, %select_n3A_161, %lt3A_3026 : vector<64x128xi32>
    %add3A_3028 = arith.constant 128 : i32
    %add3A_3029 = vector.broadcast %add3A_3028 : i32 to vector<64x128xi32>
    %add3A_3030 = arith.addi %select_n3A_161, %add3A_3029 : vector<64x128xi32>
    %select_n3A_3031 = arith.select %lt3A_3027, %add3A_3030, %select_n3A_161 : vector<64x128xi1>, vector<64x128xi32>
    %reshape3A_3032 = vector.shape_cast %select_n3A_3031 : vector<64x128xi32> to vector<64x128x1xi32>
    %gather3A_3033 = vector.shape_cast %reshape3A_3032 : vector<64x128x1xi32> to vector<64x128xi32>
    %gather3A_3034 = tpu.dynamic_gather %slice3A_3004[%gather3A_3033] in [1] : vector<64x128xf32>, vector<64x128xi32> -> vector<64x128xf32>
    %select_n3A_3035 = arith.select %eq3A_189, %gather3A_3024, %gather3A_3034 : vector<64x128xi1>, vector<64x128xf32>
    %select_n3A_3036 = arith.select %eq3A_186, %gather3A_3014, %select_n3A_3035 : vector<64x128xi1>, vector<64x128xf32>
    %swap3A_3037 = arith.constant 0 : index
    %swap3A_3038 = arith.constant 0 : index
    %swap3A_3039 = arith.constant 8832 : index
    %swap3A_3040 = vector.load %arg2[%swap3A_3037, %swap3A_3038, %swap3A_3039] : memref<1x64x12288xf32, #tpu.memory_space<vmem>>, vector<1x64x128xf32>
    %swap3A_3041 = vector.shape_cast %swap3A_3040 : vector<1x64x128xf32> to vector<64x128xf32>
    %swap3A_3042 = vector.shape_cast %select_n3A_3036 : vector<64x128xf32> to vector<1x64x128xf32>
    tpu.vector_store %arg2[%swap3A_3037, %swap3A_3038, %swap3A_3039], %swap3A_3042 {strides = array<i32>} : memref<1x64x12288xf32, #tpu.memory_space<vmem>>, vector<1x64x128xf32>,
    %lt3A_3043 = arith.constant 0 : i32
    %lt3A_3044 = vector.broadcast %lt3A_3043 : i32 to vector<64x128xi32>
    %lt3A_3045 = arith.cmpi slt, %select_n3A_223, %lt3A_3044 : vector<64x128xi32>
    %add3A_3046 = arith.constant 128 : i32
    %add3A_3047 = vector.broadcast %add3A_3046 : i32 to vector<64x128xi32>
    %add3A_3048 = arith.addi %select_n3A_223, %add3A_3047 : vector<64x128xi32>
    %select_n3A_3049 = arith.select %lt3A_3045, %add3A_3048, %select_n3A_223 : vector<64x128xi1>, vector<64x128xi32>
    %reshape3A_3050 = vector.shape_cast %select_n3A_3049 : vector<64x128xi32> to vector<64x128x1xi32>
    %gather3A_3051 = vector.shape_cast %reshape3A_3050 : vector<64x128x1xi32> to vector<64x128xi32>
    %gather3A_3052 = tpu.dynamic_gather %slice3A_3002[%gather3A_3051] in [1] : vector<64x128xf32>, vector<64x128xi32> -> vector<64x128xf32>
    %lt3A_3053 = arith.constant 0 : i32
    %lt3A_3054 = vector.broadcast %lt3A_3053 : i32 to vector<64x128xi32>
    %lt3A_3055 = arith.cmpi slt, %select_n3A_223, %lt3A_3054 : vector<64x128xi32>
    %add3A_3056 = arith.constant 128 : i32
    %add3A_3057 = vector.broadcast %add3A_3056 : i32 to vector<64x128xi32>
    %add3A_3058 = arith.addi %select_n3A_223, %add3A_3057 : vector<64x128xi32>
    %select_n3A_3059 = arith.select %lt3A_3055, %add3A_3058, %select_n3A_223 : vector<64x128xi1>, vector<64x128xi32>
    %reshape3A_3060 = vector.shape_cast %select_n3A_3059 : vector<64x128xi32> to vector<64x128x1xi32>
    %gather3A_3061 = vector.shape_cast %reshape3A_3060 : vector<64x128x1xi32> to vector<64x128xi32>
    %gather3A_3062 = tpu.dynamic_gather %slice3A_3003[%gather3A_3061] in [1] : vector<64x128xf32>, vector<64x128xi32> -> vector<64x128xf32>
    %lt3A_3063 = arith.constant 0 : i32
    %lt3A_3064 = vector.broadcast %lt3A_3063 : i32 to vector<64x128xi32>
    %lt3A_3065 = arith.cmpi slt, %select_n3A_223, %lt3A_3064 : vector<64x128xi32>
    %add3A_3066 = arith.constant 128 : i32
    %add3A_3067 = vector.broadcast %add3A_3066 : i32 to vector<64x128xi32>
    %add3A_3068 = arith.addi %select_n3A_223, %add3A_3067 : vector<64x128xi32>
    %select_n3A_3069 = arith.select %lt3A_3065, %add3A_3068, %select_n3A_223 : vector<64x128xi1>, vector<64x128xi32>
    %reshape3A_3070 = vector.shape_cast %select_n3A_3069 : vector<64x128xi32> to vector<64x128x1xi32>
    %gather3A_3071 = vector.shape_cast %reshape3A_3070 : vector<64x128x1xi32> to vector<64x128xi32>
    %gather3A_3072 = tpu.dynamic_gather %slice3A_3004[%gather3A_3071] in [1] : vector<64x128xf32>, vector<64x128xi32> -> vector<64x128xf32>
    %select_n3A_3073 = arith.select %eq3A_251, %gather3A_3062, %gather3A_3072 : vector<64x128xi1>, vector<64x128xf32>
    %select_n3A_3074 = arith.select %eq3A_248, %gather3A_3052, %select_n3A_3073 : vector<64x128xi1>, vector<64x128xf32>
    %swap3A_3075 = arith.constant 0 : index
    %swap3A_3076 = arith.constant 0 : index
    %swap3A_3077 = arith.constant 8960 : index
    %swap3A_3078 = vector.load %arg2[%swap3A_3075, %swap3A_3076, %swap3A_3077] : memref<1x64x12288xf32, #tpu.memory_space<vmem>>, vector<1x64x128xf32>
    %swap3A_3079 = vector.shape_cast %swap3A_3078 : vector<1x64x128xf32> to vector<64x128xf32>
    %swap3A_3080 = vector.shape_cast %select_n3A_3074 : vector<64x128xf32> to vector<1x64x128xf32>
    tpu.vector_store %arg2[%swap3A_3075, %swap3A_3076, %swap3A_3077], %swap3A_3080 {strides = array<i32>} : memref<1x64x12288xf32, #tpu.memory_space<vmem>>, vector<1x64x128xf32>,
    %lt3A_3081 = arith.constant 0 : i32
    %lt3A_3082 = vector.broadcast %lt3A_3081 : i32 to vector<64x128xi32>
    %lt3A_3083 = arith.cmpi slt, %select_n3A_285, %lt3A_3082 : vector<64x128xi32>
    %add3A_3084 = arith.constant 128 : i32
    %add3A_3085 = vector.broadcast %add3A_3084 : i32 to vector<64x128xi32>
    %add3A_3086 = arith.addi %select_n3A_285, %add3A_3085 : vector<64x128xi32>
    %select_n3A_3087 = arith.select %lt3A_3083, %add3A_3086, %select_n3A_285 : vector<64x128xi1>, vector<64x128xi32>
    %reshape3A_3088 = vector.shape_cast %select_n3A_3087 : vector<64x128xi32> to vector<64x128x1xi32>
    %gather3A_3089 = vector.shape_cast %reshape3A_3088 : vector<64x128x1xi32> to vector<64x128xi32>
    %gather3A_3090 = tpu.dynamic_gather %slice3A_3002[%gather3A_3089] in [1] : vector<64x128xf32>, vector<64x128xi32> -> vector<64x128xf32>
    %lt3A_3091 = arith.constant 0 : i32
    %lt3A_3092 = vector.broadcast %lt3A_3091 : i32 to vector<64x128xi32>
    %lt3A_3093 = arith.cmpi slt, %select_n3A_285, %lt3A_3092 : vector<64x128xi32>
    %add3A_3094 = arith.constant 128 : i32
    %add3A_3095 = vector.broadcast %add3A_3094 : i32 to vector<64x128xi32>
    %add3A_3096 = arith.addi %select_n3A_285, %add3A_3095 : vector<64x128xi32>
    %select_n3A_3097 = arith.select %lt3A_3093, %add3A_3096, %select_n3A_285 : vector<64x128xi1>, vector<64x128xi32>
    %reshape3A_3098 = vector.shape_cast %select_n3A_3097 : vector<64x128xi32> to vector<64x128x1xi32>
    %gather3A_3099 = vector.shape_cast %reshape3A_3098 : vector<64x128x1xi32> to vector<64x128xi32>
    %gather3A_3100 = tpu.dynamic_gather %slice3A_3003[%gather3A_3099] in [1] : vector<64x128xf32>, vector<64x128xi32> -> vector<64x128xf32>
    %lt3A_3101 = arith.constant 0 : i32
    %lt3A_3102 = vector.broadcast %lt3A_3101 : i32 to vector<64x128xi32>
    %lt3A_3103 = arith.cmpi slt, %select_n3A_285, %lt3A_3102 : vector<64x128xi32>
    %add3A_3104 = arith.constant 128 : i32
    %add3A_3105 = vector.broadcast %add3A_3104 : i32 to vector<64x128xi32>
    %add3A_3106 = arith.addi %select_n3A_285, %add3A_3105 : vector<64x128xi32>
    %select_n3A_3107 = arith.select %lt3A_3103, %add3A_3106, %select_n3A_285 : vector<64x128xi1>, vector<64x128xi32>
    %reshape3A_3108 = vector.shape_cast %select_n3A_3107 : vector<64x128xi32> to vector<64x128x1xi32>
    %gather3A_3109 = vector.shape_cast %reshape3A_3108 : vector<64x128x1xi32> to vector<64x128xi32>
    %gather3A_3110 = tpu.dynamic_gather %slice3A_3004[%gather3A_3109] in [1] : vector<64x128xf32>, vector<64x128xi32> -> vector<64x128xf32>
    %select_n3A_3111 = arith.select %eq3A_313, %gather3A_3100, %gather3A_3110 : vector<64x128xi1>, vector<64x128xf32>
    %select_n3A_3112 = arith.select %eq3A_310, %gather3A_3090, %select_n3A_3111 : vector<64x128xi1>, vector<64x128xf32>
    %swap3A_3113 = arith.constant 0 : index
    %swap3A_3114 = arith.constant 0 : index
    %swap3A_3115 = arith.constant 9088 : index
    %swap3A_3116 = vector.load %arg2[%swap3A_3113, %swap3A_3114, %swap3A_3115] : memref<1x64x12288xf32, #tpu.memory_space<vmem>>, vector<1x64x128xf32>
    %swap3A_3117 = vector.shape_cast %swap3A_3116 : vector<1x64x128xf32> to vector<64x128xf32>
    %swap3A_3118 = vector.shape_cast %select_n3A_3112 : vector<64x128xf32> to vector<1x64x128xf32>
    tpu.vector_store %arg2[%swap3A_3113, %swap3A_3114, %swap3A_3115], %swap3A_3118 {strides = array<i32>} : memref<1x64x12288xf32, #tpu.memory_space<vmem>>, vector<1x64x128xf32>,
    %slice3A_3119 = vector.extract_strided_slice %select_n3A_104 {offsets = [0, 3072], sizes = [64, 128], strides = [1, 1]} : vector<64x4096xf32> to vector<64x128xf32>
    %slice3A_3120 = vector.extract_strided_slice %select_n3A_115 {offsets = [0, 3072], sizes = [64, 128], strides = [1, 1]} : vector<64x4096xf32> to vector<64x128xf32>
    %slice3A_3121 = vector.extract_strided_slice %select_n3A_126 {offsets = [0, 3072], sizes = [64, 128], strides = [1, 1]} : vector<64x4096xf32> to vector<64x128xf32>
    %lt3A_3122 = arith.constant 0 : i32
    %lt3A_3123 = vector.broadcast %lt3A_3122 : i32 to vector<64x128xi32>
    %lt3A_3124 = arith.cmpi slt, %select_n3A_161, %lt3A_3123 : vector<64x128xi32>
    %add3A_3125 = arith.constant 128 : i32
    %add3A_3126 = vector.broadcast %add3A_3125 : i32 to vector<64x128xi32>
    %add3A_3127 = arith.addi %select_n3A_161, %add3A_3126 : vector<64x128xi32>
    %select_n3A_3128 = arith.select %lt3A_3124, %add3A_3127, %select_n3A_161 : vector<64x128xi1>, vector<64x128xi32>
    %reshape3A_3129 = vector.shape_cast %select_n3A_3128 : vector<64x128xi32> to vector<64x128x1xi32>
    %gather3A_3130 = vector.shape_cast %reshape3A_3129 : vector<64x128x1xi32> to vector<64x128xi32>
    %gather3A_3131 = tpu.dynamic_gather %slice3A_3119[%gather3A_3130] in [1] : vector<64x128xf32>, vector<64x128xi32> -> vector<64x128xf32>
    %lt3A_3132 = arith.constant 0 : i32
    %lt3A_3133 = vector.broadcast %lt3A_3132 : i32 to vector<64x128xi32>
    %lt3A_3134 = arith.cmpi slt, %select_n3A_161, %lt3A_3133 : vector<64x128xi32>
    %add3A_3135 = arith.constant 128 : i32
    %add3A_3136 = vector.broadcast %add3A_3135 : i32 to vector<64x128xi32>
    %add3A_3137 = arith.addi %select_n3A_161, %add3A_3136 : vector<64x128xi32>
    %select_n3A_3138 = arith.select %lt3A_3134, %add3A_3137, %select_n3A_161 : vector<64x128xi1>, vector<64x128xi32>
    %reshape3A_3139 = vector.shape_cast %select_n3A_3138 : vector<64x128xi32> to vector<64x128x1xi32>
    %gather3A_3140 = vector.shape_cast %reshape3A_3139 : vector<64x128x1xi32> to vector<64x128xi32>
    %gather3A_3141 = tpu.dynamic_gather %slice3A_3120[%gather3A_3140] in [1] : vector<64x128xf32>, vector<64x128xi32> -> vector<64x128xf32>
    %lt3A_3142 = arith.constant 0 : i32
    %lt3A_3143 = vector.broadcast %lt3A_3142 : i32 to vector<64x128xi32>
    %lt3A_3144 = arith.cmpi slt, %select_n3A_161, %lt3A_3143 : vector<64x128xi32>
    %add3A_3145 = arith.constant 128 : i32
    %add3A_3146 = vector.broadcast %add3A_3145 : i32 to vector<64x128xi32>
    %add3A_3147 = arith.addi %select_n3A_161, %add3A_3146 : vector<64x128xi32>
    %select_n3A_3148 = arith.select %lt3A_3144, %add3A_3147, %select_n3A_161 : vector<64x128xi1>, vector<64x128xi32>
    %reshape3A_3149 = vector.shape_cast %select_n3A_3148 : vector<64x128xi32> to vector<64x128x1xi32>
    %gather3A_3150 = vector.shape_cast %reshape3A_3149 : vector<64x128x1xi32> to vector<64x128xi32>
    %gather3A_3151 = tpu.dynamic_gather %slice3A_3121[%gather3A_3150] in [1] : vector<64x128xf32>, vector<64x128xi32> -> vector<64x128xf32>
    %select_n3A_3152 = arith.select %eq3A_189, %gather3A_3141, %gather3A_3151 : vector<64x128xi1>, vector<64x128xf32>
    %select_n3A_3153 = arith.select %eq3A_186, %gather3A_3131, %select_n3A_3152 : vector<64x128xi1>, vector<64x128xf32>
    %swap3A_3154 = arith.constant 0 : index
    %swap3A_3155 = arith.constant 0 : index
    %swap3A_3156 = arith.constant 9216 : index
    %swap3A_3157 = vector.load %arg2[%swap3A_3154, %swap3A_3155, %swap3A_3156] : memref<1x64x12288xf32, #tpu.memory_space<vmem>>, vector<1x64x128xf32>
    %swap3A_3158 = vector.shape_cast %swap3A_3157 : vector<1x64x128xf32> to vector<64x128xf32>
    %swap3A_3159 = vector.shape_cast %select_n3A_3153 : vector<64x128xf32> to vector<1x64x128xf32>
    tpu.vector_store %arg2[%swap3A_3154, %swap3A_3155, %swap3A_3156], %swap3A_3159 {strides = array<i32>} : memref<1x64x12288xf32, #tpu.memory_space<vmem>>, vector<1x64x128xf32>,
    %lt3A_3160 = arith.constant 0 : i32
    %lt3A_3161 = vector.broadcast %lt3A_3160 : i32 to vector<64x128xi32>
    %lt3A_3162 = arith.cmpi slt, %select_n3A_223, %lt3A_3161 : vector<64x128xi32>
    %add3A_3163 = arith.constant 128 : i32
    %add3A_3164 = vector.broadcast %add3A_3163 : i32 to vector<64x128xi32>
    %add3A_3165 = arith.addi %select_n3A_223, %add3A_3164 : vector<64x128xi32>
    %select_n3A_3166 = arith.select %lt3A_3162, %add3A_3165, %select_n3A_223 : vector<64x128xi1>, vector<64x128xi32>
    %reshape3A_3167 = vector.shape_cast %select_n3A_3166 : vector<64x128xi32> to vector<64x128x1xi32>
    %gather3A_3168 = vector.shape_cast %reshape3A_3167 : vector<64x128x1xi32> to vector<64x128xi32>
    %gather3A_3169 = tpu.dynamic_gather %slice3A_3119[%gather3A_3168] in [1] : vector<64x128xf32>, vector<64x128xi32> -> vector<64x128xf32>
    %lt3A_3170 = arith.constant 0 : i32
    %lt3A_3171 = vector.broadcast %lt3A_3170 : i32 to vector<64x128xi32>
    %lt3A_3172 = arith.cmpi slt, %select_n3A_223, %lt3A_3171 : vector<64x128xi32>
    %add3A_3173 = arith.constant 128 : i32
    %add3A_3174 = vector.broadcast %add3A_3173 : i32 to vector<64x128xi32>
    %add3A_3175 = arith.addi %select_n3A_223, %add3A_3174 : vector<64x128xi32>
    %select_n3A_3176 = arith.select %lt3A_3172, %add3A_3175, %select_n3A_223 : vector<64x128xi1>, vector<64x128xi32>
    %reshape3A_3177 = vector.shape_cast %select_n3A_3176 : vector<64x128xi32> to vector<64x128x1xi32>
    %gather3A_3178 = vector.shape_cast %reshape3A_3177 : vector<64x128x1xi32> to vector<64x128xi32>
    %gather3A_3179 = tpu.dynamic_gather %slice3A_3120[%gather3A_3178] in [1] : vector<64x128xf32>, vector<64x128xi32> -> vector<64x128xf32>
    %lt3A_3180 = arith.constant 0 : i32
    %lt3A_3181 = vector.broadcast %lt3A_3180 : i32 to vector<64x128xi32>
    %lt3A_3182 = arith.cmpi slt, %select_n3A_223, %lt3A_3181 : vector<64x128xi32>
    %add3A_3183 = arith.constant 128 : i32
    %add3A_3184 = vector.broadcast %add3A_3183 : i32 to vector<64x128xi32>
    %add3A_3185 = arith.addi %select_n3A_223, %add3A_3184 : vector<64x128xi32>
    %select_n3A_3186 = arith.select %lt3A_3182, %add3A_3185, %select_n3A_223 : vector<64x128xi1>, vector<64x128xi32>
    %reshape3A_3187 = vector.shape_cast %select_n3A_3186 : vector<64x128xi32> to vector<64x128x1xi32>
    %gather3A_3188 = vector.shape_cast %reshape3A_3187 : vector<64x128x1xi32> to vector<64x128xi32>
    %gather3A_3189 = tpu.dynamic_gather %slice3A_3121[%gather3A_3188] in [1] : vector<64x128xf32>, vector<64x128xi32> -> vector<64x128xf32>
    %select_n3A_3190 = arith.select %eq3A_251, %gather3A_3179, %gather3A_3189 : vector<64x128xi1>, vector<64x128xf32>
    %select_n3A_3191 = arith.select %eq3A_248, %gather3A_3169, %select_n3A_3190 : vector<64x128xi1>, vector<64x128xf32>
    %swap3A_3192 = arith.constant 0 : index
    %swap3A_3193 = arith.constant 0 : index
    %swap3A_3194 = arith.constant 9344 : index
    %swap3A_3195 = vector.load %arg2[%swap3A_3192, %swap3A_3193, %swap3A_3194] : memref<1x64x12288xf32, #tpu.memory_space<vmem>>, vector<1x64x128xf32>
    %swap3A_3196 = vector.shape_cast %swap3A_3195 : vector<1x64x128xf32> to vector<64x128xf32>
    %swap3A_3197 = vector.shape_cast %select_n3A_3191 : vector<64x128xf32> to vector<1x64x128xf32>
    tpu.vector_store %arg2[%swap3A_3192, %swap3A_3193, %swap3A_3194], %swap3A_3197 {strides = array<i32>} : memref<1x64x12288xf32, #tpu.memory_space<vmem>>, vector<1x64x128xf32>,
    %lt3A_3198 = arith.constant 0 : i32
    %lt3A_3199 = vector.broadcast %lt3A_3198 : i32 to vector<64x128xi32>
    %lt3A_3200 = arith.cmpi slt, %select_n3A_285, %lt3A_3199 : vector<64x128xi32>
    %add3A_3201 = arith.constant 128 : i32
    %add3A_3202 = vector.broadcast %add3A_3201 : i32 to vector<64x128xi32>
    %add3A_3203 = arith.addi %select_n3A_285, %add3A_3202 : vector<64x128xi32>
    %select_n3A_3204 = arith.select %lt3A_3200, %add3A_3203, %select_n3A_285 : vector<64x128xi1>, vector<64x128xi32>
    %reshape3A_3205 = vector.shape_cast %select_n3A_3204 : vector<64x128xi32> to vector<64x128x1xi32>
    %gather3A_3206 = vector.shape_cast %reshape3A_3205 : vector<64x128x1xi32> to vector<64x128xi32>
    %gather3A_3207 = tpu.dynamic_gather %slice3A_3119[%gather3A_3206] in [1] : vector<64x128xf32>, vector<64x128xi32> -> vector<64x128xf32>
    %lt3A_3208 = arith.constant 0 : i32
    %lt3A_3209 = vector.broadcast %lt3A_3208 : i32 to vector<64x128xi32>
    %lt3A_3210 = arith.cmpi slt, %select_n3A_285, %lt3A_3209 : vector<64x128xi32>
    %add3A_3211 = arith.constant 128 : i32
    %add3A_3212 = vector.broadcast %add3A_3211 : i32 to vector<64x128xi32>
    %add3A_3213 = arith.addi %select_n3A_285, %add3A_3212 : vector<64x128xi32>
    %select_n3A_3214 = arith.select %lt3A_3210, %add3A_3213, %select_n3A_285 : vector<64x128xi1>, vector<64x128xi32>
    %reshape3A_3215 = vector.shape_cast %select_n3A_3214 : vector<64x128xi32> to vector<64x128x1xi32>
    %gather3A_3216 = vector.shape_cast %reshape3A_3215 : vector<64x128x1xi32> to vector<64x128xi32>
    %gather3A_3217 = tpu.dynamic_gather %slice3A_3120[%gather3A_3216] in [1] : vector<64x128xf32>, vector<64x128xi32> -> vector<64x128xf32>
    %lt3A_3218 = arith.constant 0 : i32
    %lt3A_3219 = vector.broadcast %lt3A_3218 : i32 to vector<64x128xi32>
    %lt3A_3220 = arith.cmpi slt, %select_n3A_285, %lt3A_3219 : vector<64x128xi32>
    %add3A_3221 = arith.constant 128 : i32
    %add3A_3222 = vector.broadcast %add3A_3221 : i32 to vector<64x128xi32>
    %add3A_3223 = arith.addi %select_n3A_285, %add3A_3222 : vector<64x128xi32>
    %select_n3A_3224 = arith.select %lt3A_3220, %add3A_3223, %select_n3A_285 : vector<64x128xi1>, vector<64x128xi32>
    %reshape3A_3225 = vector.shape_cast %select_n3A_3224 : vector<64x128xi32> to vector<64x128x1xi32>
    %gather3A_3226 = vector.shape_cast %reshape3A_3225 : vector<64x128x1xi32> to vector<64x128xi32>
    %gather3A_3227 = tpu.dynamic_gather %slice3A_3121[%gather3A_3226] in [1] : vector<64x128xf32>, vector<64x128xi32> -> vector<64x128xf32>
    %select_n3A_3228 = arith.select %eq3A_313, %gather3A_3217, %gather3A_3227 : vector<64x128xi1>, vector<64x128xf32>
    %select_n3A_3229 = arith.select %eq3A_310, %gather3A_3207, %select_n3A_3228 : vector<64x128xi1>, vector<64x128xf32>
    %swap3A_3230 = arith.constant 0 : index
    %swap3A_3231 = arith.constant 0 : index
    %swap3A_3232 = arith.constant 9472 : index
    %swap3A_3233 = vector.load %arg2[%swap3A_3230, %swap3A_3231, %swap3A_3232] : memref<1x64x12288xf32, #tpu.memory_space<vmem>>, vector<1x64x128xf32>
    %swap3A_3234 = vector.shape_cast %swap3A_3233 : vector<1x64x128xf32> to vector<64x128xf32>
    %swap3A_3235 = vector.shape_cast %select_n3A_3229 : vector<64x128xf32> to vector<1x64x128xf32>
    tpu.vector_store %arg2[%swap3A_3230, %swap3A_3231, %swap3A_3232], %swap3A_3235 {strides = array<i32>} : memref<1x64x12288xf32, #tpu.memory_space<vmem>>, vector<1x64x128xf32>,
    %slice3A_3236 = vector.extract_strided_slice %select_n3A_104 {offsets = [0, 3200], sizes = [64, 128], strides = [1, 1]} : vector<64x4096xf32> to vector<64x128xf32>
    %slice3A_3237 = vector.extract_strided_slice %select_n3A_115 {offsets = [0, 3200], sizes = [64, 128], strides = [1, 1]} : vector<64x4096xf32> to vector<64x128xf32>
    %slice3A_3238 = vector.extract_strided_slice %select_n3A_126 {offsets = [0, 3200], sizes = [64, 128], strides = [1, 1]} : vector<64x4096xf32> to vector<64x128xf32>
    %lt3A_3239 = arith.constant 0 : i32
    %lt3A_3240 = vector.broadcast %lt3A_3239 : i32 to vector<64x128xi32>
    %lt3A_3241 = arith.cmpi slt, %select_n3A_161, %lt3A_3240 : vector<64x128xi32>
    %add3A_3242 = arith.constant 128 : i32
    %add3A_3243 = vector.broadcast %add3A_3242 : i32 to vector<64x128xi32>
    %add3A_3244 = arith.addi %select_n3A_161, %add3A_3243 : vector<64x128xi32>
    %select_n3A_3245 = arith.select %lt3A_3241, %add3A_3244, %select_n3A_161 : vector<64x128xi1>, vector<64x128xi32>
    %reshape3A_3246 = vector.shape_cast %select_n3A_3245 : vector<64x128xi32> to vector<64x128x1xi32>
    %gather3A_3247 = vector.shape_cast %reshape3A_3246 : vector<64x128x1xi32> to vector<64x128xi32>
    %gather3A_3248 = tpu.dynamic_gather %slice3A_3236[%gather3A_3247] in [1] : vector<64x128xf32>, vector<64x128xi32> -> vector<64x128xf32>
    %lt3A_3249 = arith.constant 0 : i32
    %lt3A_3250 = vector.broadcast %lt3A_3249 : i32 to vector<64x128xi32>
    %lt3A_3251 = arith.cmpi slt, %select_n3A_161, %lt3A_3250 : vector<64x128xi32>
    %add3A_3252 = arith.constant 128 : i32
    %add3A_3253 = vector.broadcast %add3A_3252 : i32 to vector<64x128xi32>
    %add3A_3254 = arith.addi %select_n3A_161, %add3A_3253 : vector<64x128xi32>
    %select_n3A_3255 = arith.select %lt3A_3251, %add3A_3254, %select_n3A_161 : vector<64x128xi1>, vector<64x128xi32>
    %reshape3A_3256 = vector.shape_cast %select_n3A_3255 : vector<64x128xi32> to vector<64x128x1xi32>
    %gather3A_3257 = vector.shape_cast %reshape3A_3256 : vector<64x128x1xi32> to vector<64x128xi32>
    %gather3A_3258 = tpu.dynamic_gather %slice3A_3237[%gather3A_3257] in [1] : vector<64x128xf32>, vector<64x128xi32> -> vector<64x128xf32>
    %lt3A_3259 = arith.constant 0 : i32
    %lt3A_3260 = vector.broadcast %lt3A_3259 : i32 to vector<64x128xi32>
    %lt3A_3261 = arith.cmpi slt, %select_n3A_161, %lt3A_3260 : vector<64x128xi32>
    %add3A_3262 = arith.constant 128 : i32
    %add3A_3263 = vector.broadcast %add3A_3262 : i32 to vector<64x128xi32>
    %add3A_3264 = arith.addi %select_n3A_161, %add3A_3263 : vector<64x128xi32>
    %select_n3A_3265 = arith.select %lt3A_3261, %add3A_3264, %select_n3A_161 : vector<64x128xi1>, vector<64x128xi32>
    %reshape3A_3266 = vector.shape_cast %select_n3A_3265 : vector<64x128xi32> to vector<64x128x1xi32>
    %gather3A_3267 = vector.shape_cast %reshape3A_3266 : vector<64x128x1xi32> to vector<64x128xi32>
    %gather3A_3268 = tpu.dynamic_gather %slice3A_3238[%gather3A_3267] in [1] : vector<64x128xf32>, vector<64x128xi32> -> vector<64x128xf32>
    %select_n3A_3269 = arith.select %eq3A_189, %gather3A_3258, %gather3A_3268 : vector<64x128xi1>, vector<64x128xf32>
    %select_n3A_3270 = arith.select %eq3A_186, %gather3A_3248, %select_n3A_3269 : vector<64x128xi1>, vector<64x128xf32>
    %swap3A_3271 = arith.constant 0 : index
    %swap3A_3272 = arith.constant 0 : index
    %swap3A_3273 = arith.constant 9600 : index
    %swap3A_3274 = vector.load %arg2[%swap3A_3271, %swap3A_3272, %swap3A_3273] : memref<1x64x12288xf32, #tpu.memory_space<vmem>>, vector<1x64x128xf32>
    %swap3A_3275 = vector.shape_cast %swap3A_3274 : vector<1x64x128xf32> to vector<64x128xf32>
    %swap3A_3276 = vector.shape_cast %select_n3A_3270 : vector<64x128xf32> to vector<1x64x128xf32>
    tpu.vector_store %arg2[%swap3A_3271, %swap3A_3272, %swap3A_3273], %swap3A_3276 {strides = array<i32>} : memref<1x64x12288xf32, #tpu.memory_space<vmem>>, vector<1x64x128xf32>,
    %lt3A_3277 = arith.constant 0 : i32
    %lt3A_3278 = vector.broadcast %lt3A_3277 : i32 to vector<64x128xi32>
    %lt3A_3279 = arith.cmpi slt, %select_n3A_223, %lt3A_3278 : vector<64x128xi32>
    %add3A_3280 = arith.constant 128 : i32
    %add3A_3281 = vector.broadcast %add3A_3280 : i32 to vector<64x128xi32>
    %add3A_3282 = arith.addi %select_n3A_223, %add3A_3281 : vector<64x128xi32>
    %select_n3A_3283 = arith.select %lt3A_3279, %add3A_3282, %select_n3A_223 : vector<64x128xi1>, vector<64x128xi32>
    %reshape3A_3284 = vector.shape_cast %select_n3A_3283 : vector<64x128xi32> to vector<64x128x1xi32>
    %gather3A_3285 = vector.shape_cast %reshape3A_3284 : vector<64x128x1xi32> to vector<64x128xi32>
    %gather3A_3286 = tpu.dynamic_gather %slice3A_3236[%gather3A_3285] in [1] : vector<64x128xf32>, vector<64x128xi32> -> vector<64x128xf32>
    %lt3A_3287 = arith.constant 0 : i32
    %lt3A_3288 = vector.broadcast %lt3A_3287 : i32 to vector<64x128xi32>
    %lt3A_3289 = arith.cmpi slt, %select_n3A_223, %lt3A_3288 : vector<64x128xi32>
    %add3A_3290 = arith.constant 128 : i32
    %add3A_3291 = vector.broadcast %add3A_3290 : i32 to vector<64x128xi32>
    %add3A_3292 = arith.addi %select_n3A_223, %add3A_3291 : vector<64x128xi32>
    %select_n3A_3293 = arith.select %lt3A_3289, %add3A_3292, %select_n3A_223 : vector<64x128xi1>, vector<64x128xi32>
    %reshape3A_3294 = vector.shape_cast %select_n3A_3293 : vector<64x128xi32> to vector<64x128x1xi32>
    %gather3A_3295 = vector.shape_cast %reshape3A_3294 : vector<64x128x1xi32> to vector<64x128xi32>
    %gather3A_3296 = tpu.dynamic_gather %slice3A_3237[%gather3A_3295] in [1] : vector<64x128xf32>, vector<64x128xi32> -> vector<64x128xf32>
    %lt3A_3297 = arith.constant 0 : i32
    %lt3A_3298 = vector.broadcast %lt3A_3297 : i32 to vector<64x128xi32>
    %lt3A_3299 = arith.cmpi slt, %select_n3A_223, %lt3A_3298 : vector<64x128xi32>
    %add3A_3300 = arith.constant 128 : i32
    %add3A_3301 = vector.broadcast %add3A_3300 : i32 to vector<64x128xi32>
    %add3A_3302 = arith.addi %select_n3A_223, %add3A_3301 : vector<64x128xi32>
    %select_n3A_3303 = arith.select %lt3A_3299, %add3A_3302, %select_n3A_223 : vector<64x128xi1>, vector<64x128xi32>
    %reshape3A_3304 = vector.shape_cast %select_n3A_3303 : vector<64x128xi32> to vector<64x128x1xi32>
    %gather3A_3305 = vector.shape_cast %reshape3A_3304 : vector<64x128x1xi32> to vector<64x128xi32>
    %gather3A_3306 = tpu.dynamic_gather %slice3A_3238[%gather3A_3305] in [1] : vector<64x128xf32>, vector<64x128xi32> -> vector<64x128xf32>
    %select_n3A_3307 = arith.select %eq3A_251, %gather3A_3296, %gather3A_3306 : vector<64x128xi1>, vector<64x128xf32>
    %select_n3A_3308 = arith.select %eq3A_248, %gather3A_3286, %select_n3A_3307 : vector<64x128xi1>, vector<64x128xf32>
    %swap3A_3309 = arith.constant 0 : index
    %swap3A_3310 = arith.constant 0 : index
    %swap3A_3311 = arith.constant 9728 : index
    %swap3A_3312 = vector.load %arg2[%swap3A_3309, %swap3A_3310, %swap3A_3311] : memref<1x64x12288xf32, #tpu.memory_space<vmem>>, vector<1x64x128xf32>
    %swap3A_3313 = vector.shape_cast %swap3A_3312 : vector<1x64x128xf32> to vector<64x128xf32>
    %swap3A_3314 = vector.shape_cast %select_n3A_3308 : vector<64x128xf32> to vector<1x64x128xf32>
    tpu.vector_store %arg2[%swap3A_3309, %swap3A_3310, %swap3A_3311], %swap3A_3314 {strides = array<i32>} : memref<1x64x12288xf32, #tpu.memory_space<vmem>>, vector<1x64x128xf32>,
    %lt3A_3315 = arith.constant 0 : i32
    %lt3A_3316 = vector.broadcast %lt3A_3315 : i32 to vector<64x128xi32>
    %lt3A_3317 = arith.cmpi slt, %select_n3A_285, %lt3A_3316 : vector<64x128xi32>
    %add3A_3318 = arith.constant 128 : i32
    %add3A_3319 = vector.broadcast %add3A_3318 : i32 to vector<64x128xi32>
    %add3A_3320 = arith.addi %select_n3A_285, %add3A_3319 : vector<64x128xi32>
    %select_n3A_3321 = arith.select %lt3A_3317, %add3A_3320, %select_n3A_285 : vector<64x128xi1>, vector<64x128xi32>
    %reshape3A_3322 = vector.shape_cast %select_n3A_3321 : vector<64x128xi32> to vector<64x128x1xi32>
    %gather3A_3323 = vector.shape_cast %reshape3A_3322 : vector<64x128x1xi32> to vector<64x128xi32>
    %gather3A_3324 = tpu.dynamic_gather %slice3A_3236[%gather3A_3323] in [1] : vector<64x128xf32>, vector<64x128xi32> -> vector<64x128xf32>
    %lt3A_3325 = arith.constant 0 : i32
    %lt3A_3326 = vector.broadcast %lt3A_3325 : i32 to vector<64x128xi32>
    %lt3A_3327 = arith.cmpi slt, %select_n3A_285, %lt3A_3326 : vector<64x128xi32>
    %add3A_3328 = arith.constant 128 : i32
    %add3A_3329 = vector.broadcast %add3A_3328 : i32 to vector<64x128xi32>
    %add3A_3330 = arith.addi %select_n3A_285, %add3A_3329 : vector<64x128xi32>
    %select_n3A_3331 = arith.select %lt3A_3327, %add3A_3330, %select_n3A_285 : vector<64x128xi1>, vector<64x128xi32>
    %reshape3A_3332 = vector.shape_cast %select_n3A_3331 : vector<64x128xi32> to vector<64x128x1xi32>
    %gather3A_3333 = vector.shape_cast %reshape3A_3332 : vector<64x128x1xi32> to vector<64x128xi32>
    %gather3A_3334 = tpu.dynamic_gather %slice3A_3237[%gather3A_3333] in [1] : vector<64x128xf32>, vector<64x128xi32> -> vector<64x128xf32>
    %lt3A_3335 = arith.constant 0 : i32
    %lt3A_3336 = vector.broadcast %lt3A_3335 : i32 to vector<64x128xi32>
    %lt3A_3337 = arith.cmpi slt, %select_n3A_285, %lt3A_3336 : vector<64x128xi32>
    %add3A_3338 = arith.constant 128 : i32
    %add3A_3339 = vector.broadcast %add3A_3338 : i32 to vector<64x128xi32>
    %add3A_3340 = arith.addi %select_n3A_285, %add3A_3339 : vector<64x128xi32>
    %select_n3A_3341 = arith.select %lt3A_3337, %add3A_3340, %select_n3A_285 : vector<64x128xi1>, vector<64x128xi32>
    %reshape3A_3342 = vector.shape_cast %select_n3A_3341 : vector<64x128xi32> to vector<64x128x1xi32>
    %gather3A_3343 = vector.shape_cast %reshape3A_3342 : vector<64x128x1xi32> to vector<64x128xi32>
    %gather3A_3344 = tpu.dynamic_gather %slice3A_3238[%gather3A_3343] in [1] : vector<64x128xf32>, vector<64x128xi32> -> vector<64x128xf32>
    %select_n3A_3345 = arith.select %eq3A_313, %gather3A_3334, %gather3A_3344 : vector<64x128xi1>, vector<64x128xf32>
    %select_n3A_3346 = arith.select %eq3A_310, %gather3A_3324, %select_n3A_3345 : vector<64x128xi1>, vector<64x128xf32>
    %swap3A_3347 = arith.constant 0 : index
    %swap3A_3348 = arith.constant 0 : index
    %swap3A_3349 = arith.constant 9856 : index
    %swap3A_3350 = vector.load %arg2[%swap3A_3347, %swap3A_3348, %swap3A_3349] : memref<1x64x12288xf32, #tpu.memory_space<vmem>>, vector<1x64x128xf32>
    %swap3A_3351 = vector.shape_cast %swap3A_3350 : vector<1x64x128xf32> to vector<64x128xf32>
    %swap3A_3352 = vector.shape_cast %select_n3A_3346 : vector<64x128xf32> to vector<1x64x128xf32>
    tpu.vector_store %arg2[%swap3A_3347, %swap3A_3348, %swap3A_3349], %swap3A_3352 {strides = array<i32>} : memref<1x64x12288xf32, #tpu.memory_space<vmem>>, vector<1x64x128xf32>,
    %slice3A_3353 = vector.extract_strided_slice %select_n3A_104 {offsets = [0, 3328], sizes = [64, 128], strides = [1, 1]} : vector<64x4096xf32> to vector<64x128xf32>
    %slice3A_3354 = vector.extract_strided_slice %select_n3A_115 {offsets = [0, 3328], sizes = [64, 128], strides = [1, 1]} : vector<64x4096xf32> to vector<64x128xf32>
    %slice3A_3355 = vector.extract_strided_slice %select_n3A_126 {offsets = [0, 3328], sizes = [64, 128], strides = [1, 1]} : vector<64x4096xf32> to vector<64x128xf32>
    %lt3A_3356 = arith.constant 0 : i32
    %lt3A_3357 = vector.broadcast %lt3A_3356 : i32 to vector<64x128xi32>
    %lt3A_3358 = arith.cmpi slt, %select_n3A_161, %lt3A_3357 : vector<64x128xi32>
    %add3A_3359 = arith.constant 128 : i32
    %add3A_3360 = vector.broadcast %add3A_3359 : i32 to vector<64x128xi32>
    %add3A_3361 = arith.addi %select_n3A_161, %add3A_3360 : vector<64x128xi32>
    %select_n3A_3362 = arith.select %lt3A_3358, %add3A_3361, %select_n3A_161 : vector<64x128xi1>, vector<64x128xi32>
    %reshape3A_3363 = vector.shape_cast %select_n3A_3362 : vector<64x128xi32> to vector<64x128x1xi32>
    %gather3A_3364 = vector.shape_cast %reshape3A_3363 : vector<64x128x1xi32> to vector<64x128xi32>
    %gather3A_3365 = tpu.dynamic_gather %slice3A_3353[%gather3A_3364] in [1] : vector<64x128xf32>, vector<64x128xi32> -> vector<64x128xf32>
    %lt3A_3366 = arith.constant 0 : i32
    %lt3A_3367 = vector.broadcast %lt3A_3366 : i32 to vector<64x128xi32>
    %lt3A_3368 = arith.cmpi slt, %select_n3A_161, %lt3A_3367 : vector<64x128xi32>
    %add3A_3369 = arith.constant 128 : i32
    %add3A_3370 = vector.broadcast %add3A_3369 : i32 to vector<64x128xi32>
    %add3A_3371 = arith.addi %select_n3A_161, %add3A_3370 : vector<64x128xi32>
    %select_n3A_3372 = arith.select %lt3A_3368, %add3A_3371, %select_n3A_161 : vector<64x128xi1>, vector<64x128xi32>
    %reshape3A_3373 = vector.shape_cast %select_n3A_3372 : vector<64x128xi32> to vector<64x128x1xi32>
    %gather3A_3374 = vector.shape_cast %reshape3A_3373 : vector<64x128x1xi32> to vector<64x128xi32>
    %gather3A_3375 = tpu.dynamic_gather %slice3A_3354[%gather3A_3374] in [1] : vector<64x128xf32>, vector<64x128xi32> -> vector<64x128xf32>
    %lt3A_3376 = arith.constant 0 : i32
    %lt3A_3377 = vector.broadcast %lt3A_3376 : i32 to vector<64x128xi32>
    %lt3A_3378 = arith.cmpi slt, %select_n3A_161, %lt3A_3377 : vector<64x128xi32>
    %add3A_3379 = arith.constant 128 : i32
    %add3A_3380 = vector.broadcast %add3A_3379 : i32 to vector<64x128xi32>
    %add3A_3381 = arith.addi %select_n3A_161, %add3A_3380 : vector<64x128xi32>
    %select_n3A_3382 = arith.select %lt3A_3378, %add3A_3381, %select_n3A_161 : vector<64x128xi1>, vector<64x128xi32>
    %reshape3A_3383 = vector.shape_cast %select_n3A_3382 : vector<64x128xi32> to vector<64x128x1xi32>
    %gather3A_3384 = vector.shape_cast %reshape3A_3383 : vector<64x128x1xi32> to vector<64x128xi32>
    %gather3A_3385 = tpu.dynamic_gather %slice3A_3355[%gather3A_3384] in [1] : vector<64x128xf32>, vector<64x128xi32> -> vector<64x128xf32>
    %select_n3A_3386 = arith.select %eq3A_189, %gather3A_3375, %gather3A_3385 : vector<64x128xi1>, vector<64x128xf32>
    %select_n3A_3387 = arith.select %eq3A_186, %gather3A_3365, %select_n3A_3386 : vector<64x128xi1>, vector<64x128xf32>
    %swap3A_3388 = arith.constant 0 : index
    %swap3A_3389 = arith.constant 0 : index
    %swap3A_3390 = arith.constant 9984 : index
    %swap3A_3391 = vector.load %arg2[%swap3A_3388, %swap3A_3389, %swap3A_3390] : memref<1x64x12288xf32, #tpu.memory_space<vmem>>, vector<1x64x128xf32>
    %swap3A_3392 = vector.shape_cast %swap3A_3391 : vector<1x64x128xf32> to vector<64x128xf32>
    %swap3A_3393 = vector.shape_cast %select_n3A_3387 : vector<64x128xf32> to vector<1x64x128xf32>
    tpu.vector_store %arg2[%swap3A_3388, %swap3A_3389, %swap3A_3390], %swap3A_3393 {strides = array<i32>} : memref<1x64x12288xf32, #tpu.memory_space<vmem>>, vector<1x64x128xf32>,
    %lt3A_3394 = arith.constant 0 : i32
    %lt3A_3395 = vector.broadcast %lt3A_3394 : i32 to vector<64x128xi32>
    %lt3A_3396 = arith.cmpi slt, %select_n3A_223, %lt3A_3395 : vector<64x128xi32>
    %add3A_3397 = arith.constant 128 : i32
    %add3A_3398 = vector.broadcast %add3A_3397 : i32 to vector<64x128xi32>
    %add3A_3399 = arith.addi %select_n3A_223, %add3A_3398 : vector<64x128xi32>
    %select_n3A_3400 = arith.select %lt3A_3396, %add3A_3399, %select_n3A_223 : vector<64x128xi1>, vector<64x128xi32>
    %reshape3A_3401 = vector.shape_cast %select_n3A_3400 : vector<64x128xi32> to vector<64x128x1xi32>
    %gather3A_3402 = vector.shape_cast %reshape3A_3401 : vector<64x128x1xi32> to vector<64x128xi32>
    %gather3A_3403 = tpu.dynamic_gather %slice3A_3353[%gather3A_3402] in [1] : vector<64x128xf32>, vector<64x128xi32> -> vector<64x128xf32>
    %lt3A_3404 = arith.constant 0 : i32
    %lt3A_3405 = vector.broadcast %lt3A_3404 : i32 to vector<64x128xi32>
    %lt3A_3406 = arith.cmpi slt, %select_n3A_223, %lt3A_3405 : vector<64x128xi32>
    %add3A_3407 = arith.constant 128 : i32
    %add3A_3408 = vector.broadcast %add3A_3407 : i32 to vector<64x128xi32>
    %add3A_3409 = arith.addi %select_n3A_223, %add3A_3408 : vector<64x128xi32>
    %select_n3A_3410 = arith.select %lt3A_3406, %add3A_3409, %select_n3A_223 : vector<64x128xi1>, vector<64x128xi32>
    %reshape3A_3411 = vector.shape_cast %select_n3A_3410 : vector<64x128xi32> to vector<64x128x1xi32>
    %gather3A_3412 = vector.shape_cast %reshape3A_3411 : vector<64x128x1xi32> to vector<64x128xi32>
    %gather3A_3413 = tpu.dynamic_gather %slice3A_3354[%gather3A_3412] in [1] : vector<64x128xf32>, vector<64x128xi32> -> vector<64x128xf32>
    %lt3A_3414 = arith.constant 0 : i32
    %lt3A_3415 = vector.broadcast %lt3A_3414 : i32 to vector<64x128xi32>
    %lt3A_3416 = arith.cmpi slt, %select_n3A_223, %lt3A_3415 : vector<64x128xi32>
    %add3A_3417 = arith.constant 128 : i32
    %add3A_3418 = vector.broadcast %add3A_3417 : i32 to vector<64x128xi32>
    %add3A_3419 = arith.addi %select_n3A_223, %add3A_3418 : vector<64x128xi32>
    %select_n3A_3420 = arith.select %lt3A_3416, %add3A_3419, %select_n3A_223 : vector<64x128xi1>, vector<64x128xi32>
    %reshape3A_3421 = vector.shape_cast %select_n3A_3420 : vector<64x128xi32> to vector<64x128x1xi32>
    %gather3A_3422 = vector.shape_cast %reshape3A_3421 : vector<64x128x1xi32> to vector<64x128xi32>
    %gather3A_3423 = tpu.dynamic_gather %slice3A_3355[%gather3A_3422] in [1] : vector<64x128xf32>, vector<64x128xi32> -> vector<64x128xf32>
    %select_n3A_3424 = arith.select %eq3A_251, %gather3A_3413, %gather3A_3423 : vector<64x128xi1>, vector<64x128xf32>
    %select_n3A_3425 = arith.select %eq3A_248, %gather3A_3403, %select_n3A_3424 : vector<64x128xi1>, vector<64x128xf32>
    %swap3A_3426 = arith.constant 0 : index
    %swap3A_3427 = arith.constant 0 : index
    %swap3A_3428 = arith.constant 10112 : index
    %swap3A_3429 = vector.load %arg2[%swap3A_3426, %swap3A_3427, %swap3A_3428] : memref<1x64x12288xf32, #tpu.memory_space<vmem>>, vector<1x64x128xf32>
    %swap3A_3430 = vector.shape_cast %swap3A_3429 : vector<1x64x128xf32> to vector<64x128xf32>
    %swap3A_3431 = vector.shape_cast %select_n3A_3425 : vector<64x128xf32> to vector<1x64x128xf32>
    tpu.vector_store %arg2[%swap3A_3426, %swap3A_3427, %swap3A_3428], %swap3A_3431 {strides = array<i32>} : memref<1x64x12288xf32, #tpu.memory_space<vmem>>, vector<1x64x128xf32>,
    %lt3A_3432 = arith.constant 0 : i32
    %lt3A_3433 = vector.broadcast %lt3A_3432 : i32 to vector<64x128xi32>
    %lt3A_3434 = arith.cmpi slt, %select_n3A_285, %lt3A_3433 : vector<64x128xi32>
    %add3A_3435 = arith.constant 128 : i32
    %add3A_3436 = vector.broadcast %add3A_3435 : i32 to vector<64x128xi32>
    %add3A_3437 = arith.addi %select_n3A_285, %add3A_3436 : vector<64x128xi32>
    %select_n3A_3438 = arith.select %lt3A_3434, %add3A_3437, %select_n3A_285 : vector<64x128xi1>, vector<64x128xi32>
    %reshape3A_3439 = vector.shape_cast %select_n3A_3438 : vector<64x128xi32> to vector<64x128x1xi32>
    %gather3A_3440 = vector.shape_cast %reshape3A_3439 : vector<64x128x1xi32> to vector<64x128xi32>
    %gather3A_3441 = tpu.dynamic_gather %slice3A_3353[%gather3A_3440] in [1] : vector<64x128xf32>, vector<64x128xi32> -> vector<64x128xf32>
    %lt3A_3442 = arith.constant 0 : i32
    %lt3A_3443 = vector.broadcast %lt3A_3442 : i32 to vector<64x128xi32>
    %lt3A_3444 = arith.cmpi slt, %select_n3A_285, %lt3A_3443 : vector<64x128xi32>
    %add3A_3445 = arith.constant 128 : i32
    %add3A_3446 = vector.broadcast %add3A_3445 : i32 to vector<64x128xi32>
    %add3A_3447 = arith.addi %select_n3A_285, %add3A_3446 : vector<64x128xi32>
    %select_n3A_3448 = arith.select %lt3A_3444, %add3A_3447, %select_n3A_285 : vector<64x128xi1>, vector<64x128xi32>
    %reshape3A_3449 = vector.shape_cast %select_n3A_3448 : vector<64x128xi32> to vector<64x128x1xi32>
    %gather3A_3450 = vector.shape_cast %reshape3A_3449 : vector<64x128x1xi32> to vector<64x128xi32>
    %gather3A_3451 = tpu.dynamic_gather %slice3A_3354[%gather3A_3450] in [1] : vector<64x128xf32>, vector<64x128xi32> -> vector<64x128xf32>
    %lt3A_3452 = arith.constant 0 : i32
    %lt3A_3453 = vector.broadcast %lt3A_3452 : i32 to vector<64x128xi32>
    %lt3A_3454 = arith.cmpi slt, %select_n3A_285, %lt3A_3453 : vector<64x128xi32>
    %add3A_3455 = arith.constant 128 : i32
    %add3A_3456 = vector.broadcast %add3A_3455 : i32 to vector<64x128xi32>
    %add3A_3457 = arith.addi %select_n3A_285, %add3A_3456 : vector<64x128xi32>
    %select_n3A_3458 = arith.select %lt3A_3454, %add3A_3457, %select_n3A_285 : vector<64x128xi1>, vector<64x128xi32>
    %reshape3A_3459 = vector.shape_cast %select_n3A_3458 : vector<64x128xi32> to vector<64x128x1xi32>
    %gather3A_3460 = vector.shape_cast %reshape3A_3459 : vector<64x128x1xi32> to vector<64x128xi32>
    %gather3A_3461 = tpu.dynamic_gather %slice3A_3355[%gather3A_3460] in [1] : vector<64x128xf32>, vector<64x128xi32> -> vector<64x128xf32>
    %select_n3A_3462 = arith.select %eq3A_313, %gather3A_3451, %gather3A_3461 : vector<64x128xi1>, vector<64x128xf32>
    %select_n3A_3463 = arith.select %eq3A_310, %gather3A_3441, %select_n3A_3462 : vector<64x128xi1>, vector<64x128xf32>
    %swap3A_3464 = arith.constant 0 : index
    %swap3A_3465 = arith.constant 0 : index
    %swap3A_3466 = arith.constant 10240 : index
    %swap3A_3467 = vector.load %arg2[%swap3A_3464, %swap3A_3465, %swap3A_3466] : memref<1x64x12288xf32, #tpu.memory_space<vmem>>, vector<1x64x128xf32>
    %swap3A_3468 = vector.shape_cast %swap3A_3467 : vector<1x64x128xf32> to vector<64x128xf32>
    %swap3A_3469 = vector.shape_cast %select_n3A_3463 : vector<64x128xf32> to vector<1x64x128xf32>
    tpu.vector_store %arg2[%swap3A_3464, %swap3A_3465, %swap3A_3466], %swap3A_3469 {strides = array<i32>} : memref<1x64x12288xf32, #tpu.memory_space<vmem>>, vector<1x64x128xf32>,
    %slice3A_3470 = vector.extract_strided_slice %select_n3A_104 {offsets = [0, 3456], sizes = [64, 128], strides = [1, 1]} : vector<64x4096xf32> to vector<64x128xf32>
    %slice3A_3471 = vector.extract_strided_slice %select_n3A_115 {offsets = [0, 3456], sizes = [64, 128], strides = [1, 1]} : vector<64x4096xf32> to vector<64x128xf32>
    %slice3A_3472 = vector.extract_strided_slice %select_n3A_126 {offsets = [0, 3456], sizes = [64, 128], strides = [1, 1]} : vector<64x4096xf32> to vector<64x128xf32>
    %lt3A_3473 = arith.constant 0 : i32
    %lt3A_3474 = vector.broadcast %lt3A_3473 : i32 to vector<64x128xi32>
    %lt3A_3475 = arith.cmpi slt, %select_n3A_161, %lt3A_3474 : vector<64x128xi32>
    %add3A_3476 = arith.constant 128 : i32
    %add3A_3477 = vector.broadcast %add3A_3476 : i32 to vector<64x128xi32>
    %add3A_3478 = arith.addi %select_n3A_161, %add3A_3477 : vector<64x128xi32>
    %select_n3A_3479 = arith.select %lt3A_3475, %add3A_3478, %select_n3A_161 : vector<64x128xi1>, vector<64x128xi32>
    %reshape3A_3480 = vector.shape_cast %select_n3A_3479 : vector<64x128xi32> to vector<64x128x1xi32>
    %gather3A_3481 = vector.shape_cast %reshape3A_3480 : vector<64x128x1xi32> to vector<64x128xi32>
    %gather3A_3482 = tpu.dynamic_gather %slice3A_3470[%gather3A_3481] in [1] : vector<64x128xf32>, vector<64x128xi32> -> vector<64x128xf32>
    %lt3A_3483 = arith.constant 0 : i32
    %lt3A_3484 = vector.broadcast %lt3A_3483 : i32 to vector<64x128xi32>
    %lt3A_3485 = arith.cmpi slt, %select_n3A_161, %lt3A_3484 : vector<64x128xi32>
    %add3A_3486 = arith.constant 128 : i32
    %add3A_3487 = vector.broadcast %add3A_3486 : i32 to vector<64x128xi32>
    %add3A_3488 = arith.addi %select_n3A_161, %add3A_3487 : vector<64x128xi32>
    %select_n3A_3489 = arith.select %lt3A_3485, %add3A_3488, %select_n3A_161 : vector<64x128xi1>, vector<64x128xi32>
    %reshape3A_3490 = vector.shape_cast %select_n3A_3489 : vector<64x128xi32> to vector<64x128x1xi32>
    %gather3A_3491 = vector.shape_cast %reshape3A_3490 : vector<64x128x1xi32> to vector<64x128xi32>
    %gather3A_3492 = tpu.dynamic_gather %slice3A_3471[%gather3A_3491] in [1] : vector<64x128xf32>, vector<64x128xi32> -> vector<64x128xf32>
    %lt3A_3493 = arith.constant 0 : i32
    %lt3A_3494 = vector.broadcast %lt3A_3493 : i32 to vector<64x128xi32>
    %lt3A_3495 = arith.cmpi slt, %select_n3A_161, %lt3A_3494 : vector<64x128xi32>
    %add3A_3496 = arith.constant 128 : i32
    %add3A_3497 = vector.broadcast %add3A_3496 : i32 to vector<64x128xi32>
    %add3A_3498 = arith.addi %select_n3A_161, %add3A_3497 : vector<64x128xi32>
    %select_n3A_3499 = arith.select %lt3A_3495, %add3A_3498, %select_n3A_161 : vector<64x128xi1>, vector<64x128xi32>
    %reshape3A_3500 = vector.shape_cast %select_n3A_3499 : vector<64x128xi32> to vector<64x128x1xi32>
    %gather3A_3501 = vector.shape_cast %reshape3A_3500 : vector<64x128x1xi32> to vector<64x128xi32>
    %gather3A_3502 = tpu.dynamic_gather %slice3A_3472[%gather3A_3501] in [1] : vector<64x128xf32>, vector<64x128xi32> -> vector<64x128xf32>
    %select_n3A_3503 = arith.select %eq3A_189, %gather3A_3492, %gather3A_3502 : vector<64x128xi1>, vector<64x128xf32>
    %select_n3A_3504 = arith.select %eq3A_186, %gather3A_3482, %select_n3A_3503 : vector<64x128xi1>, vector<64x128xf32>
    %swap3A_3505 = arith.constant 0 : index
    %swap3A_3506 = arith.constant 0 : index
    %swap3A_3507 = arith.constant 10368 : index
    %swap3A_3508 = vector.load %arg2[%swap3A_3505, %swap3A_3506, %swap3A_3507] : memref<1x64x12288xf32, #tpu.memory_space<vmem>>, vector<1x64x128xf32>
    %swap3A_3509 = vector.shape_cast %swap3A_3508 : vector<1x64x128xf32> to vector<64x128xf32>
    %swap3A_3510 = vector.shape_cast %select_n3A_3504 : vector<64x128xf32> to vector<1x64x128xf32>
    tpu.vector_store %arg2[%swap3A_3505, %swap3A_3506, %swap3A_3507], %swap3A_3510 {strides = array<i32>} : memref<1x64x12288xf32, #tpu.memory_space<vmem>>, vector<1x64x128xf32>,
    %lt3A_3511 = arith.constant 0 : i32
    %lt3A_3512 = vector.broadcast %lt3A_3511 : i32 to vector<64x128xi32>
    %lt3A_3513 = arith.cmpi slt, %select_n3A_223, %lt3A_3512 : vector<64x128xi32>
    %add3A_3514 = arith.constant 128 : i32
    %add3A_3515 = vector.broadcast %add3A_3514 : i32 to vector<64x128xi32>
    %add3A_3516 = arith.addi %select_n3A_223, %add3A_3515 : vector<64x128xi32>
    %select_n3A_3517 = arith.select %lt3A_3513, %add3A_3516, %select_n3A_223 : vector<64x128xi1>, vector<64x128xi32>
    %reshape3A_3518 = vector.shape_cast %select_n3A_3517 : vector<64x128xi32> to vector<64x128x1xi32>
    %gather3A_3519 = vector.shape_cast %reshape3A_3518 : vector<64x128x1xi32> to vector<64x128xi32>
    %gather3A_3520 = tpu.dynamic_gather %slice3A_3470[%gather3A_3519] in [1] : vector<64x128xf32>, vector<64x128xi32> -> vector<64x128xf32>
    %lt3A_3521 = arith.constant 0 : i32
    %lt3A_3522 = vector.broadcast %lt3A_3521 : i32 to vector<64x128xi32>
    %lt3A_3523 = arith.cmpi slt, %select_n3A_223, %lt3A_3522 : vector<64x128xi32>
    %add3A_3524 = arith.constant 128 : i32
    %add3A_3525 = vector.broadcast %add3A_3524 : i32 to vector<64x128xi32>
    %add3A_3526 = arith.addi %select_n3A_223, %add3A_3525 : vector<64x128xi32>
    %select_n3A_3527 = arith.select %lt3A_3523, %add3A_3526, %select_n3A_223 : vector<64x128xi1>, vector<64x128xi32>
    %reshape3A_3528 = vector.shape_cast %select_n3A_3527 : vector<64x128xi32> to vector<64x128x1xi32>
    %gather3A_3529 = vector.shape_cast %reshape3A_3528 : vector<64x128x1xi32> to vector<64x128xi32>
    %gather3A_3530 = tpu.dynamic_gather %slice3A_3471[%gather3A_3529] in [1] : vector<64x128xf32>, vector<64x128xi32> -> vector<64x128xf32>
    %lt3A_3531 = arith.constant 0 : i32
    %lt3A_3532 = vector.broadcast %lt3A_3531 : i32 to vector<64x128xi32>
    %lt3A_3533 = arith.cmpi slt, %select_n3A_223, %lt3A_3532 : vector<64x128xi32>
    %add3A_3534 = arith.constant 128 : i32
    %add3A_3535 = vector.broadcast %add3A_3534 : i32 to vector<64x128xi32>
    %add3A_3536 = arith.addi %select_n3A_223, %add3A_3535 : vector<64x128xi32>
    %select_n3A_3537 = arith.select %lt3A_3533, %add3A_3536, %select_n3A_223 : vector<64x128xi1>, vector<64x128xi32>
    %reshape3A_3538 = vector.shape_cast %select_n3A_3537 : vector<64x128xi32> to vector<64x128x1xi32>
    %gather3A_3539 = vector.shape_cast %reshape3A_3538 : vector<64x128x1xi32> to vector<64x128xi32>
    %gather3A_3540 = tpu.dynamic_gather %slice3A_3472[%gather3A_3539] in [1] : vector<64x128xf32>, vector<64x128xi32> -> vector<64x128xf32>
    %select_n3A_3541 = arith.select %eq3A_251, %gather3A_3530, %gather3A_3540 : vector<64x128xi1>, vector<64x128xf32>
    %select_n3A_3542 = arith.select %eq3A_248, %gather3A_3520, %select_n3A_3541 : vector<64x128xi1>, vector<64x128xf32>
    %swap3A_3543 = arith.constant 0 : index
    %swap3A_3544 = arith.constant 0 : index
    %swap3A_3545 = arith.constant 10496 : index
    %swap3A_3546 = vector.load %arg2[%swap3A_3543, %swap3A_3544, %swap3A_3545] : memref<1x64x12288xf32, #tpu.memory_space<vmem>>, vector<1x64x128xf32>
    %swap3A_3547 = vector.shape_cast %swap3A_3546 : vector<1x64x128xf32> to vector<64x128xf32>
    %swap3A_3548 = vector.shape_cast %select_n3A_3542 : vector<64x128xf32> to vector<1x64x128xf32>
    tpu.vector_store %arg2[%swap3A_3543, %swap3A_3544, %swap3A_3545], %swap3A_3548 {strides = array<i32>} : memref<1x64x12288xf32, #tpu.memory_space<vmem>>, vector<1x64x128xf32>,
    %lt3A_3549 = arith.constant 0 : i32
    %lt3A_3550 = vector.broadcast %lt3A_3549 : i32 to vector<64x128xi32>
    %lt3A_3551 = arith.cmpi slt, %select_n3A_285, %lt3A_3550 : vector<64x128xi32>
    %add3A_3552 = arith.constant 128 : i32
    %add3A_3553 = vector.broadcast %add3A_3552 : i32 to vector<64x128xi32>
    %add3A_3554 = arith.addi %select_n3A_285, %add3A_3553 : vector<64x128xi32>
    %select_n3A_3555 = arith.select %lt3A_3551, %add3A_3554, %select_n3A_285 : vector<64x128xi1>, vector<64x128xi32>
    %reshape3A_3556 = vector.shape_cast %select_n3A_3555 : vector<64x128xi32> to vector<64x128x1xi32>
    %gather3A_3557 = vector.shape_cast %reshape3A_3556 : vector<64x128x1xi32> to vector<64x128xi32>
    %gather3A_3558 = tpu.dynamic_gather %slice3A_3470[%gather3A_3557] in [1] : vector<64x128xf32>, vector<64x128xi32> -> vector<64x128xf32>
    %lt3A_3559 = arith.constant 0 : i32
    %lt3A_3560 = vector.broadcast %lt3A_3559 : i32 to vector<64x128xi32>
    %lt3A_3561 = arith.cmpi slt, %select_n3A_285, %lt3A_3560 : vector<64x128xi32>
    %add3A_3562 = arith.constant 128 : i32
    %add3A_3563 = vector.broadcast %add3A_3562 : i32 to vector<64x128xi32>
    %add3A_3564 = arith.addi %select_n3A_285, %add3A_3563 : vector<64x128xi32>
    %select_n3A_3565 = arith.select %lt3A_3561, %add3A_3564, %select_n3A_285 : vector<64x128xi1>, vector<64x128xi32>
    %reshape3A_3566 = vector.shape_cast %select_n3A_3565 : vector<64x128xi32> to vector<64x128x1xi32>
    %gather3A_3567 = vector.shape_cast %reshape3A_3566 : vector<64x128x1xi32> to vector<64x128xi32>
    %gather3A_3568 = tpu.dynamic_gather %slice3A_3471[%gather3A_3567] in [1] : vector<64x128xf32>, vector<64x128xi32> -> vector<64x128xf32>
    %lt3A_3569 = arith.constant 0 : i32
    %lt3A_3570 = vector.broadcast %lt3A_3569 : i32 to vector<64x128xi32>
    %lt3A_3571 = arith.cmpi slt, %select_n3A_285, %lt3A_3570 : vector<64x128xi32>
    %add3A_3572 = arith.constant 128 : i32
    %add3A_3573 = vector.broadcast %add3A_3572 : i32 to vector<64x128xi32>
    %add3A_3574 = arith.addi %select_n3A_285, %add3A_3573 : vector<64x128xi32>
    %select_n3A_3575 = arith.select %lt3A_3571, %add3A_3574, %select_n3A_285 : vector<64x128xi1>, vector<64x128xi32>
    %reshape3A_3576 = vector.shape_cast %select_n3A_3575 : vector<64x128xi32> to vector<64x128x1xi32>
    %gather3A_3577 = vector.shape_cast %reshape3A_3576 : vector<64x128x1xi32> to vector<64x128xi32>
    %gather3A_3578 = tpu.dynamic_gather %slice3A_3472[%gather3A_3577] in [1] : vector<64x128xf32>, vector<64x128xi32> -> vector<64x128xf32>
    %select_n3A_3579 = arith.select %eq3A_313, %gather3A_3568, %gather3A_3578 : vector<64x128xi1>, vector<64x128xf32>
    %select_n3A_3580 = arith.select %eq3A_310, %gather3A_3558, %select_n3A_3579 : vector<64x128xi1>, vector<64x128xf32>
    %swap3A_3581 = arith.constant 0 : index
    %swap3A_3582 = arith.constant 0 : index
    %swap3A_3583 = arith.constant 10624 : index
    %swap3A_3584 = vector.load %arg2[%swap3A_3581, %swap3A_3582, %swap3A_3583] : memref<1x64x12288xf32, #tpu.memory_space<vmem>>, vector<1x64x128xf32>
    %swap3A_3585 = vector.shape_cast %swap3A_3584 : vector<1x64x128xf32> to vector<64x128xf32>
    %swap3A_3586 = vector.shape_cast %select_n3A_3580 : vector<64x128xf32> to vector<1x64x128xf32>
    tpu.vector_store %arg2[%swap3A_3581, %swap3A_3582, %swap3A_3583], %swap3A_3586 {strides = array<i32>} : memref<1x64x12288xf32, #tpu.memory_space<vmem>>, vector<1x64x128xf32>,
    %slice3A_3587 = vector.extract_strided_slice %select_n3A_104 {offsets = [0, 3584], sizes = [64, 128], strides = [1, 1]} : vector<64x4096xf32> to vector<64x128xf32>
    %slice3A_3588 = vector.extract_strided_slice %select_n3A_115 {offsets = [0, 3584], sizes = [64, 128], strides = [1, 1]} : vector<64x4096xf32> to vector<64x128xf32>
    %slice3A_3589 = vector.extract_strided_slice %select_n3A_126 {offsets = [0, 3584], sizes = [64, 128], strides = [1, 1]} : vector<64x4096xf32> to vector<64x128xf32>
    %lt3A_3590 = arith.constant 0 : i32
    %lt3A_3591 = vector.broadcast %lt3A_3590 : i32 to vector<64x128xi32>
    %lt3A_3592 = arith.cmpi slt, %select_n3A_161, %lt3A_3591 : vector<64x128xi32>
    %add3A_3593 = arith.constant 128 : i32
    %add3A_3594 = vector.broadcast %add3A_3593 : i32 to vector<64x128xi32>
    %add3A_3595 = arith.addi %select_n3A_161, %add3A_3594 : vector<64x128xi32>
    %select_n3A_3596 = arith.select %lt3A_3592, %add3A_3595, %select_n3A_161 : vector<64x128xi1>, vector<64x128xi32>
    %reshape3A_3597 = vector.shape_cast %select_n3A_3596 : vector<64x128xi32> to vector<64x128x1xi32>
    %gather3A_3598 = vector.shape_cast %reshape3A_3597 : vector<64x128x1xi32> to vector<64x128xi32>
    %gather3A_3599 = tpu.dynamic_gather %slice3A_3587[%gather3A_3598] in [1] : vector<64x128xf32>, vector<64x128xi32> -> vector<64x128xf32>
    %lt3A_3600 = arith.constant 0 : i32
    %lt3A_3601 = vector.broadcast %lt3A_3600 : i32 to vector<64x128xi32>
    %lt3A_3602 = arith.cmpi slt, %select_n3A_161, %lt3A_3601 : vector<64x128xi32>
    %add3A_3603 = arith.constant 128 : i32
    %add3A_3604 = vector.broadcast %add3A_3603 : i32 to vector<64x128xi32>
    %add3A_3605 = arith.addi %select_n3A_161, %add3A_3604 : vector<64x128xi32>
    %select_n3A_3606 = arith.select %lt3A_3602, %add3A_3605, %select_n3A_161 : vector<64x128xi1>, vector<64x128xi32>
    %reshape3A_3607 = vector.shape_cast %select_n3A_3606 : vector<64x128xi32> to vector<64x128x1xi32>
    %gather3A_3608 = vector.shape_cast %reshape3A_3607 : vector<64x128x1xi32> to vector<64x128xi32>
    %gather3A_3609 = tpu.dynamic_gather %slice3A_3588[%gather3A_3608] in [1] : vector<64x128xf32>, vector<64x128xi32> -> vector<64x128xf32>
    %lt3A_3610 = arith.constant 0 : i32
    %lt3A_3611 = vector.broadcast %lt3A_3610 : i32 to vector<64x128xi32>
    %lt3A_3612 = arith.cmpi slt, %select_n3A_161, %lt3A_3611 : vector<64x128xi32>
    %add3A_3613 = arith.constant 128 : i32
    %add3A_3614 = vector.broadcast %add3A_3613 : i32 to vector<64x128xi32>
    %add3A_3615 = arith.addi %select_n3A_161, %add3A_3614 : vector<64x128xi32>
    %select_n3A_3616 = arith.select %lt3A_3612, %add3A_3615, %select_n3A_161 : vector<64x128xi1>, vector<64x128xi32>
    %reshape3A_3617 = vector.shape_cast %select_n3A_3616 : vector<64x128xi32> to vector<64x128x1xi32>
    %gather3A_3618 = vector.shape_cast %reshape3A_3617 : vector<64x128x1xi32> to vector<64x128xi32>
    %gather3A_3619 = tpu.dynamic_gather %slice3A_3589[%gather3A_3618] in [1] : vector<64x128xf32>, vector<64x128xi32> -> vector<64x128xf32>
    %select_n3A_3620 = arith.select %eq3A_189, %gather3A_3609, %gather3A_3619 : vector<64x128xi1>, vector<64x128xf32>
    %select_n3A_3621 = arith.select %eq3A_186, %gather3A_3599, %select_n3A_3620 : vector<64x128xi1>, vector<64x128xf32>
    %swap3A_3622 = arith.constant 0 : index
    %swap3A_3623 = arith.constant 0 : index
    %swap3A_3624 = arith.constant 10752 : index
    %swap3A_3625 = vector.load %arg2[%swap3A_3622, %swap3A_3623, %swap3A_3624] : memref<1x64x12288xf32, #tpu.memory_space<vmem>>, vector<1x64x128xf32>
    %swap3A_3626 = vector.shape_cast %swap3A_3625 : vector<1x64x128xf32> to vector<64x128xf32>
    %swap3A_3627 = vector.shape_cast %select_n3A_3621 : vector<64x128xf32> to vector<1x64x128xf32>
    tpu.vector_store %arg2[%swap3A_3622, %swap3A_3623, %swap3A_3624], %swap3A_3627 {strides = array<i32>} : memref<1x64x12288xf32, #tpu.memory_space<vmem>>, vector<1x64x128xf32>,
    %lt3A_3628 = arith.constant 0 : i32
    %lt3A_3629 = vector.broadcast %lt3A_3628 : i32 to vector<64x128xi32>
    %lt3A_3630 = arith.cmpi slt, %select_n3A_223, %lt3A_3629 : vector<64x128xi32>
    %add3A_3631 = arith.constant 128 : i32
    %add3A_3632 = vector.broadcast %add3A_3631 : i32 to vector<64x128xi32>
    %add3A_3633 = arith.addi %select_n3A_223, %add3A_3632 : vector<64x128xi32>
    %select_n3A_3634 = arith.select %lt3A_3630, %add3A_3633, %select_n3A_223 : vector<64x128xi1>, vector<64x128xi32>
    %reshape3A_3635 = vector.shape_cast %select_n3A_3634 : vector<64x128xi32> to vector<64x128x1xi32>
    %gather3A_3636 = vector.shape_cast %reshape3A_3635 : vector<64x128x1xi32> to vector<64x128xi32>
    %gather3A_3637 = tpu.dynamic_gather %slice3A_3587[%gather3A_3636] in [1] : vector<64x128xf32>, vector<64x128xi32> -> vector<64x128xf32>
    %lt3A_3638 = arith.constant 0 : i32
    %lt3A_3639 = vector.broadcast %lt3A_3638 : i32 to vector<64x128xi32>
    %lt3A_3640 = arith.cmpi slt, %select_n3A_223, %lt3A_3639 : vector<64x128xi32>
    %add3A_3641 = arith.constant 128 : i32
    %add3A_3642 = vector.broadcast %add3A_3641 : i32 to vector<64x128xi32>
    %add3A_3643 = arith.addi %select_n3A_223, %add3A_3642 : vector<64x128xi32>
    %select_n3A_3644 = arith.select %lt3A_3640, %add3A_3643, %select_n3A_223 : vector<64x128xi1>, vector<64x128xi32>
    %reshape3A_3645 = vector.shape_cast %select_n3A_3644 : vector<64x128xi32> to vector<64x128x1xi32>
    %gather3A_3646 = vector.shape_cast %reshape3A_3645 : vector<64x128x1xi32> to vector<64x128xi32>
    %gather3A_3647 = tpu.dynamic_gather %slice3A_3588[%gather3A_3646] in [1] : vector<64x128xf32>, vector<64x128xi32> -> vector<64x128xf32>
    %lt3A_3648 = arith.constant 0 : i32
    %lt3A_3649 = vector.broadcast %lt3A_3648 : i32 to vector<64x128xi32>
    %lt3A_3650 = arith.cmpi slt, %select_n3A_223, %lt3A_3649 : vector<64x128xi32>
    %add3A_3651 = arith.constant 128 : i32
    %add3A_3652 = vector.broadcast %add3A_3651 : i32 to vector<64x128xi32>
    %add3A_3653 = arith.addi %select_n3A_223, %add3A_3652 : vector<64x128xi32>
    %select_n3A_3654 = arith.select %lt3A_3650, %add3A_3653, %select_n3A_223 : vector<64x128xi1>, vector<64x128xi32>
    %reshape3A_3655 = vector.shape_cast %select_n3A_3654 : vector<64x128xi32> to vector<64x128x1xi32>
    %gather3A_3656 = vector.shape_cast %reshape3A_3655 : vector<64x128x1xi32> to vector<64x128xi32>
    %gather3A_3657 = tpu.dynamic_gather %slice3A_3589[%gather3A_3656] in [1] : vector<64x128xf32>, vector<64x128xi32> -> vector<64x128xf32>
    %select_n3A_3658 = arith.select %eq3A_251, %gather3A_3647, %gather3A_3657 : vector<64x128xi1>, vector<64x128xf32>
    %select_n3A_3659 = arith.select %eq3A_248, %gather3A_3637, %select_n3A_3658 : vector<64x128xi1>, vector<64x128xf32>
    %swap3A_3660 = arith.constant 0 : index
    %swap3A_3661 = arith.constant 0 : index
    %swap3A_3662 = arith.constant 10880 : index
    %swap3A_3663 = vector.load %arg2[%swap3A_3660, %swap3A_3661, %swap3A_3662] : memref<1x64x12288xf32, #tpu.memory_space<vmem>>, vector<1x64x128xf32>
    %swap3A_3664 = vector.shape_cast %swap3A_3663 : vector<1x64x128xf32> to vector<64x128xf32>
    %swap3A_3665 = vector.shape_cast %select_n3A_3659 : vector<64x128xf32> to vector<1x64x128xf32>
    tpu.vector_store %arg2[%swap3A_3660, %swap3A_3661, %swap3A_3662], %swap3A_3665 {strides = array<i32>} : memref<1x64x12288xf32, #tpu.memory_space<vmem>>, vector<1x64x128xf32>,
    %lt3A_3666 = arith.constant 0 : i32
    %lt3A_3667 = vector.broadcast %lt3A_3666 : i32 to vector<64x128xi32>
    %lt3A_3668 = arith.cmpi slt, %select_n3A_285, %lt3A_3667 : vector<64x128xi32>
    %add3A_3669 = arith.constant 128 : i32
    %add3A_3670 = vector.broadcast %add3A_3669 : i32 to vector<64x128xi32>
    %add3A_3671 = arith.addi %select_n3A_285, %add3A_3670 : vector<64x128xi32>
    %select_n3A_3672 = arith.select %lt3A_3668, %add3A_3671, %select_n3A_285 : vector<64x128xi1>, vector<64x128xi32>
    %reshape3A_3673 = vector.shape_cast %select_n3A_3672 : vector<64x128xi32> to vector<64x128x1xi32>
    %gather3A_3674 = vector.shape_cast %reshape3A_3673 : vector<64x128x1xi32> to vector<64x128xi32>
    %gather3A_3675 = tpu.dynamic_gather %slice3A_3587[%gather3A_3674] in [1] : vector<64x128xf32>, vector<64x128xi32> -> vector<64x128xf32>
    %lt3A_3676 = arith.constant 0 : i32
    %lt3A_3677 = vector.broadcast %lt3A_3676 : i32 to vector<64x128xi32>
    %lt3A_3678 = arith.cmpi slt, %select_n3A_285, %lt3A_3677 : vector<64x128xi32>
    %add3A_3679 = arith.constant 128 : i32
    %add3A_3680 = vector.broadcast %add3A_3679 : i32 to vector<64x128xi32>
    %add3A_3681 = arith.addi %select_n3A_285, %add3A_3680 : vector<64x128xi32>
    %select_n3A_3682 = arith.select %lt3A_3678, %add3A_3681, %select_n3A_285 : vector<64x128xi1>, vector<64x128xi32>
    %reshape3A_3683 = vector.shape_cast %select_n3A_3682 : vector<64x128xi32> to vector<64x128x1xi32>
    %gather3A_3684 = vector.shape_cast %reshape3A_3683 : vector<64x128x1xi32> to vector<64x128xi32>
    %gather3A_3685 = tpu.dynamic_gather %slice3A_3588[%gather3A_3684] in [1] : vector<64x128xf32>, vector<64x128xi32> -> vector<64x128xf32>
    %lt3A_3686 = arith.constant 0 : i32
    %lt3A_3687 = vector.broadcast %lt3A_3686 : i32 to vector<64x128xi32>
    %lt3A_3688 = arith.cmpi slt, %select_n3A_285, %lt3A_3687 : vector<64x128xi32>
    %add3A_3689 = arith.constant 128 : i32
    %add3A_3690 = vector.broadcast %add3A_3689 : i32 to vector<64x128xi32>
    %add3A_3691 = arith.addi %select_n3A_285, %add3A_3690 : vector<64x128xi32>
    %select_n3A_3692 = arith.select %lt3A_3688, %add3A_3691, %select_n3A_285 : vector<64x128xi1>, vector<64x128xi32>
    %reshape3A_3693 = vector.shape_cast %select_n3A_3692 : vector<64x128xi32> to vector<64x128x1xi32>
    %gather3A_3694 = vector.shape_cast %reshape3A_3693 : vector<64x128x1xi32> to vector<64x128xi32>
    %gather3A_3695 = tpu.dynamic_gather %slice3A_3589[%gather3A_3694] in [1] : vector<64x128xf32>, vector<64x128xi32> -> vector<64x128xf32>
    %select_n3A_3696 = arith.select %eq3A_313, %gather3A_3685, %gather3A_3695 : vector<64x128xi1>, vector<64x128xf32>
    %select_n3A_3697 = arith.select %eq3A_310, %gather3A_3675, %select_n3A_3696 : vector<64x128xi1>, vector<64x128xf32>
    %swap3A_3698 = arith.constant 0 : index
    %swap3A_3699 = arith.constant 0 : index
    %swap3A_3700 = arith.constant 11008 : index
    %swap3A_3701 = vector.load %arg2[%swap3A_3698, %swap3A_3699, %swap3A_3700] : memref<1x64x12288xf32, #tpu.memory_space<vmem>>, vector<1x64x128xf32>
    %swap3A_3702 = vector.shape_cast %swap3A_3701 : vector<1x64x128xf32> to vector<64x128xf32>
    %swap3A_3703 = vector.shape_cast %select_n3A_3697 : vector<64x128xf32> to vector<1x64x128xf32>
    tpu.vector_store %arg2[%swap3A_3698, %swap3A_3699, %swap3A_3700], %swap3A_3703 {strides = array<i32>} : memref<1x64x12288xf32, #tpu.memory_space<vmem>>, vector<1x64x128xf32>,
    %slice3A_3704 = vector.extract_strided_slice %select_n3A_104 {offsets = [0, 3712], sizes = [64, 128], strides = [1, 1]} : vector<64x4096xf32> to vector<64x128xf32>
    %slice3A_3705 = vector.extract_strided_slice %select_n3A_115 {offsets = [0, 3712], sizes = [64, 128], strides = [1, 1]} : vector<64x4096xf32> to vector<64x128xf32>
    %slice3A_3706 = vector.extract_strided_slice %select_n3A_126 {offsets = [0, 3712], sizes = [64, 128], strides = [1, 1]} : vector<64x4096xf32> to vector<64x128xf32>
    %lt3A_3707 = arith.constant 0 : i32
    %lt3A_3708 = vector.broadcast %lt3A_3707 : i32 to vector<64x128xi32>
    %lt3A_3709 = arith.cmpi slt, %select_n3A_161, %lt3A_3708 : vector<64x128xi32>
    %add3A_3710 = arith.constant 128 : i32
    %add3A_3711 = vector.broadcast %add3A_3710 : i32 to vector<64x128xi32>
    %add3A_3712 = arith.addi %select_n3A_161, %add3A_3711 : vector<64x128xi32>
    %select_n3A_3713 = arith.select %lt3A_3709, %add3A_3712, %select_n3A_161 : vector<64x128xi1>, vector<64x128xi32>
    %reshape3A_3714 = vector.shape_cast %select_n3A_3713 : vector<64x128xi32> to vector<64x128x1xi32>
    %gather3A_3715 = vector.shape_cast %reshape3A_3714 : vector<64x128x1xi32> to vector<64x128xi32>
    %gather3A_3716 = tpu.dynamic_gather %slice3A_3704[%gather3A_3715] in [1] : vector<64x128xf32>, vector<64x128xi32> -> vector<64x128xf32>
    %lt3A_3717 = arith.constant 0 : i32
    %lt3A_3718 = vector.broadcast %lt3A_3717 : i32 to vector<64x128xi32>
    %lt3A_3719 = arith.cmpi slt, %select_n3A_161, %lt3A_3718 : vector<64x128xi32>
    %add3A_3720 = arith.constant 128 : i32
    %add3A_3721 = vector.broadcast %add3A_3720 : i32 to vector<64x128xi32>
    %add3A_3722 = arith.addi %select_n3A_161, %add3A_3721 : vector<64x128xi32>
    %select_n3A_3723 = arith.select %lt3A_3719, %add3A_3722, %select_n3A_161 : vector<64x128xi1>, vector<64x128xi32>
    %reshape3A_3724 = vector.shape_cast %select_n3A_3723 : vector<64x128xi32> to vector<64x128x1xi32>
    %gather3A_3725 = vector.shape_cast %reshape3A_3724 : vector<64x128x1xi32> to vector<64x128xi32>
    %gather3A_3726 = tpu.dynamic_gather %slice3A_3705[%gather3A_3725] in [1] : vector<64x128xf32>, vector<64x128xi32> -> vector<64x128xf32>
    %lt3A_3727 = arith.constant 0 : i32
    %lt3A_3728 = vector.broadcast %lt3A_3727 : i32 to vector<64x128xi32>
    %lt3A_3729 = arith.cmpi slt, %select_n3A_161, %lt3A_3728 : vector<64x128xi32>
    %add3A_3730 = arith.constant 128 : i32
    %add3A_3731 = vector.broadcast %add3A_3730 : i32 to vector<64x128xi32>
    %add3A_3732 = arith.addi %select_n3A_161, %add3A_3731 : vector<64x128xi32>
    %select_n3A_3733 = arith.select %lt3A_3729, %add3A_3732, %select_n3A_161 : vector<64x128xi1>, vector<64x128xi32>
    %reshape3A_3734 = vector.shape_cast %select_n3A_3733 : vector<64x128xi32> to vector<64x128x1xi32>
    %gather3A_3735 = vector.shape_cast %reshape3A_3734 : vector<64x128x1xi32> to vector<64x128xi32>
    %gather3A_3736 = tpu.dynamic_gather %slice3A_3706[%gather3A_3735] in [1] : vector<64x128xf32>, vector<64x128xi32> -> vector<64x128xf32>
    %select_n3A_3737 = arith.select %eq3A_189, %gather3A_3726, %gather3A_3736 : vector<64x128xi1>, vector<64x128xf32>
    %select_n3A_3738 = arith.select %eq3A_186, %gather3A_3716, %select_n3A_3737 : vector<64x128xi1>, vector<64x128xf32>
    %swap3A_3739 = arith.constant 0 : index
    %swap3A_3740 = arith.constant 0 : index
    %swap3A_3741 = arith.constant 11136 : index
    %swap3A_3742 = vector.load %arg2[%swap3A_3739, %swap3A_3740, %swap3A_3741] : memref<1x64x12288xf32, #tpu.memory_space<vmem>>, vector<1x64x128xf32>
    %swap3A_3743 = vector.shape_cast %swap3A_3742 : vector<1x64x128xf32> to vector<64x128xf32>
    %swap3A_3744 = vector.shape_cast %select_n3A_3738 : vector<64x128xf32> to vector<1x64x128xf32>
    tpu.vector_store %arg2[%swap3A_3739, %swap3A_3740, %swap3A_3741], %swap3A_3744 {strides = array<i32>} : memref<1x64x12288xf32, #tpu.memory_space<vmem>>, vector<1x64x128xf32>,
    %lt3A_3745 = arith.constant 0 : i32
    %lt3A_3746 = vector.broadcast %lt3A_3745 : i32 to vector<64x128xi32>
    %lt3A_3747 = arith.cmpi slt, %select_n3A_223, %lt3A_3746 : vector<64x128xi32>
    %add3A_3748 = arith.constant 128 : i32
    %add3A_3749 = vector.broadcast %add3A_3748 : i32 to vector<64x128xi32>
    %add3A_3750 = arith.addi %select_n3A_223, %add3A_3749 : vector<64x128xi32>
    %select_n3A_3751 = arith.select %lt3A_3747, %add3A_3750, %select_n3A_223 : vector<64x128xi1>, vector<64x128xi32>
    %reshape3A_3752 = vector.shape_cast %select_n3A_3751 : vector<64x128xi32> to vector<64x128x1xi32>
    %gather3A_3753 = vector.shape_cast %reshape3A_3752 : vector<64x128x1xi32> to vector<64x128xi32>
    %gather3A_3754 = tpu.dynamic_gather %slice3A_3704[%gather3A_3753] in [1] : vector<64x128xf32>, vector<64x128xi32> -> vector<64x128xf32>
    %lt3A_3755 = arith.constant 0 : i32
    %lt3A_3756 = vector.broadcast %lt3A_3755 : i32 to vector<64x128xi32>
    %lt3A_3757 = arith.cmpi slt, %select_n3A_223, %lt3A_3756 : vector<64x128xi32>
    %add3A_3758 = arith.constant 128 : i32
    %add3A_3759 = vector.broadcast %add3A_3758 : i32 to vector<64x128xi32>
    %add3A_3760 = arith.addi %select_n3A_223, %add3A_3759 : vector<64x128xi32>
    %select_n3A_3761 = arith.select %lt3A_3757, %add3A_3760, %select_n3A_223 : vector<64x128xi1>, vector<64x128xi32>
    %reshape3A_3762 = vector.shape_cast %select_n3A_3761 : vector<64x128xi32> to vector<64x128x1xi32>
    %gather3A_3763 = vector.shape_cast %reshape3A_3762 : vector<64x128x1xi32> to vector<64x128xi32>
    %gather3A_3764 = tpu.dynamic_gather %slice3A_3705[%gather3A_3763] in [1] : vector<64x128xf32>, vector<64x128xi32> -> vector<64x128xf32>
    %lt3A_3765 = arith.constant 0 : i32
    %lt3A_3766 = vector.broadcast %lt3A_3765 : i32 to vector<64x128xi32>
    %lt3A_3767 = arith.cmpi slt, %select_n3A_223, %lt3A_3766 : vector<64x128xi32>
    %add3A_3768 = arith.constant 128 : i32
    %add3A_3769 = vector.broadcast %add3A_3768 : i32 to vector<64x128xi32>
    %add3A_3770 = arith.addi %select_n3A_223, %add3A_3769 : vector<64x128xi32>
    %select_n3A_3771 = arith.select %lt3A_3767, %add3A_3770, %select_n3A_223 : vector<64x128xi1>, vector<64x128xi32>
    %reshape3A_3772 = vector.shape_cast %select_n3A_3771 : vector<64x128xi32> to vector<64x128x1xi32>
    %gather3A_3773 = vector.shape_cast %reshape3A_3772 : vector<64x128x1xi32> to vector<64x128xi32>
    %gather3A_3774 = tpu.dynamic_gather %slice3A_3706[%gather3A_3773] in [1] : vector<64x128xf32>, vector<64x128xi32> -> vector<64x128xf32>
    %select_n3A_3775 = arith.select %eq3A_251, %gather3A_3764, %gather3A_3774 : vector<64x128xi1>, vector<64x128xf32>
    %select_n3A_3776 = arith.select %eq3A_248, %gather3A_3754, %select_n3A_3775 : vector<64x128xi1>, vector<64x128xf32>
    %swap3A_3777 = arith.constant 0 : index
    %swap3A_3778 = arith.constant 0 : index
    %swap3A_3779 = arith.constant 11264 : index
    %swap3A_3780 = vector.load %arg2[%swap3A_3777, %swap3A_3778, %swap3A_3779] : memref<1x64x12288xf32, #tpu.memory_space<vmem>>, vector<1x64x128xf32>
    %swap3A_3781 = vector.shape_cast %swap3A_3780 : vector<1x64x128xf32> to vector<64x128xf32>
    %swap3A_3782 = vector.shape_cast %select_n3A_3776 : vector<64x128xf32> to vector<1x64x128xf32>
    tpu.vector_store %arg2[%swap3A_3777, %swap3A_3778, %swap3A_3779], %swap3A_3782 {strides = array<i32>} : memref<1x64x12288xf32, #tpu.memory_space<vmem>>, vector<1x64x128xf32>,
    %lt3A_3783 = arith.constant 0 : i32
    %lt3A_3784 = vector.broadcast %lt3A_3783 : i32 to vector<64x128xi32>
    %lt3A_3785 = arith.cmpi slt, %select_n3A_285, %lt3A_3784 : vector<64x128xi32>
    %add3A_3786 = arith.constant 128 : i32
    %add3A_3787 = vector.broadcast %add3A_3786 : i32 to vector<64x128xi32>
    %add3A_3788 = arith.addi %select_n3A_285, %add3A_3787 : vector<64x128xi32>
    %select_n3A_3789 = arith.select %lt3A_3785, %add3A_3788, %select_n3A_285 : vector<64x128xi1>, vector<64x128xi32>
    %reshape3A_3790 = vector.shape_cast %select_n3A_3789 : vector<64x128xi32> to vector<64x128x1xi32>
    %gather3A_3791 = vector.shape_cast %reshape3A_3790 : vector<64x128x1xi32> to vector<64x128xi32>
    %gather3A_3792 = tpu.dynamic_gather %slice3A_3704[%gather3A_3791] in [1] : vector<64x128xf32>, vector<64x128xi32> -> vector<64x128xf32>
    %lt3A_3793 = arith.constant 0 : i32
    %lt3A_3794 = vector.broadcast %lt3A_3793 : i32 to vector<64x128xi32>
    %lt3A_3795 = arith.cmpi slt, %select_n3A_285, %lt3A_3794 : vector<64x128xi32>
    %add3A_3796 = arith.constant 128 : i32
    %add3A_3797 = vector.broadcast %add3A_3796 : i32 to vector<64x128xi32>
    %add3A_3798 = arith.addi %select_n3A_285, %add3A_3797 : vector<64x128xi32>
    %select_n3A_3799 = arith.select %lt3A_3795, %add3A_3798, %select_n3A_285 : vector<64x128xi1>, vector<64x128xi32>
    %reshape3A_3800 = vector.shape_cast %select_n3A_3799 : vector<64x128xi32> to vector<64x128x1xi32>
    %gather3A_3801 = vector.shape_cast %reshape3A_3800 : vector<64x128x1xi32> to vector<64x128xi32>
    %gather3A_3802 = tpu.dynamic_gather %slice3A_3705[%gather3A_3801] in [1] : vector<64x128xf32>, vector<64x128xi32> -> vector<64x128xf32>
    %lt3A_3803 = arith.constant 0 : i32
    %lt3A_3804 = vector.broadcast %lt3A_3803 : i32 to vector<64x128xi32>
    %lt3A_3805 = arith.cmpi slt, %select_n3A_285, %lt3A_3804 : vector<64x128xi32>
    %add3A_3806 = arith.constant 128 : i32
    %add3A_3807 = vector.broadcast %add3A_3806 : i32 to vector<64x128xi32>
    %add3A_3808 = arith.addi %select_n3A_285, %add3A_3807 : vector<64x128xi32>
    %select_n3A_3809 = arith.select %lt3A_3805, %add3A_3808, %select_n3A_285 : vector<64x128xi1>, vector<64x128xi32>
    %reshape3A_3810 = vector.shape_cast %select_n3A_3809 : vector<64x128xi32> to vector<64x128x1xi32>
    %gather3A_3811 = vector.shape_cast %reshape3A_3810 : vector<64x128x1xi32> to vector<64x128xi32>
    %gather3A_3812 = tpu.dynamic_gather %slice3A_3706[%gather3A_3811] in [1] : vector<64x128xf32>, vector<64x128xi32> -> vector<64x128xf32>
    %select_n3A_3813 = arith.select %eq3A_313, %gather3A_3802, %gather3A_3812 : vector<64x128xi1>, vector<64x128xf32>
    %select_n3A_3814 = arith.select %eq3A_310, %gather3A_3792, %select_n3A_3813 : vector<64x128xi1>, vector<64x128xf32>
    %swap3A_3815 = arith.constant 0 : index
    %swap3A_3816 = arith.constant 0 : index
    %swap3A_3817 = arith.constant 11392 : index
    %swap3A_3818 = vector.load %arg2[%swap3A_3815, %swap3A_3816, %swap3A_3817] : memref<1x64x12288xf32, #tpu.memory_space<vmem>>, vector<1x64x128xf32>
    %swap3A_3819 = vector.shape_cast %swap3A_3818 : vector<1x64x128xf32> to vector<64x128xf32>
    %swap3A_3820 = vector.shape_cast %select_n3A_3814 : vector<64x128xf32> to vector<1x64x128xf32>
    tpu.vector_store %arg2[%swap3A_3815, %swap3A_3816, %swap3A_3817], %swap3A_3820 {strides = array<i32>} : memref<1x64x12288xf32, #tpu.memory_space<vmem>>, vector<1x64x128xf32>,
    %slice3A_3821 = vector.extract_strided_slice %select_n3A_104 {offsets = [0, 3840], sizes = [64, 128], strides = [1, 1]} : vector<64x4096xf32> to vector<64x128xf32>
    %slice3A_3822 = vector.extract_strided_slice %select_n3A_115 {offsets = [0, 3840], sizes = [64, 128], strides = [1, 1]} : vector<64x4096xf32> to vector<64x128xf32>
    %slice3A_3823 = vector.extract_strided_slice %select_n3A_126 {offsets = [0, 3840], sizes = [64, 128], strides = [1, 1]} : vector<64x4096xf32> to vector<64x128xf32>
    %lt3A_3824 = arith.constant 0 : i32
    %lt3A_3825 = vector.broadcast %lt3A_3824 : i32 to vector<64x128xi32>
    %lt3A_3826 = arith.cmpi slt, %select_n3A_161, %lt3A_3825 : vector<64x128xi32>
    %add3A_3827 = arith.constant 128 : i32
    %add3A_3828 = vector.broadcast %add3A_3827 : i32 to vector<64x128xi32>
    %add3A_3829 = arith.addi %select_n3A_161, %add3A_3828 : vector<64x128xi32>
    %select_n3A_3830 = arith.select %lt3A_3826, %add3A_3829, %select_n3A_161 : vector<64x128xi1>, vector<64x128xi32>
    %reshape3A_3831 = vector.shape_cast %select_n3A_3830 : vector<64x128xi32> to vector<64x128x1xi32>
    %gather3A_3832 = vector.shape_cast %reshape3A_3831 : vector<64x128x1xi32> to vector<64x128xi32>
    %gather3A_3833 = tpu.dynamic_gather %slice3A_3821[%gather3A_3832] in [1] : vector<64x128xf32>, vector<64x128xi32> -> vector<64x128xf32>
    %lt3A_3834 = arith.constant 0 : i32
    %lt3A_3835 = vector.broadcast %lt3A_3834 : i32 to vector<64x128xi32>
    %lt3A_3836 = arith.cmpi slt, %select_n3A_161, %lt3A_3835 : vector<64x128xi32>
    %add3A_3837 = arith.constant 128 : i32
    %add3A_3838 = vector.broadcast %add3A_3837 : i32 to vector<64x128xi32>
    %add3A_3839 = arith.addi %select_n3A_161, %add3A_3838 : vector<64x128xi32>
    %select_n3A_3840 = arith.select %lt3A_3836, %add3A_3839, %select_n3A_161 : vector<64x128xi1>, vector<64x128xi32>
    %reshape3A_3841 = vector.shape_cast %select_n3A_3840 : vector<64x128xi32> to vector<64x128x1xi32>
    %gather3A_3842 = vector.shape_cast %reshape3A_3841 : vector<64x128x1xi32> to vector<64x128xi32>
    %gather3A_3843 = tpu.dynamic_gather %slice3A_3822[%gather3A_3842] in [1] : vector<64x128xf32>, vector<64x128xi32> -> vector<64x128xf32>
    %lt3A_3844 = arith.constant 0 : i32
    %lt3A_3845 = vector.broadcast %lt3A_3844 : i32 to vector<64x128xi32>
    %lt3A_3846 = arith.cmpi slt, %select_n3A_161, %lt3A_3845 : vector<64x128xi32>
    %add3A_3847 = arith.constant 128 : i32
    %add3A_3848 = vector.broadcast %add3A_3847 : i32 to vector<64x128xi32>
    %add3A_3849 = arith.addi %select_n3A_161, %add3A_3848 : vector<64x128xi32>
    %select_n3A_3850 = arith.select %lt3A_3846, %add3A_3849, %select_n3A_161 : vector<64x128xi1>, vector<64x128xi32>
    %reshape3A_3851 = vector.shape_cast %select_n3A_3850 : vector<64x128xi32> to vector<64x128x1xi32>
    %gather3A_3852 = vector.shape_cast %reshape3A_3851 : vector<64x128x1xi32> to vector<64x128xi32>
    %gather3A_3853 = tpu.dynamic_gather %slice3A_3823[%gather3A_3852] in [1] : vector<64x128xf32>, vector<64x128xi32> -> vector<64x128xf32>
    %select_n3A_3854 = arith.select %eq3A_189, %gather3A_3843, %gather3A_3853 : vector<64x128xi1>, vector<64x128xf32>
    %select_n3A_3855 = arith.select %eq3A_186, %gather3A_3833, %select_n3A_3854 : vector<64x128xi1>, vector<64x128xf32>
    %swap3A_3856 = arith.constant 0 : index
    %swap3A_3857 = arith.constant 0 : index
    %swap3A_3858 = arith.constant 11520 : index
    %swap3A_3859 = vector.load %arg2[%swap3A_3856, %swap3A_3857, %swap3A_3858] : memref<1x64x12288xf32, #tpu.memory_space<vmem>>, vector<1x64x128xf32>
    %swap3A_3860 = vector.shape_cast %swap3A_3859 : vector<1x64x128xf32> to vector<64x128xf32>
    %swap3A_3861 = vector.shape_cast %select_n3A_3855 : vector<64x128xf32> to vector<1x64x128xf32>
    tpu.vector_store %arg2[%swap3A_3856, %swap3A_3857, %swap3A_3858], %swap3A_3861 {strides = array<i32>} : memref<1x64x12288xf32, #tpu.memory_space<vmem>>, vector<1x64x128xf32>,
    %lt3A_3862 = arith.constant 0 : i32
    %lt3A_3863 = vector.broadcast %lt3A_3862 : i32 to vector<64x128xi32>
    %lt3A_3864 = arith.cmpi slt, %select_n3A_223, %lt3A_3863 : vector<64x128xi32>
    %add3A_3865 = arith.constant 128 : i32
    %add3A_3866 = vector.broadcast %add3A_3865 : i32 to vector<64x128xi32>
    %add3A_3867 = arith.addi %select_n3A_223, %add3A_3866 : vector<64x128xi32>
    %select_n3A_3868 = arith.select %lt3A_3864, %add3A_3867, %select_n3A_223 : vector<64x128xi1>, vector<64x128xi32>
    %reshape3A_3869 = vector.shape_cast %select_n3A_3868 : vector<64x128xi32> to vector<64x128x1xi32>
    %gather3A_3870 = vector.shape_cast %reshape3A_3869 : vector<64x128x1xi32> to vector<64x128xi32>
    %gather3A_3871 = tpu.dynamic_gather %slice3A_3821[%gather3A_3870] in [1] : vector<64x128xf32>, vector<64x128xi32> -> vector<64x128xf32>
    %lt3A_3872 = arith.constant 0 : i32
    %lt3A_3873 = vector.broadcast %lt3A_3872 : i32 to vector<64x128xi32>
    %lt3A_3874 = arith.cmpi slt, %select_n3A_223, %lt3A_3873 : vector<64x128xi32>
    %add3A_3875 = arith.constant 128 : i32
    %add3A_3876 = vector.broadcast %add3A_3875 : i32 to vector<64x128xi32>
    %add3A_3877 = arith.addi %select_n3A_223, %add3A_3876 : vector<64x128xi32>
    %select_n3A_3878 = arith.select %lt3A_3874, %add3A_3877, %select_n3A_223 : vector<64x128xi1>, vector<64x128xi32>
    %reshape3A_3879 = vector.shape_cast %select_n3A_3878 : vector<64x128xi32> to vector<64x128x1xi32>
    %gather3A_3880 = vector.shape_cast %reshape3A_3879 : vector<64x128x1xi32> to vector<64x128xi32>
    %gather3A_3881 = tpu.dynamic_gather %slice3A_3822[%gather3A_3880] in [1] : vector<64x128xf32>, vector<64x128xi32> -> vector<64x128xf32>
    %lt3A_3882 = arith.constant 0 : i32
    %lt3A_3883 = vector.broadcast %lt3A_3882 : i32 to vector<64x128xi32>
    %lt3A_3884 = arith.cmpi slt, %select_n3A_223, %lt3A_3883 : vector<64x128xi32>
    %add3A_3885 = arith.constant 128 : i32
    %add3A_3886 = vector.broadcast %add3A_3885 : i32 to vector<64x128xi32>
    %add3A_3887 = arith.addi %select_n3A_223, %add3A_3886 : vector<64x128xi32>
    %select_n3A_3888 = arith.select %lt3A_3884, %add3A_3887, %select_n3A_223 : vector<64x128xi1>, vector<64x128xi32>
    %reshape3A_3889 = vector.shape_cast %select_n3A_3888 : vector<64x128xi32> to vector<64x128x1xi32>
    %gather3A_3890 = vector.shape_cast %reshape3A_3889 : vector<64x128x1xi32> to vector<64x128xi32>
    %gather3A_3891 = tpu.dynamic_gather %slice3A_3823[%gather3A_3890] in [1] : vector<64x128xf32>, vector<64x128xi32> -> vector<64x128xf32>
    %select_n3A_3892 = arith.select %eq3A_251, %gather3A_3881, %gather3A_3891 : vector<64x128xi1>, vector<64x128xf32>
    %select_n3A_3893 = arith.select %eq3A_248, %gather3A_3871, %select_n3A_3892 : vector<64x128xi1>, vector<64x128xf32>
    %swap3A_3894 = arith.constant 0 : index
    %swap3A_3895 = arith.constant 0 : index
    %swap3A_3896 = arith.constant 11648 : index
    %swap3A_3897 = vector.load %arg2[%swap3A_3894, %swap3A_3895, %swap3A_3896] : memref<1x64x12288xf32, #tpu.memory_space<vmem>>, vector<1x64x128xf32>
    %swap3A_3898 = vector.shape_cast %swap3A_3897 : vector<1x64x128xf32> to vector<64x128xf32>
    %swap3A_3899 = vector.shape_cast %select_n3A_3893 : vector<64x128xf32> to vector<1x64x128xf32>
    tpu.vector_store %arg2[%swap3A_3894, %swap3A_3895, %swap3A_3896], %swap3A_3899 {strides = array<i32>} : memref<1x64x12288xf32, #tpu.memory_space<vmem>>, vector<1x64x128xf32>,
    %lt3A_3900 = arith.constant 0 : i32
    %lt3A_3901 = vector.broadcast %lt3A_3900 : i32 to vector<64x128xi32>
    %lt3A_3902 = arith.cmpi slt, %select_n3A_285, %lt3A_3901 : vector<64x128xi32>
    %add3A_3903 = arith.constant 128 : i32
    %add3A_3904 = vector.broadcast %add3A_3903 : i32 to vector<64x128xi32>
    %add3A_3905 = arith.addi %select_n3A_285, %add3A_3904 : vector<64x128xi32>
    %select_n3A_3906 = arith.select %lt3A_3902, %add3A_3905, %select_n3A_285 : vector<64x128xi1>, vector<64x128xi32>
    %reshape3A_3907 = vector.shape_cast %select_n3A_3906 : vector<64x128xi32> to vector<64x128x1xi32>
    %gather3A_3908 = vector.shape_cast %reshape3A_3907 : vector<64x128x1xi32> to vector<64x128xi32>
    %gather3A_3909 = tpu.dynamic_gather %slice3A_3821[%gather3A_3908] in [1] : vector<64x128xf32>, vector<64x128xi32> -> vector<64x128xf32>
    %lt3A_3910 = arith.constant 0 : i32
    %lt3A_3911 = vector.broadcast %lt3A_3910 : i32 to vector<64x128xi32>
    %lt3A_3912 = arith.cmpi slt, %select_n3A_285, %lt3A_3911 : vector<64x128xi32>
    %add3A_3913 = arith.constant 128 : i32
    %add3A_3914 = vector.broadcast %add3A_3913 : i32 to vector<64x128xi32>
    %add3A_3915 = arith.addi %select_n3A_285, %add3A_3914 : vector<64x128xi32>
    %select_n3A_3916 = arith.select %lt3A_3912, %add3A_3915, %select_n3A_285 : vector<64x128xi1>, vector<64x128xi32>
    %reshape3A_3917 = vector.shape_cast %select_n3A_3916 : vector<64x128xi32> to vector<64x128x1xi32>
    %gather3A_3918 = vector.shape_cast %reshape3A_3917 : vector<64x128x1xi32> to vector<64x128xi32>
    %gather3A_3919 = tpu.dynamic_gather %slice3A_3822[%gather3A_3918] in [1] : vector<64x128xf32>, vector<64x128xi32> -> vector<64x128xf32>
    %lt3A_3920 = arith.constant 0 : i32
    %lt3A_3921 = vector.broadcast %lt3A_3920 : i32 to vector<64x128xi32>
    %lt3A_3922 = arith.cmpi slt, %select_n3A_285, %lt3A_3921 : vector<64x128xi32>
    %add3A_3923 = arith.constant 128 : i32
    %add3A_3924 = vector.broadcast %add3A_3923 : i32 to vector<64x128xi32>
    %add3A_3925 = arith.addi %select_n3A_285, %add3A_3924 : vector<64x128xi32>
    %select_n3A_3926 = arith.select %lt3A_3922, %add3A_3925, %select_n3A_285 : vector<64x128xi1>, vector<64x128xi32>
    %reshape3A_3927 = vector.shape_cast %select_n3A_3926 : vector<64x128xi32> to vector<64x128x1xi32>
    %gather3A_3928 = vector.shape_cast %reshape3A_3927 : vector<64x128x1xi32> to vector<64x128xi32>
    %gather3A_3929 = tpu.dynamic_gather %slice3A_3823[%gather3A_3928] in [1] : vector<64x128xf32>, vector<64x128xi32> -> vector<64x128xf32>
    %select_n3A_3930 = arith.select %eq3A_313, %gather3A_3919, %gather3A_3929 : vector<64x128xi1>, vector<64x128xf32>
    %select_n3A_3931 = arith.select %eq3A_310, %gather3A_3909, %select_n3A_3930 : vector<64x128xi1>, vector<64x128xf32>
    %swap3A_3932 = arith.constant 0 : index
    %swap3A_3933 = arith.constant 0 : index
    %swap3A_3934 = arith.constant 11776 : index
    %swap3A_3935 = vector.load %arg2[%swap3A_3932, %swap3A_3933, %swap3A_3934] : memref<1x64x12288xf32, #tpu.memory_space<vmem>>, vector<1x64x128xf32>
    %swap3A_3936 = vector.shape_cast %swap3A_3935 : vector<1x64x128xf32> to vector<64x128xf32>
    %swap3A_3937 = vector.shape_cast %select_n3A_3931 : vector<64x128xf32> to vector<1x64x128xf32>
    tpu.vector_store %arg2[%swap3A_3932, %swap3A_3933, %swap3A_3934], %swap3A_3937 {strides = array<i32>} : memref<1x64x12288xf32, #tpu.memory_space<vmem>>, vector<1x64x128xf32>,
    %slice3A_3938 = vector.extract_strided_slice %select_n3A_104 {offsets = [0, 3968], sizes = [64, 128], strides = [1, 1]} : vector<64x4096xf32> to vector<64x128xf32>
    %slice3A_3939 = vector.extract_strided_slice %select_n3A_115 {offsets = [0, 3968], sizes = [64, 128], strides = [1, 1]} : vector<64x4096xf32> to vector<64x128xf32>
    %slice3A_3940 = vector.extract_strided_slice %select_n3A_126 {offsets = [0, 3968], sizes = [64, 128], strides = [1, 1]} : vector<64x4096xf32> to vector<64x128xf32>
    %lt3A_3941 = arith.constant 0 : i32
    %lt3A_3942 = vector.broadcast %lt3A_3941 : i32 to vector<64x128xi32>
    %lt3A_3943 = arith.cmpi slt, %select_n3A_161, %lt3A_3942 : vector<64x128xi32>
    %add3A_3944 = arith.constant 128 : i32
    %add3A_3945 = vector.broadcast %add3A_3944 : i32 to vector<64x128xi32>
    %add3A_3946 = arith.addi %select_n3A_161, %add3A_3945 : vector<64x128xi32>
    %select_n3A_3947 = arith.select %lt3A_3943, %add3A_3946, %select_n3A_161 : vector<64x128xi1>, vector<64x128xi32>
    %reshape3A_3948 = vector.shape_cast %select_n3A_3947 : vector<64x128xi32> to vector<64x128x1xi32>
    %gather3A_3949 = vector.shape_cast %reshape3A_3948 : vector<64x128x1xi32> to vector<64x128xi32>
    %gather3A_3950 = tpu.dynamic_gather %slice3A_3938[%gather3A_3949] in [1] : vector<64x128xf32>, vector<64x128xi32> -> vector<64x128xf32>
    %lt3A_3951 = arith.constant 0 : i32
    %lt3A_3952 = vector.broadcast %lt3A_3951 : i32 to vector<64x128xi32>
    %lt3A_3953 = arith.cmpi slt, %select_n3A_161, %lt3A_3952 : vector<64x128xi32>
    %add3A_3954 = arith.constant 128 : i32
    %add3A_3955 = vector.broadcast %add3A_3954 : i32 to vector<64x128xi32>
    %add3A_3956 = arith.addi %select_n3A_161, %add3A_3955 : vector<64x128xi32>
    %select_n3A_3957 = arith.select %lt3A_3953, %add3A_3956, %select_n3A_161 : vector<64x128xi1>, vector<64x128xi32>
    %reshape3A_3958 = vector.shape_cast %select_n3A_3957 : vector<64x128xi32> to vector<64x128x1xi32>
    %gather3A_3959 = vector.shape_cast %reshape3A_3958 : vector<64x128x1xi32> to vector<64x128xi32>
    %gather3A_3960 = tpu.dynamic_gather %slice3A_3939[%gather3A_3959] in [1] : vector<64x128xf32>, vector<64x128xi32> -> vector<64x128xf32>
    %lt3A_3961 = arith.constant 0 : i32
    %lt3A_3962 = vector.broadcast %lt3A_3961 : i32 to vector<64x128xi32>
    %lt3A_3963 = arith.cmpi slt, %select_n3A_161, %lt3A_3962 : vector<64x128xi32>
    %add3A_3964 = arith.constant 128 : i32
    %add3A_3965 = vector.broadcast %add3A_3964 : i32 to vector<64x128xi32>
    %add3A_3966 = arith.addi %select_n3A_161, %add3A_3965 : vector<64x128xi32>
    %select_n3A_3967 = arith.select %lt3A_3963, %add3A_3966, %select_n3A_161 : vector<64x128xi1>, vector<64x128xi32>
    %reshape3A_3968 = vector.shape_cast %select_n3A_3967 : vector<64x128xi32> to vector<64x128x1xi32>
    %gather3A_3969 = vector.shape_cast %reshape3A_3968 : vector<64x128x1xi32> to vector<64x128xi32>
    %gather3A_3970 = tpu.dynamic_gather %slice3A_3940[%gather3A_3969] in [1] : vector<64x128xf32>, vector<64x128xi32> -> vector<64x128xf32>
    %select_n3A_3971 = arith.select %eq3A_189, %gather3A_3960, %gather3A_3970 : vector<64x128xi1>, vector<64x128xf32>
    %select_n3A_3972 = arith.select %eq3A_186, %gather3A_3950, %select_n3A_3971 : vector<64x128xi1>, vector<64x128xf32>
    %swap3A_3973 = arith.constant 0 : index
    %swap3A_3974 = arith.constant 0 : index
    %swap3A_3975 = arith.constant 11904 : index
    %swap3A_3976 = vector.load %arg2[%swap3A_3973, %swap3A_3974, %swap3A_3975] : memref<1x64x12288xf32, #tpu.memory_space<vmem>>, vector<1x64x128xf32>
    %swap3A_3977 = vector.shape_cast %swap3A_3976 : vector<1x64x128xf32> to vector<64x128xf32>
    %swap3A_3978 = vector.shape_cast %select_n3A_3972 : vector<64x128xf32> to vector<1x64x128xf32>
    tpu.vector_store %arg2[%swap3A_3973, %swap3A_3974, %swap3A_3975], %swap3A_3978 {strides = array<i32>} : memref<1x64x12288xf32, #tpu.memory_space<vmem>>, vector<1x64x128xf32>,
    %lt3A_3979 = arith.constant 0 : i32
    %lt3A_3980 = vector.broadcast %lt3A_3979 : i32 to vector<64x128xi32>
    %lt3A_3981 = arith.cmpi slt, %select_n3A_223, %lt3A_3980 : vector<64x128xi32>
    %add3A_3982 = arith.constant 128 : i32
    %add3A_3983 = vector.broadcast %add3A_3982 : i32 to vector<64x128xi32>
    %add3A_3984 = arith.addi %select_n3A_223, %add3A_3983 : vector<64x128xi32>
    %select_n3A_3985 = arith.select %lt3A_3981, %add3A_3984, %select_n3A_223 : vector<64x128xi1>, vector<64x128xi32>
    %reshape3A_3986 = vector.shape_cast %select_n3A_3985 : vector<64x128xi32> to vector<64x128x1xi32>
    %gather3A_3987 = vector.shape_cast %reshape3A_3986 : vector<64x128x1xi32> to vector<64x128xi32>
    %gather3A_3988 = tpu.dynamic_gather %slice3A_3938[%gather3A_3987] in [1] : vector<64x128xf32>, vector<64x128xi32> -> vector<64x128xf32>
    %lt3A_3989 = arith.constant 0 : i32
    %lt3A_3990 = vector.broadcast %lt3A_3989 : i32 to vector<64x128xi32>
    %lt3A_3991 = arith.cmpi slt, %select_n3A_223, %lt3A_3990 : vector<64x128xi32>
    %add3A_3992 = arith.constant 128 : i32
    %add3A_3993 = vector.broadcast %add3A_3992 : i32 to vector<64x128xi32>
    %add3A_3994 = arith.addi %select_n3A_223, %add3A_3993 : vector<64x128xi32>
    %select_n3A_3995 = arith.select %lt3A_3991, %add3A_3994, %select_n3A_223 : vector<64x128xi1>, vector<64x128xi32>
    %reshape3A_3996 = vector.shape_cast %select_n3A_3995 : vector<64x128xi32> to vector<64x128x1xi32>
    %gather3A_3997 = vector.shape_cast %reshape3A_3996 : vector<64x128x1xi32> to vector<64x128xi32>
    %gather3A_3998 = tpu.dynamic_gather %slice3A_3939[%gather3A_3997] in [1] : vector<64x128xf32>, vector<64x128xi32> -> vector<64x128xf32>
    %lt3A_3999 = arith.constant 0 : i32
    %lt3A_4000 = vector.broadcast %lt3A_3999 : i32 to vector<64x128xi32>
    %lt3A_4001 = arith.cmpi slt, %select_n3A_223, %lt3A_4000 : vector<64x128xi32>
    %add3A_4002 = arith.constant 128 : i32
    %add3A_4003 = vector.broadcast %add3A_4002 : i32 to vector<64x128xi32>
    %add3A_4004 = arith.addi %select_n3A_223, %add3A_4003 : vector<64x128xi32>
    %select_n3A_4005 = arith.select %lt3A_4001, %add3A_4004, %select_n3A_223 : vector<64x128xi1>, vector<64x128xi32>
    %reshape3A_4006 = vector.shape_cast %select_n3A_4005 : vector<64x128xi32> to vector<64x128x1xi32>
    %gather3A_4007 = vector.shape_cast %reshape3A_4006 : vector<64x128x1xi32> to vector<64x128xi32>
    %gather3A_4008 = tpu.dynamic_gather %slice3A_3940[%gather3A_4007] in [1] : vector<64x128xf32>, vector<64x128xi32> -> vector<64x128xf32>
    %select_n3A_4009 = arith.select %eq3A_251, %gather3A_3998, %gather3A_4008 : vector<64x128xi1>, vector<64x128xf32>
    %select_n3A_4010 = arith.select %eq3A_248, %gather3A_3988, %select_n3A_4009 : vector<64x128xi1>, vector<64x128xf32>
    %swap3A_4011 = arith.constant 0 : index
    %swap3A_4012 = arith.constant 0 : index
    %swap3A_4013 = arith.constant 12032 : index
    %swap3A_4014 = vector.load %arg2[%swap3A_4011, %swap3A_4012, %swap3A_4013] : memref<1x64x12288xf32, #tpu.memory_space<vmem>>, vector<1x64x128xf32>
    %swap3A_4015 = vector.shape_cast %swap3A_4014 : vector<1x64x128xf32> to vector<64x128xf32>
    %swap3A_4016 = vector.shape_cast %select_n3A_4010 : vector<64x128xf32> to vector<1x64x128xf32>
    tpu.vector_store %arg2[%swap3A_4011, %swap3A_4012, %swap3A_4013], %swap3A_4016 {strides = array<i32>} : memref<1x64x12288xf32, #tpu.memory_space<vmem>>, vector<1x64x128xf32>,
    %lt3A_4017 = arith.constant 0 : i32
    %lt3A_4018 = vector.broadcast %lt3A_4017 : i32 to vector<64x128xi32>
    %lt3A_4019 = arith.cmpi slt, %select_n3A_285, %lt3A_4018 : vector<64x128xi32>
    %add3A_4020 = arith.constant 128 : i32
    %add3A_4021 = vector.broadcast %add3A_4020 : i32 to vector<64x128xi32>
    %add3A_4022 = arith.addi %select_n3A_285, %add3A_4021 : vector<64x128xi32>
    %select_n3A_4023 = arith.select %lt3A_4019, %add3A_4022, %select_n3A_285 : vector<64x128xi1>, vector<64x128xi32>
    %reshape3A_4024 = vector.shape_cast %select_n3A_4023 : vector<64x128xi32> to vector<64x128x1xi32>
    %gather3A_4025 = vector.shape_cast %reshape3A_4024 : vector<64x128x1xi32> to vector<64x128xi32>
    %gather3A_4026 = tpu.dynamic_gather %slice3A_3938[%gather3A_4025] in [1] : vector<64x128xf32>, vector<64x128xi32> -> vector<64x128xf32>
    %lt3A_4027 = arith.constant 0 : i32
    %lt3A_4028 = vector.broadcast %lt3A_4027 : i32 to vector<64x128xi32>
    %lt3A_4029 = arith.cmpi slt, %select_n3A_285, %lt3A_4028 : vector<64x128xi32>
    %add3A_4030 = arith.constant 128 : i32
    %add3A_4031 = vector.broadcast %add3A_4030 : i32 to vector<64x128xi32>
    %add3A_4032 = arith.addi %select_n3A_285, %add3A_4031 : vector<64x128xi32>
    %select_n3A_4033 = arith.select %lt3A_4029, %add3A_4032, %select_n3A_285 : vector<64x128xi1>, vector<64x128xi32>
    %reshape3A_4034 = vector.shape_cast %select_n3A_4033 : vector<64x128xi32> to vector<64x128x1xi32>
    %gather3A_4035 = vector.shape_cast %reshape3A_4034 : vector<64x128x1xi32> to vector<64x128xi32>
    %gather3A_4036 = tpu.dynamic_gather %slice3A_3939[%gather3A_4035] in [1] : vector<64x128xf32>, vector<64x128xi32> -> vector<64x128xf32>
    %lt3A_4037 = arith.constant 0 : i32
    %lt3A_4038 = vector.broadcast %lt3A_4037 : i32 to vector<64x128xi32>
    %lt3A_4039 = arith.cmpi slt, %select_n3A_285, %lt3A_4038 : vector<64x128xi32>
    %add3A_4040 = arith.constant 128 : i32
    %add3A_4041 = vector.broadcast %add3A_4040 : i32 to vector<64x128xi32>
    %add3A_4042 = arith.addi %select_n3A_285, %add3A_4041 : vector<64x128xi32>
    %select_n3A_4043 = arith.select %lt3A_4039, %add3A_4042, %select_n3A_285 : vector<64x128xi1>, vector<64x128xi32>
    %reshape3A_4044 = vector.shape_cast %select_n3A_4043 : vector<64x128xi32> to vector<64x128x1xi32>
    %gather3A_4045 = vector.shape_cast %reshape3A_4044 : vector<64x128x1xi32> to vector<64x128xi32>
    %gather3A_4046 = tpu.dynamic_gather %slice3A_3940[%gather3A_4045] in [1] : vector<64x128xf32>, vector<64x128xi32> -> vector<64x128xf32>
    %select_n3A_4047 = arith.select %eq3A_313, %gather3A_4036, %gather3A_4046 : vector<64x128xi1>, vector<64x128xf32>
    %select_n3A_4048 = arith.select %eq3A_310, %gather3A_4026, %select_n3A_4047 : vector<64x128xi1>, vector<64x128xf32>
    %swap3A_4049 = arith.constant 0 : index
    %swap3A_4050 = arith.constant 0 : index
    %swap3A_4051 = arith.constant 12160 : index
    %swap3A_4052 = vector.load %arg2[%swap3A_4049, %swap3A_4050, %swap3A_4051] : memref<1x64x12288xf32, #tpu.memory_space<vmem>>, vector<1x64x128xf32>
    %swap3A_4053 = vector.shape_cast %swap3A_4052 : vector<1x64x128xf32> to vector<64x128xf32>
    %swap3A_4054 = vector.shape_cast %select_n3A_4048 : vector<64x128xf32> to vector<1x64x128xf32>
    tpu.vector_store %arg2[%swap3A_4049, %swap3A_4050, %swap3A_4051], %swap3A_4054 {strides = array<i32>} : memref<1x64x12288xf32, #tpu.memory_space<vmem>>, vector<1x64x128xf32>,
    return
  }
  func.func @transform_0(%arg0: i32) -> (i32, i32, i32) {
    %c0_i32 = arith.constant 0 : i32
    %c0_i32_0 = arith.constant 0 : i32
    %c0_i32_1 = arith.constant 0 : i32
    return %arg0, %c0_i32, %c0_i32_0 : i32, i32, i32
  }
  func.func @transform_1(%arg0: i32) -> (i32, i32, i32) {
    %c0_i32 = arith.constant 0 : i32
    %c0_i32_0 = arith.constant 0 : i32
    %c0_i32_1 = arith.constant 0 : i32
    return %arg0, %c0_i32, %c0_i32_0 : i32, i32, i32
  }
}

</mosaic_0001>

<sc_bundles>
// kernel: sparse-core-data-format-call.cloned.1.call-start
scs
called_computation_lowered:
.L_overlay_start_0:
0x0: {  	s2 =	sld [smem:$0x3FD9]  }
0x1: {  	s3 =	sld [smem:$0x3FFE];
	_ =	sdelay $0x1  }
0x2: {  	s1 =	srdreg.scid  }
0x3: {  	s0 =	sand.u32 $0x1, s1  }
0x4: {  	s18 =	sshll.u32 s0, $0xA;
	s2 =	sadd.s32 s3, s2  }
0x5: {  	s2 =	sadd.s32 s2, s18  }
0x6: {  	[smem:$0x3FC7] =	sst s2  }
0x7: {  	_ = 	snop  }
0x8: {  	s2 =	sld [smem:$0x3FD0];
	(tm) =	ssettm $0x1  }
0x9: {  	s19 =	sld [smem:$0x3FFB];
	_ =	sdelay $0x3  }
0xa: {  	_ =	strace s19  }
0xb: {  	s3 =	sld [smem:$0x3FFC];
	_ =	sdelay $0x3  }
0xc: {  	_ =	strace s3  }
0xd: {  	s3 =	sld [smem:$0x3FFD];
	_ =	sdelay $0x3  }
0xe: {  	_ =	strace s3  }
0xf: {  	_ =	strace $0x8FFFFFFF  }
0x10: {  	s20 =	sld [smem:$0x3FDB];
	_ =	sdelay $0x1  }
0x11: {  	s4 =	simm.s32 $_scs_section_size  }
0x12: {  	s5 =	simm.s32 $_size__tile_overlayer_lowered;
	s6 =	simm.s32 $_tile_overlayer_lowered  }
0x13: {  	s23 =	simm.s32 $0x1BFF;
	s22 =	sshll.u32 s6, $0x1;
	s3 =	sadd.s32 s4, s20  }
0x14: {  	s7 =	simm.s32 $0x0;
	s21 =	sshll.u32 s5, $0x1;
	s5 =	sadd.s32 s22, s3  }
0x15: {  	[timem:s7], [sflag:s23] =	dma.local [hbm:s5], s21  }
0x16: {  	_ =	swait.ge [sflag:s23], s21  }
0x17: {  	s4 =	ssub.s32 $0x0, s21;
	[sflag:s23] =	ssyncset.done $0x0  }
0x18: {  	[sflag:s23] =	ssyncadd.s32 s4;
	_ =	sdelay $0x1  }
0x19: {  	s24 =	simm.s32 $0x1B8B  }
0x1a: {  	_ =	swait.ge [sflag:s24], $0x1  }
0x1b: {  	[sflag:s24] =	ssyncset.done $0x0  }
0x1c: {  	s26 =	simm.s32 $0x1B8E;
	s25 =	sld [smem:$0x3FFE];
	[sflag:s24] =	ssyncadd.s32 $0xFFFFFFFF  }
0x1d: {  	s27 =	simm.s32 $execute0_lowered;
	[smem:$0x3FD2] =	sst s26  }
0x1e: {  	s5 =	sshll.u32 s27, $0x1;
	_ =	strace $0x80000046;
	[dreg:$0x1] =	wrdreg $0xFFFFFFFF  }
0x1f: {  	s28 =	simm.s32 $_size_execute0_lowered;
	s3 =	sadd.s32 s3, s5;
	[dreg:$0x0] =	wrdreg $0x0  }
0x20: {  	s5 =	sshll.u32 s28, $0x1;
	[dreg:$0x2] =	wrdreg s3  }
0x21: {  	[dreg:$0x3] =	wrdreg s5  }
0x22: {  	[dreg:$0x4] =	wrdreg $0xC0  }
0x23: {  	_ =	task [dreg:s7], $0x5FFFF  }
0x24: {  	[dreg:$0x1] =	wrdreg $0xFFFFFFFF  }
0x25: {  	[dreg:$0x0] =	wrdreg $0x60  }
0x26: {  	[dreg:$0x2] =	wrdreg s25  }
0x27: {  	[dreg:$0x3] =	wrdreg s2  }
0x28: {  	[dreg:$0x4] =	wrdreg $0x9  }
0x29: {  	_ =	task.clear_ibuf [dreg:s7], $0x5FFFF;
	_ =	strace $0x90000046  }
0x2a: {  	s29 =	simm.s32 $0x9;
	_ =	strace $0x80000048  }
0x2b: {  	_ =	swait.ge [sflag:s29], $0x1  }
0x2c: {  	[sflag:s29] =	ssyncadd.s32 $0xFFFFFFFF  }
0x2d: {  	_ =	strace $0x90000048  }
0x2e: {  	_ =	sfence  }
0x2f: {  	s30 =	sld [smem:$0x0];
	_ =	sdelay $0x2  }
0x30: {  	s31 =	sshll.u32 s1, $0xD;
	s1 =	sshrl.u32 s1, $0x2  }
0x31: {  	s3 =	sand.u32 $0x4000, s31;
	s1 =	sadd.s32 s1, s30  }
0x32: {  	s0 =	sor.u32 s3, s0;
	s1 =	sshll.u32 s1, $0x11  }
0x33: {  	s0 =	sor.u32 s1, s0  }
0x34: {  	s0 =	sadd.s32 $0x8F2B, s0  }
0x35: {  	[sflag:s0] =	ssyncadd.remote.s32 $0x1  }
0x36: {  	_ =	sfence.sel $0xFFFF  }
0x37: {  	[dreg:$0x0] =	wrdreg $0xFFFFFFFF;
	(pc) =	sbr.abs _section_cstart, $3  }
0x38: {  	[dreg:$0x1] =	wrdreg $0xFFFFFFFF  }
0x39: {  	_ =	task.clear_ibuf [dreg:s7], $0x2FFFF;
	_ =	strace $0x9FFFFFFF  }
0x3a: {  	(tm) =	ssettm $0x7FFFFFFF  }
0x3b: {  	_ =	shalt  }
tec
execute0_lowered:
.L_overlay_start_1:
0x0: {  	(tag) =	ssettag $0x1  }
0x1: {  	s0 =	srdreg.scid  }
0x2: {  	s1 =	sshll.u32 s0, $0x4  }
0x3: {  	s0 =	stileid.u32;
	s1 =	sand.u32 $0x10, s1  }
0x4: {  	s1 =	sor.u32 s0, s1  }
0x5: {  	s6 =	rddreg [dreg:$0x0];
	s4 =	simm.s32 $0x1;
	s2 =	sshll.u32 s1, $0x7  }
0x6: {  	s7 =	simm.s32 $0x2;
	s12 =	simm.s32 $0x0;
	s1 =	ssub.s32 $0x40000, s2  }
0x7: {  	s8 =	simm.s32 $0x200000;
	s13 =	simm.s32 $0x0;
	s3 =	sand.u32 $0xF80, s1  }
0x8: {  	s9 =	simm.s32 $0x0;
	s5 =	sshrl.u32 s1, $0xC;
	p0 =	sne.s32 s3, $0x0  }
.Ltmp0:
0x9: {  	s1 =	rddreg [dreg:$0x2];
	s4 =	simm.s32 @!p0 $0x0;
	(pc) =	sbr.rel .LBB1_1-.Ltmp0, $4  }
0xa: {  	s11 =	simm.s32 $0x0;
	s3 =	rddreg [dreg:$0x1];
	s5 =	sadd.s32 s4, s5  }
0xb: {  	_ =	strace $0x80000047;
	s4 =	simm.s32 $0x1;
	s5 =	smul.u32 $0x3, s5  }
0xc: {  	s6 =	sadd.s32 $0xC00400, s6;
	s10 =	smov.u32 s2;
	[sflag:s4] =	ssyncpa.u1 $0x0  }
0xd: {  	p0 =	por $0x0, $0x0;
	[sflag:s7] =	ssyncpa.u1 $0x0;
	s7 =	sadd.s32 $0x1, s5  }
.LBB1_4:
0xe: {  	s16 =	sshll.u32 s13, $0x3;
	s17 =	sand.u32 $0x78, s13  }
0xf: {  	s30 =	sand.u32 $0x78000, s13;
	s12 =	sshll.u32 s12, $0x13;
	s16 =	sand.u32 $0x3FC00, s16  }
0x10: {  	s31 =	sand.u32 $0x7, s13;
	s16 =	sor.u32 s17, s16;
	s17 =	sadd.s32 s3, s30  }
0x11: {  	s13 =	sshll.u32 s31, $0x12;
	s16 =	sshrl.u32 s16, $0x3;
	s12 =	sadd.s32 s12, s17  }
0x12: {  	[tilespmem:s15+$0x0 ss:$0x81] =	vst.msk $0xffff, v1;
	s13 =	sor.u32 $0x400, s13;
	s12 =	sadd.s32 s16, s12  }
0x13: {  	[hbm4b:s12+s13] =	stream.strided.scatter [tilespmem:s14], [sflag:$0x2], $0x800, s8, s13, $0x20;
	[tilespmem:$0x2020] =	vst v63  }
.LBB1_5:
0x14: {  	s14 =	sadd.s32 $0x1, s9  }
0x15: {  	s12 =	sadd.s32 $0x1000, s10;
	s16 =	smov.u32 s10;
	p2 =	sgt.s32 s14, $0x2  }
0x16: {  	s16 =	smov.u32 @p2 s12  }
0x17: {  	s14 =	simm.s32 @p2 $0x0;
	p2 =	sgt.s32 s16, $0x3FFFF  }
0x18: {  	s16 =	smov.u32 @p2 s2;
	p2 =	sne.s32 s11, s7  }
.Ltmp1:
0x19: {  	p1 =	slt.u32 s11, $0x2;
	(pc) =	sbr.rel @!p2 .LBB1_6-.Ltmp1, $4  }
0x1a: {  	s15 =	simm.s32 @!p1 $0x2  }
0x1b: {  	s13 =	smov.u32 s10;
	p0 =	por !p0, !p0;
	_ =	swait.ge @!p1 [sflag:s15], $0x800  }
0x1c: {  	s12 =	smov.u32 s9;
	[sflag:s15] =	ssyncset.done @!p1 $0x0;
	s9 =	smov.u32 s14  }
0x1d: {  	s11 =	sadd.s32 $0x1, s11;
	[sflag:s15] =	ssyncadd.s32 @!p1 $0xFFFFF800;
	s10 =	smov.u32 s16  }
.LBB1_1:
0x1e: {  	p1 =	sge.u32 s11, s5  }
0x1f: {  	s31 =	sadd.s32 $0xFFFFFFFF, s11;
	s14 =	sxor.u32 @!p1 $0xFFFFFFFF, s11  }
0x20: {  	s15 =	sshll.u32 @!p1 s10, $0x6;
	s16 =	sshll.u32 @!p1 s9, $0x4;
	s17 =	simm.s32 @!p1 $0x200  }
0x21: {  	s14 =	sshll.u32 @!p1 s14, $0xB;
	s16 =	sand.u32 @!p1 $0x30, s16;
	s15 =	sadd.s32 @!p1 s6, s15  }
0x22: {  	s14 =	sand.u32 @!p1 $0x800, s14;
	s15 =	sadd.s32 @!p1 s16, s15;
	s16 =	simm.s32 @!p1 $0x10  }
0x23: {  	[tilespmem:s14], [sflag:$0x1] =	stream.strided.gather @!p1 [hbm4b:s15+s16], $0x800, s17, s16, $0x38;
	[tilespmem:$0x2020] =	vst v63  }
0x24: {  	p1 =	sge.u32 s31, s5  }
.Ltmp2:
0x25: {  	_ = 	snop;
	(pc) =	sbr.rel @p1 .LBB1_5-.Ltmp2, $1  }
0x26: {  	_ =	sdelay $0x3  }
0x27: {  	s14 =	simm.s32 $0x1  }
0x28: {  	s14 =	simm.s32 @!p0 $0x0  }
0x29: {  	s15 =	sshll.u32 s14, $0xB  }
0x2a: {  	v0 =	vmov s15;
	_ =	sdelay $0x1  }
0x2b: {  	_ =	swait.ge [sflag:s4], $0x800  }
0x2c: {  	s31 =	sand.u32 $0x1, s11;
	[sflag:s4] =	ssyncset.done $0x0  }
0x2d: {  	s17 =	simm.s32 $0x0;
	s14 =	smul.u32 $0x2040, s14;
	[sflag:s4] =	ssyncadd.s32 $0xFFFFF800  }
0x2e: {  	s15 =	smul.u32 $0x2040, s31;
	v1 =	vld.idx.msk [tilespmem:v0+s17+$0x0 ss:$0x1], $0xffff;
	_ =	sdelay $0x1  }
0x2f: {  	s14 =	sshrl.u32 s14, $0x2;
	s16 =	sshrl.u32 s15, $0x2  }
0x30: {  	s15 =	sor.u32 $0x1000, s14;
	s14 =	sor.u32 $0x1000, s16;
	s16 =	simm.s32 $0x40  }
.LBB1_3:
0x31: {  	s17 =	sshra.s32 s16, $0x2;
	p1 =	sne.s32 s16, $0x1FC0;
	s16 =	sadd.s32 $0x40, s16  }
.Ltmp3:
0x32: {  	[tilespmem:s15+$0x0 ss:$0x81] =	vst.msk $0xffff, v1;
	v1 =	vld.idx.msk [tilespmem:v0+s17+$0x0 ss:$0x1], $0xffff;
	(pc) =	sbr.rel @p1 .LBB1_3-.Ltmp3, $2  }
0x33: {  	_ =	sdelay $0x2  }
0x34: {  	s15 =	sadd.s32 $0x1, s15  }
.Ltmp4:
0x35: {  	_ = 	snop;
	(pc) =	sbr.rel .LBB1_4-.Ltmp4, $1  }
0x36: {  	_ =	sdelay $0x3  }
.LBB1_6:
0x37: {  	_ =	sfence.sel $0x180000  }
0x38: {  	s2 =	simm.s32 $0x1;
	[bflag:$0x0] =	sbarrier.arrive $0xFFFF  }
0x39: {  	s31 =	simm.s32 $0x2;
	[sflag:s2] =	ssyncpa.u1 $0x1  }
0x3a: {  	[sflag:s31] =	ssyncpa.u1 $0x1  }
0x3b: {  	p0 =	sne.s32 s0, $0x0;
	_ =	strace $0x90000047  }
0x3c: {  	s0 =	sadd.s32 @!p0 $0x100000, s1;
	[bflag:$0x2] =	sbarrier.arrive $0xFFFF  }
0x3d: {  	[sflag:s0] =	ssyncadd.tile.s32 @!p0 $0x1;
	_ =	shalt  }
.Lfunc_end1:
_tile_overlayer_lowered:
.L_overlay_start_2:
0x3e: {  	(tag) =	ssettag $0x2  }
0x3f: {  	s0 =	rddreg [dreg:$0x0];
	s2 =	stileid.u32  }
0x40: {  	s1 =	rddreg [dreg:$0x1];
	p0 =	sne.s32 s2, $0x0  }
0x41: {  	s3 =	rddreg [dreg:$0x2];
	[bflag:$0x3] =	sbarrier.arrive $0xFFFF;
	s2 =	simm.s32 @!p0 $0x1C01  }
0x42: {  	[timem:s3], [sflag:s2] =	dma.local @!p0 [hbm:s0], s1  }
0x43: {  	s0 =	simm.s32 @!p0 $0x1  }
0x44: {  	_ =	swait.ge @!p0 [sflag:s0], s1  }
0x45: {  	s1 =	ssub.s32 @!p0 $0x0, s1;
	[sflag:s0] =	ssyncset.done @!p0 $0x0  }
0x46: {  	[sflag:s0] =	ssyncadd.s32 @!p0 s1  }
0x47: {  	[bflag:$0x3] =	sbarrier.arrive $0xFFFF  }
0x48: {  	_ =	shalt  }

</sc_bundles>
